<compile_context>
chip_gen: v7x
topology: tpu7x:2x2x1
jax: 0.10.2.dev20260603
libtpu: 0.0.44.dev20260713+nightly
codegen_flags: <defaults>
</compile_context>

<pallas_src>
import functools

import jax
import jax.numpy as jnp
from jax import lax
from jax.experimental import pallas as pl
from jax.experimental.pallas import tpu as pltpu
from jax.experimental.pallas import tpu_sc as plsc

_EPS = 1e-06

_NC = 2
_NS = 16
_NW = _NC * _NS


_PB = 512


def _table_body(emb_ref, w_ref, projblk_ref, out_ref, y_ref):
    i = pl.program_id(0)
    nb = pl.num_programs(0)

    @pl.when(i == 0)
    def _():
        emb = emb_ref[...]
        var = jnp.mean(emb * emb, axis=1, keepdims=True)
        y_ref[...] = emb * lax.rsqrt(var + _EPS) * w_ref[...]

    zblk = lax.dot_general(y_ref[...], projblk_ref[...], (((1,), (1,)), ((), ())),
                           preferred_element_type=jnp.float32)
    out_ref[:, pl.ds(i * _PB, _PB)] = zblk

    @pl.when(i == nb - 1)
    def _():
        z = out_ref[...]
        var2 = jnp.mean(z * z, axis=1, keepdims=True)
        out_ref[...] = z * lax.rsqrt(var2 + _EPS)


def _compute_table(embedding_table, hard_norm_weight, proj_weight):
    v, d = embedding_table.shape
    m = proj_weight.shape[0]
    return pl.pallas_call(
        _table_body,
        grid=(m // _PB,),
        in_specs=[
            pl.BlockSpec((v, d), lambda i: (0, 0)),
            pl.BlockSpec((1, d), lambda i: (0, 0)),
            pl.BlockSpec((_PB, d), lambda i: (i, 0)),
        ],
        out_specs=pl.BlockSpec((v, m), lambda i: (0, 0)),
        scratch_shapes=[pltpu.VMEM((v, d), jnp.float32)],
        out_shape=jax.ShapeDtypeStruct((v, m), jnp.float32),
    )(embedding_table, hard_norm_weight.reshape(1, d), proj_weight)


@functools.lru_cache(maxsize=None)
def _make_gather(B, D, V):
    CG = 4
    TG = _NW // CG
    W = D // CG
    TB = B // TG
    CT = 32
    NCH = TB // CT
    L = 16
    mesh = plsc.VectorSubcoreMesh(core_axis_name="c", subcore_axis_name="s")

    @functools.partial(
        pl.kernel,
        mesh=mesh,
        out_type=jax.ShapeDtypeStruct((B, D), jnp.float32),
        scratch_types=[
            pltpu.VMEM((V, W), jnp.float32),
            pltpu.VMEM((TB,), jnp.int32),
            pltpu.VMEM((CT, W), jnp.float32),
            pltpu.VMEM((CT, W), jnp.float32),
            pltpu.SemaphoreType.DMA,
            pltpu.SemaphoreType.DMA,
        ],
        compiler_params=pltpu.CompilerParams(needs_layout_passes=False),
    )
    def gather(table_hbm, idx_hbm, out_hbm, tab_v, idx_v, st_a, st_b, sem_a, sem_b):
        wid = lax.axis_index("s") * _NC + lax.axis_index("c")
        cg = wid % CG
        tg = wid // CG
        pltpu.sync_copy(table_hbm.at[:, pl.ds(cg * W, W)], tab_v)
        pltpu.sync_copy(idx_hbm.at[pl.ds(tg * TB, TB)], idx_v)
        bufs, sems = (st_a, st_b), (sem_a, sem_b)
        lanes = lax.iota(jnp.int32, L)

        def fill_and_send(ch, b):
            stage = bufs[b]

            @plsc.parallel_loop(0, CT)
            def _(t):
                idsplat = plsc.load_gather(
                    idx_v, [jnp.full((L,), ch * CT, jnp.int32) + t]
                )
                for j in range(W // L):
                    v = plsc.load_gather(tab_v, [idsplat, lanes + (j * L)])
                    stage[t, pl.ds(j * L, L)] = v


            pltpu.async_copy(
                stage,
                out_hbm.at[pl.ds(tg * TB + ch * CT, CT), pl.ds(cg * W, W)],
                sems[b],
            )

        def drain(b):
            pltpu.make_async_copy(
                bufs[b], out_hbm.at[pl.ds(tg * TB, CT), pl.ds(cg * W, W)], sems[b]
            ).wait()

        fill_and_send(0, 0)
        fill_and_send(1, 1)

        def body(c2, carry):
            drain(0)
            fill_and_send(c2 * 2, 0)
            drain(1)
            fill_and_send(c2 * 2 + 1, 1)
            return carry

        lax.fori_loop(1, NCH // 2, body, jnp.int32(0))
        drain(0)
        drain(1)

    return gather


def kernel(input_ids, embedding_table, hard_norm_weight, proj_weight):
    table = _compute_table(embedding_table, hard_norm_weight, proj_weight)
    (B,) = input_ids.shape
    D = proj_weight.shape[0]
    return _make_gather(B, D, embedding_table.shape[0])(table, input_ids)

# --- scband reference (transcript-rebuilt; emitter-appended) ---
"""Pipeline reference for scband-gemma3n-multimodal-embedder-8461085573261 (READ-ONLY COPY).

The authoritative reference and input builder live on the scoring server;
editing this copy changes nothing except your own understanding.
"""

import jax, jax.numpy as jnp
import numpy as np

EPS = 1e-06
VOCAB_OFFSET = 0


def rms_norm(x, weight, eps):
    var = jnp.mean(x.astype(jnp.float32) ** 2, axis=-1, keepdims=True)
    y = x * jax.lax.rsqrt(var + eps)
    if weight is not None:
        y = y * weight
    return y


def setup_inputs(seed: int = 0) -> dict:
    key = jax.random.key(seed)
    k1, k2, k3 = jax.random.split(key, 3)
    input_ids = jax.random.randint(k1, (16384,), 0, 128, dtype=jnp.int32)
    embedding_table = jax.random.normal(k2, (128, 2048), dtype=jnp.float32) * 0.02
    hard_norm_weight = jnp.ones((2048,), dtype=jnp.float32)
    proj_weight = jax.random.normal(k3, (2048, 2048), dtype=jnp.float32) * 0.02
    return {
        "input_ids": input_ids,
        "embedding_table": embedding_table,
        "hard_norm_weight": hard_norm_weight,
        "proj_weight": proj_weight,
    }


def reference(input_ids, embedding_table, hard_norm_weight, proj_weight):
    # hard token path: embedding lookup (gather)
    hard_emb = jnp.take(embedding_table, input_ids - VOCAB_OFFSET, axis=0)
    # hard_embedding_norm (RMSNorm with weight)
    emb_norm = rms_norm(hard_emb, hard_norm_weight, EPS)
    # embedding_projection: RowParallelLinear, no bias -> x @ W^T with W [text_hidden, mm_hidden]
    emb_norm_proj = emb_norm @ proj_weight.T
    # embedding_post_projection_norm (RMSNorm, has_weight=False)
    return rms_norm(emb_norm_proj, None, EPS)

if __name__ == "__main__":
    import jax
    _d = setup_inputs()
    print(jax.jit(kernel)(*tuple(_d.values())))

</pallas_src>

<mosaic_0001>
#map = affine_map<(d0, d1) -> (0, 0)>
#map1 = affine_map<(d0, d1) -> (0)>
module attributes {stable_mosaic.version = 14 : i64} {
  func.func @gather(%arg0: i32, %arg1: i32, %arg2: memref<128x2048xf32, #tpu.memory_space<hbm>>, %arg3: memref<16384xi32, #tpu.memory_space<hbm>>, %arg4: memref<16384x2048xf32, #tpu.memory_space<hbm>>, %arg5: memref<128x512xf32, #tpu.memory_space<vmem>>, %arg6: memref<2048xi32, #tpu.memory_space<vmem>>, %arg7: memref<32x512xf32, #tpu.memory_space<vmem>>, %arg8: memref<32x512xf32, #tpu.memory_space<vmem>>, %arg9: memref<!tpu.dma_semaphore, #tpu.memory_space<semaphore_mem>>, %arg10: memref<!tpu.dma_semaphore, #tpu.memory_space<semaphore_mem>>) attributes {dimension_semantics = [#tpu.dimension_semantics<core_parallel>, #tpu.dimension_semantics<subcore_parallel>], iteration_bounds = array<i64: 2, 16>, scalar_prefetch = 0 : i64, scratch_operands = 6 : i64, tpu.core_type = #tpu.core_type<sc_vector_subcore>, window_params = [{transform_indices = #map}, {transform_indices = #map1}, {transform_indices = #map}]} {
    %mul3A = arith.constant 2 : i32
    %mul3A_0 = arith.muli %arg1, %mul3A : i32
    %add3A = arith.addi %mul3A_0, %arg0 : i32
    %jit3A = arith.constant 4 : i32
    %eq3A = arith.constant 0 : i32
    %eq3A_1 = arith.cmpi eq, %jit3A, %eq3A : i32
    %jit3A_2 = arith.constant 1 : i32
    %select_n3A = arith.select %eq3A_1, %jit3A_2, %jit3A : i32
    %rem3A = arith.remsi %add3A, %select_n3A : i32
    %ne3A = arith.constant 0 : i32
    %ne3A_3 = arith.cmpi ne, %rem3A, %ne3A : i32
    %lt3A = arith.constant 0 : i32
    %lt3A_4 = arith.cmpi slt, %rem3A, %lt3A : i32
    %lt3A_5 = arith.constant 0 : i32
    %lt3A_6 = arith.cmpi slt, %select_n3A, %lt3A_5 : i32
    %ne3A_7 = arith.xori %lt3A_4, %lt3A_6 : i1
    %and3A = arith.andi %ne3A_7, %ne3A_3 : i1
    %add3A_8 = arith.addi %rem3A, %select_n3A : i32
    %select_n3A_9 = arith.select %and3A, %add3A_8, %rem3A : i32
    %jit3A_10 = arith.constant 4 : i32
    %div3A = arith.divsi %add3A, %jit3A_10 : i32
    %sign3A = arith.constant 0 : i32
    %sign3A_11 = arith.cmpi sgt, %add3A, %sign3A : i32
    %sign3A_12 = arith.extui %sign3A_11 : i1 to i32
    %sign3A_13 = arith.constant 0 : i32
    %sign3A_14 = arith.cmpi slt, %add3A, %sign3A_13 : i32
    %sign3A_15 = arith.extui %sign3A_14 : i1 to i32
    %sign3A_16 = arith.subi %sign3A_12, %sign3A_15 : i32
    %sign3A_17 = arith.constant 0 : i32
    %sign3A_18 = arith.cmpi sgt, %jit3A_10, %sign3A_17 : i32
    %sign3A_19 = arith.extui %sign3A_18 : i1 to i32
    %sign3A_20 = arith.constant 0 : i32
    %sign3A_21 = arith.cmpi slt, %jit3A_10, %sign3A_20 : i32
    %sign3A_22 = arith.extui %sign3A_21 : i1 to i32
    %sign3A_23 = arith.subi %sign3A_19, %sign3A_22 : i32
    %ne3A_24 = arith.cmpi ne, %sign3A_16, %sign3A_23 : i32
    %rem3A_25 = arith.remsi %add3A, %jit3A_10 : i32
    %ne3A_26 = arith.constant 0 : i32
    %ne3A_27 = arith.cmpi ne, %rem3A_25, %ne3A_26 : i32
    %and3A_28 = arith.andi %ne3A_24, %ne3A_27 : i1
    %sub3A = arith.constant 1 : i32
    %sub3A_29 = arith.subi %div3A, %sub3A : i32
    %select_n3A_30 = arith.select %and3A_28, %sub3A_29, %div3A : i32
    %mul3A_31 = arith.constant 512 : i32
    %mul3A_32 = arith.muli %select_n3A_9, %mul3A_31 : i32
    "tpu.region"() ({
      %run_scoped3A = tpu.sem_alloc : memref<!tpu.dma_semaphore, #tpu.memory_space<semaphore_mem>>
      %dma_start3A_71 = arith.constant 0 : i32
      %dma_start3A_72 = tpu.memref_slice %arg2[%dma_start3A_71, %mul3A_32] : memref<128x2048xf32, #tpu.memory_space<hbm>> -> memref<128x512xf32, #tpu.memory_space<hbm>>
      %dma_start3A_73 = arith.constant 0 : i32
      %dma_start3A_74 = tpu.memref_slice %arg2[%dma_start3A_73, %mul3A_32] : memref<128x2048xf32, #tpu.memory_space<hbm>> -> memref<128x512xf32, #tpu.memory_space<hbm>>
      tpu.enqueue_dma source(%dma_start3A_74 : memref<128x512xf32, #tpu.memory_space<hbm>>) target(%arg5 : memref<128x512xf32, #tpu.memory_space<vmem>>) target_semaphore(%run_scoped3A : memref<!tpu.dma_semaphore, #tpu.memory_space<semaphore_mem>>)
      %dma_wait3A_75 = arith.constant 0 : i32
      %dma_wait3A_76 = tpu.memref_slice %arg2[%dma_wait3A_75, %mul3A_32] : memref<128x2048xf32, #tpu.memory_space<hbm>> -> memref<128x512xf32, #tpu.memory_space<hbm>>
      %dma_wait3A_77 = arith.constant 0 : i32
      %dma_wait3A_78 = tpu.memref_slice %arg2[%dma_wait3A_77, %mul3A_32] : memref<128x2048xf32, #tpu.memory_space<hbm>> -> memref<128x512xf32, #tpu.memory_space<hbm>>
      tpu.wait_dma2 semaphore(%run_scoped3A : memref<!tpu.dma_semaphore, #tpu.memory_space<semaphore_mem>>) src(%dma_wait3A_78 : memref<128x512xf32, #tpu.memory_space<hbm>>) dst(%arg5 : memref<128x512xf32, #tpu.memory_space<vmem>>)
      tpu.yield
    }) : () -> ()
    %mul3A_33 = arith.constant 2048 : i32
    %mul3A_34 = arith.muli %select_n3A_30, %mul3A_33 : i32
    "tpu.region"() ({
      %run_scoped3A = tpu.sem_alloc : memref<!tpu.dma_semaphore, #tpu.memory_space<semaphore_mem>>
      %dma_start3A_71 = tpu.memref_slice %arg3[%mul3A_34] : memref<16384xi32, #tpu.memory_space<hbm>> -> memref<2048xi32, #tpu.memory_space<hbm>>
      %dma_start3A_72 = tpu.memref_slice %arg3[%mul3A_34] : memref<16384xi32, #tpu.memory_space<hbm>> -> memref<2048xi32, #tpu.memory_space<hbm>>
      tpu.enqueue_dma source(%dma_start3A_72 : memref<2048xi32, #tpu.memory_space<hbm>>) target(%arg6 : memref<2048xi32, #tpu.memory_space<vmem>>) target_semaphore(%run_scoped3A : memref<!tpu.dma_semaphore, #tpu.memory_space<semaphore_mem>>)
      %dma_wait3A_73 = tpu.memref_slice %arg3[%mul3A_34] : memref<16384xi32, #tpu.memory_space<hbm>> -> memref<2048xi32, #tpu.memory_space<hbm>>
      %dma_wait3A_74 = tpu.memref_slice %arg3[%mul3A_34] : memref<16384xi32, #tpu.memory_space<hbm>> -> memref<2048xi32, #tpu.memory_space<hbm>>
      tpu.wait_dma2 semaphore(%run_scoped3A : memref<!tpu.dma_semaphore, #tpu.memory_space<semaphore_mem>>) src(%dma_wait3A_74 : memref<2048xi32, #tpu.memory_space<hbm>>) dst(%arg6 : memref<2048xi32, #tpu.memory_space<vmem>>)
      tpu.yield
    }) : () -> ()
    %iota3A = tpu.iota {dimensions = array<i32: 0>} : vector<16xi32>
    %parallel_loop3A = arith.constant 0 : i32
    %parallel_loop3A_35 = arith.constant 32 : i32
    %parallel_loop3A_36 = arith.constant 1 : i32
    scf.for %parallel_loop3A_71 = %parallel_loop3A to %parallel_loop3A_35 step %parallel_loop3A_36  : i32 {
      %parallel_loop3A_72 = arith.constant 0 : i32
      %parallel_loop3A_73 = vector.broadcast %parallel_loop3A_72 : i32 to vector<16xi32>
      %parallel_loop3A_74 = vector.broadcast %parallel_loop3A_71 : i32 to vector<16xi32>
      %parallel_loop3A_75 = arith.addi %parallel_loop3A_73, %parallel_loop3A_74 : vector<16xi32>
      %parallel_loop3A_76 = tpu.vector_load_idx %arg6[%parallel_loop3A_75] : memref<2048xi32, #tpu.memory_space<vmem>>[vector<16xi32>], vector<16xi32>,
      %parallel_loop3A_77 = arith.constant 0 : i32
      %parallel_loop3A_78 = vector.broadcast %parallel_loop3A_77 : i32 to vector<16xi32>
      %parallel_loop3A_79 = arith.addi %iota3A, %parallel_loop3A_78 : vector<16xi32>
      %parallel_loop3A_80 = tpu.vector_load_idx %arg5[%parallel_loop3A_76, %parallel_loop3A_79] : memref<128x512xf32, #tpu.memory_space<vmem>>[vector<16xi32>, vector<16xi32>], vector<16xf32>,
      %parallel_loop3A_81 = arith.index_cast %parallel_loop3A_71 : i32 to index
      %parallel_loop3A_82 = arith.constant 0 : index
      %parallel_loop3A_83 = tpu.vector_load %arg7[%parallel_loop3A_81, %parallel_loop3A_82] {strides = array<i32>} : memref<32x512xf32, #tpu.memory_space<vmem>>, vector<16xf32>,
      tpu.vector_store %arg7[%parallel_loop3A_81, %parallel_loop3A_82], %parallel_loop3A_80 {strides = array<i32>} : memref<32x512xf32, #tpu.memory_space<vmem>>, vector<16xf32>,
      %parallel_loop3A_84 = arith.constant 16 : i32
      %parallel_loop3A_85 = vector.broadcast %parallel_loop3A_84 : i32 to vector<16xi32>
      %parallel_loop3A_86 = arith.addi %iota3A, %parallel_loop3A_85 : vector<16xi32>
      %parallel_loop3A_87 = tpu.vector_load_idx %arg5[%parallel_loop3A_76, %parallel_loop3A_86] : memref<128x512xf32, #tpu.memory_space<vmem>>[vector<16xi32>, vector<16xi32>], vector<16xf32>,
      %parallel_loop3A_88 = arith.index_cast %parallel_loop3A_71 : i32 to index
      %parallel_loop3A_89 = arith.constant 16 : index
      %parallel_loop3A_90 = tpu.vector_load %arg7[%parallel_loop3A_88, %parallel_loop3A_89] {strides = array<i32>} : memref<32x512xf32, #tpu.memory_space<vmem>>, vector<16xf32>,
      tpu.vector_store %arg7[%parallel_loop3A_88, %parallel_loop3A_89], %parallel_loop3A_87 {strides = array<i32>} : memref<32x512xf32, #tpu.memory_space<vmem>>, vector<16xf32>,
      %parallel_loop3A_91 = arith.constant 32 : i32
      %parallel_loop3A_92 = vector.broadcast %parallel_loop3A_91 : i32 to vector<16xi32>
      %parallel_loop3A_93 = arith.addi %iota3A, %parallel_loop3A_92 : vector<16xi32>
      %parallel_loop3A_94 = tpu.vector_load_idx %arg5[%parallel_loop3A_76, %parallel_loop3A_93] : memref<128x512xf32, #tpu.memory_space<vmem>>[vector<16xi32>, vector<16xi32>], vector<16xf32>,
      %parallel_loop3A_95 = arith.index_cast %parallel_loop3A_71 : i32 to index
      %parallel_loop3A_96 = arith.constant 32 : index
      %parallel_loop3A_97 = tpu.vector_load %arg7[%parallel_loop3A_95, %parallel_loop3A_96] {strides = array<i32>} : memref<32x512xf32, #tpu.memory_space<vmem>>, vector<16xf32>,
      tpu.vector_store %arg7[%parallel_loop3A_95, %parallel_loop3A_96], %parallel_loop3A_94 {strides = array<i32>} : memref<32x512xf32, #tpu.memory_space<vmem>>, vector<16xf32>,
      %parallel_loop3A_98 = arith.constant 48 : i32
      %parallel_loop3A_99 = vector.broadcast %parallel_loop3A_98 : i32 to vector<16xi32>
      %parallel_loop3A_100 = arith.addi %iota3A, %parallel_loop3A_99 : vector<16xi32>
      %parallel_loop3A_101 = tpu.vector_load_idx %arg5[%parallel_loop3A_76, %parallel_loop3A_100] : memref<128x512xf32, #tpu.memory_space<vmem>>[vector<16xi32>, vector<16xi32>], vector<16xf32>,
      %parallel_loop3A_102 = arith.index_cast %parallel_loop3A_71 : i32 to index
      %parallel_loop3A_103 = arith.constant 48 : index
      %parallel_loop3A_104 = tpu.vector_load %arg7[%parallel_loop3A_102, %parallel_loop3A_103] {strides = array<i32>} : memref<32x512xf32, #tpu.memory_space<vmem>>, vector<16xf32>,
      tpu.vector_store %arg7[%parallel_loop3A_102, %parallel_loop3A_103], %parallel_loop3A_101 {strides = array<i32>} : memref<32x512xf32, #tpu.memory_space<vmem>>, vector<16xf32>,
      %parallel_loop3A_105 = arith.constant 64 : i32
      %parallel_loop3A_106 = vector.broadcast %parallel_loop3A_105 : i32 to vector<16xi32>
      %parallel_loop3A_107 = arith.addi %iota3A, %parallel_loop3A_106 : vector<16xi32>
      %parallel_loop3A_108 = tpu.vector_load_idx %arg5[%parallel_loop3A_76, %parallel_loop3A_107] : memref<128x512xf32, #tpu.memory_space<vmem>>[vector<16xi32>, vector<16xi32>], vector<16xf32>,
      %parallel_loop3A_109 = arith.index_cast %parallel_loop3A_71 : i32 to index
      %parallel_loop3A_110 = arith.constant 64 : index
      %parallel_loop3A_111 = tpu.vector_load %arg7[%parallel_loop3A_109, %parallel_loop3A_110] {strides = array<i32>} : memref<32x512xf32, #tpu.memory_space<vmem>>, vector<16xf32>,
      tpu.vector_store %arg7[%parallel_loop3A_109, %parallel_loop3A_110], %parallel_loop3A_108 {strides = array<i32>} : memref<32x512xf32, #tpu.memory_space<vmem>>, vector<16xf32>,
      %parallel_loop3A_112 = arith.constant 80 : i32
      %parallel_loop3A_113 = vector.broadcast %parallel_loop3A_112 : i32 to vector<16xi32>
      %parallel_loop3A_114 = arith.addi %iota3A, %parallel_loop3A_113 : vector<16xi32>
      %parallel_loop3A_115 = tpu.vector_load_idx %arg5[%parallel_loop3A_76, %parallel_loop3A_114] : memref<128x512xf32, #tpu.memory_space<vmem>>[vector<16xi32>, vector<16xi32>], vector<16xf32>,
      %parallel_loop3A_116 = arith.index_cast %parallel_loop3A_71 : i32 to index
      %parallel_loop3A_117 = arith.constant 80 : index
      %parallel_loop3A_118 = tpu.vector_load %arg7[%parallel_loop3A_116, %parallel_loop3A_117] {strides = array<i32>} : memref<32x512xf32, #tpu.memory_space<vmem>>, vector<16xf32>,
      tpu.vector_store %arg7[%parallel_loop3A_116, %parallel_loop3A_117], %parallel_loop3A_115 {strides = array<i32>} : memref<32x512xf32, #tpu.memory_space<vmem>>, vector<16xf32>,
      %parallel_loop3A_119 = arith.constant 96 : i32
      %parallel_loop3A_120 = vector.broadcast %parallel_loop3A_119 : i32 to vector<16xi32>
      %parallel_loop3A_121 = arith.addi %iota3A, %parallel_loop3A_120 : vector<16xi32>
      %parallel_loop3A_122 = tpu.vector_load_idx %arg5[%parallel_loop3A_76, %parallel_loop3A_121] : memref<128x512xf32, #tpu.memory_space<vmem>>[vector<16xi32>, vector<16xi32>], vector<16xf32>,
      %parallel_loop3A_123 = arith.index_cast %parallel_loop3A_71 : i32 to index
      %parallel_loop3A_124 = arith.constant 96 : index
      %parallel_loop3A_125 = tpu.vector_load %arg7[%parallel_loop3A_123, %parallel_loop3A_124] {strides = array<i32>} : memref<32x512xf32, #tpu.memory_space<vmem>>, vector<16xf32>,
      tpu.vector_store %arg7[%parallel_loop3A_123, %parallel_loop3A_124], %parallel_loop3A_122 {strides = array<i32>} : memref<32x512xf32, #tpu.memory_space<vmem>>, vector<16xf32>,
      %parallel_loop3A_126 = arith.constant 112 : i32
      %parallel_loop3A_127 = vector.broadcast %parallel_loop3A_126 : i32 to vector<16xi32>
      %parallel_loop3A_128 = arith.addi %iota3A, %parallel_loop3A_127 : vector<16xi32>
      %parallel_loop3A_129 = tpu.vector_load_idx %arg5[%parallel_loop3A_76, %parallel_loop3A_128] : memref<128x512xf32, #tpu.memory_space<vmem>>[vector<16xi32>, vector<16xi32>], vector<16xf32>,
      %parallel_loop3A_130 = arith.index_cast %parallel_loop3A_71 : i32 to index
      %parallel_loop3A_131 = arith.constant 112 : index
      %parallel_loop3A_132 = tpu.vector_load %arg7[%parallel_loop3A_130, %parallel_loop3A_131] {strides = array<i32>} : memref<32x512xf32, #tpu.memory_space<vmem>>, vector<16xf32>,
      tpu.vector_store %arg7[%parallel_loop3A_130, %parallel_loop3A_131], %parallel_loop3A_129 {strides = array<i32>} : memref<32x512xf32, #tpu.memory_space<vmem>>, vector<16xf32>,
      %parallel_loop3A_133 = arith.constant 128 : i32
      %parallel_loop3A_134 = vector.broadcast %parallel_loop3A_133 : i32 to vector<16xi32>
      %parallel_loop3A_135 = arith.addi %iota3A, %parallel_loop3A_134 : vector<16xi32>
      %parallel_loop3A_136 = tpu.vector_load_idx %arg5[%parallel_loop3A_76, %parallel_loop3A_135] : memref<128x512xf32, #tpu.memory_space<vmem>>[vector<16xi32>, vector<16xi32>], vector<16xf32>,
      %parallel_loop3A_137 = arith.index_cast %parallel_loop3A_71 : i32 to index
      %parallel_loop3A_138 = arith.constant 128 : index
      %parallel_loop3A_139 = tpu.vector_load %arg7[%parallel_loop3A_137, %parallel_loop3A_138] {strides = array<i32>} : memref<32x512xf32, #tpu.memory_space<vmem>>, vector<16xf32>,
      tpu.vector_store %arg7[%parallel_loop3A_137, %parallel_loop3A_138], %parallel_loop3A_136 {strides = array<i32>} : memref<32x512xf32, #tpu.memory_space<vmem>>, vector<16xf32>,
      %parallel_loop3A_140 = arith.constant 144 : i32
      %parallel_loop3A_141 = vector.broadcast %parallel_loop3A_140 : i32 to vector<16xi32>
      %parallel_loop3A_142 = arith.addi %iota3A, %parallel_loop3A_141 : vector<16xi32>
      %parallel_loop3A_143 = tpu.vector_load_idx %arg5[%parallel_loop3A_76, %parallel_loop3A_142] : memref<128x512xf32, #tpu.memory_space<vmem>>[vector<16xi32>, vector<16xi32>], vector<16xf32>,
      %parallel_loop3A_144 = arith.index_cast %parallel_loop3A_71 : i32 to index
      %parallel_loop3A_145 = arith.constant 144 : index
      %parallel_loop3A_146 = tpu.vector_load %arg7[%parallel_loop3A_144, %parallel_loop3A_145] {strides = array<i32>} : memref<32x512xf32, #tpu.memory_space<vmem>>, vector<16xf32>,
      tpu.vector_store %arg7[%parallel_loop3A_144, %parallel_loop3A_145], %parallel_loop3A_143 {strides = array<i32>} : memref<32x512xf32, #tpu.memory_space<vmem>>, vector<16xf32>,
      %parallel_loop3A_147 = arith.constant 160 : i32
      %parallel_loop3A_148 = vector.broadcast %parallel_loop3A_147 : i32 to vector<16xi32>
      %parallel_loop3A_149 = arith.addi %iota3A, %parallel_loop3A_148 : vector<16xi32>
      %parallel_loop3A_150 = tpu.vector_load_idx %arg5[%parallel_loop3A_76, %parallel_loop3A_149] : memref<128x512xf32, #tpu.memory_space<vmem>>[vector<16xi32>, vector<16xi32>], vector<16xf32>,
      %parallel_loop3A_151 = arith.index_cast %parallel_loop3A_71 : i32 to index
      %parallel_loop3A_152 = arith.constant 160 : index
      %parallel_loop3A_153 = tpu.vector_load %arg7[%parallel_loop3A_151, %parallel_loop3A_152] {strides = array<i32>} : memref<32x512xf32, #tpu.memory_space<vmem>>, vector<16xf32>,
      tpu.vector_store %arg7[%parallel_loop3A_151, %parallel_loop3A_152], %parallel_loop3A_150 {strides = array<i32>} : memref<32x512xf32, #tpu.memory_space<vmem>>, vector<16xf32>,
      %parallel_loop3A_154 = arith.constant 176 : i32
      %parallel_loop3A_155 = vector.broadcast %parallel_loop3A_154 : i32 to vector<16xi32>
      %parallel_loop3A_156 = arith.addi %iota3A, %parallel_loop3A_155 : vector<16xi32>
      %parallel_loop3A_157 = tpu.vector_load_idx %arg5[%parallel_loop3A_76, %parallel_loop3A_156] : memref<128x512xf32, #tpu.memory_space<vmem>>[vector<16xi32>, vector<16xi32>], vector<16xf32>,
      %parallel_loop3A_158 = arith.index_cast %parallel_loop3A_71 : i32 to index
      %parallel_loop3A_159 = arith.constant 176 : index
      %parallel_loop3A_160 = tpu.vector_load %arg7[%parallel_loop3A_158, %parallel_loop3A_159] {strides = array<i32>} : memref<32x512xf32, #tpu.memory_space<vmem>>, vector<16xf32>,
      tpu.vector_store %arg7[%parallel_loop3A_158, %parallel_loop3A_159], %parallel_loop3A_157 {strides = array<i32>} : memref<32x512xf32, #tpu.memory_space<vmem>>, vector<16xf32>,
      %parallel_loop3A_161 = arith.constant 192 : i32
      %parallel_loop3A_162 = vector.broadcast %parallel_loop3A_161 : i32 to vector<16xi32>
      %parallel_loop3A_163 = arith.addi %iota3A, %parallel_loop3A_162 : vector<16xi32>
      %parallel_loop3A_164 = tpu.vector_load_idx %arg5[%parallel_loop3A_76, %parallel_loop3A_163] : memref<128x512xf32, #tpu.memory_space<vmem>>[vector<16xi32>, vector<16xi32>], vector<16xf32>,
      %parallel_loop3A_165 = arith.index_cast %parallel_loop3A_71 : i32 to index
      %parallel_loop3A_166 = arith.constant 192 : index
      %parallel_loop3A_167 = tpu.vector_load %arg7[%parallel_loop3A_165, %parallel_loop3A_166] {strides = array<i32>} : memref<32x512xf32, #tpu.memory_space<vmem>>, vector<16xf32>,
      tpu.vector_store %arg7[%parallel_loop3A_165, %parallel_loop3A_166], %parallel_loop3A_164 {strides = array<i32>} : memref<32x512xf32, #tpu.memory_space<vmem>>, vector<16xf32>,
      %parallel_loop3A_168 = arith.constant 208 : i32
      %parallel_loop3A_169 = vector.broadcast %parallel_loop3A_168 : i32 to vector<16xi32>
      %parallel_loop3A_170 = arith.addi %iota3A, %parallel_loop3A_169 : vector<16xi32>
      %parallel_loop3A_171 = tpu.vector_load_idx %arg5[%parallel_loop3A_76, %parallel_loop3A_170] : memref<128x512xf32, #tpu.memory_space<vmem>>[vector<16xi32>, vector<16xi32>], vector<16xf32>,
      %parallel_loop3A_172 = arith.index_cast %parallel_loop3A_71 : i32 to index
      %parallel_loop3A_173 = arith.constant 208 : index
      %parallel_loop3A_174 = tpu.vector_load %arg7[%parallel_loop3A_172, %parallel_loop3A_173] {strides = array<i32>} : memref<32x512xf32, #tpu.memory_space<vmem>>, vector<16xf32>,
      tpu.vector_store %arg7[%parallel_loop3A_172, %parallel_loop3A_173], %parallel_loop3A_171 {strides = array<i32>} : memref<32x512xf32, #tpu.memory_space<vmem>>, vector<16xf32>,
      %parallel_loop3A_175 = arith.constant 224 : i32
      %parallel_loop3A_176 = vector.broadcast %parallel_loop3A_175 : i32 to vector<16xi32>
      %parallel_loop3A_177 = arith.addi %iota3A, %parallel_loop3A_176 : vector<16xi32>
      %parallel_loop3A_178 = tpu.vector_load_idx %arg5[%parallel_loop3A_76, %parallel_loop3A_177] : memref<128x512xf32, #tpu.memory_space<vmem>>[vector<16xi32>, vector<16xi32>], vector<16xf32>,
      %parallel_loop3A_179 = arith.index_cast %parallel_loop3A_71 : i32 to index
      %parallel_loop3A_180 = arith.constant 224 : index
      %parallel_loop3A_181 = tpu.vector_load %arg7[%parallel_loop3A_179, %parallel_loop3A_180] {strides = array<i32>} : memref<32x512xf32, #tpu.memory_space<vmem>>, vector<16xf32>,
      tpu.vector_store %arg7[%parallel_loop3A_179, %parallel_loop3A_180], %parallel_loop3A_178 {strides = array<i32>} : memref<32x512xf32, #tpu.memory_space<vmem>>, vector<16xf32>,
      %parallel_loop3A_182 = arith.constant 240 : i32
      %parallel_loop3A_183 = vector.broadcast %parallel_loop3A_182 : i32 to vector<16xi32>
      %parallel_loop3A_184 = arith.addi %iota3A, %parallel_loop3A_183 : vector<16xi32>
      %parallel_loop3A_185 = tpu.vector_load_idx %arg5[%parallel_loop3A_76, %parallel_loop3A_184] : memref<128x512xf32, #tpu.memory_space<vmem>>[vector<16xi32>, vector<16xi32>], vector<16xf32>,
      %parallel_loop3A_186 = arith.index_cast %parallel_loop3A_71 : i32 to index
      %parallel_loop3A_187 = arith.constant 240 : index
      %parallel_loop3A_188 = tpu.vector_load %arg7[%parallel_loop3A_186, %parallel_loop3A_187] {strides = array<i32>} : memref<32x512xf32, #tpu.memory_space<vmem>>, vector<16xf32>,
      tpu.vector_store %arg7[%parallel_loop3A_186, %parallel_loop3A_187], %parallel_loop3A_185 {strides = array<i32>} : memref<32x512xf32, #tpu.memory_space<vmem>>, vector<16xf32>,
      %parallel_loop3A_189 = arith.constant 256 : i32
      %parallel_loop3A_190 = vector.broadcast %parallel_loop3A_189 : i32 to vector<16xi32>
      %parallel_loop3A_191 = arith.addi %iota3A, %parallel_loop3A_190 : vector<16xi32>
      %parallel_loop3A_192 = tpu.vector_load_idx %arg5[%parallel_loop3A_76, %parallel_loop3A_191] : memref<128x512xf32, #tpu.memory_space<vmem>>[vector<16xi32>, vector<16xi32>], vector<16xf32>,
      %parallel_loop3A_193 = arith.index_cast %parallel_loop3A_71 : i32 to index
      %parallel_loop3A_194 = arith.constant 256 : index
      %parallel_loop3A_195 = tpu.vector_load %arg7[%parallel_loop3A_193, %parallel_loop3A_194] {strides = array<i32>} : memref<32x512xf32, #tpu.memory_space<vmem>>, vector<16xf32>,
      tpu.vector_store %arg7[%parallel_loop3A_193, %parallel_loop3A_194], %parallel_loop3A_192 {strides = array<i32>} : memref<32x512xf32, #tpu.memory_space<vmem>>, vector<16xf32>,
      %parallel_loop3A_196 = arith.constant 272 : i32
      %parallel_loop3A_197 = vector.broadcast %parallel_loop3A_196 : i32 to vector<16xi32>
      %parallel_loop3A_198 = arith.addi %iota3A, %parallel_loop3A_197 : vector<16xi32>
      %parallel_loop3A_199 = tpu.vector_load_idx %arg5[%parallel_loop3A_76, %parallel_loop3A_198] : memref<128x512xf32, #tpu.memory_space<vmem>>[vector<16xi32>, vector<16xi32>], vector<16xf32>,
      %parallel_loop3A_200 = arith.index_cast %parallel_loop3A_71 : i32 to index
      %parallel_loop3A_201 = arith.constant 272 : index
      %parallel_loop3A_202 = tpu.vector_load %arg7[%parallel_loop3A_200, %parallel_loop3A_201] {strides = array<i32>} : memref<32x512xf32, #tpu.memory_space<vmem>>, vector<16xf32>,
      tpu.vector_store %arg7[%parallel_loop3A_200, %parallel_loop3A_201], %parallel_loop3A_199 {strides = array<i32>} : memref<32x512xf32, #tpu.memory_space<vmem>>, vector<16xf32>,
      %parallel_loop3A_203 = arith.constant 288 : i32
      %parallel_loop3A_204 = vector.broadcast %parallel_loop3A_203 : i32 to vector<16xi32>
      %parallel_loop3A_205 = arith.addi %iota3A, %parallel_loop3A_204 : vector<16xi32>
      %parallel_loop3A_206 = tpu.vector_load_idx %arg5[%parallel_loop3A_76, %parallel_loop3A_205] : memref<128x512xf32, #tpu.memory_space<vmem>>[vector<16xi32>, vector<16xi32>], vector<16xf32>,
      %parallel_loop3A_207 = arith.index_cast %parallel_loop3A_71 : i32 to index
      %parallel_loop3A_208 = arith.constant 288 : index
      %parallel_loop3A_209 = tpu.vector_load %arg7[%parallel_loop3A_207, %parallel_loop3A_208] {strides = array<i32>} : memref<32x512xf32, #tpu.memory_space<vmem>>, vector<16xf32>,
      tpu.vector_store %arg7[%parallel_loop3A_207, %parallel_loop3A_208], %parallel_loop3A_206 {strides = array<i32>} : memref<32x512xf32, #tpu.memory_space<vmem>>, vector<16xf32>,
      %parallel_loop3A_210 = arith.constant 304 : i32
      %parallel_loop3A_211 = vector.broadcast %parallel_loop3A_210 : i32 to vector<16xi32>
      %parallel_loop3A_212 = arith.addi %iota3A, %parallel_loop3A_211 : vector<16xi32>
      %parallel_loop3A_213 = tpu.vector_load_idx %arg5[%parallel_loop3A_76, %parallel_loop3A_212] : memref<128x512xf32, #tpu.memory_space<vmem>>[vector<16xi32>, vector<16xi32>], vector<16xf32>,
      %parallel_loop3A_214 = arith.index_cast %parallel_loop3A_71 : i32 to index
      %parallel_loop3A_215 = arith.constant 304 : index
      %parallel_loop3A_216 = tpu.vector_load %arg7[%parallel_loop3A_214, %parallel_loop3A_215] {strides = array<i32>} : memref<32x512xf32, #tpu.memory_space<vmem>>, vector<16xf32>,
      tpu.vector_store %arg7[%parallel_loop3A_214, %parallel_loop3A_215], %parallel_loop3A_213 {strides = array<i32>} : memref<32x512xf32, #tpu.memory_space<vmem>>, vector<16xf32>,
      %parallel_loop3A_217 = arith.constant 320 : i32
      %parallel_loop3A_218 = vector.broadcast %parallel_loop3A_217 : i32 to vector<16xi32>
      %parallel_loop3A_219 = arith.addi %iota3A, %parallel_loop3A_218 : vector<16xi32>
      %parallel_loop3A_220 = tpu.vector_load_idx %arg5[%parallel_loop3A_76, %parallel_loop3A_219] : memref<128x512xf32, #tpu.memory_space<vmem>>[vector<16xi32>, vector<16xi32>], vector<16xf32>,
      %parallel_loop3A_221 = arith.index_cast %parallel_loop3A_71 : i32 to index
      %parallel_loop3A_222 = arith.constant 320 : index
      %parallel_loop3A_223 = tpu.vector_load %arg7[%parallel_loop3A_221, %parallel_loop3A_222] {strides = array<i32>} : memref<32x512xf32, #tpu.memory_space<vmem>>, vector<16xf32>,
      tpu.vector_store %arg7[%parallel_loop3A_221, %parallel_loop3A_222], %parallel_loop3A_220 {strides = array<i32>} : memref<32x512xf32, #tpu.memory_space<vmem>>, vector<16xf32>,
      %parallel_loop3A_224 = arith.constant 336 : i32
      %parallel_loop3A_225 = vector.broadcast %parallel_loop3A_224 : i32 to vector<16xi32>
      %parallel_loop3A_226 = arith.addi %iota3A, %parallel_loop3A_225 : vector<16xi32>
      %parallel_loop3A_227 = tpu.vector_load_idx %arg5[%parallel_loop3A_76, %parallel_loop3A_226] : memref<128x512xf32, #tpu.memory_space<vmem>>[vector<16xi32>, vector<16xi32>], vector<16xf32>,
      %parallel_loop3A_228 = arith.index_cast %parallel_loop3A_71 : i32 to index
      %parallel_loop3A_229 = arith.constant 336 : index
      %parallel_loop3A_230 = tpu.vector_load %arg7[%parallel_loop3A_228, %parallel_loop3A_229] {strides = array<i32>} : memref<32x512xf32, #tpu.memory_space<vmem>>, vector<16xf32>,
      tpu.vector_store %arg7[%parallel_loop3A_228, %parallel_loop3A_229], %parallel_loop3A_227 {strides = array<i32>} : memref<32x512xf32, #tpu.memory_space<vmem>>, vector<16xf32>,
      %parallel_loop3A_231 = arith.constant 352 : i32
      %parallel_loop3A_232 = vector.broadcast %parallel_loop3A_231 : i32 to vector<16xi32>
      %parallel_loop3A_233 = arith.addi %iota3A, %parallel_loop3A_232 : vector<16xi32>
      %parallel_loop3A_234 = tpu.vector_load_idx %arg5[%parallel_loop3A_76, %parallel_loop3A_233] : memref<128x512xf32, #tpu.memory_space<vmem>>[vector<16xi32>, vector<16xi32>], vector<16xf32>,
      %parallel_loop3A_235 = arith.index_cast %parallel_loop3A_71 : i32 to index
      %parallel_loop3A_236 = arith.constant 352 : index
      %parallel_loop3A_237 = tpu.vector_load %arg7[%parallel_loop3A_235, %parallel_loop3A_236] {strides = array<i32>} : memref<32x512xf32, #tpu.memory_space<vmem>>, vector<16xf32>,
      tpu.vector_store %arg7[%parallel_loop3A_235, %parallel_loop3A_236], %parallel_loop3A_234 {strides = array<i32>} : memref<32x512xf32, #tpu.memory_space<vmem>>, vector<16xf32>,
      %parallel_loop3A_238 = arith.constant 368 : i32
      %parallel_loop3A_239 = vector.broadcast %parallel_loop3A_238 : i32 to vector<16xi32>
      %parallel_loop3A_240 = arith.addi %iota3A, %parallel_loop3A_239 : vector<16xi32>
      %parallel_loop3A_241 = tpu.vector_load_idx %arg5[%parallel_loop3A_76, %parallel_loop3A_240] : memref<128x512xf32, #tpu.memory_space<vmem>>[vector<16xi32>, vector<16xi32>], vector<16xf32>,
      %parallel_loop3A_242 = arith.index_cast %parallel_loop3A_71 : i32 to index
      %parallel_loop3A_243 = arith.constant 368 : index
      %parallel_loop3A_244 = tpu.vector_load %arg7[%parallel_loop3A_242, %parallel_loop3A_243] {strides = array<i32>} : memref<32x512xf32, #tpu.memory_space<vmem>>, vector<16xf32>,
      tpu.vector_store %arg7[%parallel_loop3A_242, %parallel_loop3A_243], %parallel_loop3A_241 {strides = array<i32>} : memref<32x512xf32, #tpu.memory_space<vmem>>, vector<16xf32>,
      %parallel_loop3A_245 = arith.constant 384 : i32
      %parallel_loop3A_246 = vector.broadcast %parallel_loop3A_245 : i32 to vector<16xi32>
      %parallel_loop3A_247 = arith.addi %iota3A, %parallel_loop3A_246 : vector<16xi32>
      %parallel_loop3A_248 = tpu.vector_load_idx %arg5[%parallel_loop3A_76, %parallel_loop3A_247] : memref<128x512xf32, #tpu.memory_space<vmem>>[vector<16xi32>, vector<16xi32>], vector<16xf32>,
      %parallel_loop3A_249 = arith.index_cast %parallel_loop3A_71 : i32 to index
      %parallel_loop3A_250 = arith.constant 384 : index
      %parallel_loop3A_251 = tpu.vector_load %arg7[%parallel_loop3A_249, %parallel_loop3A_250] {strides = array<i32>} : memref<32x512xf32, #tpu.memory_space<vmem>>, vector<16xf32>,
      tpu.vector_store %arg7[%parallel_loop3A_249, %parallel_loop3A_250], %parallel_loop3A_248 {strides = array<i32>} : memref<32x512xf32, #tpu.memory_space<vmem>>, vector<16xf32>,
      %parallel_loop3A_252 = arith.constant 400 : i32
      %parallel_loop3A_253 = vector.broadcast %parallel_loop3A_252 : i32 to vector<16xi32>
      %parallel_loop3A_254 = arith.addi %iota3A, %parallel_loop3A_253 : vector<16xi32>
      %parallel_loop3A_255 = tpu.vector_load_idx %arg5[%parallel_loop3A_76, %parallel_loop3A_254] : memref<128x512xf32, #tpu.memory_space<vmem>>[vector<16xi32>, vector<16xi32>], vector<16xf32>,
      %parallel_loop3A_256 = arith.index_cast %parallel_loop3A_71 : i32 to index
      %parallel_loop3A_257 = arith.constant 400 : index
      %parallel_loop3A_258 = tpu.vector_load %arg7[%parallel_loop3A_256, %parallel_loop3A_257] {strides = array<i32>} : memref<32x512xf32, #tpu.memory_space<vmem>>, vector<16xf32>,
      tpu.vector_store %arg7[%parallel_loop3A_256, %parallel_loop3A_257], %parallel_loop3A_255 {strides = array<i32>} : memref<32x512xf32, #tpu.memory_space<vmem>>, vector<16xf32>,
      %parallel_loop3A_259 = arith.constant 416 : i32
      %parallel_loop3A_260 = vector.broadcast %parallel_loop3A_259 : i32 to vector<16xi32>
      %parallel_loop3A_261 = arith.addi %iota3A, %parallel_loop3A_260 : vector<16xi32>
      %parallel_loop3A_262 = tpu.vector_load_idx %arg5[%parallel_loop3A_76, %parallel_loop3A_261] : memref<128x512xf32, #tpu.memory_space<vmem>>[vector<16xi32>, vector<16xi32>], vector<16xf32>,
      %parallel_loop3A_263 = arith.index_cast %parallel_loop3A_71 : i32 to index
      %parallel_loop3A_264 = arith.constant 416 : index
      %parallel_loop3A_265 = tpu.vector_load %arg7[%parallel_loop3A_263, %parallel_loop3A_264] {strides = array<i32>} : memref<32x512xf32, #tpu.memory_space<vmem>>, vector<16xf32>,
      tpu.vector_store %arg7[%parallel_loop3A_263, %parallel_loop3A_264], %parallel_loop3A_262 {strides = array<i32>} : memref<32x512xf32, #tpu.memory_space<vmem>>, vector<16xf32>,
      %parallel_loop3A_266 = arith.constant 432 : i32
      %parallel_loop3A_267 = vector.broadcast %parallel_loop3A_266 : i32 to vector<16xi32>
      %parallel_loop3A_268 = arith.addi %iota3A, %parallel_loop3A_267 : vector<16xi32>
      %parallel_loop3A_269 = tpu.vector_load_idx %arg5[%parallel_loop3A_76, %parallel_loop3A_268] : memref<128x512xf32, #tpu.memory_space<vmem>>[vector<16xi32>, vector<16xi32>], vector<16xf32>,
      %parallel_loop3A_270 = arith.index_cast %parallel_loop3A_71 : i32 to index
      %parallel_loop3A_271 = arith.constant 432 : index
      %parallel_loop3A_272 = tpu.vector_load %arg7[%parallel_loop3A_270, %parallel_loop3A_271] {strides = array<i32>} : memref<32x512xf32, #tpu.memory_space<vmem>>, vector<16xf32>,
      tpu.vector_store %arg7[%parallel_loop3A_270, %parallel_loop3A_271], %parallel_loop3A_269 {strides = array<i32>} : memref<32x512xf32, #tpu.memory_space<vmem>>, vector<16xf32>,
      %parallel_loop3A_273 = arith.constant 448 : i32
      %parallel_loop3A_274 = vector.broadcast %parallel_loop3A_273 : i32 to vector<16xi32>
      %parallel_loop3A_275 = arith.addi %iota3A, %parallel_loop3A_274 : vector<16xi32>
      %parallel_loop3A_276 = tpu.vector_load_idx %arg5[%parallel_loop3A_76, %parallel_loop3A_275] : memref<128x512xf32, #tpu.memory_space<vmem>>[vector<16xi32>, vector<16xi32>], vector<16xf32>,
      %parallel_loop3A_277 = arith.index_cast %parallel_loop3A_71 : i32 to index
      %parallel_loop3A_278 = arith.constant 448 : index
      %parallel_loop3A_279 = tpu.vector_load %arg7[%parallel_loop3A_277, %parallel_loop3A_278] {strides = array<i32>} : memref<32x512xf32, #tpu.memory_space<vmem>>, vector<16xf32>,
      tpu.vector_store %arg7[%parallel_loop3A_277, %parallel_loop3A_278], %parallel_loop3A_276 {strides = array<i32>} : memref<32x512xf32, #tpu.memory_space<vmem>>, vector<16xf32>,
      %parallel_loop3A_280 = arith.constant 464 : i32
      %parallel_loop3A_281 = vector.broadcast %parallel_loop3A_280 : i32 to vector<16xi32>
      %parallel_loop3A_282 = arith.addi %iota3A, %parallel_loop3A_281 : vector<16xi32>
      %parallel_loop3A_283 = tpu.vector_load_idx %arg5[%parallel_loop3A_76, %parallel_loop3A_282] : memref<128x512xf32, #tpu.memory_space<vmem>>[vector<16xi32>, vector<16xi32>], vector<16xf32>,
      %parallel_loop3A_284 = arith.index_cast %parallel_loop3A_71 : i32 to index
      %parallel_loop3A_285 = arith.constant 464 : index
      %parallel_loop3A_286 = tpu.vector_load %arg7[%parallel_loop3A_284, %parallel_loop3A_285] {strides = array<i32>} : memref<32x512xf32, #tpu.memory_space<vmem>>, vector<16xf32>,
      tpu.vector_store %arg7[%parallel_loop3A_284, %parallel_loop3A_285], %parallel_loop3A_283 {strides = array<i32>} : memref<32x512xf32, #tpu.memory_space<vmem>>, vector<16xf32>,
      %parallel_loop3A_287 = arith.constant 480 : i32
      %parallel_loop3A_288 = vector.broadcast %parallel_loop3A_287 : i32 to vector<16xi32>
      %parallel_loop3A_289 = arith.addi %iota3A, %parallel_loop3A_288 : vector<16xi32>
      %parallel_loop3A_290 = tpu.vector_load_idx %arg5[%parallel_loop3A_76, %parallel_loop3A_289] : memref<128x512xf32, #tpu.memory_space<vmem>>[vector<16xi32>, vector<16xi32>], vector<16xf32>,
      %parallel_loop3A_291 = arith.index_cast %parallel_loop3A_71 : i32 to index
      %parallel_loop3A_292 = arith.constant 480 : index
      %parallel_loop3A_293 = tpu.vector_load %arg7[%parallel_loop3A_291, %parallel_loop3A_292] {strides = array<i32>} : memref<32x512xf32, #tpu.memory_space<vmem>>, vector<16xf32>,
      tpu.vector_store %arg7[%parallel_loop3A_291, %parallel_loop3A_292], %parallel_loop3A_290 {strides = array<i32>} : memref<32x512xf32, #tpu.memory_space<vmem>>, vector<16xf32>,
      %parallel_loop3A_294 = arith.constant 496 : i32
      %parallel_loop3A_295 = vector.broadcast %parallel_loop3A_294 : i32 to vector<16xi32>
      %parallel_loop3A_296 = arith.addi %iota3A, %parallel_loop3A_295 : vector<16xi32>
      %parallel_loop3A_297 = tpu.vector_load_idx %arg5[%parallel_loop3A_76, %parallel_loop3A_296] : memref<128x512xf32, #tpu.memory_space<vmem>>[vector<16xi32>, vector<16xi32>], vector<16xf32>,
      %parallel_loop3A_298 = arith.index_cast %parallel_loop3A_71 : i32 to index
      %parallel_loop3A_299 = arith.constant 496 : index
      %parallel_loop3A_300 = tpu.vector_load %arg7[%parallel_loop3A_298, %parallel_loop3A_299] {strides = array<i32>} : memref<32x512xf32, #tpu.memory_space<vmem>>, vector<16xf32>,
      tpu.vector_store %arg7[%parallel_loop3A_298, %parallel_loop3A_299], %parallel_loop3A_297 {strides = array<i32>} : memref<32x512xf32, #tpu.memory_space<vmem>>, vector<16xf32>,
    } {sc.loop_unroll_factor = 1 : i64, sc.parallel_access}
    %mul3A_37 = arith.constant 2048 : i32
    %mul3A_38 = arith.muli %select_n3A_30, %mul3A_37 : i32
    %add3A_39 = arith.constant 0 : i32
    %add3A_40 = arith.addi %mul3A_38, %add3A_39 : i32
    %mul3A_41 = arith.constant 512 : i32
    %mul3A_42 = arith.muli %select_n3A_9, %mul3A_41 : i32
    %dma_start3A = tpu.memref_slice %arg4[%add3A_40, %mul3A_42] : memref<16384x2048xf32, #tpu.memory_space<hbm>> -> memref<32x512xf32, #tpu.memory_space<hbm>>
    %dma_start3A_43 = tpu.memref_slice %arg4[%add3A_40, %mul3A_42] : memref<16384x2048xf32, #tpu.memory_space<hbm>> -> memref<32x512xf32, #tpu.memory_space<hbm>>
    tpu.enqueue_dma source(%arg7 : memref<32x512xf32, #tpu.memory_space<vmem>>) target(%dma_start3A_43 : memref<32x512xf32, #tpu.memory_space<hbm>>) target_semaphore(%arg9 : memref<!tpu.dma_semaphore, #tpu.memory_space<semaphore_mem>>)
    %parallel_loop3A_44 = arith.constant 0 : i32
    %parallel_loop3A_45 = arith.constant 32 : i32
    %parallel_loop3A_46 = arith.constant 1 : i32
    scf.for %parallel_loop3A_71 = %parallel_loop3A_44 to %parallel_loop3A_45 step %parallel_loop3A_46  : i32 {
      %parallel_loop3A_72 = arith.constant 32 : i32
      %parallel_loop3A_73 = vector.broadcast %parallel_loop3A_72 : i32 to vector<16xi32>
      %parallel_loop3A_74 = vector.broadcast %parallel_loop3A_71 : i32 to vector<16xi32>
      %parallel_loop3A_75 = arith.addi %parallel_loop3A_73, %parallel_loop3A_74 : vector<16xi32>
      %parallel_loop3A_76 = tpu.vector_load_idx %arg6[%parallel_loop3A_75] : memref<2048xi32, #tpu.memory_space<vmem>>[vector<16xi32>], vector<16xi32>,
      %parallel_loop3A_77 = arith.constant 0 : i32
      %parallel_loop3A_78 = vector.broadcast %parallel_loop3A_77 : i32 to vector<16xi32>
      %parallel_loop3A_79 = arith.addi %iota3A, %parallel_loop3A_78 : vector<16xi32>
      %parallel_loop3A_80 = tpu.vector_load_idx %arg5[%parallel_loop3A_76, %parallel_loop3A_79] : memref<128x512xf32, #tpu.memory_space<vmem>>[vector<16xi32>, vector<16xi32>], vector<16xf32>,
      %parallel_loop3A_81 = arith.index_cast %parallel_loop3A_71 : i32 to index
      %parallel_loop3A_82 = arith.constant 0 : index
      %parallel_loop3A_83 = tpu.vector_load %arg8[%parallel_loop3A_81, %parallel_loop3A_82] {strides = array<i32>} : memref<32x512xf32, #tpu.memory_space<vmem>>, vector<16xf32>,
      tpu.vector_store %arg8[%parallel_loop3A_81, %parallel_loop3A_82], %parallel_loop3A_80 {strides = array<i32>} : memref<32x512xf32, #tpu.memory_space<vmem>>, vector<16xf32>,
      %parallel_loop3A_84 = arith.constant 16 : i32
      %parallel_loop3A_85 = vector.broadcast %parallel_loop3A_84 : i32 to vector<16xi32>
      %parallel_loop3A_86 = arith.addi %iota3A, %parallel_loop3A_85 : vector<16xi32>
      %parallel_loop3A_87 = tpu.vector_load_idx %arg5[%parallel_loop3A_76, %parallel_loop3A_86] : memref<128x512xf32, #tpu.memory_space<vmem>>[vector<16xi32>, vector<16xi32>], vector<16xf32>,
      %parallel_loop3A_88 = arith.index_cast %parallel_loop3A_71 : i32 to index
      %parallel_loop3A_89 = arith.constant 16 : index
      %parallel_loop3A_90 = tpu.vector_load %arg8[%parallel_loop3A_88, %parallel_loop3A_89] {strides = array<i32>} : memref<32x512xf32, #tpu.memory_space<vmem>>, vector<16xf32>,
      tpu.vector_store %arg8[%parallel_loop3A_88, %parallel_loop3A_89], %parallel_loop3A_87 {strides = array<i32>} : memref<32x512xf32, #tpu.memory_space<vmem>>, vector<16xf32>,
      %parallel_loop3A_91 = arith.constant 32 : i32
      %parallel_loop3A_92 = vector.broadcast %parallel_loop3A_91 : i32 to vector<16xi32>
      %parallel_loop3A_93 = arith.addi %iota3A, %parallel_loop3A_92 : vector<16xi32>
      %parallel_loop3A_94 = tpu.vector_load_idx %arg5[%parallel_loop3A_76, %parallel_loop3A_93] : memref<128x512xf32, #tpu.memory_space<vmem>>[vector<16xi32>, vector<16xi32>], vector<16xf32>,
      %parallel_loop3A_95 = arith.index_cast %parallel_loop3A_71 : i32 to index
      %parallel_loop3A_96 = arith.constant 32 : index
      %parallel_loop3A_97 = tpu.vector_load %arg8[%parallel_loop3A_95, %parallel_loop3A_96] {strides = array<i32>} : memref<32x512xf32, #tpu.memory_space<vmem>>, vector<16xf32>,
      tpu.vector_store %arg8[%parallel_loop3A_95, %parallel_loop3A_96], %parallel_loop3A_94 {strides = array<i32>} : memref<32x512xf32, #tpu.memory_space<vmem>>, vector<16xf32>,
      %parallel_loop3A_98 = arith.constant 48 : i32
      %parallel_loop3A_99 = vector.broadcast %parallel_loop3A_98 : i32 to vector<16xi32>
      %parallel_loop3A_100 = arith.addi %iota3A, %parallel_loop3A_99 : vector<16xi32>
      %parallel_loop3A_101 = tpu.vector_load_idx %arg5[%parallel_loop3A_76, %parallel_loop3A_100] : memref<128x512xf32, #tpu.memory_space<vmem>>[vector<16xi32>, vector<16xi32>], vector<16xf32>,
      %parallel_loop3A_102 = arith.index_cast %parallel_loop3A_71 : i32 to index
      %parallel_loop3A_103 = arith.constant 48 : index
      %parallel_loop3A_104 = tpu.vector_load %arg8[%parallel_loop3A_102, %parallel_loop3A_103] {strides = array<i32>} : memref<32x512xf32, #tpu.memory_space<vmem>>, vector<16xf32>,
      tpu.vector_store %arg8[%parallel_loop3A_102, %parallel_loop3A_103], %parallel_loop3A_101 {strides = array<i32>} : memref<32x512xf32, #tpu.memory_space<vmem>>, vector<16xf32>,
      %parallel_loop3A_105 = arith.constant 64 : i32
      %parallel_loop3A_106 = vector.broadcast %parallel_loop3A_105 : i32 to vector<16xi32>
      %parallel_loop3A_107 = arith.addi %iota3A, %parallel_loop3A_106 : vector<16xi32>
      %parallel_loop3A_108 = tpu.vector_load_idx %arg5[%parallel_loop3A_76, %parallel_loop3A_107] : memref<128x512xf32, #tpu.memory_space<vmem>>[vector<16xi32>, vector<16xi32>], vector<16xf32>,
      %parallel_loop3A_109 = arith.index_cast %parallel_loop3A_71 : i32 to index
      %parallel_loop3A_110 = arith.constant 64 : index
      %parallel_loop3A_111 = tpu.vector_load %arg8[%parallel_loop3A_109, %parallel_loop3A_110] {strides = array<i32>} : memref<32x512xf32, #tpu.memory_space<vmem>>, vector<16xf32>,
      tpu.vector_store %arg8[%parallel_loop3A_109, %parallel_loop3A_110], %parallel_loop3A_108 {strides = array<i32>} : memref<32x512xf32, #tpu.memory_space<vmem>>, vector<16xf32>,
      %parallel_loop3A_112 = arith.constant 80 : i32
      %parallel_loop3A_113 = vector.broadcast %parallel_loop3A_112 : i32 to vector<16xi32>
      %parallel_loop3A_114 = arith.addi %iota3A, %parallel_loop3A_113 : vector<16xi32>
      %parallel_loop3A_115 = tpu.vector_load_idx %arg5[%parallel_loop3A_76, %parallel_loop3A_114] : memref<128x512xf32, #tpu.memory_space<vmem>>[vector<16xi32>, vector<16xi32>], vector<16xf32>,
      %parallel_loop3A_116 = arith.index_cast %parallel_loop3A_71 : i32 to index
      %parallel_loop3A_117 = arith.constant 80 : index
      %parallel_loop3A_118 = tpu.vector_load %arg8[%parallel_loop3A_116, %parallel_loop3A_117] {strides = array<i32>} : memref<32x512xf32, #tpu.memory_space<vmem>>, vector<16xf32>,
      tpu.vector_store %arg8[%parallel_loop3A_116, %parallel_loop3A_117], %parallel_loop3A_115 {strides = array<i32>} : memref<32x512xf32, #tpu.memory_space<vmem>>, vector<16xf32>,
      %parallel_loop3A_119 = arith.constant 96 : i32
      %parallel_loop3A_120 = vector.broadcast %parallel_loop3A_119 : i32 to vector<16xi32>
      %parallel_loop3A_121 = arith.addi %iota3A, %parallel_loop3A_120 : vector<16xi32>
      %parallel_loop3A_122 = tpu.vector_load_idx %arg5[%parallel_loop3A_76, %parallel_loop3A_121] : memref<128x512xf32, #tpu.memory_space<vmem>>[vector<16xi32>, vector<16xi32>], vector<16xf32>,
      %parallel_loop3A_123 = arith.index_cast %parallel_loop3A_71 : i32 to index
      %parallel_loop3A_124 = arith.constant 96 : index
      %parallel_loop3A_125 = tpu.vector_load %arg8[%parallel_loop3A_123, %parallel_loop3A_124] {strides = array<i32>} : memref<32x512xf32, #tpu.memory_space<vmem>>, vector<16xf32>,
      tpu.vector_store %arg8[%parallel_loop3A_123, %parallel_loop3A_124], %parallel_loop3A_122 {strides = array<i32>} : memref<32x512xf32, #tpu.memory_space<vmem>>, vector<16xf32>,
      %parallel_loop3A_126 = arith.constant 112 : i32
      %parallel_loop3A_127 = vector.broadcast %parallel_loop3A_126 : i32 to vector<16xi32>
      %parallel_loop3A_128 = arith.addi %iota3A, %parallel_loop3A_127 : vector<16xi32>
      %parallel_loop3A_129 = tpu.vector_load_idx %arg5[%parallel_loop3A_76, %parallel_loop3A_128] : memref<128x512xf32, #tpu.memory_space<vmem>>[vector<16xi32>, vector<16xi32>], vector<16xf32>,
      %parallel_loop3A_130 = arith.index_cast %parallel_loop3A_71 : i32 to index
      %parallel_loop3A_131 = arith.constant 112 : index
      %parallel_loop3A_132 = tpu.vector_load %arg8[%parallel_loop3A_130, %parallel_loop3A_131] {strides = array<i32>} : memref<32x512xf32, #tpu.memory_space<vmem>>, vector<16xf32>,
      tpu.vector_store %arg8[%parallel_loop3A_130, %parallel_loop3A_131], %parallel_loop3A_129 {strides = array<i32>} : memref<32x512xf32, #tpu.memory_space<vmem>>, vector<16xf32>,
      %parallel_loop3A_133 = arith.constant 128 : i32
      %parallel_loop3A_134 = vector.broadcast %parallel_loop3A_133 : i32 to vector<16xi32>
      %parallel_loop3A_135 = arith.addi %iota3A, %parallel_loop3A_134 : vector<16xi32>
      %parallel_loop3A_136 = tpu.vector_load_idx %arg5[%parallel_loop3A_76, %parallel_loop3A_135] : memref<128x512xf32, #tpu.memory_space<vmem>>[vector<16xi32>, vector<16xi32>], vector<16xf32>,
      %parallel_loop3A_137 = arith.index_cast %parallel_loop3A_71 : i32 to index
      %parallel_loop3A_138 = arith.constant 128 : index
      %parallel_loop3A_139 = tpu.vector_load %arg8[%parallel_loop3A_137, %parallel_loop3A_138] {strides = array<i32>} : memref<32x512xf32, #tpu.memory_space<vmem>>, vector<16xf32>,
      tpu.vector_store %arg8[%parallel_loop3A_137, %parallel_loop3A_138], %parallel_loop3A_136 {strides = array<i32>} : memref<32x512xf32, #tpu.memory_space<vmem>>, vector<16xf32>,
      %parallel_loop3A_140 = arith.constant 144 : i32
      %parallel_loop3A_141 = vector.broadcast %parallel_loop3A_140 : i32 to vector<16xi32>
      %parallel_loop3A_142 = arith.addi %iota3A, %parallel_loop3A_141 : vector<16xi32>
      %parallel_loop3A_143 = tpu.vector_load_idx %arg5[%parallel_loop3A_76, %parallel_loop3A_142] : memref<128x512xf32, #tpu.memory_space<vmem>>[vector<16xi32>, vector<16xi32>], vector<16xf32>,
      %parallel_loop3A_144 = arith.index_cast %parallel_loop3A_71 : i32 to index
      %parallel_loop3A_145 = arith.constant 144 : index
      %parallel_loop3A_146 = tpu.vector_load %arg8[%parallel_loop3A_144, %parallel_loop3A_145] {strides = array<i32>} : memref<32x512xf32, #tpu.memory_space<vmem>>, vector<16xf32>,
      tpu.vector_store %arg8[%parallel_loop3A_144, %parallel_loop3A_145], %parallel_loop3A_143 {strides = array<i32>} : memref<32x512xf32, #tpu.memory_space<vmem>>, vector<16xf32>,
      %parallel_loop3A_147 = arith.constant 160 : i32
      %parallel_loop3A_148 = vector.broadcast %parallel_loop3A_147 : i32 to vector<16xi32>
      %parallel_loop3A_149 = arith.addi %iota3A, %parallel_loop3A_148 : vector<16xi32>
      %parallel_loop3A_150 = tpu.vector_load_idx %arg5[%parallel_loop3A_76, %parallel_loop3A_149] : memref<128x512xf32, #tpu.memory_space<vmem>>[vector<16xi32>, vector<16xi32>], vector<16xf32>,
      %parallel_loop3A_151 = arith.index_cast %parallel_loop3A_71 : i32 to index
      %parallel_loop3A_152 = arith.constant 160 : index
      %parallel_loop3A_153 = tpu.vector_load %arg8[%parallel_loop3A_151, %parallel_loop3A_152] {strides = array<i32>} : memref<32x512xf32, #tpu.memory_space<vmem>>, vector<16xf32>,
      tpu.vector_store %arg8[%parallel_loop3A_151, %parallel_loop3A_152], %parallel_loop3A_150 {strides = array<i32>} : memref<32x512xf32, #tpu.memory_space<vmem>>, vector<16xf32>,
      %parallel_loop3A_154 = arith.constant 176 : i32
      %parallel_loop3A_155 = vector.broadcast %parallel_loop3A_154 : i32 to vector<16xi32>
      %parallel_loop3A_156 = arith.addi %iota3A, %parallel_loop3A_155 : vector<16xi32>
      %parallel_loop3A_157 = tpu.vector_load_idx %arg5[%parallel_loop3A_76, %parallel_loop3A_156] : memref<128x512xf32, #tpu.memory_space<vmem>>[vector<16xi32>, vector<16xi32>], vector<16xf32>,
      %parallel_loop3A_158 = arith.index_cast %parallel_loop3A_71 : i32 to index
      %parallel_loop3A_159 = arith.constant 176 : index
      %parallel_loop3A_160 = tpu.vector_load %arg8[%parallel_loop3A_158, %parallel_loop3A_159] {strides = array<i32>} : memref<32x512xf32, #tpu.memory_space<vmem>>, vector<16xf32>,
      tpu.vector_store %arg8[%parallel_loop3A_158, %parallel_loop3A_159], %parallel_loop3A_157 {strides = array<i32>} : memref<32x512xf32, #tpu.memory_space<vmem>>, vector<16xf32>,
      %parallel_loop3A_161 = arith.constant 192 : i32
      %parallel_loop3A_162 = vector.broadcast %parallel_loop3A_161 : i32 to vector<16xi32>
      %parallel_loop3A_163 = arith.addi %iota3A, %parallel_loop3A_162 : vector<16xi32>
      %parallel_loop3A_164 = tpu.vector_load_idx %arg5[%parallel_loop3A_76, %parallel_loop3A_163] : memref<128x512xf32, #tpu.memory_space<vmem>>[vector<16xi32>, vector<16xi32>], vector<16xf32>,
      %parallel_loop3A_165 = arith.index_cast %parallel_loop3A_71 : i32 to index
      %parallel_loop3A_166 = arith.constant 192 : index
      %parallel_loop3A_167 = tpu.vector_load %arg8[%parallel_loop3A_165, %parallel_loop3A_166] {strides = array<i32>} : memref<32x512xf32, #tpu.memory_space<vmem>>, vector<16xf32>,
      tpu.vector_store %arg8[%parallel_loop3A_165, %parallel_loop3A_166], %parallel_loop3A_164 {strides = array<i32>} : memref<32x512xf32, #tpu.memory_space<vmem>>, vector<16xf32>,
      %parallel_loop3A_168 = arith.constant 208 : i32
      %parallel_loop3A_169 = vector.broadcast %parallel_loop3A_168 : i32 to vector<16xi32>
      %parallel_loop3A_170 = arith.addi %iota3A, %parallel_loop3A_169 : vector<16xi32>
      %parallel_loop3A_171 = tpu.vector_load_idx %arg5[%parallel_loop3A_76, %parallel_loop3A_170] : memref<128x512xf32, #tpu.memory_space<vmem>>[vector<16xi32>, vector<16xi32>], vector<16xf32>,
      %parallel_loop3A_172 = arith.index_cast %parallel_loop3A_71 : i32 to index
      %parallel_loop3A_173 = arith.constant 208 : index
      %parallel_loop3A_174 = tpu.vector_load %arg8[%parallel_loop3A_172, %parallel_loop3A_173] {strides = array<i32>} : memref<32x512xf32, #tpu.memory_space<vmem>>, vector<16xf32>,
      tpu.vector_store %arg8[%parallel_loop3A_172, %parallel_loop3A_173], %parallel_loop3A_171 {strides = array<i32>} : memref<32x512xf32, #tpu.memory_space<vmem>>, vector<16xf32>,
      %parallel_loop3A_175 = arith.constant 224 : i32
      %parallel_loop3A_176 = vector.broadcast %parallel_loop3A_175 : i32 to vector<16xi32>
      %parallel_loop3A_177 = arith.addi %iota3A, %parallel_loop3A_176 : vector<16xi32>
      %parallel_loop3A_178 = tpu.vector_load_idx %arg5[%parallel_loop3A_76, %parallel_loop3A_177] : memref<128x512xf32, #tpu.memory_space<vmem>>[vector<16xi32>, vector<16xi32>], vector<16xf32>,
      %parallel_loop3A_179 = arith.index_cast %parallel_loop3A_71 : i32 to index
      %parallel_loop3A_180 = arith.constant 224 : index
      %parallel_loop3A_181 = tpu.vector_load %arg8[%parallel_loop3A_179, %parallel_loop3A_180] {strides = array<i32>} : memref<32x512xf32, #tpu.memory_space<vmem>>, vector<16xf32>,
      tpu.vector_store %arg8[%parallel_loop3A_179, %parallel_loop3A_180], %parallel_loop3A_178 {strides = array<i32>} : memref<32x512xf32, #tpu.memory_space<vmem>>, vector<16xf32>,
      %parallel_loop3A_182 = arith.constant 240 : i32
      %parallel_loop3A_183 = vector.broadcast %parallel_loop3A_182 : i32 to vector<16xi32>
      %parallel_loop3A_184 = arith.addi %iota3A, %parallel_loop3A_183 : vector<16xi32>
      %parallel_loop3A_185 = tpu.vector_load_idx %arg5[%parallel_loop3A_76, %parallel_loop3A_184] : memref<128x512xf32, #tpu.memory_space<vmem>>[vector<16xi32>, vector<16xi32>], vector<16xf32>,
      %parallel_loop3A_186 = arith.index_cast %parallel_loop3A_71 : i32 to index
      %parallel_loop3A_187 = arith.constant 240 : index
      %parallel_loop3A_188 = tpu.vector_load %arg8[%parallel_loop3A_186, %parallel_loop3A_187] {strides = array<i32>} : memref<32x512xf32, #tpu.memory_space<vmem>>, vector<16xf32>,
      tpu.vector_store %arg8[%parallel_loop3A_186, %parallel_loop3A_187], %parallel_loop3A_185 {strides = array<i32>} : memref<32x512xf32, #tpu.memory_space<vmem>>, vector<16xf32>,
      %parallel_loop3A_189 = arith.constant 256 : i32
      %parallel_loop3A_190 = vector.broadcast %parallel_loop3A_189 : i32 to vector<16xi32>
      %parallel_loop3A_191 = arith.addi %iota3A, %parallel_loop3A_190 : vector<16xi32>
      %parallel_loop3A_192 = tpu.vector_load_idx %arg5[%parallel_loop3A_76, %parallel_loop3A_191] : memref<128x512xf32, #tpu.memory_space<vmem>>[vector<16xi32>, vector<16xi32>], vector<16xf32>,
      %parallel_loop3A_193 = arith.index_cast %parallel_loop3A_71 : i32 to index
      %parallel_loop3A_194 = arith.constant 256 : index
      %parallel_loop3A_195 = tpu.vector_load %arg8[%parallel_loop3A_193, %parallel_loop3A_194] {strides = array<i32>} : memref<32x512xf32, #tpu.memory_space<vmem>>, vector<16xf32>,
      tpu.vector_store %arg8[%parallel_loop3A_193, %parallel_loop3A_194], %parallel_loop3A_192 {strides = array<i32>} : memref<32x512xf32, #tpu.memory_space<vmem>>, vector<16xf32>,
      %parallel_loop3A_196 = arith.constant 272 : i32
      %parallel_loop3A_197 = vector.broadcast %parallel_loop3A_196 : i32 to vector<16xi32>
      %parallel_loop3A_198 = arith.addi %iota3A, %parallel_loop3A_197 : vector<16xi32>
      %parallel_loop3A_199 = tpu.vector_load_idx %arg5[%parallel_loop3A_76, %parallel_loop3A_198] : memref<128x512xf32, #tpu.memory_space<vmem>>[vector<16xi32>, vector<16xi32>], vector<16xf32>,
      %parallel_loop3A_200 = arith.index_cast %parallel_loop3A_71 : i32 to index
      %parallel_loop3A_201 = arith.constant 272 : index
      %parallel_loop3A_202 = tpu.vector_load %arg8[%parallel_loop3A_200, %parallel_loop3A_201] {strides = array<i32>} : memref<32x512xf32, #tpu.memory_space<vmem>>, vector<16xf32>,
      tpu.vector_store %arg8[%parallel_loop3A_200, %parallel_loop3A_201], %parallel_loop3A_199 {strides = array<i32>} : memref<32x512xf32, #tpu.memory_space<vmem>>, vector<16xf32>,
      %parallel_loop3A_203 = arith.constant 288 : i32
      %parallel_loop3A_204 = vector.broadcast %parallel_loop3A_203 : i32 to vector<16xi32>
      %parallel_loop3A_205 = arith.addi %iota3A, %parallel_loop3A_204 : vector<16xi32>
      %parallel_loop3A_206 = tpu.vector_load_idx %arg5[%parallel_loop3A_76, %parallel_loop3A_205] : memref<128x512xf32, #tpu.memory_space<vmem>>[vector<16xi32>, vector<16xi32>], vector<16xf32>,
      %parallel_loop3A_207 = arith.index_cast %parallel_loop3A_71 : i32 to index
      %parallel_loop3A_208 = arith.constant 288 : index
      %parallel_loop3A_209 = tpu.vector_load %arg8[%parallel_loop3A_207, %parallel_loop3A_208] {strides = array<i32>} : memref<32x512xf32, #tpu.memory_space<vmem>>, vector<16xf32>,
      tpu.vector_store %arg8[%parallel_loop3A_207, %parallel_loop3A_208], %parallel_loop3A_206 {strides = array<i32>} : memref<32x512xf32, #tpu.memory_space<vmem>>, vector<16xf32>,
      %parallel_loop3A_210 = arith.constant 304 : i32
      %parallel_loop3A_211 = vector.broadcast %parallel_loop3A_210 : i32 to vector<16xi32>
      %parallel_loop3A_212 = arith.addi %iota3A, %parallel_loop3A_211 : vector<16xi32>
      %parallel_loop3A_213 = tpu.vector_load_idx %arg5[%parallel_loop3A_76, %parallel_loop3A_212] : memref<128x512xf32, #tpu.memory_space<vmem>>[vector<16xi32>, vector<16xi32>], vector<16xf32>,
      %parallel_loop3A_214 = arith.index_cast %parallel_loop3A_71 : i32 to index
      %parallel_loop3A_215 = arith.constant 304 : index
      %parallel_loop3A_216 = tpu.vector_load %arg8[%parallel_loop3A_214, %parallel_loop3A_215] {strides = array<i32>} : memref<32x512xf32, #tpu.memory_space<vmem>>, vector<16xf32>,
      tpu.vector_store %arg8[%parallel_loop3A_214, %parallel_loop3A_215], %parallel_loop3A_213 {strides = array<i32>} : memref<32x512xf32, #tpu.memory_space<vmem>>, vector<16xf32>,
      %parallel_loop3A_217 = arith.constant 320 : i32
      %parallel_loop3A_218 = vector.broadcast %parallel_loop3A_217 : i32 to vector<16xi32>
      %parallel_loop3A_219 = arith.addi %iota3A, %parallel_loop3A_218 : vector<16xi32>
      %parallel_loop3A_220 = tpu.vector_load_idx %arg5[%parallel_loop3A_76, %parallel_loop3A_219] : memref<128x512xf32, #tpu.memory_space<vmem>>[vector<16xi32>, vector<16xi32>], vector<16xf32>,
      %parallel_loop3A_221 = arith.index_cast %parallel_loop3A_71 : i32 to index
      %parallel_loop3A_222 = arith.constant 320 : index
      %parallel_loop3A_223 = tpu.vector_load %arg8[%parallel_loop3A_221, %parallel_loop3A_222] {strides = array<i32>} : memref<32x512xf32, #tpu.memory_space<vmem>>, vector<16xf32>,
      tpu.vector_store %arg8[%parallel_loop3A_221, %parallel_loop3A_222], %parallel_loop3A_220 {strides = array<i32>} : memref<32x512xf32, #tpu.memory_space<vmem>>, vector<16xf32>,
      %parallel_loop3A_224 = arith.constant 336 : i32
      %parallel_loop3A_225 = vector.broadcast %parallel_loop3A_224 : i32 to vector<16xi32>
      %parallel_loop3A_226 = arith.addi %iota3A, %parallel_loop3A_225 : vector<16xi32>
      %parallel_loop3A_227 = tpu.vector_load_idx %arg5[%parallel_loop3A_76, %parallel_loop3A_226] : memref<128x512xf32, #tpu.memory_space<vmem>>[vector<16xi32>, vector<16xi32>], vector<16xf32>,
      %parallel_loop3A_228 = arith.index_cast %parallel_loop3A_71 : i32 to index
      %parallel_loop3A_229 = arith.constant 336 : index
      %parallel_loop3A_230 = tpu.vector_load %arg8[%parallel_loop3A_228, %parallel_loop3A_229] {strides = array<i32>} : memref<32x512xf32, #tpu.memory_space<vmem>>, vector<16xf32>,
      tpu.vector_store %arg8[%parallel_loop3A_228, %parallel_loop3A_229], %parallel_loop3A_227 {strides = array<i32>} : memref<32x512xf32, #tpu.memory_space<vmem>>, vector<16xf32>,
      %parallel_loop3A_231 = arith.constant 352 : i32
      %parallel_loop3A_232 = vector.broadcast %parallel_loop3A_231 : i32 to vector<16xi32>
      %parallel_loop3A_233 = arith.addi %iota3A, %parallel_loop3A_232 : vector<16xi32>
      %parallel_loop3A_234 = tpu.vector_load_idx %arg5[%parallel_loop3A_76, %parallel_loop3A_233] : memref<128x512xf32, #tpu.memory_space<vmem>>[vector<16xi32>, vector<16xi32>], vector<16xf32>,
      %parallel_loop3A_235 = arith.index_cast %parallel_loop3A_71 : i32 to index
      %parallel_loop3A_236 = arith.constant 352 : index
      %parallel_loop3A_237 = tpu.vector_load %arg8[%parallel_loop3A_235, %parallel_loop3A_236] {strides = array<i32>} : memref<32x512xf32, #tpu.memory_space<vmem>>, vector<16xf32>,
      tpu.vector_store %arg8[%parallel_loop3A_235, %parallel_loop3A_236], %parallel_loop3A_234 {strides = array<i32>} : memref<32x512xf32, #tpu.memory_space<vmem>>, vector<16xf32>,
      %parallel_loop3A_238 = arith.constant 368 : i32
      %parallel_loop3A_239 = vector.broadcast %parallel_loop3A_238 : i32 to vector<16xi32>
      %parallel_loop3A_240 = arith.addi %iota3A, %parallel_loop3A_239 : vector<16xi32>
      %parallel_loop3A_241 = tpu.vector_load_idx %arg5[%parallel_loop3A_76, %parallel_loop3A_240] : memref<128x512xf32, #tpu.memory_space<vmem>>[vector<16xi32>, vector<16xi32>], vector<16xf32>,
      %parallel_loop3A_242 = arith.index_cast %parallel_loop3A_71 : i32 to index
      %parallel_loop3A_243 = arith.constant 368 : index
      %parallel_loop3A_244 = tpu.vector_load %arg8[%parallel_loop3A_242, %parallel_loop3A_243] {strides = array<i32>} : memref<32x512xf32, #tpu.memory_space<vmem>>, vector<16xf32>,
      tpu.vector_store %arg8[%parallel_loop3A_242, %parallel_loop3A_243], %parallel_loop3A_241 {strides = array<i32>} : memref<32x512xf32, #tpu.memory_space<vmem>>, vector<16xf32>,
      %parallel_loop3A_245 = arith.constant 384 : i32
      %parallel_loop3A_246 = vector.broadcast %parallel_loop3A_245 : i32 to vector<16xi32>
      %parallel_loop3A_247 = arith.addi %iota3A, %parallel_loop3A_246 : vector<16xi32>
      %parallel_loop3A_248 = tpu.vector_load_idx %arg5[%parallel_loop3A_76, %parallel_loop3A_247] : memref<128x512xf32, #tpu.memory_space<vmem>>[vector<16xi32>, vector<16xi32>], vector<16xf32>,
      %parallel_loop3A_249 = arith.index_cast %parallel_loop3A_71 : i32 to index
      %parallel_loop3A_250 = arith.constant 384 : index
      %parallel_loop3A_251 = tpu.vector_load %arg8[%parallel_loop3A_249, %parallel_loop3A_250] {strides = array<i32>} : memref<32x512xf32, #tpu.memory_space<vmem>>, vector<16xf32>,
      tpu.vector_store %arg8[%parallel_loop3A_249, %parallel_loop3A_250], %parallel_loop3A_248 {strides = array<i32>} : memref<32x512xf32, #tpu.memory_space<vmem>>, vector<16xf32>,
      %parallel_loop3A_252 = arith.constant 400 : i32
      %parallel_loop3A_253 = vector.broadcast %parallel_loop3A_252 : i32 to vector<16xi32>
      %parallel_loop3A_254 = arith.addi %iota3A, %parallel_loop3A_253 : vector<16xi32>
      %parallel_loop3A_255 = tpu.vector_load_idx %arg5[%parallel_loop3A_76, %parallel_loop3A_254] : memref<128x512xf32, #tpu.memory_space<vmem>>[vector<16xi32>, vector<16xi32>], vector<16xf32>,
      %parallel_loop3A_256 = arith.index_cast %parallel_loop3A_71 : i32 to index
      %parallel_loop3A_257 = arith.constant 400 : index
      %parallel_loop3A_258 = tpu.vector_load %arg8[%parallel_loop3A_256, %parallel_loop3A_257] {strides = array<i32>} : memref<32x512xf32, #tpu.memory_space<vmem>>, vector<16xf32>,
      tpu.vector_store %arg8[%parallel_loop3A_256, %parallel_loop3A_257], %parallel_loop3A_255 {strides = array<i32>} : memref<32x512xf32, #tpu.memory_space<vmem>>, vector<16xf32>,
      %parallel_loop3A_259 = arith.constant 416 : i32
      %parallel_loop3A_260 = vector.broadcast %parallel_loop3A_259 : i32 to vector<16xi32>
      %parallel_loop3A_261 = arith.addi %iota3A, %parallel_loop3A_260 : vector<16xi32>
      %parallel_loop3A_262 = tpu.vector_load_idx %arg5[%parallel_loop3A_76, %parallel_loop3A_261] : memref<128x512xf32, #tpu.memory_space<vmem>>[vector<16xi32>, vector<16xi32>], vector<16xf32>,
      %parallel_loop3A_263 = arith.index_cast %parallel_loop3A_71 : i32 to index
      %parallel_loop3A_264 = arith.constant 416 : index
      %parallel_loop3A_265 = tpu.vector_load %arg8[%parallel_loop3A_263, %parallel_loop3A_264] {strides = array<i32>} : memref<32x512xf32, #tpu.memory_space<vmem>>, vector<16xf32>,
      tpu.vector_store %arg8[%parallel_loop3A_263, %parallel_loop3A_264], %parallel_loop3A_262 {strides = array<i32>} : memref<32x512xf32, #tpu.memory_space<vmem>>, vector<16xf32>,
      %parallel_loop3A_266 = arith.constant 432 : i32
      %parallel_loop3A_267 = vector.broadcast %parallel_loop3A_266 : i32 to vector<16xi32>
      %parallel_loop3A_268 = arith.addi %iota3A, %parallel_loop3A_267 : vector<16xi32>
      %parallel_loop3A_269 = tpu.vector_load_idx %arg5[%parallel_loop3A_76, %parallel_loop3A_268] : memref<128x512xf32, #tpu.memory_space<vmem>>[vector<16xi32>, vector<16xi32>], vector<16xf32>,
      %parallel_loop3A_270 = arith.index_cast %parallel_loop3A_71 : i32 to index
      %parallel_loop3A_271 = arith.constant 432 : index
      %parallel_loop3A_272 = tpu.vector_load %arg8[%parallel_loop3A_270, %parallel_loop3A_271] {strides = array<i32>} : memref<32x512xf32, #tpu.memory_space<vmem>>, vector<16xf32>,
      tpu.vector_store %arg8[%parallel_loop3A_270, %parallel_loop3A_271], %parallel_loop3A_269 {strides = array<i32>} : memref<32x512xf32, #tpu.memory_space<vmem>>, vector<16xf32>,
      %parallel_loop3A_273 = arith.constant 448 : i32
      %parallel_loop3A_274 = vector.broadcast %parallel_loop3A_273 : i32 to vector<16xi32>
      %parallel_loop3A_275 = arith.addi %iota3A, %parallel_loop3A_274 : vector<16xi32>
      %parallel_loop3A_276 = tpu.vector_load_idx %arg5[%parallel_loop3A_76, %parallel_loop3A_275] : memref<128x512xf32, #tpu.memory_space<vmem>>[vector<16xi32>, vector<16xi32>], vector<16xf32>,
      %parallel_loop3A_277 = arith.index_cast %parallel_loop3A_71 : i32 to index
      %parallel_loop3A_278 = arith.constant 448 : index
      %parallel_loop3A_279 = tpu.vector_load %arg8[%parallel_loop3A_277, %parallel_loop3A_278] {strides = array<i32>} : memref<32x512xf32, #tpu.memory_space<vmem>>, vector<16xf32>,
      tpu.vector_store %arg8[%parallel_loop3A_277, %parallel_loop3A_278], %parallel_loop3A_276 {strides = array<i32>} : memref<32x512xf32, #tpu.memory_space<vmem>>, vector<16xf32>,
      %parallel_loop3A_280 = arith.constant 464 : i32
      %parallel_loop3A_281 = vector.broadcast %parallel_loop3A_280 : i32 to vector<16xi32>
      %parallel_loop3A_282 = arith.addi %iota3A, %parallel_loop3A_281 : vector<16xi32>
      %parallel_loop3A_283 = tpu.vector_load_idx %arg5[%parallel_loop3A_76, %parallel_loop3A_282] : memref<128x512xf32, #tpu.memory_space<vmem>>[vector<16xi32>, vector<16xi32>], vector<16xf32>,
      %parallel_loop3A_284 = arith.index_cast %parallel_loop3A_71 : i32 to index
      %parallel_loop3A_285 = arith.constant 464 : index
      %parallel_loop3A_286 = tpu.vector_load %arg8[%parallel_loop3A_284, %parallel_loop3A_285] {strides = array<i32>} : memref<32x512xf32, #tpu.memory_space<vmem>>, vector<16xf32>,
      tpu.vector_store %arg8[%parallel_loop3A_284, %parallel_loop3A_285], %parallel_loop3A_283 {strides = array<i32>} : memref<32x512xf32, #tpu.memory_space<vmem>>, vector<16xf32>,
      %parallel_loop3A_287 = arith.constant 480 : i32
      %parallel_loop3A_288 = vector.broadcast %parallel_loop3A_287 : i32 to vector<16xi32>
      %parallel_loop3A_289 = arith.addi %iota3A, %parallel_loop3A_288 : vector<16xi32>
      %parallel_loop3A_290 = tpu.vector_load_idx %arg5[%parallel_loop3A_76, %parallel_loop3A_289] : memref<128x512xf32, #tpu.memory_space<vmem>>[vector<16xi32>, vector<16xi32>], vector<16xf32>,
      %parallel_loop3A_291 = arith.index_cast %parallel_loop3A_71 : i32 to index
      %parallel_loop3A_292 = arith.constant 480 : index
      %parallel_loop3A_293 = tpu.vector_load %arg8[%parallel_loop3A_291, %parallel_loop3A_292] {strides = array<i32>} : memref<32x512xf32, #tpu.memory_space<vmem>>, vector<16xf32>,
      tpu.vector_store %arg8[%parallel_loop3A_291, %parallel_loop3A_292], %parallel_loop3A_290 {strides = array<i32>} : memref<32x512xf32, #tpu.memory_space<vmem>>, vector<16xf32>,
      %parallel_loop3A_294 = arith.constant 496 : i32
      %parallel_loop3A_295 = vector.broadcast %parallel_loop3A_294 : i32 to vector<16xi32>
      %parallel_loop3A_296 = arith.addi %iota3A, %parallel_loop3A_295 : vector<16xi32>
      %parallel_loop3A_297 = tpu.vector_load_idx %arg5[%parallel_loop3A_76, %parallel_loop3A_296] : memref<128x512xf32, #tpu.memory_space<vmem>>[vector<16xi32>, vector<16xi32>], vector<16xf32>,
      %parallel_loop3A_298 = arith.index_cast %parallel_loop3A_71 : i32 to index
      %parallel_loop3A_299 = arith.constant 496 : index
      %parallel_loop3A_300 = tpu.vector_load %arg8[%parallel_loop3A_298, %parallel_loop3A_299] {strides = array<i32>} : memref<32x512xf32, #tpu.memory_space<vmem>>, vector<16xf32>,
      tpu.vector_store %arg8[%parallel_loop3A_298, %parallel_loop3A_299], %parallel_loop3A_297 {strides = array<i32>} : memref<32x512xf32, #tpu.memory_space<vmem>>, vector<16xf32>,
    } {sc.loop_unroll_factor = 1 : i64, sc.parallel_access}
    %mul3A_47 = arith.constant 2048 : i32
    %mul3A_48 = arith.muli %select_n3A_30, %mul3A_47 : i32
    %add3A_49 = arith.constant 32 : i32
    %add3A_50 = arith.addi %mul3A_48, %add3A_49 : i32
    %mul3A_51 = arith.constant 512 : i32
    %mul3A_52 = arith.muli %select_n3A_9, %mul3A_51 : i32
    %dma_start3A_53 = tpu.memref_slice %arg4[%add3A_50, %mul3A_52] : memref<16384x2048xf32, #tpu.memory_space<hbm>> -> memref<32x512xf32, #tpu.memory_space<hbm>>
    %dma_start3A_54 = tpu.memref_slice %arg4[%add3A_50, %mul3A_52] : memref<16384x2048xf32, #tpu.memory_space<hbm>> -> memref<32x512xf32, #tpu.memory_space<hbm>>
    tpu.enqueue_dma source(%arg8 : memref<32x512xf32, #tpu.memory_space<vmem>>) target(%dma_start3A_54 : memref<32x512xf32, #tpu.memory_space<hbm>>) target_semaphore(%arg10 : memref<!tpu.dma_semaphore, #tpu.memory_space<semaphore_mem>>)
    %scan3A = arith.constant 0 : i32
    %scan3A_55 = arith.constant 1 : i32
    %scan3A_56 = arith.constant 31 : i32
    %scan3A_57 = arith.addi %scan3A_55, %scan3A_56 : i32
    %scan3A_58 = arith.constant 1 : i32
    scf.for %scan3A_71 = %scan3A_55 to %scan3A_57 step %scan3A_58  : i32 {
      %mul3A_72 = arith.constant 2048 : i32
      %mul3A_73 = arith.muli %select_n3A_30, %mul3A_72 : i32
      %mul3A_74 = arith.constant 512 : i32
      %mul3A_75 = arith.muli %select_n3A_9, %mul3A_74 : i32
      %dma_wait3A_76 = tpu.memref_slice %arg4[%mul3A_73, %mul3A_75] : memref<16384x2048xf32, #tpu.memory_space<hbm>> -> memref<32x512xf32, #tpu.memory_space<hbm>>
      %dma_wait3A_77 = tpu.memref_slice %arg4[%mul3A_73, %mul3A_75] : memref<16384x2048xf32, #tpu.memory_space<hbm>> -> memref<32x512xf32, #tpu.memory_space<hbm>>
      tpu.wait_dma2 semaphore(%arg9 : memref<!tpu.dma_semaphore, #tpu.memory_space<semaphore_mem>>) src(%arg7 : memref<32x512xf32, #tpu.memory_space<vmem>>) dst(%dma_wait3A_77 : memref<32x512xf32, #tpu.memory_space<hbm>>)
      %mul3A_78 = arith.constant 2 : i32
      %mul3A_79 = arith.muli %scan3A_71, %mul3A_78 : i32
      %parallel_loop3A_80 = arith.constant 0 : i32
      %parallel_loop3A_81 = arith.constant 32 : i32
      %parallel_loop3A_82 = arith.constant 1 : i32
      scf.for %parallel_loop3A_114 = %parallel_loop3A_80 to %parallel_loop3A_81 step %parallel_loop3A_82  : i32 {
        %parallel_loop3A_115 = arith.constant 32 : i32
        %parallel_loop3A_116 = arith.muli %mul3A_79, %parallel_loop3A_115 : i32
        %parallel_loop3A_117 = vector.broadcast %parallel_loop3A_116 : i32 to vector<16xi32>
        %parallel_loop3A_118 = vector.broadcast %parallel_loop3A_114 : i32 to vector<16xi32>
        %parallel_loop3A_119 = arith.addi %parallel_loop3A_117, %parallel_loop3A_118 : vector<16xi32>
        %parallel_loop3A_120 = tpu.vector_load_idx %arg6[%parallel_loop3A_119] : memref<2048xi32, #tpu.memory_space<vmem>>[vector<16xi32>], vector<16xi32>,
        %parallel_loop3A_121 = arith.constant 0 : i32
        %parallel_loop3A_122 = vector.broadcast %parallel_loop3A_121 : i32 to vector<16xi32>
        %parallel_loop3A_123 = arith.addi %iota3A, %parallel_loop3A_122 : vector<16xi32>
        %parallel_loop3A_124 = tpu.vector_load_idx %arg5[%parallel_loop3A_120, %parallel_loop3A_123] : memref<128x512xf32, #tpu.memory_space<vmem>>[vector<16xi32>, vector<16xi32>], vector<16xf32>,
        %parallel_loop3A_125 = arith.index_cast %parallel_loop3A_114 : i32 to index
        %parallel_loop3A_126 = arith.constant 0 : index
        %parallel_loop3A_127 = tpu.vector_load %arg7[%parallel_loop3A_125, %parallel_loop3A_126] {strides = array<i32>} : memref<32x512xf32, #tpu.memory_space<vmem>>, vector<16xf32>,
        tpu.vector_store %arg7[%parallel_loop3A_125, %parallel_loop3A_126], %parallel_loop3A_124 {strides = array<i32>} : memref<32x512xf32, #tpu.memory_space<vmem>>, vector<16xf32>,
        %parallel_loop3A_128 = arith.constant 16 : i32
        %parallel_loop3A_129 = vector.broadcast %parallel_loop3A_128 : i32 to vector<16xi32>
        %parallel_loop3A_130 = arith.addi %iota3A, %parallel_loop3A_129 : vector<16xi32>
        %parallel_loop3A_131 = tpu.vector_load_idx %arg5[%parallel_loop3A_120, %parallel_loop3A_130] : memref<128x512xf32, #tpu.memory_space<vmem>>[vector<16xi32>, vector<16xi32>], vector<16xf32>,
        %parallel_loop3A_132 = arith.index_cast %parallel_loop3A_114 : i32 to index
        %parallel_loop3A_133 = arith.constant 16 : index
        %parallel_loop3A_134 = tpu.vector_load %arg7[%parallel_loop3A_132, %parallel_loop3A_133] {strides = array<i32>} : memref<32x512xf32, #tpu.memory_space<vmem>>, vector<16xf32>,
        tpu.vector_store %arg7[%parallel_loop3A_132, %parallel_loop3A_133], %parallel_loop3A_131 {strides = array<i32>} : memref<32x512xf32, #tpu.memory_space<vmem>>, vector<16xf32>,
        %parallel_loop3A_135 = arith.constant 32 : i32
        %parallel_loop3A_136 = vector.broadcast %parallel_loop3A_135 : i32 to vector<16xi32>
        %parallel_loop3A_137 = arith.addi %iota3A, %parallel_loop3A_136 : vector<16xi32>
        %parallel_loop3A_138 = tpu.vector_load_idx %arg5[%parallel_loop3A_120, %parallel_loop3A_137] : memref<128x512xf32, #tpu.memory_space<vmem>>[vector<16xi32>, vector<16xi32>], vector<16xf32>,
        %parallel_loop3A_139 = arith.index_cast %parallel_loop3A_114 : i32 to index
        %parallel_loop3A_140 = arith.constant 32 : index
        %parallel_loop3A_141 = tpu.vector_load %arg7[%parallel_loop3A_139, %parallel_loop3A_140] {strides = array<i32>} : memref<32x512xf32, #tpu.memory_space<vmem>>, vector<16xf32>,
        tpu.vector_store %arg7[%parallel_loop3A_139, %parallel_loop3A_140], %parallel_loop3A_138 {strides = array<i32>} : memref<32x512xf32, #tpu.memory_space<vmem>>, vector<16xf32>,
        %parallel_loop3A_142 = arith.constant 48 : i32
        %parallel_loop3A_143 = vector.broadcast %parallel_loop3A_142 : i32 to vector<16xi32>
        %parallel_loop3A_144 = arith.addi %iota3A, %parallel_loop3A_143 : vector<16xi32>
        %parallel_loop3A_145 = tpu.vector_load_idx %arg5[%parallel_loop3A_120, %parallel_loop3A_144] : memref<128x512xf32, #tpu.memory_space<vmem>>[vector<16xi32>, vector<16xi32>], vector<16xf32>,
        %parallel_loop3A_146 = arith.index_cast %parallel_loop3A_114 : i32 to index
        %parallel_loop3A_147 = arith.constant 48 : index
        %parallel_loop3A_148 = tpu.vector_load %arg7[%parallel_loop3A_146, %parallel_loop3A_147] {strides = array<i32>} : memref<32x512xf32, #tpu.memory_space<vmem>>, vector<16xf32>,
        tpu.vector_store %arg7[%parallel_loop3A_146, %parallel_loop3A_147], %parallel_loop3A_145 {strides = array<i32>} : memref<32x512xf32, #tpu.memory_space<vmem>>, vector<16xf32>,
        %parallel_loop3A_149 = arith.constant 64 : i32
        %parallel_loop3A_150 = vector.broadcast %parallel_loop3A_149 : i32 to vector<16xi32>
        %parallel_loop3A_151 = arith.addi %iota3A, %parallel_loop3A_150 : vector<16xi32>
        %parallel_loop3A_152 = tpu.vector_load_idx %arg5[%parallel_loop3A_120, %parallel_loop3A_151] : memref<128x512xf32, #tpu.memory_space<vmem>>[vector<16xi32>, vector<16xi32>], vector<16xf32>,
        %parallel_loop3A_153 = arith.index_cast %parallel_loop3A_114 : i32 to index
        %parallel_loop3A_154 = arith.constant 64 : index
        %parallel_loop3A_155 = tpu.vector_load %arg7[%parallel_loop3A_153, %parallel_loop3A_154] {strides = array<i32>} : memref<32x512xf32, #tpu.memory_space<vmem>>, vector<16xf32>,
        tpu.vector_store %arg7[%parallel_loop3A_153, %parallel_loop3A_154], %parallel_loop3A_152 {strides = array<i32>} : memref<32x512xf32, #tpu.memory_space<vmem>>, vector<16xf32>,
        %parallel_loop3A_156 = arith.constant 80 : i32
        %parallel_loop3A_157 = vector.broadcast %parallel_loop3A_156 : i32 to vector<16xi32>
        %parallel_loop3A_158 = arith.addi %iota3A, %parallel_loop3A_157 : vector<16xi32>
        %parallel_loop3A_159 = tpu.vector_load_idx %arg5[%parallel_loop3A_120, %parallel_loop3A_158] : memref<128x512xf32, #tpu.memory_space<vmem>>[vector<16xi32>, vector<16xi32>], vector<16xf32>,
        %parallel_loop3A_160 = arith.index_cast %parallel_loop3A_114 : i32 to index
        %parallel_loop3A_161 = arith.constant 80 : index
        %parallel_loop3A_162 = tpu.vector_load %arg7[%parallel_loop3A_160, %parallel_loop3A_161] {strides = array<i32>} : memref<32x512xf32, #tpu.memory_space<vmem>>, vector<16xf32>,
        tpu.vector_store %arg7[%parallel_loop3A_160, %parallel_loop3A_161], %parallel_loop3A_159 {strides = array<i32>} : memref<32x512xf32, #tpu.memory_space<vmem>>, vector<16xf32>,
        %parallel_loop3A_163 = arith.constant 96 : i32
        %parallel_loop3A_164 = vector.broadcast %parallel_loop3A_163 : i32 to vector<16xi32>
        %parallel_loop3A_165 = arith.addi %iota3A, %parallel_loop3A_164 : vector<16xi32>
        %parallel_loop3A_166 = tpu.vector_load_idx %arg5[%parallel_loop3A_120, %parallel_loop3A_165] : memref<128x512xf32, #tpu.memory_space<vmem>>[vector<16xi32>, vector<16xi32>], vector<16xf32>,
        %parallel_loop3A_167 = arith.index_cast %parallel_loop3A_114 : i32 to index
        %parallel_loop3A_168 = arith.constant 96 : index
        %parallel_loop3A_169 = tpu.vector_load %arg7[%parallel_loop3A_167, %parallel_loop3A_168] {strides = array<i32>} : memref<32x512xf32, #tpu.memory_space<vmem>>, vector<16xf32>,
        tpu.vector_store %arg7[%parallel_loop3A_167, %parallel_loop3A_168], %parallel_loop3A_166 {strides = array<i32>} : memref<32x512xf32, #tpu.memory_space<vmem>>, vector<16xf32>,
        %parallel_loop3A_170 = arith.constant 112 : i32
        %parallel_loop3A_171 = vector.broadcast %parallel_loop3A_170 : i32 to vector<16xi32>
        %parallel_loop3A_172 = arith.addi %iota3A, %parallel_loop3A_171 : vector<16xi32>
        %parallel_loop3A_173 = tpu.vector_load_idx %arg5[%parallel_loop3A_120, %parallel_loop3A_172] : memref<128x512xf32, #tpu.memory_space<vmem>>[vector<16xi32>, vector<16xi32>], vector<16xf32>,
        %parallel_loop3A_174 = arith.index_cast %parallel_loop3A_114 : i32 to index
        %parallel_loop3A_175 = arith.constant 112 : index
        %parallel_loop3A_176 = tpu.vector_load %arg7[%parallel_loop3A_174, %parallel_loop3A_175] {strides = array<i32>} : memref<32x512xf32, #tpu.memory_space<vmem>>, vector<16xf32>,
        tpu.vector_store %arg7[%parallel_loop3A_174, %parallel_loop3A_175], %parallel_loop3A_173 {strides = array<i32>} : memref<32x512xf32, #tpu.memory_space<vmem>>, vector<16xf32>,
        %parallel_loop3A_177 = arith.constant 128 : i32
        %parallel_loop3A_178 = vector.broadcast %parallel_loop3A_177 : i32 to vector<16xi32>
        %parallel_loop3A_179 = arith.addi %iota3A, %parallel_loop3A_178 : vector<16xi32>
        %parallel_loop3A_180 = tpu.vector_load_idx %arg5[%parallel_loop3A_120, %parallel_loop3A_179] : memref<128x512xf32, #tpu.memory_space<vmem>>[vector<16xi32>, vector<16xi32>], vector<16xf32>,
        %parallel_loop3A_181 = arith.index_cast %parallel_loop3A_114 : i32 to index
        %parallel_loop3A_182 = arith.constant 128 : index
        %parallel_loop3A_183 = tpu.vector_load %arg7[%parallel_loop3A_181, %parallel_loop3A_182] {strides = array<i32>} : memref<32x512xf32, #tpu.memory_space<vmem>>, vector<16xf32>,
        tpu.vector_store %arg7[%parallel_loop3A_181, %parallel_loop3A_182], %parallel_loop3A_180 {strides = array<i32>} : memref<32x512xf32, #tpu.memory_space<vmem>>, vector<16xf32>,
        %parallel_loop3A_184 = arith.constant 144 : i32
        %parallel_loop3A_185 = vector.broadcast %parallel_loop3A_184 : i32 to vector<16xi32>
        %parallel_loop3A_186 = arith.addi %iota3A, %parallel_loop3A_185 : vector<16xi32>
        %parallel_loop3A_187 = tpu.vector_load_idx %arg5[%parallel_loop3A_120, %parallel_loop3A_186] : memref<128x512xf32, #tpu.memory_space<vmem>>[vector<16xi32>, vector<16xi32>], vector<16xf32>,
        %parallel_loop3A_188 = arith.index_cast %parallel_loop3A_114 : i32 to index
        %parallel_loop3A_189 = arith.constant 144 : index
        %parallel_loop3A_190 = tpu.vector_load %arg7[%parallel_loop3A_188, %parallel_loop3A_189] {strides = array<i32>} : memref<32x512xf32, #tpu.memory_space<vmem>>, vector<16xf32>,
        tpu.vector_store %arg7[%parallel_loop3A_188, %parallel_loop3A_189], %parallel_loop3A_187 {strides = array<i32>} : memref<32x512xf32, #tpu.memory_space<vmem>>, vector<16xf32>,
        %parallel_loop3A_191 = arith.constant 160 : i32
        %parallel_loop3A_192 = vector.broadcast %parallel_loop3A_191 : i32 to vector<16xi32>
        %parallel_loop3A_193 = arith.addi %iota3A, %parallel_loop3A_192 : vector<16xi32>
        %parallel_loop3A_194 = tpu.vector_load_idx %arg5[%parallel_loop3A_120, %parallel_loop3A_193] : memref<128x512xf32, #tpu.memory_space<vmem>>[vector<16xi32>, vector<16xi32>], vector<16xf32>,
        %parallel_loop3A_195 = arith.index_cast %parallel_loop3A_114 : i32 to index
        %parallel_loop3A_196 = arith.constant 160 : index
        %parallel_loop3A_197 = tpu.vector_load %arg7[%parallel_loop3A_195, %parallel_loop3A_196] {strides = array<i32>} : memref<32x512xf32, #tpu.memory_space<vmem>>, vector<16xf32>,
        tpu.vector_store %arg7[%parallel_loop3A_195, %parallel_loop3A_196], %parallel_loop3A_194 {strides = array<i32>} : memref<32x512xf32, #tpu.memory_space<vmem>>, vector<16xf32>,
        %parallel_loop3A_198 = arith.constant 176 : i32
        %parallel_loop3A_199 = vector.broadcast %parallel_loop3A_198 : i32 to vector<16xi32>
        %parallel_loop3A_200 = arith.addi %iota3A, %parallel_loop3A_199 : vector<16xi32>
        %parallel_loop3A_201 = tpu.vector_load_idx %arg5[%parallel_loop3A_120, %parallel_loop3A_200] : memref<128x512xf32, #tpu.memory_space<vmem>>[vector<16xi32>, vector<16xi32>], vector<16xf32>,
        %parallel_loop3A_202 = arith.index_cast %parallel_loop3A_114 : i32 to index
        %parallel_loop3A_203 = arith.constant 176 : index
        %parallel_loop3A_204 = tpu.vector_load %arg7[%parallel_loop3A_202, %parallel_loop3A_203] {strides = array<i32>} : memref<32x512xf32, #tpu.memory_space<vmem>>, vector<16xf32>,
        tpu.vector_store %arg7[%parallel_loop3A_202, %parallel_loop3A_203], %parallel_loop3A_201 {strides = array<i32>} : memref<32x512xf32, #tpu.memory_space<vmem>>, vector<16xf32>,
        %parallel_loop3A_205 = arith.constant 192 : i32
        %parallel_loop3A_206 = vector.broadcast %parallel_loop3A_205 : i32 to vector<16xi32>
        %parallel_loop3A_207 = arith.addi %iota3A, %parallel_loop3A_206 : vector<16xi32>
        %parallel_loop3A_208 = tpu.vector_load_idx %arg5[%parallel_loop3A_120, %parallel_loop3A_207] : memref<128x512xf32, #tpu.memory_space<vmem>>[vector<16xi32>, vector<16xi32>], vector<16xf32>,
        %parallel_loop3A_209 = arith.index_cast %parallel_loop3A_114 : i32 to index
        %parallel_loop3A_210 = arith.constant 192 : index
        %parallel_loop3A_211 = tpu.vector_load %arg7[%parallel_loop3A_209, %parallel_loop3A_210] {strides = array<i32>} : memref<32x512xf32, #tpu.memory_space<vmem>>, vector<16xf32>,
        tpu.vector_store %arg7[%parallel_loop3A_209, %parallel_loop3A_210], %parallel_loop3A_208 {strides = array<i32>} : memref<32x512xf32, #tpu.memory_space<vmem>>, vector<16xf32>,
        %parallel_loop3A_212 = arith.constant 208 : i32
        %parallel_loop3A_213 = vector.broadcast %parallel_loop3A_212 : i32 to vector<16xi32>
        %parallel_loop3A_214 = arith.addi %iota3A, %parallel_loop3A_213 : vector<16xi32>
        %parallel_loop3A_215 = tpu.vector_load_idx %arg5[%parallel_loop3A_120, %parallel_loop3A_214] : memref<128x512xf32, #tpu.memory_space<vmem>>[vector<16xi32>, vector<16xi32>], vector<16xf32>,
        %parallel_loop3A_216 = arith.index_cast %parallel_loop3A_114 : i32 to index
        %parallel_loop3A_217 = arith.constant 208 : index
        %parallel_loop3A_218 = tpu.vector_load %arg7[%parallel_loop3A_216, %parallel_loop3A_217] {strides = array<i32>} : memref<32x512xf32, #tpu.memory_space<vmem>>, vector<16xf32>,
        tpu.vector_store %arg7[%parallel_loop3A_216, %parallel_loop3A_217], %parallel_loop3A_215 {strides = array<i32>} : memref<32x512xf32, #tpu.memory_space<vmem>>, vector<16xf32>,
        %parallel_loop3A_219 = arith.constant 224 : i32
        %parallel_loop3A_220 = vector.broadcast %parallel_loop3A_219 : i32 to vector<16xi32>
        %parallel_loop3A_221 = arith.addi %iota3A, %parallel_loop3A_220 : vector<16xi32>
        %parallel_loop3A_222 = tpu.vector_load_idx %arg5[%parallel_loop3A_120, %parallel_loop3A_221] : memref<128x512xf32, #tpu.memory_space<vmem>>[vector<16xi32>, vector<16xi32>], vector<16xf32>,
        %parallel_loop3A_223 = arith.index_cast %parallel_loop3A_114 : i32 to index
        %parallel_loop3A_224 = arith.constant 224 : index
        %parallel_loop3A_225 = tpu.vector_load %arg7[%parallel_loop3A_223, %parallel_loop3A_224] {strides = array<i32>} : memref<32x512xf32, #tpu.memory_space<vmem>>, vector<16xf32>,
        tpu.vector_store %arg7[%parallel_loop3A_223, %parallel_loop3A_224], %parallel_loop3A_222 {strides = array<i32>} : memref<32x512xf32, #tpu.memory_space<vmem>>, vector<16xf32>,
        %parallel_loop3A_226 = arith.constant 240 : i32
        %parallel_loop3A_227 = vector.broadcast %parallel_loop3A_226 : i32 to vector<16xi32>
        %parallel_loop3A_228 = arith.addi %iota3A, %parallel_loop3A_227 : vector<16xi32>
        %parallel_loop3A_229 = tpu.vector_load_idx %arg5[%parallel_loop3A_120, %parallel_loop3A_228] : memref<128x512xf32, #tpu.memory_space<vmem>>[vector<16xi32>, vector<16xi32>], vector<16xf32>,
        %parallel_loop3A_230 = arith.index_cast %parallel_loop3A_114 : i32 to index
        %parallel_loop3A_231 = arith.constant 240 : index
        %parallel_loop3A_232 = tpu.vector_load %arg7[%parallel_loop3A_230, %parallel_loop3A_231] {strides = array<i32>} : memref<32x512xf32, #tpu.memory_space<vmem>>, vector<16xf32>,
        tpu.vector_store %arg7[%parallel_loop3A_230, %parallel_loop3A_231], %parallel_loop3A_229 {strides = array<i32>} : memref<32x512xf32, #tpu.memory_space<vmem>>, vector<16xf32>,
        %parallel_loop3A_233 = arith.constant 256 : i32
        %parallel_loop3A_234 = vector.broadcast %parallel_loop3A_233 : i32 to vector<16xi32>
        %parallel_loop3A_235 = arith.addi %iota3A, %parallel_loop3A_234 : vector<16xi32>
        %parallel_loop3A_236 = tpu.vector_load_idx %arg5[%parallel_loop3A_120, %parallel_loop3A_235] : memref<128x512xf32, #tpu.memory_space<vmem>>[vector<16xi32>, vector<16xi32>], vector<16xf32>,
        %parallel_loop3A_237 = arith.index_cast %parallel_loop3A_114 : i32 to index
        %parallel_loop3A_238 = arith.constant 256 : index
        %parallel_loop3A_239 = tpu.vector_load %arg7[%parallel_loop3A_237, %parallel_loop3A_238] {strides = array<i32>} : memref<32x512xf32, #tpu.memory_space<vmem>>, vector<16xf32>,
        tpu.vector_store %arg7[%parallel_loop3A_237, %parallel_loop3A_238], %parallel_loop3A_236 {strides = array<i32>} : memref<32x512xf32, #tpu.memory_space<vmem>>, vector<16xf32>,
        %parallel_loop3A_240 = arith.constant 272 : i32
        %parallel_loop3A_241 = vector.broadcast %parallel_loop3A_240 : i32 to vector<16xi32>
        %parallel_loop3A_242 = arith.addi %iota3A, %parallel_loop3A_241 : vector<16xi32>
        %parallel_loop3A_243 = tpu.vector_load_idx %arg5[%parallel_loop3A_120, %parallel_loop3A_242] : memref<128x512xf32, #tpu.memory_space<vmem>>[vector<16xi32>, vector<16xi32>], vector<16xf32>,
        %parallel_loop3A_244 = arith.index_cast %parallel_loop3A_114 : i32 to index
        %parallel_loop3A_245 = arith.constant 272 : index
        %parallel_loop3A_246 = tpu.vector_load %arg7[%parallel_loop3A_244, %parallel_loop3A_245] {strides = array<i32>} : memref<32x512xf32, #tpu.memory_space<vmem>>, vector<16xf32>,
        tpu.vector_store %arg7[%parallel_loop3A_244, %parallel_loop3A_245], %parallel_loop3A_243 {strides = array<i32>} : memref<32x512xf32, #tpu.memory_space<vmem>>, vector<16xf32>,
        %parallel_loop3A_247 = arith.constant 288 : i32
        %parallel_loop3A_248 = vector.broadcast %parallel_loop3A_247 : i32 to vector<16xi32>
        %parallel_loop3A_249 = arith.addi %iota3A, %parallel_loop3A_248 : vector<16xi32>
        %parallel_loop3A_250 = tpu.vector_load_idx %arg5[%parallel_loop3A_120, %parallel_loop3A_249] : memref<128x512xf32, #tpu.memory_space<vmem>>[vector<16xi32>, vector<16xi32>], vector<16xf32>,
        %parallel_loop3A_251 = arith.index_cast %parallel_loop3A_114 : i32 to index
        %parallel_loop3A_252 = arith.constant 288 : index
        %parallel_loop3A_253 = tpu.vector_load %arg7[%parallel_loop3A_251, %parallel_loop3A_252] {strides = array<i32>} : memref<32x512xf32, #tpu.memory_space<vmem>>, vector<16xf32>,
        tpu.vector_store %arg7[%parallel_loop3A_251, %parallel_loop3A_252], %parallel_loop3A_250 {strides = array<i32>} : memref<32x512xf32, #tpu.memory_space<vmem>>, vector<16xf32>,
        %parallel_loop3A_254 = arith.constant 304 : i32
        %parallel_loop3A_255 = vector.broadcast %parallel_loop3A_254 : i32 to vector<16xi32>
        %parallel_loop3A_256 = arith.addi %iota3A, %parallel_loop3A_255 : vector<16xi32>
        %parallel_loop3A_257 = tpu.vector_load_idx %arg5[%parallel_loop3A_120, %parallel_loop3A_256] : memref<128x512xf32, #tpu.memory_space<vmem>>[vector<16xi32>, vector<16xi32>], vector<16xf32>,
        %parallel_loop3A_258 = arith.index_cast %parallel_loop3A_114 : i32 to index
        %parallel_loop3A_259 = arith.constant 304 : index
        %parallel_loop3A_260 = tpu.vector_load %arg7[%parallel_loop3A_258, %parallel_loop3A_259] {strides = array<i32>} : memref<32x512xf32, #tpu.memory_space<vmem>>, vector<16xf32>,
        tpu.vector_store %arg7[%parallel_loop3A_258, %parallel_loop3A_259], %parallel_loop3A_257 {strides = array<i32>} : memref<32x512xf32, #tpu.memory_space<vmem>>, vector<16xf32>,
        %parallel_loop3A_261 = arith.constant 320 : i32
        %parallel_loop3A_262 = vector.broadcast %parallel_loop3A_261 : i32 to vector<16xi32>
        %parallel_loop3A_263 = arith.addi %iota3A, %parallel_loop3A_262 : vector<16xi32>
        %parallel_loop3A_264 = tpu.vector_load_idx %arg5[%parallel_loop3A_120, %parallel_loop3A_263] : memref<128x512xf32, #tpu.memory_space<vmem>>[vector<16xi32>, vector<16xi32>], vector<16xf32>,
        %parallel_loop3A_265 = arith.index_cast %parallel_loop3A_114 : i32 to index
        %parallel_loop3A_266 = arith.constant 320 : index
        %parallel_loop3A_267 = tpu.vector_load %arg7[%parallel_loop3A_265, %parallel_loop3A_266] {strides = array<i32>} : memref<32x512xf32, #tpu.memory_space<vmem>>, vector<16xf32>,
        tpu.vector_store %arg7[%parallel_loop3A_265, %parallel_loop3A_266], %parallel_loop3A_264 {strides = array<i32>} : memref<32x512xf32, #tpu.memory_space<vmem>>, vector<16xf32>,
        %parallel_loop3A_268 = arith.constant 336 : i32
        %parallel_loop3A_269 = vector.broadcast %parallel_loop3A_268 : i32 to vector<16xi32>
        %parallel_loop3A_270 = arith.addi %iota3A, %parallel_loop3A_269 : vector<16xi32>
        %parallel_loop3A_271 = tpu.vector_load_idx %arg5[%parallel_loop3A_120, %parallel_loop3A_270] : memref<128x512xf32, #tpu.memory_space<vmem>>[vector<16xi32>, vector<16xi32>], vector<16xf32>,
        %parallel_loop3A_272 = arith.index_cast %parallel_loop3A_114 : i32 to index
        %parallel_loop3A_273 = arith.constant 336 : index
        %parallel_loop3A_274 = tpu.vector_load %arg7[%parallel_loop3A_272, %parallel_loop3A_273] {strides = array<i32>} : memref<32x512xf32, #tpu.memory_space<vmem>>, vector<16xf32>,
        tpu.vector_store %arg7[%parallel_loop3A_272, %parallel_loop3A_273], %parallel_loop3A_271 {strides = array<i32>} : memref<32x512xf32, #tpu.memory_space<vmem>>, vector<16xf32>,
        %parallel_loop3A_275 = arith.constant 352 : i32
        %parallel_loop3A_276 = vector.broadcast %parallel_loop3A_275 : i32 to vector<16xi32>
        %parallel_loop3A_277 = arith.addi %iota3A, %parallel_loop3A_276 : vector<16xi32>
        %parallel_loop3A_278 = tpu.vector_load_idx %arg5[%parallel_loop3A_120, %parallel_loop3A_277] : memref<128x512xf32, #tpu.memory_space<vmem>>[vector<16xi32>, vector<16xi32>], vector<16xf32>,
        %parallel_loop3A_279 = arith.index_cast %parallel_loop3A_114 : i32 to index
        %parallel_loop3A_280 = arith.constant 352 : index
        %parallel_loop3A_281 = tpu.vector_load %arg7[%parallel_loop3A_279, %parallel_loop3A_280] {strides = array<i32>} : memref<32x512xf32, #tpu.memory_space<vmem>>, vector<16xf32>,
        tpu.vector_store %arg7[%parallel_loop3A_279, %parallel_loop3A_280], %parallel_loop3A_278 {strides = array<i32>} : memref<32x512xf32, #tpu.memory_space<vmem>>, vector<16xf32>,
        %parallel_loop3A_282 = arith.constant 368 : i32
        %parallel_loop3A_283 = vector.broadcast %parallel_loop3A_282 : i32 to vector<16xi32>
        %parallel_loop3A_284 = arith.addi %iota3A, %parallel_loop3A_283 : vector<16xi32>
        %parallel_loop3A_285 = tpu.vector_load_idx %arg5[%parallel_loop3A_120, %parallel_loop3A_284] : memref<128x512xf32, #tpu.memory_space<vmem>>[vector<16xi32>, vector<16xi32>], vector<16xf32>,
        %parallel_loop3A_286 = arith.index_cast %parallel_loop3A_114 : i32 to index
        %parallel_loop3A_287 = arith.constant 368 : index
        %parallel_loop3A_288 = tpu.vector_load %arg7[%parallel_loop3A_286, %parallel_loop3A_287] {strides = array<i32>} : memref<32x512xf32, #tpu.memory_space<vmem>>, vector<16xf32>,
        tpu.vector_store %arg7[%parallel_loop3A_286, %parallel_loop3A_287], %parallel_loop3A_285 {strides = array<i32>} : memref<32x512xf32, #tpu.memory_space<vmem>>, vector<16xf32>,
        %parallel_loop3A_289 = arith.constant 384 : i32
        %parallel_loop3A_290 = vector.broadcast %parallel_loop3A_289 : i32 to vector<16xi32>
        %parallel_loop3A_291 = arith.addi %iota3A, %parallel_loop3A_290 : vector<16xi32>
        %parallel_loop3A_292 = tpu.vector_load_idx %arg5[%parallel_loop3A_120, %parallel_loop3A_291] : memref<128x512xf32, #tpu.memory_space<vmem>>[vector<16xi32>, vector<16xi32>], vector<16xf32>,
        %parallel_loop3A_293 = arith.index_cast %parallel_loop3A_114 : i32 to index
        %parallel_loop3A_294 = arith.constant 384 : index
        %parallel_loop3A_295 = tpu.vector_load %arg7[%parallel_loop3A_293, %parallel_loop3A_294] {strides = array<i32>} : memref<32x512xf32, #tpu.memory_space<vmem>>, vector<16xf32>,
        tpu.vector_store %arg7[%parallel_loop3A_293, %parallel_loop3A_294], %parallel_loop3A_292 {strides = array<i32>} : memref<32x512xf32, #tpu.memory_space<vmem>>, vector<16xf32>,
        %parallel_loop3A_296 = arith.constant 400 : i32
        %parallel_loop3A_297 = vector.broadcast %parallel_loop3A_296 : i32 to vector<16xi32>
        %parallel_loop3A_298 = arith.addi %iota3A, %parallel_loop3A_297 : vector<16xi32>
        %parallel_loop3A_299 = tpu.vector_load_idx %arg5[%parallel_loop3A_120, %parallel_loop3A_298] : memref<128x512xf32, #tpu.memory_space<vmem>>[vector<16xi32>, vector<16xi32>], vector<16xf32>,
        %parallel_loop3A_300 = arith.index_cast %parallel_loop3A_114 : i32 to index
        %parallel_loop3A_301 = arith.constant 400 : index
        %parallel_loop3A_302 = tpu.vector_load %arg7[%parallel_loop3A_300, %parallel_loop3A_301] {strides = array<i32>} : memref<32x512xf32, #tpu.memory_space<vmem>>, vector<16xf32>,
        tpu.vector_store %arg7[%parallel_loop3A_300, %parallel_loop3A_301], %parallel_loop3A_299 {strides = array<i32>} : memref<32x512xf32, #tpu.memory_space<vmem>>, vector<16xf32>,
        %parallel_loop3A_303 = arith.constant 416 : i32
        %parallel_loop3A_304 = vector.broadcast %parallel_loop3A_303 : i32 to vector<16xi32>
        %parallel_loop3A_305 = arith.addi %iota3A, %parallel_loop3A_304 : vector<16xi32>
        %parallel_loop3A_306 = tpu.vector_load_idx %arg5[%parallel_loop3A_120, %parallel_loop3A_305] : memref<128x512xf32, #tpu.memory_space<vmem>>[vector<16xi32>, vector<16xi32>], vector<16xf32>,
        %parallel_loop3A_307 = arith.index_cast %parallel_loop3A_114 : i32 to index
        %parallel_loop3A_308 = arith.constant 416 : index
        %parallel_loop3A_309 = tpu.vector_load %arg7[%parallel_loop3A_307, %parallel_loop3A_308] {strides = array<i32>} : memref<32x512xf32, #tpu.memory_space<vmem>>, vector<16xf32>,
        tpu.vector_store %arg7[%parallel_loop3A_307, %parallel_loop3A_308], %parallel_loop3A_306 {strides = array<i32>} : memref<32x512xf32, #tpu.memory_space<vmem>>, vector<16xf32>,
        %parallel_loop3A_310 = arith.constant 432 : i32
        %parallel_loop3A_311 = vector.broadcast %parallel_loop3A_310 : i32 to vector<16xi32>
        %parallel_loop3A_312 = arith.addi %iota3A, %parallel_loop3A_311 : vector<16xi32>
        %parallel_loop3A_313 = tpu.vector_load_idx %arg5[%parallel_loop3A_120, %parallel_loop3A_312] : memref<128x512xf32, #tpu.memory_space<vmem>>[vector<16xi32>, vector<16xi32>], vector<16xf32>,
        %parallel_loop3A_314 = arith.index_cast %parallel_loop3A_114 : i32 to index
        %parallel_loop3A_315 = arith.constant 432 : index
        %parallel_loop3A_316 = tpu.vector_load %arg7[%parallel_loop3A_314, %parallel_loop3A_315] {strides = array<i32>} : memref<32x512xf32, #tpu.memory_space<vmem>>, vector<16xf32>,
        tpu.vector_store %arg7[%parallel_loop3A_314, %parallel_loop3A_315], %parallel_loop3A_313 {strides = array<i32>} : memref<32x512xf32, #tpu.memory_space<vmem>>, vector<16xf32>,
        %parallel_loop3A_317 = arith.constant 448 : i32
        %parallel_loop3A_318 = vector.broadcast %parallel_loop3A_317 : i32 to vector<16xi32>
        %parallel_loop3A_319 = arith.addi %iota3A, %parallel_loop3A_318 : vector<16xi32>
        %parallel_loop3A_320 = tpu.vector_load_idx %arg5[%parallel_loop3A_120, %parallel_loop3A_319] : memref<128x512xf32, #tpu.memory_space<vmem>>[vector<16xi32>, vector<16xi32>], vector<16xf32>,
        %parallel_loop3A_321 = arith.index_cast %parallel_loop3A_114 : i32 to index
        %parallel_loop3A_322 = arith.constant 448 : index
        %parallel_loop3A_323 = tpu.vector_load %arg7[%parallel_loop3A_321, %parallel_loop3A_322] {strides = array<i32>} : memref<32x512xf32, #tpu.memory_space<vmem>>, vector<16xf32>,
        tpu.vector_store %arg7[%parallel_loop3A_321, %parallel_loop3A_322], %parallel_loop3A_320 {strides = array<i32>} : memref<32x512xf32, #tpu.memory_space<vmem>>, vector<16xf32>,
        %parallel_loop3A_324 = arith.constant 464 : i32
        %parallel_loop3A_325 = vector.broadcast %parallel_loop3A_324 : i32 to vector<16xi32>
        %parallel_loop3A_326 = arith.addi %iota3A, %parallel_loop3A_325 : vector<16xi32>
        %parallel_loop3A_327 = tpu.vector_load_idx %arg5[%parallel_loop3A_120, %parallel_loop3A_326] : memref<128x512xf32, #tpu.memory_space<vmem>>[vector<16xi32>, vector<16xi32>], vector<16xf32>,
        %parallel_loop3A_328 = arith.index_cast %parallel_loop3A_114 : i32 to index
        %parallel_loop3A_329 = arith.constant 464 : index
        %parallel_loop3A_330 = tpu.vector_load %arg7[%parallel_loop3A_328, %parallel_loop3A_329] {strides = array<i32>} : memref<32x512xf32, #tpu.memory_space<vmem>>, vector<16xf32>,
        tpu.vector_store %arg7[%parallel_loop3A_328, %parallel_loop3A_329], %parallel_loop3A_327 {strides = array<i32>} : memref<32x512xf32, #tpu.memory_space<vmem>>, vector<16xf32>,
        %parallel_loop3A_331 = arith.constant 480 : i32
        %parallel_loop3A_332 = vector.broadcast %parallel_loop3A_331 : i32 to vector<16xi32>
        %parallel_loop3A_333 = arith.addi %iota3A, %parallel_loop3A_332 : vector<16xi32>
        %parallel_loop3A_334 = tpu.vector_load_idx %arg5[%parallel_loop3A_120, %parallel_loop3A_333] : memref<128x512xf32, #tpu.memory_space<vmem>>[vector<16xi32>, vector<16xi32>], vector<16xf32>,
        %parallel_loop3A_335 = arith.index_cast %parallel_loop3A_114 : i32 to index
        %parallel_loop3A_336 = arith.constant 480 : index
        %parallel_loop3A_337 = tpu.vector_load %arg7[%parallel_loop3A_335, %parallel_loop3A_336] {strides = array<i32>} : memref<32x512xf32, #tpu.memory_space<vmem>>, vector<16xf32>,
        tpu.vector_store %arg7[%parallel_loop3A_335, %parallel_loop3A_336], %parallel_loop3A_334 {strides = array<i32>} : memref<32x512xf32, #tpu.memory_space<vmem>>, vector<16xf32>,
        %parallel_loop3A_338 = arith.constant 496 : i32
        %parallel_loop3A_339 = vector.broadcast %parallel_loop3A_338 : i32 to vector<16xi32>
        %parallel_loop3A_340 = arith.addi %iota3A, %parallel_loop3A_339 : vector<16xi32>
        %parallel_loop3A_341 = tpu.vector_load_idx %arg5[%parallel_loop3A_120, %parallel_loop3A_340] : memref<128x512xf32, #tpu.memory_space<vmem>>[vector<16xi32>, vector<16xi32>], vector<16xf32>,
        %parallel_loop3A_342 = arith.index_cast %parallel_loop3A_114 : i32 to index
        %parallel_loop3A_343 = arith.constant 496 : index
        %parallel_loop3A_344 = tpu.vector_load %arg7[%parallel_loop3A_342, %parallel_loop3A_343] {strides = array<i32>} : memref<32x512xf32, #tpu.memory_space<vmem>>, vector<16xf32>,
        tpu.vector_store %arg7[%parallel_loop3A_342, %parallel_loop3A_343], %parallel_loop3A_341 {strides = array<i32>} : memref<32x512xf32, #tpu.memory_space<vmem>>, vector<16xf32>,
      } {sc.loop_unroll_factor = 1 : i64, sc.parallel_access}
      %mul3A_83 = arith.constant 2048 : i32
      %mul3A_84 = arith.muli %select_n3A_30, %mul3A_83 : i32
      %mul3A_85 = arith.constant 32 : i32
      %mul3A_86 = arith.muli %mul3A_79, %mul3A_85 : i32
      %add3A_87 = arith.addi %mul3A_84, %mul3A_86 : i32
      %mul3A_88 = arith.constant 512 : i32
      %mul3A_89 = arith.muli %select_n3A_9, %mul3A_88 : i32
      %dma_start3A_90 = tpu.memref_slice %arg4[%add3A_87, %mul3A_89] : memref<16384x2048xf32, #tpu.memory_space<hbm>> -> memref<32x512xf32, #tpu.memory_space<hbm>>
      %dma_start3A_91 = tpu.memref_slice %arg4[%add3A_87, %mul3A_89] : memref<16384x2048xf32, #tpu.memory_space<hbm>> -> memref<32x512xf32, #tpu.memory_space<hbm>>
      tpu.enqueue_dma source(%arg7 : memref<32x512xf32, #tpu.memory_space<vmem>>) target(%dma_start3A_91 : memref<32x512xf32, #tpu.memory_space<hbm>>) target_semaphore(%arg9 : memref<!tpu.dma_semaphore, #tpu.memory_space<semaphore_mem>>)
      %mul3A_92 = arith.constant 2048 : i32
      %mul3A_93 = arith.muli %select_n3A_30, %mul3A_92 : i32
      %mul3A_94 = arith.constant 512 : i32
      %mul3A_95 = arith.muli %select_n3A_9, %mul3A_94 : i32
      %dma_wait3A_96 = tpu.memref_slice %arg4[%mul3A_93, %mul3A_95] : memref<16384x2048xf32, #tpu.memory_space<hbm>> -> memref<32x512xf32, #tpu.memory_space<hbm>>
      %dma_wait3A_97 = tpu.memref_slice %arg4[%mul3A_93, %mul3A_95] : memref<16384x2048xf32, #tpu.memory_space<hbm>> -> memref<32x512xf32, #tpu.memory_space<hbm>>
      tpu.wait_dma2 semaphore(%arg10 : memref<!tpu.dma_semaphore, #tpu.memory_space<semaphore_mem>>) src(%arg8 : memref<32x512xf32, #tpu.memory_space<vmem>>) dst(%dma_wait3A_97 : memref<32x512xf32, #tpu.memory_space<hbm>>)
      %mul3A_98 = arith.constant 2 : i32
      %mul3A_99 = arith.muli %scan3A_71, %mul3A_98 : i32
      %add3A_100 = arith.constant 1 : i32
      %add3A_101 = arith.addi %mul3A_99, %add3A_100 : i32
      %parallel_loop3A_102 = arith.constant 0 : i32
      %parallel_loop3A_103 = arith.constant 32 : i32
      %parallel_loop3A_104 = arith.constant 1 : i32
      scf.for %parallel_loop3A_114 = %parallel_loop3A_102 to %parallel_loop3A_103 step %parallel_loop3A_104  : i32 {
        %parallel_loop3A_115 = arith.constant 32 : i32
        %parallel_loop3A_116 = arith.muli %add3A_101, %parallel_loop3A_115 : i32
        %parallel_loop3A_117 = vector.broadcast %parallel_loop3A_116 : i32 to vector<16xi32>
        %parallel_loop3A_118 = vector.broadcast %parallel_loop3A_114 : i32 to vector<16xi32>
        %parallel_loop3A_119 = arith.addi %parallel_loop3A_117, %parallel_loop3A_118 : vector<16xi32>
        %parallel_loop3A_120 = tpu.vector_load_idx %arg6[%parallel_loop3A_119] : memref<2048xi32, #tpu.memory_space<vmem>>[vector<16xi32>], vector<16xi32>,
        %parallel_loop3A_121 = arith.constant 0 : i32
        %parallel_loop3A_122 = vector.broadcast %parallel_loop3A_121 : i32 to vector<16xi32>
        %parallel_loop3A_123 = arith.addi %iota3A, %parallel_loop3A_122 : vector<16xi32>
        %parallel_loop3A_124 = tpu.vector_load_idx %arg5[%parallel_loop3A_120, %parallel_loop3A_123] : memref<128x512xf32, #tpu.memory_space<vmem>>[vector<16xi32>, vector<16xi32>], vector<16xf32>,
        %parallel_loop3A_125 = arith.index_cast %parallel_loop3A_114 : i32 to index
        %parallel_loop3A_126 = arith.constant 0 : index
        %parallel_loop3A_127 = tpu.vector_load %arg8[%parallel_loop3A_125, %parallel_loop3A_126] {strides = array<i32>} : memref<32x512xf32, #tpu.memory_space<vmem>>, vector<16xf32>,
        tpu.vector_store %arg8[%parallel_loop3A_125, %parallel_loop3A_126], %parallel_loop3A_124 {strides = array<i32>} : memref<32x512xf32, #tpu.memory_space<vmem>>, vector<16xf32>,
        %parallel_loop3A_128 = arith.constant 16 : i32
        %parallel_loop3A_129 = vector.broadcast %parallel_loop3A_128 : i32 to vector<16xi32>
        %parallel_loop3A_130 = arith.addi %iota3A, %parallel_loop3A_129 : vector<16xi32>
        %parallel_loop3A_131 = tpu.vector_load_idx %arg5[%parallel_loop3A_120, %parallel_loop3A_130] : memref<128x512xf32, #tpu.memory_space<vmem>>[vector<16xi32>, vector<16xi32>], vector<16xf32>,
        %parallel_loop3A_132 = arith.index_cast %parallel_loop3A_114 : i32 to index
        %parallel_loop3A_133 = arith.constant 16 : index
        %parallel_loop3A_134 = tpu.vector_load %arg8[%parallel_loop3A_132, %parallel_loop3A_133] {strides = array<i32>} : memref<32x512xf32, #tpu.memory_space<vmem>>, vector<16xf32>,
        tpu.vector_store %arg8[%parallel_loop3A_132, %parallel_loop3A_133], %parallel_loop3A_131 {strides = array<i32>} : memref<32x512xf32, #tpu.memory_space<vmem>>, vector<16xf32>,
        %parallel_loop3A_135 = arith.constant 32 : i32
        %parallel_loop3A_136 = vector.broadcast %parallel_loop3A_135 : i32 to vector<16xi32>
        %parallel_loop3A_137 = arith.addi %iota3A, %parallel_loop3A_136 : vector<16xi32>
        %parallel_loop3A_138 = tpu.vector_load_idx %arg5[%parallel_loop3A_120, %parallel_loop3A_137] : memref<128x512xf32, #tpu.memory_space<vmem>>[vector<16xi32>, vector<16xi32>], vector<16xf32>,
        %parallel_loop3A_139 = arith.index_cast %parallel_loop3A_114 : i32 to index
        %parallel_loop3A_140 = arith.constant 32 : index
        %parallel_loop3A_141 = tpu.vector_load %arg8[%parallel_loop3A_139, %parallel_loop3A_140] {strides = array<i32>} : memref<32x512xf32, #tpu.memory_space<vmem>>, vector<16xf32>,
        tpu.vector_store %arg8[%parallel_loop3A_139, %parallel_loop3A_140], %parallel_loop3A_138 {strides = array<i32>} : memref<32x512xf32, #tpu.memory_space<vmem>>, vector<16xf32>,
        %parallel_loop3A_142 = arith.constant 48 : i32
        %parallel_loop3A_143 = vector.broadcast %parallel_loop3A_142 : i32 to vector<16xi32>
        %parallel_loop3A_144 = arith.addi %iota3A, %parallel_loop3A_143 : vector<16xi32>
        %parallel_loop3A_145 = tpu.vector_load_idx %arg5[%parallel_loop3A_120, %parallel_loop3A_144] : memref<128x512xf32, #tpu.memory_space<vmem>>[vector<16xi32>, vector<16xi32>], vector<16xf32>,
        %parallel_loop3A_146 = arith.index_cast %parallel_loop3A_114 : i32 to index
        %parallel_loop3A_147 = arith.constant 48 : index
        %parallel_loop3A_148 = tpu.vector_load %arg8[%parallel_loop3A_146, %parallel_loop3A_147] {strides = array<i32>} : memref<32x512xf32, #tpu.memory_space<vmem>>, vector<16xf32>,
        tpu.vector_store %arg8[%parallel_loop3A_146, %parallel_loop3A_147], %parallel_loop3A_145 {strides = array<i32>} : memref<32x512xf32, #tpu.memory_space<vmem>>, vector<16xf32>,
        %parallel_loop3A_149 = arith.constant 64 : i32
        %parallel_loop3A_150 = vector.broadcast %parallel_loop3A_149 : i32 to vector<16xi32>
        %parallel_loop3A_151 = arith.addi %iota3A, %parallel_loop3A_150 : vector<16xi32>
        %parallel_loop3A_152 = tpu.vector_load_idx %arg5[%parallel_loop3A_120, %parallel_loop3A_151] : memref<128x512xf32, #tpu.memory_space<vmem>>[vector<16xi32>, vector<16xi32>], vector<16xf32>,
        %parallel_loop3A_153 = arith.index_cast %parallel_loop3A_114 : i32 to index
        %parallel_loop3A_154 = arith.constant 64 : index
        %parallel_loop3A_155 = tpu.vector_load %arg8[%parallel_loop3A_153, %parallel_loop3A_154] {strides = array<i32>} : memref<32x512xf32, #tpu.memory_space<vmem>>, vector<16xf32>,
        tpu.vector_store %arg8[%parallel_loop3A_153, %parallel_loop3A_154], %parallel_loop3A_152 {strides = array<i32>} : memref<32x512xf32, #tpu.memory_space<vmem>>, vector<16xf32>,
        %parallel_loop3A_156 = arith.constant 80 : i32
        %parallel_loop3A_157 = vector.broadcast %parallel_loop3A_156 : i32 to vector<16xi32>
        %parallel_loop3A_158 = arith.addi %iota3A, %parallel_loop3A_157 : vector<16xi32>
        %parallel_loop3A_159 = tpu.vector_load_idx %arg5[%parallel_loop3A_120, %parallel_loop3A_158] : memref<128x512xf32, #tpu.memory_space<vmem>>[vector<16xi32>, vector<16xi32>], vector<16xf32>,
        %parallel_loop3A_160 = arith.index_cast %parallel_loop3A_114 : i32 to index
        %parallel_loop3A_161 = arith.constant 80 : index
        %parallel_loop3A_162 = tpu.vector_load %arg8[%parallel_loop3A_160, %parallel_loop3A_161] {strides = array<i32>} : memref<32x512xf32, #tpu.memory_space<vmem>>, vector<16xf32>,
        tpu.vector_store %arg8[%parallel_loop3A_160, %parallel_loop3A_161], %parallel_loop3A_159 {strides = array<i32>} : memref<32x512xf32, #tpu.memory_space<vmem>>, vector<16xf32>,
        %parallel_loop3A_163 = arith.constant 96 : i32
        %parallel_loop3A_164 = vector.broadcast %parallel_loop3A_163 : i32 to vector<16xi32>
        %parallel_loop3A_165 = arith.addi %iota3A, %parallel_loop3A_164 : vector<16xi32>
        %parallel_loop3A_166 = tpu.vector_load_idx %arg5[%parallel_loop3A_120, %parallel_loop3A_165] : memref<128x512xf32, #tpu.memory_space<vmem>>[vector<16xi32>, vector<16xi32>], vector<16xf32>,
        %parallel_loop3A_167 = arith.index_cast %parallel_loop3A_114 : i32 to index
        %parallel_loop3A_168 = arith.constant 96 : index
        %parallel_loop3A_169 = tpu.vector_load %arg8[%parallel_loop3A_167, %parallel_loop3A_168] {strides = array<i32>} : memref<32x512xf32, #tpu.memory_space<vmem>>, vector<16xf32>,
        tpu.vector_store %arg8[%parallel_loop3A_167, %parallel_loop3A_168], %parallel_loop3A_166 {strides = array<i32>} : memref<32x512xf32, #tpu.memory_space<vmem>>, vector<16xf32>,
        %parallel_loop3A_170 = arith.constant 112 : i32
        %parallel_loop3A_171 = vector.broadcast %parallel_loop3A_170 : i32 to vector<16xi32>
        %parallel_loop3A_172 = arith.addi %iota3A, %parallel_loop3A_171 : vector<16xi32>
        %parallel_loop3A_173 = tpu.vector_load_idx %arg5[%parallel_loop3A_120, %parallel_loop3A_172] : memref<128x512xf32, #tpu.memory_space<vmem>>[vector<16xi32>, vector<16xi32>], vector<16xf32>,
        %parallel_loop3A_174 = arith.index_cast %parallel_loop3A_114 : i32 to index
        %parallel_loop3A_175 = arith.constant 112 : index
        %parallel_loop3A_176 = tpu.vector_load %arg8[%parallel_loop3A_174, %parallel_loop3A_175] {strides = array<i32>} : memref<32x512xf32, #tpu.memory_space<vmem>>, vector<16xf32>,
        tpu.vector_store %arg8[%parallel_loop3A_174, %parallel_loop3A_175], %parallel_loop3A_173 {strides = array<i32>} : memref<32x512xf32, #tpu.memory_space<vmem>>, vector<16xf32>,
        %parallel_loop3A_177 = arith.constant 128 : i32
        %parallel_loop3A_178 = vector.broadcast %parallel_loop3A_177 : i32 to vector<16xi32>
        %parallel_loop3A_179 = arith.addi %iota3A, %parallel_loop3A_178 : vector<16xi32>
        %parallel_loop3A_180 = tpu.vector_load_idx %arg5[%parallel_loop3A_120, %parallel_loop3A_179] : memref<128x512xf32, #tpu.memory_space<vmem>>[vector<16xi32>, vector<16xi32>], vector<16xf32>,
        %parallel_loop3A_181 = arith.index_cast %parallel_loop3A_114 : i32 to index
        %parallel_loop3A_182 = arith.constant 128 : index
        %parallel_loop3A_183 = tpu.vector_load %arg8[%parallel_loop3A_181, %parallel_loop3A_182] {strides = array<i32>} : memref<32x512xf32, #tpu.memory_space<vmem>>, vector<16xf32>,
        tpu.vector_store %arg8[%parallel_loop3A_181, %parallel_loop3A_182], %parallel_loop3A_180 {strides = array<i32>} : memref<32x512xf32, #tpu.memory_space<vmem>>, vector<16xf32>,
        %parallel_loop3A_184 = arith.constant 144 : i32
        %parallel_loop3A_185 = vector.broadcast %parallel_loop3A_184 : i32 to vector<16xi32>
        %parallel_loop3A_186 = arith.addi %iota3A, %parallel_loop3A_185 : vector<16xi32>
        %parallel_loop3A_187 = tpu.vector_load_idx %arg5[%parallel_loop3A_120, %parallel_loop3A_186] : memref<128x512xf32, #tpu.memory_space<vmem>>[vector<16xi32>, vector<16xi32>], vector<16xf32>,
        %parallel_loop3A_188 = arith.index_cast %parallel_loop3A_114 : i32 to index
        %parallel_loop3A_189 = arith.constant 144 : index
        %parallel_loop3A_190 = tpu.vector_load %arg8[%parallel_loop3A_188, %parallel_loop3A_189] {strides = array<i32>} : memref<32x512xf32, #tpu.memory_space<vmem>>, vector<16xf32>,
        tpu.vector_store %arg8[%parallel_loop3A_188, %parallel_loop3A_189], %parallel_loop3A_187 {strides = array<i32>} : memref<32x512xf32, #tpu.memory_space<vmem>>, vector<16xf32>,
        %parallel_loop3A_191 = arith.constant 160 : i32
        %parallel_loop3A_192 = vector.broadcast %parallel_loop3A_191 : i32 to vector<16xi32>
        %parallel_loop3A_193 = arith.addi %iota3A, %parallel_loop3A_192 : vector<16xi32>
        %parallel_loop3A_194 = tpu.vector_load_idx %arg5[%parallel_loop3A_120, %parallel_loop3A_193] : memref<128x512xf32, #tpu.memory_space<vmem>>[vector<16xi32>, vector<16xi32>], vector<16xf32>,
        %parallel_loop3A_195 = arith.index_cast %parallel_loop3A_114 : i32 to index
        %parallel_loop3A_196 = arith.constant 160 : index
        %parallel_loop3A_197 = tpu.vector_load %arg8[%parallel_loop3A_195, %parallel_loop3A_196] {strides = array<i32>} : memref<32x512xf32, #tpu.memory_space<vmem>>, vector<16xf32>,
        tpu.vector_store %arg8[%parallel_loop3A_195, %parallel_loop3A_196], %parallel_loop3A_194 {strides = array<i32>} : memref<32x512xf32, #tpu.memory_space<vmem>>, vector<16xf32>,
        %parallel_loop3A_198 = arith.constant 176 : i32
        %parallel_loop3A_199 = vector.broadcast %parallel_loop3A_198 : i32 to vector<16xi32>
        %parallel_loop3A_200 = arith.addi %iota3A, %parallel_loop3A_199 : vector<16xi32>
        %parallel_loop3A_201 = tpu.vector_load_idx %arg5[%parallel_loop3A_120, %parallel_loop3A_200] : memref<128x512xf32, #tpu.memory_space<vmem>>[vector<16xi32>, vector<16xi32>], vector<16xf32>,
        %parallel_loop3A_202 = arith.index_cast %parallel_loop3A_114 : i32 to index
        %parallel_loop3A_203 = arith.constant 176 : index
        %parallel_loop3A_204 = tpu.vector_load %arg8[%parallel_loop3A_202, %parallel_loop3A_203] {strides = array<i32>} : memref<32x512xf32, #tpu.memory_space<vmem>>, vector<16xf32>,
        tpu.vector_store %arg8[%parallel_loop3A_202, %parallel_loop3A_203], %parallel_loop3A_201 {strides = array<i32>} : memref<32x512xf32, #tpu.memory_space<vmem>>, vector<16xf32>,
        %parallel_loop3A_205 = arith.constant 192 : i32
        %parallel_loop3A_206 = vector.broadcast %parallel_loop3A_205 : i32 to vector<16xi32>
        %parallel_loop3A_207 = arith.addi %iota3A, %parallel_loop3A_206 : vector<16xi32>
        %parallel_loop3A_208 = tpu.vector_load_idx %arg5[%parallel_loop3A_120, %parallel_loop3A_207] : memref<128x512xf32, #tpu.memory_space<vmem>>[vector<16xi32>, vector<16xi32>], vector<16xf32>,
        %parallel_loop3A_209 = arith.index_cast %parallel_loop3A_114 : i32 to index
        %parallel_loop3A_210 = arith.constant 192 : index
        %parallel_loop3A_211 = tpu.vector_load %arg8[%parallel_loop3A_209, %parallel_loop3A_210] {strides = array<i32>} : memref<32x512xf32, #tpu.memory_space<vmem>>, vector<16xf32>,
        tpu.vector_store %arg8[%parallel_loop3A_209, %parallel_loop3A_210], %parallel_loop3A_208 {strides = array<i32>} : memref<32x512xf32, #tpu.memory_space<vmem>>, vector<16xf32>,
        %parallel_loop3A_212 = arith.constant 208 : i32
        %parallel_loop3A_213 = vector.broadcast %parallel_loop3A_212 : i32 to vector<16xi32>
        %parallel_loop3A_214 = arith.addi %iota3A, %parallel_loop3A_213 : vector<16xi32>
        %parallel_loop3A_215 = tpu.vector_load_idx %arg5[%parallel_loop3A_120, %parallel_loop3A_214] : memref<128x512xf32, #tpu.memory_space<vmem>>[vector<16xi32>, vector<16xi32>], vector<16xf32>,
        %parallel_loop3A_216 = arith.index_cast %parallel_loop3A_114 : i32 to index
        %parallel_loop3A_217 = arith.constant 208 : index
        %parallel_loop3A_218 = tpu.vector_load %arg8[%parallel_loop3A_216, %parallel_loop3A_217] {strides = array<i32>} : memref<32x512xf32, #tpu.memory_space<vmem>>, vector<16xf32>,
        tpu.vector_store %arg8[%parallel_loop3A_216, %parallel_loop3A_217], %parallel_loop3A_215 {strides = array<i32>} : memref<32x512xf32, #tpu.memory_space<vmem>>, vector<16xf32>,
        %parallel_loop3A_219 = arith.constant 224 : i32
        %parallel_loop3A_220 = vector.broadcast %parallel_loop3A_219 : i32 to vector<16xi32>
        %parallel_loop3A_221 = arith.addi %iota3A, %parallel_loop3A_220 : vector<16xi32>
        %parallel_loop3A_222 = tpu.vector_load_idx %arg5[%parallel_loop3A_120, %parallel_loop3A_221] : memref<128x512xf32, #tpu.memory_space<vmem>>[vector<16xi32>, vector<16xi32>], vector<16xf32>,
        %parallel_loop3A_223 = arith.index_cast %parallel_loop3A_114 : i32 to index
        %parallel_loop3A_224 = arith.constant 224 : index
        %parallel_loop3A_225 = tpu.vector_load %arg8[%parallel_loop3A_223, %parallel_loop3A_224] {strides = array<i32>} : memref<32x512xf32, #tpu.memory_space<vmem>>, vector<16xf32>,
        tpu.vector_store %arg8[%parallel_loop3A_223, %parallel_loop3A_224], %parallel_loop3A_222 {strides = array<i32>} : memref<32x512xf32, #tpu.memory_space<vmem>>, vector<16xf32>,
        %parallel_loop3A_226 = arith.constant 240 : i32
        %parallel_loop3A_227 = vector.broadcast %parallel_loop3A_226 : i32 to vector<16xi32>
        %parallel_loop3A_228 = arith.addi %iota3A, %parallel_loop3A_227 : vector<16xi32>
        %parallel_loop3A_229 = tpu.vector_load_idx %arg5[%parallel_loop3A_120, %parallel_loop3A_228] : memref<128x512xf32, #tpu.memory_space<vmem>>[vector<16xi32>, vector<16xi32>], vector<16xf32>,
        %parallel_loop3A_230 = arith.index_cast %parallel_loop3A_114 : i32 to index
        %parallel_loop3A_231 = arith.constant 240 : index
        %parallel_loop3A_232 = tpu.vector_load %arg8[%parallel_loop3A_230, %parallel_loop3A_231] {strides = array<i32>} : memref<32x512xf32, #tpu.memory_space<vmem>>, vector<16xf32>,
        tpu.vector_store %arg8[%parallel_loop3A_230, %parallel_loop3A_231], %parallel_loop3A_229 {strides = array<i32>} : memref<32x512xf32, #tpu.memory_space<vmem>>, vector<16xf32>,
        %parallel_loop3A_233 = arith.constant 256 : i32
        %parallel_loop3A_234 = vector.broadcast %parallel_loop3A_233 : i32 to vector<16xi32>
        %parallel_loop3A_235 = arith.addi %iota3A, %parallel_loop3A_234 : vector<16xi32>
        %parallel_loop3A_236 = tpu.vector_load_idx %arg5[%parallel_loop3A_120, %parallel_loop3A_235] : memref<128x512xf32, #tpu.memory_space<vmem>>[vector<16xi32>, vector<16xi32>], vector<16xf32>,
        %parallel_loop3A_237 = arith.index_cast %parallel_loop3A_114 : i32 to index
        %parallel_loop3A_238 = arith.constant 256 : index
        %parallel_loop3A_239 = tpu.vector_load %arg8[%parallel_loop3A_237, %parallel_loop3A_238] {strides = array<i32>} : memref<32x512xf32, #tpu.memory_space<vmem>>, vector<16xf32>,
        tpu.vector_store %arg8[%parallel_loop3A_237, %parallel_loop3A_238], %parallel_loop3A_236 {strides = array<i32>} : memref<32x512xf32, #tpu.memory_space<vmem>>, vector<16xf32>,
        %parallel_loop3A_240 = arith.constant 272 : i32
        %parallel_loop3A_241 = vector.broadcast %parallel_loop3A_240 : i32 to vector<16xi32>
        %parallel_loop3A_242 = arith.addi %iota3A, %parallel_loop3A_241 : vector<16xi32>
        %parallel_loop3A_243 = tpu.vector_load_idx %arg5[%parallel_loop3A_120, %parallel_loop3A_242] : memref<128x512xf32, #tpu.memory_space<vmem>>[vector<16xi32>, vector<16xi32>], vector<16xf32>,
        %parallel_loop3A_244 = arith.index_cast %parallel_loop3A_114 : i32 to index
        %parallel_loop3A_245 = arith.constant 272 : index
        %parallel_loop3A_246 = tpu.vector_load %arg8[%parallel_loop3A_244, %parallel_loop3A_245] {strides = array<i32>} : memref<32x512xf32, #tpu.memory_space<vmem>>, vector<16xf32>,
        tpu.vector_store %arg8[%parallel_loop3A_244, %parallel_loop3A_245], %parallel_loop3A_243 {strides = array<i32>} : memref<32x512xf32, #tpu.memory_space<vmem>>, vector<16xf32>,
        %parallel_loop3A_247 = arith.constant 288 : i32
        %parallel_loop3A_248 = vector.broadcast %parallel_loop3A_247 : i32 to vector<16xi32>
        %parallel_loop3A_249 = arith.addi %iota3A, %parallel_loop3A_248 : vector<16xi32>
        %parallel_loop3A_250 = tpu.vector_load_idx %arg5[%parallel_loop3A_120, %parallel_loop3A_249] : memref<128x512xf32, #tpu.memory_space<vmem>>[vector<16xi32>, vector<16xi32>], vector<16xf32>,
        %parallel_loop3A_251 = arith.index_cast %parallel_loop3A_114 : i32 to index
        %parallel_loop3A_252 = arith.constant 288 : index
        %parallel_loop3A_253 = tpu.vector_load %arg8[%parallel_loop3A_251, %parallel_loop3A_252] {strides = array<i32>} : memref<32x512xf32, #tpu.memory_space<vmem>>, vector<16xf32>,
        tpu.vector_store %arg8[%parallel_loop3A_251, %parallel_loop3A_252], %parallel_loop3A_250 {strides = array<i32>} : memref<32x512xf32, #tpu.memory_space<vmem>>, vector<16xf32>,
        %parallel_loop3A_254 = arith.constant 304 : i32
        %parallel_loop3A_255 = vector.broadcast %parallel_loop3A_254 : i32 to vector<16xi32>
        %parallel_loop3A_256 = arith.addi %iota3A, %parallel_loop3A_255 : vector<16xi32>
        %parallel_loop3A_257 = tpu.vector_load_idx %arg5[%parallel_loop3A_120, %parallel_loop3A_256] : memref<128x512xf32, #tpu.memory_space<vmem>>[vector<16xi32>, vector<16xi32>], vector<16xf32>,
        %parallel_loop3A_258 = arith.index_cast %parallel_loop3A_114 : i32 to index
        %parallel_loop3A_259 = arith.constant 304 : index
        %parallel_loop3A_260 = tpu.vector_load %arg8[%parallel_loop3A_258, %parallel_loop3A_259] {strides = array<i32>} : memref<32x512xf32, #tpu.memory_space<vmem>>, vector<16xf32>,
        tpu.vector_store %arg8[%parallel_loop3A_258, %parallel_loop3A_259], %parallel_loop3A_257 {strides = array<i32>} : memref<32x512xf32, #tpu.memory_space<vmem>>, vector<16xf32>,
        %parallel_loop3A_261 = arith.constant 320 : i32
        %parallel_loop3A_262 = vector.broadcast %parallel_loop3A_261 : i32 to vector<16xi32>
        %parallel_loop3A_263 = arith.addi %iota3A, %parallel_loop3A_262 : vector<16xi32>
        %parallel_loop3A_264 = tpu.vector_load_idx %arg5[%parallel_loop3A_120, %parallel_loop3A_263] : memref<128x512xf32, #tpu.memory_space<vmem>>[vector<16xi32>, vector<16xi32>], vector<16xf32>,
        %parallel_loop3A_265 = arith.index_cast %parallel_loop3A_114 : i32 to index
        %parallel_loop3A_266 = arith.constant 320 : index
        %parallel_loop3A_267 = tpu.vector_load %arg8[%parallel_loop3A_265, %parallel_loop3A_266] {strides = array<i32>} : memref<32x512xf32, #tpu.memory_space<vmem>>, vector<16xf32>,
        tpu.vector_store %arg8[%parallel_loop3A_265, %parallel_loop3A_266], %parallel_loop3A_264 {strides = array<i32>} : memref<32x512xf32, #tpu.memory_space<vmem>>, vector<16xf32>,
        %parallel_loop3A_268 = arith.constant 336 : i32
        %parallel_loop3A_269 = vector.broadcast %parallel_loop3A_268 : i32 to vector<16xi32>
        %parallel_loop3A_270 = arith.addi %iota3A, %parallel_loop3A_269 : vector<16xi32>
        %parallel_loop3A_271 = tpu.vector_load_idx %arg5[%parallel_loop3A_120, %parallel_loop3A_270] : memref<128x512xf32, #tpu.memory_space<vmem>>[vector<16xi32>, vector<16xi32>], vector<16xf32>,
        %parallel_loop3A_272 = arith.index_cast %parallel_loop3A_114 : i32 to index
        %parallel_loop3A_273 = arith.constant 336 : index
        %parallel_loop3A_274 = tpu.vector_load %arg8[%parallel_loop3A_272, %parallel_loop3A_273] {strides = array<i32>} : memref<32x512xf32, #tpu.memory_space<vmem>>, vector<16xf32>,
        tpu.vector_store %arg8[%parallel_loop3A_272, %parallel_loop3A_273], %parallel_loop3A_271 {strides = array<i32>} : memref<32x512xf32, #tpu.memory_space<vmem>>, vector<16xf32>,
        %parallel_loop3A_275 = arith.constant 352 : i32
        %parallel_loop3A_276 = vector.broadcast %parallel_loop3A_275 : i32 to vector<16xi32>
        %parallel_loop3A_277 = arith.addi %iota3A, %parallel_loop3A_276 : vector<16xi32>
        %parallel_loop3A_278 = tpu.vector_load_idx %arg5[%parallel_loop3A_120, %parallel_loop3A_277] : memref<128x512xf32, #tpu.memory_space<vmem>>[vector<16xi32>, vector<16xi32>], vector<16xf32>,
        %parallel_loop3A_279 = arith.index_cast %parallel_loop3A_114 : i32 to index
        %parallel_loop3A_280 = arith.constant 352 : index
        %parallel_loop3A_281 = tpu.vector_load %arg8[%parallel_loop3A_279, %parallel_loop3A_280] {strides = array<i32>} : memref<32x512xf32, #tpu.memory_space<vmem>>, vector<16xf32>,
        tpu.vector_store %arg8[%parallel_loop3A_279, %parallel_loop3A_280], %parallel_loop3A_278 {strides = array<i32>} : memref<32x512xf32, #tpu.memory_space<vmem>>, vector<16xf32>,
        %parallel_loop3A_282 = arith.constant 368 : i32
        %parallel_loop3A_283 = vector.broadcast %parallel_loop3A_282 : i32 to vector<16xi32>
        %parallel_loop3A_284 = arith.addi %iota3A, %parallel_loop3A_283 : vector<16xi32>
        %parallel_loop3A_285 = tpu.vector_load_idx %arg5[%parallel_loop3A_120, %parallel_loop3A_284] : memref<128x512xf32, #tpu.memory_space<vmem>>[vector<16xi32>, vector<16xi32>], vector<16xf32>,
        %parallel_loop3A_286 = arith.index_cast %parallel_loop3A_114 : i32 to index
        %parallel_loop3A_287 = arith.constant 368 : index
        %parallel_loop3A_288 = tpu.vector_load %arg8[%parallel_loop3A_286, %parallel_loop3A_287] {strides = array<i32>} : memref<32x512xf32, #tpu.memory_space<vmem>>, vector<16xf32>,
        tpu.vector_store %arg8[%parallel_loop3A_286, %parallel_loop3A_287], %parallel_loop3A_285 {strides = array<i32>} : memref<32x512xf32, #tpu.memory_space<vmem>>, vector<16xf32>,
        %parallel_loop3A_289 = arith.constant 384 : i32
        %parallel_loop3A_290 = vector.broadcast %parallel_loop3A_289 : i32 to vector<16xi32>
        %parallel_loop3A_291 = arith.addi %iota3A, %parallel_loop3A_290 : vector<16xi32>
        %parallel_loop3A_292 = tpu.vector_load_idx %arg5[%parallel_loop3A_120, %parallel_loop3A_291] : memref<128x512xf32, #tpu.memory_space<vmem>>[vector<16xi32>, vector<16xi32>], vector<16xf32>,
        %parallel_loop3A_293 = arith.index_cast %parallel_loop3A_114 : i32 to index
        %parallel_loop3A_294 = arith.constant 384 : index
        %parallel_loop3A_295 = tpu.vector_load %arg8[%parallel_loop3A_293, %parallel_loop3A_294] {strides = array<i32>} : memref<32x512xf32, #tpu.memory_space<vmem>>, vector<16xf32>,
        tpu.vector_store %arg8[%parallel_loop3A_293, %parallel_loop3A_294], %parallel_loop3A_292 {strides = array<i32>} : memref<32x512xf32, #tpu.memory_space<vmem>>, vector<16xf32>,
        %parallel_loop3A_296 = arith.constant 400 : i32
        %parallel_loop3A_297 = vector.broadcast %parallel_loop3A_296 : i32 to vector<16xi32>
        %parallel_loop3A_298 = arith.addi %iota3A, %parallel_loop3A_297 : vector<16xi32>
        %parallel_loop3A_299 = tpu.vector_load_idx %arg5[%parallel_loop3A_120, %parallel_loop3A_298] : memref<128x512xf32, #tpu.memory_space<vmem>>[vector<16xi32>, vector<16xi32>], vector<16xf32>,
        %parallel_loop3A_300 = arith.index_cast %parallel_loop3A_114 : i32 to index
        %parallel_loop3A_301 = arith.constant 400 : index
        %parallel_loop3A_302 = tpu.vector_load %arg8[%parallel_loop3A_300, %parallel_loop3A_301] {strides = array<i32>} : memref<32x512xf32, #tpu.memory_space<vmem>>, vector<16xf32>,
        tpu.vector_store %arg8[%parallel_loop3A_300, %parallel_loop3A_301], %parallel_loop3A_299 {strides = array<i32>} : memref<32x512xf32, #tpu.memory_space<vmem>>, vector<16xf32>,
        %parallel_loop3A_303 = arith.constant 416 : i32
        %parallel_loop3A_304 = vector.broadcast %parallel_loop3A_303 : i32 to vector<16xi32>
        %parallel_loop3A_305 = arith.addi %iota3A, %parallel_loop3A_304 : vector<16xi32>
        %parallel_loop3A_306 = tpu.vector_load_idx %arg5[%parallel_loop3A_120, %parallel_loop3A_305] : memref<128x512xf32, #tpu.memory_space<vmem>>[vector<16xi32>, vector<16xi32>], vector<16xf32>,
        %parallel_loop3A_307 = arith.index_cast %parallel_loop3A_114 : i32 to index
        %parallel_loop3A_308 = arith.constant 416 : index
        %parallel_loop3A_309 = tpu.vector_load %arg8[%parallel_loop3A_307, %parallel_loop3A_308] {strides = array<i32>} : memref<32x512xf32, #tpu.memory_space<vmem>>, vector<16xf32>,
        tpu.vector_store %arg8[%parallel_loop3A_307, %parallel_loop3A_308], %parallel_loop3A_306 {strides = array<i32>} : memref<32x512xf32, #tpu.memory_space<vmem>>, vector<16xf32>,
        %parallel_loop3A_310 = arith.constant 432 : i32
        %parallel_loop3A_311 = vector.broadcast %parallel_loop3A_310 : i32 to vector<16xi32>
        %parallel_loop3A_312 = arith.addi %iota3A, %parallel_loop3A_311 : vector<16xi32>
        %parallel_loop3A_313 = tpu.vector_load_idx %arg5[%parallel_loop3A_120, %parallel_loop3A_312] : memref<128x512xf32, #tpu.memory_space<vmem>>[vector<16xi32>, vector<16xi32>], vector<16xf32>,
        %parallel_loop3A_314 = arith.index_cast %parallel_loop3A_114 : i32 to index
        %parallel_loop3A_315 = arith.constant 432 : index
        %parallel_loop3A_316 = tpu.vector_load %arg8[%parallel_loop3A_314, %parallel_loop3A_315] {strides = array<i32>} : memref<32x512xf32, #tpu.memory_space<vmem>>, vector<16xf32>,
        tpu.vector_store %arg8[%parallel_loop3A_314, %parallel_loop3A_315], %parallel_loop3A_313 {strides = array<i32>} : memref<32x512xf32, #tpu.memory_space<vmem>>, vector<16xf32>,
        %parallel_loop3A_317 = arith.constant 448 : i32
        %parallel_loop3A_318 = vector.broadcast %parallel_loop3A_317 : i32 to vector<16xi32>
        %parallel_loop3A_319 = arith.addi %iota3A, %parallel_loop3A_318 : vector<16xi32>
        %parallel_loop3A_320 = tpu.vector_load_idx %arg5[%parallel_loop3A_120, %parallel_loop3A_319] : memref<128x512xf32, #tpu.memory_space<vmem>>[vector<16xi32>, vector<16xi32>], vector<16xf32>,
        %parallel_loop3A_321 = arith.index_cast %parallel_loop3A_114 : i32 to index
        %parallel_loop3A_322 = arith.constant 448 : index
        %parallel_loop3A_323 = tpu.vector_load %arg8[%parallel_loop3A_321, %parallel_loop3A_322] {strides = array<i32>} : memref<32x512xf32, #tpu.memory_space<vmem>>, vector<16xf32>,
        tpu.vector_store %arg8[%parallel_loop3A_321, %parallel_loop3A_322], %parallel_loop3A_320 {strides = array<i32>} : memref<32x512xf32, #tpu.memory_space<vmem>>, vector<16xf32>,
        %parallel_loop3A_324 = arith.constant 464 : i32
        %parallel_loop3A_325 = vector.broadcast %parallel_loop3A_324 : i32 to vector<16xi32>
        %parallel_loop3A_326 = arith.addi %iota3A, %parallel_loop3A_325 : vector<16xi32>
        %parallel_loop3A_327 = tpu.vector_load_idx %arg5[%parallel_loop3A_120, %parallel_loop3A_326] : memref<128x512xf32, #tpu.memory_space<vmem>>[vector<16xi32>, vector<16xi32>], vector<16xf32>,
        %parallel_loop3A_328 = arith.index_cast %parallel_loop3A_114 : i32 to index
        %parallel_loop3A_329 = arith.constant 464 : index
        %parallel_loop3A_330 = tpu.vector_load %arg8[%parallel_loop3A_328, %parallel_loop3A_329] {strides = array<i32>} : memref<32x512xf32, #tpu.memory_space<vmem>>, vector<16xf32>,
        tpu.vector_store %arg8[%parallel_loop3A_328, %parallel_loop3A_329], %parallel_loop3A_327 {strides = array<i32>} : memref<32x512xf32, #tpu.memory_space<vmem>>, vector<16xf32>,
        %parallel_loop3A_331 = arith.constant 480 : i32
        %parallel_loop3A_332 = vector.broadcast %parallel_loop3A_331 : i32 to vector<16xi32>
        %parallel_loop3A_333 = arith.addi %iota3A, %parallel_loop3A_332 : vector<16xi32>
        %parallel_loop3A_334 = tpu.vector_load_idx %arg5[%parallel_loop3A_120, %parallel_loop3A_333] : memref<128x512xf32, #tpu.memory_space<vmem>>[vector<16xi32>, vector<16xi32>], vector<16xf32>,
        %parallel_loop3A_335 = arith.index_cast %parallel_loop3A_114 : i32 to index
        %parallel_loop3A_336 = arith.constant 480 : index
        %parallel_loop3A_337 = tpu.vector_load %arg8[%parallel_loop3A_335, %parallel_loop3A_336] {strides = array<i32>} : memref<32x512xf32, #tpu.memory_space<vmem>>, vector<16xf32>,
        tpu.vector_store %arg8[%parallel_loop3A_335, %parallel_loop3A_336], %parallel_loop3A_334 {strides = array<i32>} : memref<32x512xf32, #tpu.memory_space<vmem>>, vector<16xf32>,
        %parallel_loop3A_338 = arith.constant 496 : i32
        %parallel_loop3A_339 = vector.broadcast %parallel_loop3A_338 : i32 to vector<16xi32>
        %parallel_loop3A_340 = arith.addi %iota3A, %parallel_loop3A_339 : vector<16xi32>
        %parallel_loop3A_341 = tpu.vector_load_idx %arg5[%parallel_loop3A_120, %parallel_loop3A_340] : memref<128x512xf32, #tpu.memory_space<vmem>>[vector<16xi32>, vector<16xi32>], vector<16xf32>,
        %parallel_loop3A_342 = arith.index_cast %parallel_loop3A_114 : i32 to index
        %parallel_loop3A_343 = arith.constant 496 : index
        %parallel_loop3A_344 = tpu.vector_load %arg8[%parallel_loop3A_342, %parallel_loop3A_343] {strides = array<i32>} : memref<32x512xf32, #tpu.memory_space<vmem>>, vector<16xf32>,
        tpu.vector_store %arg8[%parallel_loop3A_342, %parallel_loop3A_343], %parallel_loop3A_341 {strides = array<i32>} : memref<32x512xf32, #tpu.memory_space<vmem>>, vector<16xf32>,
      } {sc.loop_unroll_factor = 1 : i64, sc.parallel_access}
      %mul3A_105 = arith.constant 2048 : i32
      %mul3A_106 = arith.muli %select_n3A_30, %mul3A_105 : i32
      %mul3A_107 = arith.constant 32 : i32
      %mul3A_108 = arith.muli %add3A_101, %mul3A_107 : i32
      %add3A_109 = arith.addi %mul3A_106, %mul3A_108 : i32
      %mul3A_110 = arith.constant 512 : i32
      %mul3A_111 = arith.muli %select_n3A_9, %mul3A_110 : i32
      %dma_start3A_112 = tpu.memref_slice %arg4[%add3A_109, %mul3A_111] : memref<16384x2048xf32, #tpu.memory_space<hbm>> -> memref<32x512xf32, #tpu.memory_space<hbm>>
      %dma_start3A_113 = tpu.memref_slice %arg4[%add3A_109, %mul3A_111] : memref<16384x2048xf32, #tpu.memory_space<hbm>> -> memref<32x512xf32, #tpu.memory_space<hbm>>
      tpu.enqueue_dma source(%arg8 : memref<32x512xf32, #tpu.memory_space<vmem>>) target(%dma_start3A_113 : memref<32x512xf32, #tpu.memory_space<hbm>>) target_semaphore(%arg10 : memref<!tpu.dma_semaphore, #tpu.memory_space<semaphore_mem>>)
    }
    %scan3A_59 = arith.constant 31 : i32
    %mul3A_60 = arith.constant 2048 : i32
    %mul3A_61 = arith.muli %select_n3A_30, %mul3A_60 : i32
    %mul3A_62 = arith.constant 512 : i32
    %mul3A_63 = arith.muli %select_n3A_9, %mul3A_62 : i32
    %dma_wait3A = tpu.memref_slice %arg4[%mul3A_61, %mul3A_63] : memref<16384x2048xf32, #tpu.memory_space<hbm>> -> memref<32x512xf32, #tpu.memory_space<hbm>>
    %dma_wait3A_64 = tpu.memref_slice %arg4[%mul3A_61, %mul3A_63] : memref<16384x2048xf32, #tpu.memory_space<hbm>> -> memref<32x512xf32, #tpu.memory_space<hbm>>
    tpu.wait_dma2 semaphore(%arg9 : memref<!tpu.dma_semaphore, #tpu.memory_space<semaphore_mem>>) src(%arg7 : memref<32x512xf32, #tpu.memory_space<vmem>>) dst(%dma_wait3A_64 : memref<32x512xf32, #tpu.memory_space<hbm>>)
    %mul3A_65 = arith.constant 2048 : i32
    %mul3A_66 = arith.muli %select_n3A_30, %mul3A_65 : i32
    %mul3A_67 = arith.constant 512 : i32
    %mul3A_68 = arith.muli %select_n3A_9, %mul3A_67 : i32
    %dma_wait3A_69 = tpu.memref_slice %arg4[%mul3A_66, %mul3A_68] : memref<16384x2048xf32, #tpu.memory_space<hbm>> -> memref<32x512xf32, #tpu.memory_space<hbm>>
    %dma_wait3A_70 = tpu.memref_slice %arg4[%mul3A_66, %mul3A_68] : memref<16384x2048xf32, #tpu.memory_space<hbm>> -> memref<32x512xf32, #tpu.memory_space<hbm>>
    tpu.wait_dma2 semaphore(%arg10 : memref<!tpu.dma_semaphore, #tpu.memory_space<semaphore_mem>>) src(%arg8 : memref<32x512xf32, #tpu.memory_space<vmem>>) dst(%dma_wait3A_70 : memref<32x512xf32, #tpu.memory_space<hbm>>)
    return
  }
}

module attributes {stable_mosaic.version = 14 : i64} {
  func.func @_table_body(%arg0: i32, %arg1: memref<128x2048xf32, #tpu.memory_space<vmem>>, %arg2: memref<1x2048xf32, #tpu.memory_space<vmem>>, %arg3: memref<512x2048xf32, #tpu.memory_space<vmem>>, %arg4: memref<128x2048xf32, #tpu.memory_space<vmem>>, %arg5: memref<128x2048xf32, #tpu.memory_space<vmem>>) attributes {dimension_semantics = [#tpu.dimension_semantics<arbitrary>], iteration_bounds = array<i64: 4>, scalar_prefetch = 0 : i64, scratch_operands = 1 : i64, tpu.core_type = #tpu.core_type<tc>, window_params = [{pipeline_mode = #tpu.pipeline_mode<synchronous>, transform_indices = @transform_0, window_bounds = array<i64: 128, 2048>}, {pipeline_mode = #tpu.pipeline_mode<synchronous>, transform_indices = @transform_1, window_bounds = array<i64: 1, 2048>}, {transform_indices = @transform_2, window_bounds = array<i64: 512, 2048>}, {pipeline_mode = #tpu.pipeline_mode<synchronous>, transform_indices = @transform_3, window_bounds = array<i64: 128, 2048>}]} {
    %eq3A = arith.constant 0 : i32
    %eq3A_0 = arith.cmpi eq, %arg0, %eq3A : i32
    %convert_element_type3A = arith.extui %eq3A_0 : i1 to i32
    %cond3A = arith.constant 0 : i32
    %cond3A_1 = arith.cmpi ne, %convert_element_type3A, %cond3A : i32
    scf.if %cond3A_1 {
      %get3A_16 = arith.constant 0 : index
      %get3A_17 = arith.constant 0 : index
      %get3A_18 = vector.load %arg1[%get3A_16, %get3A_17] : memref<128x2048xf32, #tpu.memory_space<vmem>>, vector<128x2048xf32>
      %mul3A_19 = arith.mulf %get3A_18, %get3A_18 : vector<128x2048xf32>
      %reduce_sum3A = arith.constant dense<0.000000e+00> : vector<128xf32>
      %reduce_sum3A_20 = vector.multi_reduction <add>, %mul3A_19, %reduce_sum3A [1] : vector<128x2048xf32> to vector<128xf32>
      %broadcast_in_dim3A = vector.shape_cast %reduce_sum3A_20 : vector<128xf32> to vector<128x1xf32>
      %div3A = arith.constant 2.048000e+03 : f32
      %div3A_21 = vector.broadcast %div3A : f32 to vector<128x1xf32>
      %div3A_22 = arith.divf %broadcast_in_dim3A, %div3A_21 : vector<128x1xf32>
      %add3A = arith.constant 9.99999997E-7 : f32
      %add3A_23 = vector.broadcast %add3A : f32 to vector<128x1xf32>
      %add3A_24 = arith.addf %div3A_22, %add3A_23 : vector<128x1xf32>
      %rsqrt3A = math.rsqrt %add3A_24 : vector<128x1xf32>
      %mul3A_25 = vector.broadcast %rsqrt3A : vector<128x1xf32> to vector<128x2048xf32>
      %mul3A_26 = arith.mulf %get3A_18, %mul3A_25 : vector<128x2048xf32>
      %get3A_27 = arith.constant 0 : index
      %get3A_28 = arith.constant 0 : index
      %get3A_29 = vector.load %arg2[%get3A_27, %get3A_28] : memref<1x2048xf32, #tpu.memory_space<vmem>>, vector<1x2048xf32>
      %mul3A_30 = vector.broadcast %get3A_29 : vector<1x2048xf32> to vector<128x2048xf32>
      %mul3A_31 = arith.mulf %mul3A_26, %mul3A_30 : vector<128x2048xf32>
      %swap3A_32 = arith.constant 0 : index
      %swap3A_33 = arith.constant 0 : index
      %swap3A_34 = vector.load %arg5[%swap3A_32, %swap3A_33] : memref<128x2048xf32, #tpu.memory_space<vmem>>, vector<128x2048xf32>
      tpu.vector_store %arg5[%swap3A_32, %swap3A_33], %mul3A_31 {strides = array<i32>} : memref<128x2048xf32, #tpu.memory_space<vmem>>, vector<128x2048xf32>,
    } else {
    }
    %get3A = arith.constant 0 : index
    %get3A_2 = arith.constant 0 : index
    %get3A_3 = vector.load %arg5[%get3A, %get3A_2] : memref<128x2048xf32, #tpu.memory_space<vmem>>, vector<128x2048xf32>
    %get3A_4 = arith.constant 0 : index
    %get3A_5 = arith.constant 0 : index
    %get3A_6 = vector.load %arg3[%get3A_4, %get3A_5] : memref<512x2048xf32, #tpu.memory_space<vmem>>, vector<512x2048xf32>
    %dot_general3A = arith.constant dense<0.000000e+00> : vector<128x512xf32>
    %dot_general3A_7 = tpu.matmul %get3A_3, %get3A_6, %dot_general3A {dimension_numbers = #tpu.dot_dimension_numbers<[1], [1], [0], [0], [0, 0, 1, 0], [], []>, transpose_lhs_hint = false} : vector<128x2048xf32>, vector<512x2048xf32>, vector<128x512xf32> -> vector<128x512xf32>
    %mul3A = arith.constant 512 : i32
    %mul3A_8 = arith.muli %arg0, %mul3A : i32
    %swap3A = arith.constant 0 : index
    %swap3A_9 = arith.index_cast %mul3A_8 : i32 to index
    %swap3A_10 = vector.load %arg4[%swap3A, %swap3A_9] : memref<128x2048xf32, #tpu.memory_space<vmem>>, vector<128x512xf32>
    tpu.vector_store %arg4[%swap3A, %swap3A_9], %dot_general3A_7 {strides = array<i32>} : memref<128x2048xf32, #tpu.memory_space<vmem>>, vector<128x512xf32>,
    %eq3A_11 = arith.constant 3 : i32
    %eq3A_12 = arith.cmpi eq, %arg0, %eq3A_11 : i32
    %convert_element_type3A_13 = arith.extui %eq3A_12 : i1 to i32
    %cond3A_14 = arith.constant 0 : i32
    %cond3A_15 = arith.cmpi ne, %convert_element_type3A_13, %cond3A_14 : i32
    scf.if %cond3A_15 {
      %get3A_16 = arith.constant 0 : index
      %get3A_17 = arith.constant 0 : index
      %get3A_18 = vector.load %arg4[%get3A_16, %get3A_17] : memref<128x2048xf32, #tpu.memory_space<vmem>>, vector<128x2048xf32>
      %mul3A_19 = arith.mulf %get3A_18, %get3A_18 : vector<128x2048xf32>
      %reduce_sum3A = arith.constant dense<0.000000e+00> : vector<128xf32>
      %reduce_sum3A_20 = vector.multi_reduction <add>, %mul3A_19, %reduce_sum3A [1] : vector<128x2048xf32> to vector<128xf32>
      %broadcast_in_dim3A = vector.shape_cast %reduce_sum3A_20 : vector<128xf32> to vector<128x1xf32>
      %div3A = arith.constant 2.048000e+03 : f32
      %div3A_21 = vector.broadcast %div3A : f32 to vector<128x1xf32>
      %div3A_22 = arith.divf %broadcast_in_dim3A, %div3A_21 : vector<128x1xf32>
      %add3A = arith.constant 9.99999997E-7 : f32
      %add3A_23 = vector.broadcast %add3A : f32 to vector<128x1xf32>
      %add3A_24 = arith.addf %div3A_22, %add3A_23 : vector<128x1xf32>
      %rsqrt3A = math.rsqrt %add3A_24 : vector<128x1xf32>
      %mul3A_25 = vector.broadcast %rsqrt3A : vector<128x1xf32> to vector<128x2048xf32>
      %mul3A_26 = arith.mulf %get3A_18, %mul3A_25 : vector<128x2048xf32>
      %swap3A_27 = arith.constant 0 : index
      %swap3A_28 = arith.constant 0 : index
      %swap3A_29 = vector.load %arg4[%swap3A_27, %swap3A_28] : memref<128x2048xf32, #tpu.memory_space<vmem>>, vector<128x2048xf32>
      tpu.vector_store %arg4[%swap3A_27, %swap3A_28], %mul3A_26 {strides = array<i32>} : memref<128x2048xf32, #tpu.memory_space<vmem>>, vector<128x2048xf32>,
    } else {
    }
    return
  }
  func.func @transform_0(%arg0: i32) -> (i32, i32) {
    %c0_i32 = arith.constant 0 : i32
    %c0_i32_0 = arith.constant 0 : i32
    %c0_i32_1 = arith.constant 0 : i32
    return %c0_i32, %c0_i32_0 : i32, i32
  }
  func.func @transform_1(%arg0: i32) -> (i32, i32) {
    %c0_i32 = arith.constant 0 : i32
    %c0_i32_0 = arith.constant 0 : i32
    %c0_i32_1 = arith.constant 0 : i32
    return %c0_i32, %c0_i32_0 : i32, i32
  }
  func.func @transform_2(%arg0: i32) -> (i32, i32) {
    %c0_i32 = arith.constant 0 : i32
    %c0_i32_0 = arith.constant 0 : i32
    return %arg0, %c0_i32 : i32, i32
  }
  func.func @transform_3(%arg0: i32) -> (i32, i32) {
    %c0_i32 = arith.constant 0 : i32
    %c0_i32_0 = arith.constant 0 : i32
    %c0_i32_1 = arith.constant 0 : i32
    return %c0_i32, %c0_i32_0 : i32, i32
  }
}

</mosaic_0001>

<sc_bundles>
// kernel: kernel.4.cloned.1.call-start
scs
__scs_entry_jumppad:
0x0: {  	(pc) =	sbr.rel $0x88, $3  }
0x1: {  	(tag) =	ssettag $0x0;
	lr =	simm.s32 $0x1  }
0x2: {  	[smem:$0x3F9D] =	sst lr;
	_ =	strace $0xD0000000  }
0x3: {  	_ = 	snop  }
0x4: {  	_ = 	snop  }
0x5: {  	_ = 	snop  }
0x6: {  	_ = 	snop  }
0x7: {  	_ = 	snop  }
__scs_overlays_trampoline_lowered:
0x8: {  	[smem:$0x3FAC] =	sst s0  }
0x9: {  	[smem:$0x3FAD] =	sst s1  }
0xa: {  	[smem:$0x3FAE] =	sst s2  }
0xb: {  	[smem:$0x3FAF] =	sst s3  }
0xc: {  	[smem:$0x3FB0] =	sst s4  }
0xd: {  	[smem:$0x3FB1] =	sst s5  }
0xe: {  	[smem:$0x3FB2] =	sst s6  }
0xf: {  	[smem:$0x3FB3] =	sst s7  }
0x10: {  	[smem:$0x3FB4] =	sst s8  }
0x11: {  	[smem:$0x3FB5] =	sst s9;
	s0 =	simm.s32 @!p0 $0x0  }
0x12: {  	s1 =	sld [smem:$0x3F9B];
	s0 =	simm.s32 @p0 $0x1  }
0x13: {  	[smem:$0x3FB6] =	sst s0;
	s0 =	simm.s32 @!p1 $0x0  }
0x14: {  	s2 =	sld [smem:$0x3F9A];
	s0 =	simm.s32 @p1 $0x1  }
0x15: {  	[smem:$0x3FB7] =	sst s0;
	s0 =	simm.s32 @!p2 $0x0  }
0x16: {  	s3 =	sld [smem:$0x3FDB];
	s0 =	simm.s32 @p2 $0x1  }
0x17: {  	s4 =	simm.s32 $0x1BF5;
	[smem:$0x3FB9] =	sst s0  }
0x18: {  	s0 =	sld [smem:$0x3F9C];
	_ =	swait.ge [sflag:s4], $0x0  }
0x19: {  	s7 =	sld [smem:$0x3F9D]  }
0x1a: {  	s8 =	sadd.s32 $0xFFFFE003, lr  }
0x1b: {  	s9 =	sadd.s32 $0xFFFFFEF7, lr;
	s5 =	simm.s32 $0xFFFFFFFF;
	p2 =	slt.u32 s8, $0xFFFFF086  }
0x1c: {  	p1 =	slt.u32 s9, $0xF7A;
	s5 =	simm.s32 @!p2 $0x0  }
0x1d: {  	s5 =	simm.s32 @p1 $0x1;
	p0 =	seq.s32 s7, s2  }
0x1e: {  	s7 =	smul.u32 @!p0 $0xF7A, s2;
	p2 =	seq.s32 @!p0 s5, $0x0  }
0x1f: {  	s9 =	smul.u32 $0xF7A, s1;
	s8 =	simm.s32 @!p0 $0x1BF5;
	p2 =	por !p2, p0  }
0x20: {  	[sflag:s8] =	ssyncset.s32 @!p0 $0xFFFFF086;
	s6 =	sadd.s32 @!p0 s3, s7;
	s7 =	simm.s32 @!p0 $0x108  }
0x21: {  	s3 =	sadd.s32 s3, s9;
	s6 =	sadd.s32 @!p0 $0x88, s6;
	s7 =	simm.s32 @p2 $0x1082  }
0x22: {  	[simem:s7], [sflag:s8] =	dma.local @!p0 [hbm:s6], $0xF7A  }
0x23: {  	s9 =	sor.u32 $0xD0000000, s2;
	s6 =	simm.s32 $0x108;
	_ =	swait.ge @!p0 [sflag:s8], $0x0  }
0x24: {  	s3 =	sadd.s32 $0x88, s3;
	s6 =	simm.s32 @!p1 $0x1082;
	[sflag:s4] =	ssyncset.s32 $0xFFFFF086  }
0x25: {  	[simem:s6], [sflag:s4] =	dma.local [hbm:s3], $0xF7A  }
0x26: {  	[smem:$0x3F9D] =	sst s1;
	(tag) =	ssettag s2;
	_ =	strace s9  }
0x27: {  	s1 =	sld [smem:$0x3FAD]  }
0x28: {  	s2 =	sld [smem:$0x3FAE]  }
0x29: {  	s4 =	sld [smem:$0x3FB0]  }
0x2a: {  	p0 =	seq.s32 s5, $0x0;
	s5 =	sld [smem:$0x3FB1]  }
0x2b: {  	s6 =	sld [smem:$0x3FB2]  }
0x2c: {  	s7 =	sld [smem:$0x3FB3]  }
0x2d: {  	s3 =	simm.s32 $0x108;
	s8 =	sld [smem:$0x3FB4]  }
0x2e: {  	s3 =	simm.s32 @!p0 $0x1082;
	s9 =	sld [smem:$0x3FB5]  }
0x2f: {  	lr =	sadd.s32 s0, s3;
	s0 =	sld [smem:$0x3FAC]  }
0x30: {  	s3 =	sld [smem:$0x3FAF]  }
0x31: {  	[smem:$0x3FB8] =	sst s10  }
0x32: {  	s10 =	sld [smem:$0x3FB6];
	_ =	sdelay $0x3  }
0x33: {  	p0 =	seq.s32 s10, $0x1;
	s10 =	sld [smem:$0x3FB8];
	_ =	sdelay $0x3  }
0x34: {  	[smem:$0x3FB8] =	sst s10  }
0x35: {  	s10 =	sld [smem:$0x3FB7];
	_ =	sdelay $0x3  }
0x36: {  	p1 =	seq.s32 s10, $0x1;
	s10 =	sld [smem:$0x3FB8];
	_ =	sdelay $0x3  }
0x37: {  	[smem:$0x3FB8] =	sst s10  }
0x38: {  	s10 =	sld [smem:$0x3FB9]  }
0x39: {  	_ = 	snop;
	(pc) =	sbr.ind lr, $3  }
0x3a: {  	_ = 	snop  }
0x3b: {  	_ = 	snop  }
0x3c: {  	p2 =	seq.s32 s10, $0x1;
	s10 =	sld [smem:$0x3FB8]  }
0x3d: {  	_ =	shalt  }
0x3e: {  	_ =	shalt  }
0x3f: {  	_ =	shalt  }
0x40: {  	_ =	shalt  }
0x41: {  	_ =	shalt  }
0x42: {  	_ =	shalt  }
0x43: {  	_ =	shalt  }
0x44: {  	_ =	shalt  }
0x45: {  	_ =	shalt  }
0x46: {  	_ =	shalt  }
0x47: {  	_ =	shalt  }
0x48: {  	_ =	shalt  }
0x49: {  	_ =	shalt  }
0x4a: {  	_ =	shalt  }
0x4b: {  	_ =	shalt  }
0x4c: {  	_ =	shalt  }
0x4d: {  	_ =	shalt  }
0x4e: {  	_ =	shalt  }
0x4f: {  	_ =	shalt  }
0x50: {  	_ =	shalt  }
0x51: {  	_ =	shalt  }
0x52: {  	_ =	shalt  }
0x53: {  	_ =	shalt  }
0x54: {  	_ =	shalt  }
0x55: {  	_ =	shalt  }
0x56: {  	_ =	shalt  }
0x57: {  	_ =	shalt  }
0x58: {  	_ =	shalt  }
0x59: {  	_ =	shalt  }
0x5a: {  	_ =	shalt  }
0x5b: {  	_ =	shalt  }
0x5c: {  	_ =	shalt  }
0x5d: {  	_ =	shalt  }
0x5e: {  	_ =	shalt  }
0x5f: {  	_ =	shalt  }
0x60: {  	_ =	shalt  }
0x61: {  	_ =	shalt  }
0x62: {  	_ =	shalt  }
0x63: {  	_ =	shalt  }
0x64: {  	_ =	shalt  }
0x65: {  	_ =	shalt  }
0x66: {  	_ =	shalt  }
0x67: {  	_ =	shalt  }
0x68: {  	_ =	shalt  }
0x69: {  	_ =	shalt  }
0x6a: {  	_ =	shalt  }
0x6b: {  	_ =	shalt  }
0x6c: {  	_ =	shalt  }
0x6d: {  	_ =	shalt  }
0x6e: {  	_ =	shalt  }
0x6f: {  	_ =	shalt  }
0x70: {  	_ =	shalt  }
0x71: {  	_ =	shalt  }
0x72: {  	_ =	shalt  }
0x73: {  	_ =	shalt  }
0x74: {  	_ =	shalt  }
0x75: {  	_ =	shalt  }
0x76: {  	_ =	shalt  }
0x77: {  	_ =	shalt  }
0x78: {  	_ =	shalt  }
0x79: {  	_ =	shalt  }
0x7a: {  	_ =	shalt  }
0x7b: {  	_ =	shalt  }
0x7c: {  	_ =	shalt  }
0x7d: {  	_ =	shalt  }
0x7e: {  	_ =	shalt  }
0x7f: {  	_ =	shalt  }
0x80: {  	_ =	shalt  }
0x81: {  	_ =	shalt  }
0x82: {  	_ =	shalt  }
0x83: {  	_ =	shalt  }
0x84: {  	_ =	shalt  }
0x85: {  	_ =	shalt  }
0x86: {  	_ =	shalt  }
0x87: {  	_ =	shalt  }
.Lfunc_end0:
.L_simem_size_0:
called_computation_lowered:
.L_overlay_start_0:
0x88: {  	s2 =	sld [smem:$0x3FD9]  }
0x89: {  	s3 =	sld [smem:$0x3FFE];
	_ =	sdelay $0x1  }
0x8a: {  	s1 =	srdreg.scid  }
0x8b: {  	s0 =	sand.u32 $0x1, s1  }
0x8c: {  	s17 =	sshll.u32 s0, $0xA;
	s2 =	sadd.s32 s3, s2  }
0x8d: {  	s2 =	sadd.s32 s2, s17  }
0x8e: {  	[smem:$0x3FC4] =	sst s2  }
0x8f: {  	_ = 	snop  }
0x90: {  	s2 =	sld [smem:$0x3FC9]  }
0x91: {  	s18 =	sld [smem:$0x3FD0];
	(tm) =	ssettm $0x1  }
0x92: {  	s4 =	sld [smem:$0x3FFB];
	_ =	sdelay $0x3  }
0x93: {  	_ =	strace s4  }
0x94: {  	s4 =	sld [smem:$0x3FFC];
	_ =	sdelay $0x3  }
0x95: {  	_ =	strace s4  }
0x96: {  	s4 =	sld [smem:$0x3FFD];
	_ =	sdelay $0x3  }
0x97: {  	_ =	strace s4  }
0x98: {  	_ =	strace $0x8FFFFFFF  }
0x99: {  	s19 =	sld [smem:$0x3FDB];
	_ =	sdelay $0x1  }
0x9a: {  	s5 =	simm.s32 $_scs_section_size  }
0x9b: {  	s6 =	simm.s32 $_size__tile_overlayer_lowered;
	s7 =	simm.s32 $_tile_overlayer_lowered  }
0x9c: {  	s22 =	simm.s32 $0x1BFF;
	s21 =	sshll.u32 s7, $0x1;
	s4 =	sadd.s32 s5, s19  }
0x9d: {  	s8 =	simm.s32 $0x0;
	s20 =	sshll.u32 s6, $0x1;
	s6 =	sadd.s32 s21, s4  }
0x9e: {  	[timem:s8], [sflag:s22] =	dma.local [hbm:s6], s20  }
0x9f: {  	_ =	swait.ge [sflag:s22], s20  }
0xa0: {  	s5 =	ssub.s32 $0x0, s20;
	[sflag:s22] =	ssyncset.done $0x0  }
0xa1: {  	[sflag:s22] =	ssyncadd.s32 s5;
	_ =	sdelay $0x1  }
0xa2: {  	s23 =	simm.s32 $0x1B8B  }
0xa3: {  	_ =	swait.ge [sflag:s23], $0x1  }
0xa4: {  	[sflag:s23] =	ssyncset.done $0x0  }
0xa5: {  	s25 =	simm.s32 $0x1B8E;
	s24 =	sld [smem:$0x3FFE];
	[sflag:s23] =	ssyncadd.s32 $0xFFFFFFFF  }
0xa6: {  	s26 =	simm.s32 $execute0_lowered;
	[smem:$0x3FD2] =	sst s25  }
0xa7: {  	s6 =	sshll.u32 s26, $0x1;
	_ =	strace $0x80000046;
	[dreg:$0x1] =	wrdreg $0xFFFFFFFF  }
0xa8: {  	s28 =	simm.s32 $_size_execute0_lowered;
	s4 =	sadd.s32 s4, s6;
	[dreg:$0x0] =	wrdreg $0x0  }
0xa9: {  	s6 =	sshll.u32 s28, $0x1;
	[dreg:$0x2] =	wrdreg s4  }
0xaa: {  	[dreg:$0x3] =	wrdreg s6  }
0xab: {  	[dreg:$0x4] =	wrdreg $0xC0  }
0xac: {  	_ =	task [dreg:s8], $0x5FFFF  }
0xad: {  	[dreg:$0x1] =	wrdreg $0xFFFFFFFF  }
0xae: {  	[dreg:$0x0] =	wrdreg $0x60  }
0xaf: {  	[dreg:$0x2] =	wrdreg s24  }
0xb0: {  	[dreg:$0x3] =	wrdreg s2  }
0xb1: {  	[dreg:$0x4] =	wrdreg s18  }
0xb2: {  	[dreg:$0x5] =	wrdreg $0x9  }
0xb3: {  	_ =	task.clear_ibuf [dreg:s8], $0x6FFFF;
	_ =	strace $0x90000046  }
0xb4: {  	s29 =	simm.s32 $0x9;
	_ =	strace $0x80000048  }
0xb5: {  	_ =	swait.ge [sflag:s29], $0x1  }
0xb6: {  	[sflag:s29] =	ssyncadd.s32 $0xFFFFFFFF  }
0xb7: {  	_ =	strace $0x90000048  }
0xb8: {  	_ =	sfence  }
0xb9: {  	s30 =	sld [smem:$0x0];
	_ =	sdelay $0x2  }
0xba: {  	s31 =	sshll.u32 s1, $0xD;
	s1 =	sshrl.u32 s1, $0x2  }
0xbb: {  	s3 =	sand.u32 $0x4000, s31;
	s1 =	sadd.s32 s1, s30  }
0xbc: {  	s0 =	sor.u32 s3, s0;
	s1 =	sshll.u32 s1, $0x11  }
0xbd: {  	s0 =	sor.u32 s1, s0  }
0xbe: {  	s0 =	sadd.s32 $0x8F2B, s0  }
0xbf: {  	[sflag:s0] =	ssyncadd.remote.s32 $0x1  }
0xc0: {  	_ =	sfence.sel $0xFFFF  }
0xc1: {  	[dreg:$0x0] =	wrdreg $0xFFFFFFFF;
	(pc) =	sbr.abs _section_cstart, $3  }
0xc2: {  	[dreg:$0x1] =	wrdreg $0xFFFFFFFF  }
0xc3: {  	_ =	task.clear_ibuf [dreg:s8], $0x2FFFF;
	_ =	strace $0x9FFFFFFF  }
0xc4: {  	(tm) =	ssettm $0x7FFFFFFF  }
0xc5: {  	_ =	shalt  }
tec
execute0_lowered:
.L_overlay_start_1:
0x0: {  	(tag) =	ssettag $0x1  }
0x1: {  	s0 =	rddreg [dreg:$0x0]  }
0x2: {  	s7 =	rddreg [dreg:$0x1]  }
0x3: {  	s2 =	rddreg [dreg:$0x2];
	s1 =	stileid.u32;
	v0 =	vlaneseq.u32  }
0x4: {  	s3 =	simm.s32 $0x0;
	s4 =	srdreg.scid;
	s11 =	simm.s32 $0x4000;
	v1 =	vor.u32 $0x10, v0  }
0x5: {  	s12 =	simm.s32 $0x3;
	s13 =	simm.s32 $0x10000;
	s14 =	simm.s32 $0x10800;
	v2 =	vor.u32 $0x20, v0;
	v3 =	vor.u32 $0x30, v0;
	v4 =	vor.u32 $0x40, v0  }
0x6: {  	s15 =	simm.s32 $0x14800;
	s16 =	simm.s32 $0x1;
	s17 =	simm.s32 $0x2;
	v5 =	vor.u32 $0x50, v0;
	v6 =	vor.u32 $0x60, v0;
	v7 =	vor.u32 $0x70, v0  }
0x7: {  	s18 =	simm.s32 $0x0;
	s5 =	sshll.u32 s1, $0x1;
	[smem:$0x7FF] =	sst s3;
	v8 =	vor.u32 $0x400, v0;
	v9 =	vor.u32 $0x410, v0;
	v10 =	vor.u32 $0x420, v0  }
0x8: {  	s4 =	sand.u32 $0x1, s4;
	s6 =	sshrl.u32 s1, $0x1;
	v11 =	vor.u32 $0x430, v0;
	v12 =	vor.u32 $0x440, v0;
	v13 =	vor.u32 $0x450, v0;
	s5 =	sand.u32 $0x2, s5  }
0x9: {  	v14 =	vor.u32 $0x460, v0;
	v15 =	vor.u32 $0x470, v0;
	v16 =	vor.u32 $0x800, v0;
	_ =	strace $0x80000047;
	s8 =	ssub.s32 $0x2, s4;
	s5 =	sor.u32 s4, s5  }
0xa: {  	v17 =	vor.u32 $0x810, v0;
	v18 =	vor.u32 $0x820, v0;
	v19 =	vor.u32 $0x830, v0;
	s9 =	sshll.u32 s6, $0x16;
	s31 =	sshll.u32 s6, $0x8;
	s28 =	sshll.u32 s5, $0xC  }
0xb: {  	v20 =	vor.u32 $0x840, v0;
	v21 =	vor.u32 $0x850, v0;
	v22 =	vor.u32 $0x860, v0;
	s10 =	sshrl.u32 s8, $0x1;
	s7 =	sadd.s32 s7, s31;
	s4 =	sor.u32 s9, s28  }
0xc: {  	v23 =	vor.u32 $0x870, v0;
	v24 =	vor.u32 $0xC00, v0;
	v25 =	vor.u32 $0xC10, v0;
	s5 =	sshll.u32 s5, $0x9;
	s29 =	ssub.s32 s8, s10;
	s30 =	sshrl.u32 s4, $0x3  }
0xd: {  	v26 =	vor.u32 $0xC20, v0;
	v27 =	vor.u32 $0xC30, v0;
	v28 =	vor.u32 $0xC40, v0;
	s10 =	simm.s32 $0x1000;
	s0 =	sadd.s32 s5, s0;
	s6 =	sadd.s32 s2, s30  }
0xe: {  	v29 =	vor.u32 $0xC50, v0;
	v30 =	vor.u32 $0xC60, v0;
	v31 =	vor.u32 $0xC70, v0;
	s9 =	smax.u32 s29, $0x1;
	s5 =	sadd.s32 $0xC00, s0;
	s8 =	sadd.s32 $0x2000, s6  }
.LBB2_1:
0xf: {  	[tilespmem:s3], [sflag:$0x3] =	stream.strided.gather [hbm4b:s5+s10], $0x10000, s11, s10, $0x38;
	[tilespmem:$0x18800] =	vst v63  }
0x10: {  	_ =	swait.ge [sflag:s12], $0x10000  }
0x11: {  	[sflag:s12] =	ssyncset.done $0x0  }
0x12: {  	v32 =	vmov s3;
	[sflag:s12] =	ssyncadd.s32 $0xFFFF0000  }
0x13: {  	[tilespmem:s13], [sflag:$0x3] =	stream.linear.gather [hbm4b:s7+s3], $0x800, $0x38;
	[tilespmem:$0x18800] =	vst v63  }
0x14: {  	_ =	swait.ge [sflag:s12], $0x800  }
0x15: {  	[sflag:s12] =	ssyncset.done $0x0  }
0x16: {  	[sflag:s12] =	ssyncadd.s32 $0xFFFFF800  }
0x17: {  	v32 =	vld.idx.msk [tilespmem:v32+s13+$0x0], $0xffff;
	_ =	sdelay $0x4  }
0x18: {  	v33 =	vshll.u32 v32, $0x9;
	v32 =	vshll.u32 v32, $0x7  }
0x19: {  	v33 =	vand.u32 $0xFFFFF000, v33;
	v32 =	vand.u32 $0x380, v32  }
0x1a: {  	v38 =	vor.u32 v32, v33  }
0x1b: {  	v32 =	vor.u32 v0, v38;
	_ =	sdelay $0x4  }
0x1c: {  	v32 =	vld.idx.msk [tilespmem:v32+s3+$0x0], $0xffff  }
0x1d: {  	v33 =	vor.u32 v1, v38;
	_ =	sdelay $0x1  }
0x1e: {  	s0 =	sand.u32 $0x3000, s3;
	s19 =	sand.u32 $0x380, s3  }
0x1f: {  	s22 =	simm.s32 $0x1;
	s23 =	sor.u32 s19, s0  }
0x20: {  	v34 =	vmov s22;
	[tilespmem:s23+$0x10800] =	vst v32  }
0x21: {  	v32 =	vld.idx.msk [tilespmem:v33+s3+$0x0], $0xffff  }
0x22: {  	v57 =	vor.u32 v2, v38;
	_ =	sdelay $0x2  }
0x23: {  	v34 =	vld.idx.msk [tilespmem:v34+s13+$0x0], $0xffff  }
0x24: {  	[tilespmem:s23+$0x10810] =	vst v32  }
0x25: {  	v32 =	vld.idx.msk [tilespmem:v57+s3+$0x0], $0xffff  }
0x26: {  	v58 =	vor.u32 v3, v38;
	_ =	sdelay $0x1  }
0x27: {  	v59 =	vshll.u32 v34, $0x9;
	v34 =	vshll.u32 v34, $0x7  }
0x28: {  	v34 =	vand.u32 $0x380, v34;
	v33 =	vand.u32 $0xFFFFF000, v59  }
0x29: {  	v33 =	vor.u32 v34, v33;
	[tilespmem:s23+$0x10820] =	vst v32  }
0x2a: {  	v60 =	vor.u32 v0, v33;
	v32 =	vld.idx.msk [tilespmem:v58+s3+$0x0], $0xffff  }
0x2b: {  	v35 =	vor.u32 v4, v38;
	_ =	sdelay $0x3  }
0x2c: {  	[tilespmem:s23+$0x10830] =	vst v32;
	v32 =	vld.idx.msk [tilespmem:v60+s3+$0x0], $0xffff  }
0x2d: {  	v63 =	vor.u32 v1, v33;
	v61 =	vld.idx.msk [tilespmem:v35+s3+$0x0], $0xffff  }
0x2e: {  	s24 =	simm.s32 $0x80;
	s25 =	simm.s32 $0x200;
	v62 =	vor.u32 v5, v38  }
0x2f: {  	s19 =	sand.u32 $0x3000, s25;
	s0 =	sand.u32 $0x380, s24  }
0x30: {  	s20 =	sor.u32 s0, s19  }
0x31: {  	[tilespmem:s20+$0x10800] =	vst v32  }
0x32: {  	[tilespmem:s23+$0x10840] =	vst v61;
	v32 =	vld.idx.msk [tilespmem:v63+s3+$0x0], $0xffff  }
0x33: {  	v40 =	vor.u32 v2, v33;
	v35 =	vld.idx.msk [tilespmem:v62+s3+$0x0], $0xffff  }
0x34: {  	v36 =	vor.u32 v6, v38  }
0x35: {  	s26 =	simm.s32 $0x2  }
0x36: {  	v37 =	vmov s26  }
0x37: {  	[tilespmem:s20+$0x10810] =	vst v32  }
0x38: {  	[tilespmem:s23+$0x10850] =	vst v35;
	v32 =	vld.idx.msk [tilespmem:v40+s3+$0x0], $0xffff  }
0x39: {  	v42 =	vor.u32 v3, v33;
	v35 =	vld.idx.msk [tilespmem:v36+s3+$0x0], $0xffff  }
0x3a: {  	v41 =	vor.u32 v7, v38  }
0x3b: {  	v43 =	vld.idx.msk [tilespmem:v37+s13+$0x0], $0xffff;
	_ =	sdelay $0x1  }
0x3c: {  	[tilespmem:s20+$0x10820] =	vst v32  }
0x3d: {  	[tilespmem:s23+$0x10860] =	vst v35;
	v34 =	vld.idx.msk [tilespmem:v42+s3+$0x0], $0xffff  }
0x3e: {  	v45 =	vor.u32 v4, v33;
	v35 =	vld.idx.msk [tilespmem:v41+s3+$0x0], $0xffff  }
0x3f: {  	v46 =	vshll.u32 v43, $0x9;
	v44 =	vor.u32 v8, v38;
	v36 =	vshll.u32 v43, $0x7  }
0x40: {  	v36 =	vand.u32 $0x380, v36;
	v32 =	vand.u32 $0xFFFFF000, v46  }
0x41: {  	v32 =	vor.u32 v36, v32  }
0x42: {  	v47 =	vor.u32 v0, v32;
	[tilespmem:s20+$0x10830] =	vst v34  }
0x43: {  	[tilespmem:s23+$0x10870] =	vst v35;
	v35 =	vld.idx.msk [tilespmem:v45+s3+$0x0], $0xffff  }
0x44: {  	v48 =	vor.u32 v5, v33;
	v37 =	vld.idx.msk [tilespmem:v44+s3+$0x0], $0xffff  }
0x45: {  	v39 =	vor.u32 v9, v38;
	_ =	sdelay $0x1  }
0x46: {  	v34 =	vld.idx.msk [tilespmem:v47+s3+$0x0], $0xffff  }
0x47: {  	v50 =	vor.u32 v1, v32;
	[tilespmem:s20+$0x10840] =	vst v35  }
0x48: {  	s29 =	simm.s32 $0x100;
	s30 =	simm.s32 $0x400;
	[tilespmem:s23+$0x10C00] =	vst v37;
	v36 =	vld.idx.msk [tilespmem:v48+s3+$0x0], $0xffff  }
0x49: {  	s19 =	sand.u32 $0x3000, s30;
	s0 =	sand.u32 $0x380, s29;
	v51 =	vor.u32 v6, v33;
	v37 =	vld.idx.msk [tilespmem:v39+s3+$0x0], $0xffff  }
0x4a: {  	s19 =	sor.u32 s0, s19;
	v49 =	vor.u32 v10, v38  }
0x4b: {  	[tilespmem:s19+$0x10800] =	vst v34  }
0x4c: {  	v35 =	vld.idx.msk [tilespmem:v50+s3+$0x0], $0xffff  }
0x4d: {  	v53 =	vor.u32 v2, v32;
	[tilespmem:s20+$0x10850] =	vst v36  }
0x4e: {  	[tilespmem:s23+$0x10C10] =	vst v37;
	v37 =	vld.idx.msk [tilespmem:v51+s3+$0x0], $0xffff  }
0x4f: {  	v54 =	vor.u32 v7, v33;
	v39 =	vld.idx.msk [tilespmem:v49+s3+$0x0], $0xffff  }
0x50: {  	v52 =	vor.u32 v11, v38  }
0x51: {  	[tilespmem:s19+$0x10810] =	vst v35  }
0x52: {  	v36 =	vld.idx.msk [tilespmem:v53+s3+$0x0], $0xffff  }
0x53: {  	s31 =	simm.s32 $0x3;
	v56 =	vor.u32 v3, v32;
	[tilespmem:s20+$0x10860] =	vst v37  }
0x54: {  	v40 =	vmov s31;
	[tilespmem:s23+$0x10C20] =	vst v39;
	v39 =	vld.idx.msk [tilespmem:v54+s3+$0x0], $0xffff  }
0x55: {  	v57 =	vor.u32 v8, v33;
	v34 =	vld.idx.msk [tilespmem:v52+s3+$0x0], $0xffff  }
0x56: {  	v55 =	vor.u32 v12, v38  }
0x57: {  	[tilespmem:s19+$0x10820] =	vst v36  }
0x58: {  	v37 =	vld.idx.msk [tilespmem:v56+s3+$0x0], $0xffff  }
0x59: {  	v40 =	vld.idx.msk [tilespmem:v40+s13+$0x0], $0xffff;
	v59 =	vor.u32 v4, v32;
	[tilespmem:s20+$0x10870] =	vst v39  }
0x5a: {  	[tilespmem:s23+$0x10C30] =	vst v34;
	v41 =	vld.idx.msk [tilespmem:v57+s3+$0x0], $0xffff  }
0x5b: {  	v62 =	vor.u32 v9, v33;
	v35 =	vld.idx.msk [tilespmem:v55+s3+$0x0], $0xffff  }
0x5c: {  	v58 =	vor.u32 v13, v38  }
0x5d: {  	[tilespmem:s19+$0x10830] =	vst v37  }
0x5e: {  	v39 =	vld.idx.msk [tilespmem:v59+s3+$0x0], $0xffff  }
0x5f: {  	v45 =	vor.u32 v5, v32;
	[tilespmem:s20+$0x10C00] =	vst v41  }
0x60: {  	v60 =	vshll.u32 v40, $0x9;
	v61 =	vshll.u32 v40, $0x7;
	[tilespmem:s23+$0x10C40] =	vst v35;
	v40 =	vld.idx.msk [tilespmem:v62+s3+$0x0], $0xffff  }
0x61: {  	v46 =	vor.u32 v10, v33;
	v34 =	vand.u32 $0xFFFFF000, v60;
	v35 =	vand.u32 $0x380, v61;
	v36 =	vld.idx.msk [tilespmem:v58+s3+$0x0], $0xffff  }
0x62: {  	v63 =	vor.u32 v14, v38;
	v34 =	vor.u32 v35, v34  }
0x63: {  	[tilespmem:s19+$0x10840] =	vst v39;
	v44 =	vor.u32 v0, v34  }
0x64: {  	v41 =	vld.idx.msk [tilespmem:v45+s3+$0x0], $0xffff  }
0x65: {  	v48 =	vor.u32 v6, v32;
	[tilespmem:s20+$0x10C10] =	vst v40  }
0x66: {  	[tilespmem:s23+$0x10C50] =	vst v36;
	v36 =	vld.idx.msk [tilespmem:v46+s3+$0x0], $0xffff  }
0x67: {  	v49 =	vor.u32 v11, v33;
	v35 =	vld.idx.msk [tilespmem:v63+s3+$0x0], $0xffff  }
0x68: {  	v47 =	vor.u32 v15, v38;
	v37 =	vld.idx.msk [tilespmem:v44+s3+$0x0], $0xffff  }
0x69: {  	v42 =	vor.u32 v1, v34;
	[tilespmem:s19+$0x10850] =	vst v41  }
0x6a: {  	s1 =	simm.s32 $0x180;
	s21 =	simm.s32 $0x600;
	v40 =	vld.idx.msk [tilespmem:v48+s3+$0x0], $0xffff  }
0x6b: {  	s21 =	sand.u32 $0x3000, s21;
	s22 =	simm.s32 $0x4;
	s0 =	sand.u32 $0x380, s1;
	v54 =	vor.u32 v7, v32;
	[tilespmem:s20+$0x10C20] =	vst v36  }
0x6c: {  	s21 =	sor.u32 s0, s21;
	v43 =	vmov s22;
	[tilespmem:s23+$0x10C60] =	vst v35;
	v35 =	vld.idx.msk [tilespmem:v49+s3+$0x0], $0xffff  }
0x6d: {  	v55 =	vor.u32 v12, v33;
	[tilespmem:s21+$0x10800] =	vst v37;
	v50 =	vld.idx.msk [tilespmem:v47+s3+$0x0], $0xffff  }
0x6e: {  	v52 =	vor.u32 v16, v38;
	v51 =	vld.idx.msk [tilespmem:v42+s3+$0x0], $0xffff  }
0x6f: {  	v53 =	vor.u32 v2, v34;
	[tilespmem:s19+$0x10860] =	vst v40  }
0x70: {  	v36 =	vld.idx.msk [tilespmem:v54+s3+$0x0], $0xffff  }
0x71: {  	v43 =	vld.idx.msk [tilespmem:v43+s13+$0x0], $0xffff;
	v60 =	vor.u32 v8, v32;
	[tilespmem:s20+$0x10C30] =	vst v35  }
0x72: {  	[tilespmem:s23+$0x10C70] =	vst v50;
	v37 =	vld.idx.msk [tilespmem:v55+s3+$0x0], $0xffff  }
0x73: {  	v61 =	vor.u32 v13, v33;
	[tilespmem:s21+$0x10810] =	vst v51;
	v56 =	vld.idx.msk [tilespmem:v52+s3+$0x0], $0xffff  }
0x74: {  	v58 =	vor.u32 v17, v38;
	v57 =	vld.idx.msk [tilespmem:v53+s3+$0x0], $0xffff  }
0x75: {  	v59 =	vor.u32 v3, v34;
	[tilespmem:s19+$0x10870] =	vst v36  }
0x76: {  	v44 =	vld.idx.msk [tilespmem:v60+s3+$0x0], $0xffff  }
0x77: {  	v48 =	vor.u32 v9, v32;
	[tilespmem:s20+$0x10C40] =	vst v37  }
0x78: {  	[tilespmem:s23+$0x11000] =	vst v56;
	v39 =	vld.idx.msk [tilespmem:v61+s3+$0x0], $0xffff  }
0x79: {  	v46 =	vshll.u32 v43, $0x9;
	v49 =	vor.u32 v14, v33;
	v47 =	vshll.u32 v43, $0x7;
	[tilespmem:s21+$0x10820] =	vst v57;
	v40 =	vld.idx.msk [tilespmem:v58+s3+$0x0], $0xffff  }
0x7a: {  	v62 =	vor.u32 v18, v38;
	v35 =	vand.u32 $0xFFFFF000, v46;
	v37 =	vand.u32 $0x380, v47;
	v41 =	vld.idx.msk [tilespmem:v59+s3+$0x0], $0xffff  }
0x7b: {  	v63 =	vor.u32 v4, v34;
	[tilespmem:s19+$0x10C00] =	vst v44;
	v35 =	vor.u32 v37, v35  }
0x7c: {  	v43 =	vld.idx.msk [tilespmem:v48+s3+$0x0], $0xffff;
	v50 =	vor.u32 v0, v35  }
0x7d: {  	v53 =	vor.u32 v10, v32;
	[tilespmem:s20+$0x10C50] =	vst v39  }
0x7e: {  	[tilespmem:s23+$0x11010] =	vst v40;
	v37 =	vld.idx.msk [tilespmem:v49+s3+$0x0], $0xffff  }
0x7f: {  	v54 =	vor.u32 v15, v33;
	[tilespmem:s21+$0x10830] =	vst v41;
	v36 =	vld.idx.msk [tilespmem:v62+s3+$0x0], $0xffff  }
0x80: {  	v51 =	vor.u32 v19, v38;
	v41 =	vld.idx.msk [tilespmem:v63+s3+$0x0], $0xffff  }
0x81: {  	v52 =	vor.u32 v5, v34;
	[tilespmem:s19+$0x10C10] =	vst v43;
	v40 =	vld.idx.msk [tilespmem:v50+s3+$0x0], $0xffff  }
0x82: {  	s24 =	simm.s32 $0x200;
	v56 =	vor.u32 v1, v35;
	v39 =	vld.idx.msk [tilespmem:v53+s3+$0x0], $0xffff  }
0x83: {  	s0 =	sand.u32 $0x380, s24;
	s24 =	simm.s32 $0x5;
	s22 =	simm.s32 $0x800;
	v58 =	vor.u32 v11, v32;
	[tilespmem:s20+$0x10C60] =	vst v37  }
0x84: {  	s22 =	sand.u32 $0x3000, s22;
	v46 =	vmov s24;
	[tilespmem:s23+$0x11020] =	vst v36;
	v36 =	vld.idx.msk [tilespmem:v54+s3+$0x0], $0xffff  }
0x85: {  	s22 =	sor.u32 s0, s22;
	v59 =	vor.u32 v16, v33;
	[tilespmem:s21+$0x10840] =	vst v41;
	v55 =	vld.idx.msk [tilespmem:v51+s3+$0x0], $0xffff  }
0x86: {  	v57 =	vor.u32 v20, v38;
	[tilespmem:s22+$0x10800] =	vst v40;
	v44 =	vld.idx.msk [tilespmem:v52+s3+$0x0], $0xffff  }
0x87: {  	v45 =	vor.u32 v6, v34;
	[tilespmem:s19+$0x10C20] =	vst v39;
	v40 =	vld.idx.msk [tilespmem:v56+s3+$0x0], $0xffff  }
0x88: {  	v61 =	vor.u32 v2, v35;
	v37 =	vld.idx.msk [tilespmem:v58+s3+$0x0], $0xffff  }
0x89: {  	v46 =	vld.idx.msk [tilespmem:v46+s13+$0x0], $0xffff;
	v48 =	vor.u32 v12, v32;
	[tilespmem:s20+$0x10C70] =	vst v36  }
0x8a: {  	[tilespmem:s23+$0x11030] =	vst v55;
	v49 =	vld.idx.msk [tilespmem:v59+s3+$0x0], $0xffff  }
0x8b: {  	v51 =	vor.u32 v17, v33;
	[tilespmem:s21+$0x10850] =	vst v44;
	v60 =	vld.idx.msk [tilespmem:v57+s3+$0x0], $0xffff  }
0x8c: {  	v62 =	vor.u32 v21, v38;
	[tilespmem:s22+$0x10810] =	vst v40;
	v44 =	vld.idx.msk [tilespmem:v45+s3+$0x0], $0xffff  }
0x8d: {  	v63 =	vor.u32 v7, v34;
	[tilespmem:s19+$0x10C30] =	vst v37;
	v50 =	vld.idx.msk [tilespmem:v61+s3+$0x0], $0xffff  }
0x8e: {  	v52 =	vor.u32 v3, v35;
	v36 =	vld.idx.msk [tilespmem:v48+s3+$0x0], $0xffff  }
0x8f: {  	s25 =	simm.s32 $0x6;
	v55 =	vor.u32 v13, v32;
	[tilespmem:s20+$0x11000] =	vst v49  }
0x90: {  	v57 =	vmov s25;
	[tilespmem:s23+$0x11040] =	vst v60;
	v56 =	vld.idx.msk [tilespmem:v51+s3+$0x0], $0xffff  }
0x91: {  	v58 =	vor.u32 v18, v33;
	[tilespmem:s21+$0x10860] =	vst v44;
	v39 =	vld.idx.msk [tilespmem:v62+s3+$0x0], $0xffff  }
0x92: {  	v53 =	vor.u32 v22, v38;
	[tilespmem:s22+$0x10820] =	vst v50;
	v44 =	vld.idx.msk [tilespmem:v63+s3+$0x0], $0xffff  }
0x93: {  	v54 =	vor.u32 v8, v34;
	[tilespmem:s19+$0x10C40] =	vst v36;
	v43 =	vld.idx.msk [tilespmem:v52+s3+$0x0], $0xffff;
	v60 =	vshll.u32 v46, $0x9;
	v46 =	vshll.u32 v46, $0x7  }
0x94: {  	v59 =	vor.u32 v4, v35;
	v40 =	vld.idx.msk [tilespmem:v55+s3+$0x0], $0xffff;
	v36 =	vand.u32 $0xFFFFF000, v60;
	v46 =	vand.u32 $0x380, v46  }
0x95: {  	v61 =	vor.u32 v14, v32;
	v42 =	vld.idx.msk [tilespmem:v57+s13+$0x0], $0xffff;
	v36 =	vor.u32 v46, v36;
	[tilespmem:s20+$0x11010] =	vst v56  }
0x96: {  	v62 =	vor.u32 v0, v36;
	[tilespmem:s23+$0x11050] =	vst v39;
	v39 =	vld.idx.msk [tilespmem:v58+s3+$0x0], $0xffff  }
0x97: {  	v63 =	vor.u32 v19, v33;
	[tilespmem:s21+$0x10870] =	vst v44;
	v37 =	vld.idx.msk [tilespmem:v53+s3+$0x0], $0xffff  }
0x98: {  	v47 =	vor.u32 v23, v38;
	[tilespmem:s22+$0x10830] =	vst v43;
	v45 =	vld.idx.msk [tilespmem:v54+s3+$0x0], $0xffff  }
0x99: {  	v48 =	vor.u32 v9, v34;
	[tilespmem:s19+$0x10C50] =	vst v40;
	v44 =	vld.idx.msk [tilespmem:v59+s3+$0x0], $0xffff  }
0x9a: {  	v41 =	vld.idx.msk [tilespmem:v61+s3+$0x0], $0xffff;
	v53 =	vor.u32 v5, v35  }
0x9b: {  	v57 =	vor.u32 v15, v32;
	v43 =	vld.idx.msk [tilespmem:v62+s3+$0x0], $0xffff;
	[tilespmem:s20+$0x11020] =	vst v39  }
0x9c: {  	v58 =	vor.u32 v1, v36;
	[tilespmem:s23+$0x11060] =	vst v37;
	v37 =	vld.idx.msk [tilespmem:v63+s3+$0x0], $0xffff  }
0x9d: {  	s26 =	simm.s32 $0x280;
	s29 =	simm.s32 $0xA00;
	v59 =	vor.u32 v20, v33;
	[tilespmem:s21+$0x10C00] =	vst v45;
	v52 =	vld.idx.msk [tilespmem:v47+s3+$0x0], $0xffff  }
0x9e: {  	s0 =	sand.u32 $0x380, s26;
	s24 =	sand.u32 $0x3000, s29;
	v55 =	vor.u32 v24, v38;
	[tilespmem:s22+$0x10840] =	vst v44;
	v54 =	vld.idx.msk [tilespmem:v48+s3+$0x0], $0xffff  }
0x9f: {  	s24 =	sor.u32 s0, s24;
	v56 =	vor.u32 v10, v34;
	[tilespmem:s19+$0x10C60] =	vst v41;
	v46 =	vld.idx.msk [tilespmem:v53+s3+$0x0], $0xffff  }
0xa0: {  	v60 =	vor.u32 v6, v35;
	v39 =	vld.idx.msk [tilespmem:v57+s3+$0x0], $0xffff;
	[tilespmem:s24+$0x10800] =	vst v43  }
0xa1: {  	v63 =	vor.u32 v16, v32;
	v44 =	vld.idx.msk [tilespmem:v58+s3+$0x0], $0xffff;
	[tilespmem:s20+$0x11030] =	vst v37  }
0xa2: {  	[tilespmem:s23+$0x11070] =	vst v52;
	v45 =	vld.idx.msk [tilespmem:v59+s3+$0x0], $0xffff;
	v52 =	vor.u32 v2, v36  }
0xa3: {  	v53 =	vor.u32 v21, v33;
	[tilespmem:s21+$0x10C10] =	vst v54;
	v40 =	vld.idx.msk [tilespmem:v55+s3+$0x0], $0xffff  }
0xa4: {  	v61 =	vor.u32 v25, v38;
	[tilespmem:s22+$0x10850] =	vst v46;
	v48 =	vld.idx.msk [tilespmem:v56+s3+$0x0], $0xffff  }
0xa5: {  	v62 =	vor.u32 v11, v34;
	[tilespmem:s19+$0x10C70] =	vst v39;
	v47 =	vld.idx.msk [tilespmem:v60+s3+$0x0], $0xffff  }
0xa6: {  	v54 =	vor.u32 v7, v35;
	v37 =	vld.idx.msk [tilespmem:v63+s3+$0x0], $0xffff;
	[tilespmem:s24+$0x10810] =	vst v44  }
0xa7: {  	v57 =	vor.u32 v17, v32;
	v46 =	vld.idx.msk [tilespmem:v52+s3+$0x0], $0xffff;
	[tilespmem:s20+$0x11040] =	vst v45  }
0xa8: {  	v58 =	vor.u32 v3, v36;
	[tilespmem:s23+$0x11400] =	vst v40;
	v40 =	vld.idx.msk [tilespmem:v53+s3+$0x0], $0xffff  }
0xa9: {  	v59 =	vor.u32 v22, v33;
	[tilespmem:s21+$0x10C20] =	vst v48;
	v41 =	vld.idx.msk [tilespmem:v61+s3+$0x0], $0xffff  }
0xaa: {  	v55 =	vor.u32 v26, v38;
	[tilespmem:s22+$0x10860] =	vst v47;
	v43 =	vld.idx.msk [tilespmem:v62+s3+$0x0], $0xffff  }
0xab: {  	v56 =	vor.u32 v12, v34;
	[tilespmem:s19+$0x11000] =	vst v37;
	v48 =	vld.idx.msk [tilespmem:v54+s3+$0x0], $0xffff  }
0xac: {  	v60 =	vor.u32 v8, v35;
	v45 =	vld.idx.msk [tilespmem:v57+s3+$0x0], $0xffff;
	[tilespmem:s24+$0x10820] =	vst v46  }
0xad: {  	v63 =	vor.u32 v18, v32;
	v47 =	vld.idx.msk [tilespmem:v58+s3+$0x0], $0xffff;
	[tilespmem:s20+$0x11050] =	vst v40  }
0xae: {  	s30 =	simm.s32 $0x7;
	v54 =	vor.u32 v4, v36;
	[tilespmem:s23+$0x11410] =	vst v41;
	v41 =	vld.idx.msk [tilespmem:v59+s3+$0x0], $0xffff  }
0xaf: {  	v49 =	vmov s30;
	[tilespmem:s21+$0x10C30] =	vst v43;
	v39 =	vld.idx.msk [tilespmem:v55+s3+$0x0], $0xffff  }
0xb0: {  	v61 =	vor.u32 v27, v38;
	[tilespmem:s22+$0x10870] =	vst v48;
	v44 =	vld.idx.msk [tilespmem:v56+s3+$0x0], $0xffff  }
0xb1: {  	v62 =	vor.u32 v13, v34;
	[tilespmem:s19+$0x11010] =	vst v45;
	v43 =	vld.idx.msk [tilespmem:v60+s3+$0x0], $0xffff  }
0xb2: {  	v51 =	vor.u32 v9, v35;
	v40 =	vld.idx.msk [tilespmem:v63+s3+$0x0], $0xffff;
	v56 =	vshll.u32 v42, $0x9;
	v42 =	vshll.u32 v42, $0x7;
	[tilespmem:s24+$0x10830] =	vst v47  }
0xb3: {  	v60 =	vor.u32 v19, v32;
	v37 =	vand.u32 $0xFFFFF000, v56;
	v42 =	vand.u32 $0x380, v42;
	v48 =	vld.idx.msk [tilespmem:v54+s3+$0x0], $0xffff  }
0xb4: {  	v55 =	vor.u32 v23, v33;
	v37 =	vor.u32 v42, v37;
	[tilespmem:s23+$0x11420] =	vst v39;
	v39 =	vld.idx.msk [tilespmem:v49+s13+$0x0], $0xffff  }
0xb5: {  	v59 =	vor.u32 v0, v37;
	[tilespmem:s21+$0x10C40] =	vst v44;
	v50 =	vld.idx.msk [tilespmem:v61+s3+$0x0], $0xffff  }
0xb6: {  	v57 =	vor.u32 v28, v38;
	[tilespmem:s22+$0x10C00] =	vst v43;
	v46 =	vld.idx.msk [tilespmem:v62+s3+$0x0], $0xffff  }
0xb7: {  	v58 =	vor.u32 v14, v34;
	[tilespmem:s19+$0x11020] =	vst v40;
	v63 =	vld.idx.msk [tilespmem:v51+s3+$0x0], $0xffff  }
0xb8: {  	[tilespmem:s20+$0x11060] =	vst v41;
	v41 =	vld.idx.msk [tilespmem:v60+s3+$0x0], $0xffff;
	v62 =	vor.u32 v5, v36  }
0xb9: {  	v61 =	vld.idx.msk [tilespmem:v55+s3+$0x0], $0xffff;
	v55 =	vor.u32 v10, v35  }
0xba: {  	v54 =	vor.u32 v24, v33;
	v47 =	vld.idx.msk [tilespmem:v59+s3+$0x0], $0xffff;
	[tilespmem:s23+$0x11430] =	vst v50  }
0xbb: {  	v59 =	vor.u32 v20, v32;
	[tilespmem:s21+$0x10C50] =	vst v46;
	v45 =	vld.idx.msk [tilespmem:v57+s3+$0x0], $0xffff  }
0xbc: {  	[tilespmem:s24+$0x10840] =	vst v48;
	v42 =	vld.idx.msk [tilespmem:v58+s3+$0x0], $0xffff;
	v58 =	vor.u32 v1, v37  }
0xbd: {  	s28 =	simm.s32 $0xC00;
	s26 =	simm.s32 $0x300;
	v56 =	vor.u32 v29, v38;
	[tilespmem:s22+$0x10C10] =	vst v63;
	v44 =	vld.idx.msk [tilespmem:v62+s3+$0x0], $0xffff  }
0xbe: {  	s31 =	sand.u32 $0x3000, s28;
	s25 =	sand.u32 $0x380, s26;
	[tilespmem:s20+$0x11070] =	vst v61;
	v50 =	vld.idx.msk [tilespmem:v55+s3+$0x0], $0xffff;
	v57 =	vor.u32 v15, v34  }
0xbf: {  	s25 =	sor.u32 s25, s31;
	v60 =	vor.u32 v6, v36;
	[tilespmem:s19+$0x11030] =	vst v41;
	v46 =	vld.idx.msk [tilespmem:v54+s3+$0x0], $0xffff  }
0xc0: {  	v62 =	vor.u32 v11, v35;
	[tilespmem:s25+$0x10800] =	vst v47;
	v54 =	vld.idx.msk [tilespmem:v59+s3+$0x0], $0xffff  }
0xc1: {  	v61 =	vor.u32 v25, v33;
	[tilespmem:s23+$0x11440] =	vst v45;
	v51 =	vld.idx.msk [tilespmem:v58+s3+$0x0], $0xffff  }
0xc2: {  	v63 =	vor.u32 v2, v37;
	[tilespmem:s21+$0x10C60] =	vst v42;
	v40 =	vld.idx.msk [tilespmem:v56+s3+$0x0], $0xffff  }
0xc3: {  	v52 =	vor.u32 v30, v38;
	[tilespmem:s24+$0x10850] =	vst v44;
	v48 =	vld.idx.msk [tilespmem:v57+s3+$0x0], $0xffff  }
0xc4: {  	v53 =	vor.u32 v16, v34;
	[tilespmem:s22+$0x10C20] =	vst v50;
	v47 =	vld.idx.msk [tilespmem:v60+s3+$0x0], $0xffff  }
0xc5: {  	v50 =	vor.u32 v21, v32;
	[tilespmem:s20+$0x11400] =	vst v46;
	v41 =	vld.idx.msk [tilespmem:v62+s3+$0x0], $0xffff  }
0xc6: {  	v49 =	vor.u32 v7, v36;
	v44 =	vld.idx.msk [tilespmem:v61+s3+$0x0], $0xffff;
	[tilespmem:s25+$0x10810] =	vst v51  }
0xc7: {  	v45 =	vor.u32 v26, v33;
	[tilespmem:s23+$0x11450] =	vst v40;
	v43 =	vld.idx.msk [tilespmem:v63+s3+$0x0], $0xffff  }
0xc8: {  	v46 =	vor.u32 v12, v35;
	[tilespmem:s21+$0x10C70] =	vst v48;
	v40 =	vld.idx.msk [tilespmem:v52+s3+$0x0], $0xffff  }
0xc9: {  	s0 =	simm.s32 $0x8;
	[tilespmem:s19+$0x11040] =	vst v54;
	v48 =	vor.u32 v31, v38;
	v42 =	vld.idx.msk [tilespmem:v53+s3+$0x0], $0xffff  }
.LBB2_2:
0xca: {  	p0 =	sne.s32 s0, $0x1F;
	[tilespmem:s24+$0x10860] =	vst v47;
	v47 =	vor.u32 v17, v34;
	v50 =	vld.idx.msk [tilespmem:v50+s3+$0x0], $0xffff;
	v38 =	vmovc v35;
	v35 =	vmov v36;
	v36 =	vmov v37  }
0xcb: {  	v37 =	vor.u32 v3, v36;
	v49 =	vld.idx.msk [tilespmem:v49+s3+$0x0], $0xffff;
	[tilespmem:s20+$0x11410] =	vst v44  }
0xcc: {  	[tilespmem:s22+$0x10C30] =	vst v41;
	v41 =	vor.u32 v22, v32;
	v44 =	vld.idx.msk [tilespmem:v45+s3+$0x0], $0xffff  }
0xcd: {  	v45 =	vor.u32 v8, v35;
	v46 =	vld.idx.msk [tilespmem:v46+s3+$0x0], $0xffff;
	[tilespmem:s23+$0x11460] =	vst v40  }
0xce: {  	v40 =	vor.u32 v27, v33;
	[tilespmem:s21+$0x11000] =	vst v42;
	v42 =	vld.idx.msk [tilespmem:v48+s3+$0x0], $0xffff  }
0xcf: {  	[tilespmem:s25+$0x10820] =	vst v43;
	v43 =	vor.u32 v13, v38;
	v47 =	vld.idx.msk [tilespmem:v47+s3+$0x0], $0xffff  }
0xd0: {  	v48 =	vmov s0;
	v51 =	vld.idx.msk [tilespmem:v37+s3+$0x0], $0xffff;
	[tilespmem:s19+$0x11050] =	vst v50  }
0xd1: {  	[tilespmem:s24+$0x10870] =	vst v49;
	v49 =	vor.u32 v18, v34;
	v41 =	vld.idx.msk [tilespmem:v41+s3+$0x0], $0xffff  }
0xd2: {  	v50 =	vor.u32 v4, v36;
	v45 =	vld.idx.msk [tilespmem:v45+s3+$0x0], $0xffff;
	[tilespmem:s20+$0x11420] =	vst v44  }
0xd3: {  	v44 =	vor.u32 v23, v32;
	[tilespmem:s22+$0x10C40] =	vst v46;
	v40 =	vld.idx.msk [tilespmem:v40+s3+$0x0], $0xffff  }
0xd4: {  	v52 =	vor.u32 v9, v35;
	v37 =	vshll.u32 v39, $0x9;
	v46 =	vshll.u32 v39, $0x7;
	v43 =	vld.idx.msk [tilespmem:v43+s3+$0x0], $0xffff;
	[tilespmem:s23+$0x11470] =	vst v42;
	s23 =	smov.u32 s20;
	s20 =	smov.u32 s19;
	s19 =	smov.u32 s21  }
0xd5: {  	v37 =	vand.u32 $0xFFFFF000, v37;
	v42 =	vand.u32 $0x380, v46;
	v46 =	vor.u32 v28, v33;
	s21 =	smov.u32 s22;
	s22 =	smov.u32 s24;
	s24 =	smov.u32 s25;
	v39 =	vld.idx.msk [tilespmem:v48+s13+$0x0], $0xffff;
	[tilespmem:s19+$0x11010] =	vst v47  }
0xd6: {  	v37 =	vor.u32 v42, v37;
	v42 =	vor.u32 v14, v38;
	[tilespmem:s24+$0x10830] =	vst v51;
	v47 =	vld.idx.msk [tilespmem:v49+s3+$0x0], $0xffff  }
0xd7: {  	v48 =	vor.u32 v0, v37;
	v49 =	vld.idx.msk [tilespmem:v50+s3+$0x0], $0xffff;
	[tilespmem:s20+$0x11060] =	vst v41  }
0xd8: {  	v41 =	vor.u32 v19, v34;
	[tilespmem:s22+$0x10C00] =	vst v45;
	v44 =	vld.idx.msk [tilespmem:v44+s3+$0x0], $0xffff  }
0xd9: {  	v45 =	vor.u32 v5, v36;
	v50 =	vld.idx.msk [tilespmem:v52+s3+$0x0], $0xffff;
	[tilespmem:s23+$0x11430] =	vst v40  }
0xda: {  	v40 =	vor.u32 v24, v32;
	[tilespmem:s21+$0x10C50] =	vst v43;
	v43 =	vld.idx.msk [tilespmem:v46+s3+$0x0], $0xffff  }
0xdb: {  	v46 =	vor.u32 v10, v35;
	v42 =	vld.idx.msk [tilespmem:v42+s3+$0x0], $0xffff  }
0xdc: {  	v48 =	vld.idx.msk [tilespmem:v48+s3+$0x0], $0xffff;
	[tilespmem:s19+$0x11020] =	vst v47;
	v47 =	vor.u32 v29, v33  }
0xdd: {  	[tilespmem:s24+$0x10840] =	vst v49;
	v49 =	vor.u32 v15, v38;
	v41 =	vld.idx.msk [tilespmem:v41+s3+$0x0], $0xffff  }
0xde: {  	v51 =	vor.u32 v1, v37;
	v45 =	vld.idx.msk [tilespmem:v45+s3+$0x0], $0xffff;
	[tilespmem:s20+$0x11070] =	vst v44  }
0xdf: {  	s26 =	sadd.s32 $0x80, s26;
	s28 =	sadd.s32 $0x200, s28;
	v44 =	vor.u32 v20, v34;
	[tilespmem:s22+$0x10C10] =	vst v50;
	v40 =	vld.idx.msk [tilespmem:v40+s3+$0x0], $0xffff  }
0xe0: {  	s29 =	sand.u32 $0x380, s26;
	s25 =	sand.u32 $0x3000, s28;
	v50 =	vor.u32 v6, v36;
	v46 =	vld.idx.msk [tilespmem:v46+s3+$0x0], $0xffff;
	[tilespmem:s23+$0x11440] =	vst v43  }
0xe1: {  	s25 =	sor.u32 s29, s25;
	[tilespmem:s21+$0x10C60] =	vst v42;
	v42 =	vor.u32 v25, v32;
	v43 =	vld.idx.msk [tilespmem:v47+s3+$0x0], $0xffff  }
0xe2: {  	[tilespmem:s25+$0x10800] =	vst v48;
	v48 =	vor.u32 v11, v35;
	v52 =	vld.idx.msk [tilespmem:v49+s3+$0x0], $0xffff  }
0xe3: {  	v53 =	vor.u32 v30, v33;
	v51 =	vld.idx.msk [tilespmem:v51+s3+$0x0], $0xffff;
	[tilespmem:s19+$0x11030] =	vst v41  }
0xe4: {  	v54 =	vor.u32 v16, v38;
	[tilespmem:s24+$0x10850] =	vst v45;
	v55 =	vld.idx.msk [tilespmem:v44+s3+$0x0], $0xffff  }
0xe5: {  	v56 =	vor.u32 v2, v37;
	v47 =	vld.idx.msk [tilespmem:v50+s3+$0x0], $0xffff;
	[tilespmem:s20+$0x11400] =	vst v40  }
.Ltmp0:
0xe6: {  	v50 =	vor.u32 v21, v34;
	[tilespmem:s22+$0x10C20] =	vst v46;
	v44 =	vld.idx.msk [tilespmem:v42+s3+$0x0], $0xffff;
	(pc) =	sbr.rel @p0 .LBB2_2-.Ltmp0, $4  }
0xe7: {  	v49 =	vor.u32 v7, v36;
	v41 =	vld.idx.msk [tilespmem:v48+s3+$0x0], $0xffff;
	[tilespmem:s23+$0x11450] =	vst v43  }
0xe8: {  	v45 =	vor.u32 v26, v32;
	[tilespmem:s21+$0x10C70] =	vst v52;
	v40 =	vld.idx.msk [tilespmem:v53+s3+$0x0], $0xffff  }
0xe9: {  	v46 =	vor.u32 v12, v35;
	[tilespmem:s25+$0x10810] =	vst v51;
	v42 =	vld.idx.msk [tilespmem:v54+s3+$0x0], $0xffff  }
0xea: {  	s0 =	sadd.s32 $0x1, s0;
	v48 =	vor.u32 v31, v33;
	v33 =	vmovc v32;
	v32 =	vmov v34;
	v34 =	vmov v38;
	v43 =	vld.idx.msk [tilespmem:v56+s3+$0x0], $0xffff;
	[tilespmem:s19+$0x11040] =	vst v55  }
0xeb: {  	_ =	sdelay $0x2  }
0xec: {  	[tilespmem:s24+$0x10860] =	vst v47  }
0xed: {  	v59 =	vor.u32 v17, v34;
	v50 =	vld.idx.msk [tilespmem:v50+s3+$0x0], $0xffff;
	[tilespmem:s20+$0x11410] =	vst v44;
	v38 =	vshll.u32 v39, $0x9;
	v60 =	vshll.u32 v39, $0x7  }
0xee: {  	v61 =	vor.u32 v3, v37;
	v49 =	vld.idx.msk [tilespmem:v49+s3+$0x0], $0xffff;
	[tilespmem:s22+$0x10C30] =	vst v41;
	v38 =	vand.u32 $0xFFFFF000, v38;
	v39 =	vand.u32 $0x380, v60  }
0xef: {  	v51 =	vor.u32 v22, v32;
	v41 =	vld.idx.msk [tilespmem:v45+s3+$0x0], $0xffff;
	[tilespmem:s23+$0x11460] =	vst v40;
	v38 =	vor.u32 v39, v38  }
0xf0: {  	v45 =	vld.idx.msk [tilespmem:v46+s3+$0x0], $0xffff;
	[tilespmem:s21+$0x11000] =	vst v42;
	v62 =	vor.u32 v0, v38  }
0xf1: {  	v42 =	vld.idx.msk [tilespmem:v48+s3+$0x0], $0xffff;
	[tilespmem:s25+$0x10820] =	vst v43  }
0xf2: {  	v39 =	vld.idx.msk [tilespmem:v59+s3+$0x0], $0xffff;
	[tilespmem:s19+$0x11050] =	vst v50  }
0xf3: {  	v43 =	vld.idx.msk [tilespmem:v61+s3+$0x0], $0xffff;
	[tilespmem:s24+$0x10870] =	vst v49  }
0xf4: {  	v40 =	vld.idx.msk [tilespmem:v51+s3+$0x0], $0xffff  }
0xf5: {  	v63 =	vld.idx.msk [tilespmem:v62+s3+$0x0], $0xffff  }
0xf6: {  	v48 =	vor.u32 v1, v38  }
0xf7: {  	s0 =	sadd.s32 $0x80, s26;
	s31 =	sadd.s32 $0x200, s28  }
0xf8: {  	s26 =	sand.u32 $0x3000, s31;
	s0 =	sand.u32 $0x380, s0  }
0xf9: {  	s26 =	sor.u32 s0, s26  }
0xfa: {  	[tilespmem:s26+$0x10800] =	vst v63  }
0xfb: {  	v44 =	vld.idx.msk [tilespmem:v48+s3+$0x0], $0xffff  }
0xfc: {  	v49 =	vor.u32 v2, v38;
	_ =	sdelay $0x3  }
0xfd: {  	[tilespmem:s26+$0x10810] =	vst v44  }
0xfe: {  	v44 =	vld.idx.msk [tilespmem:v49+s3+$0x0], $0xffff  }
0xff: {  	v50 =	vor.u32 v3, v38;
	_ =	sdelay $0x3  }
0x100: {  	[tilespmem:s26+$0x10820] =	vst v44  }
0x101: {  	v51 =	vor.u32 v4, v37;
	v46 =	vld.idx.msk [tilespmem:v50+s3+$0x0], $0xffff  }
0x102: {  	v52 =	vor.u32 v4, v38;
	_ =	sdelay $0x2  }
0x103: {  	[tilespmem:s25+$0x10830] =	vst v43  }
0x104: {  	v43 =	vld.idx.msk [tilespmem:v51+s3+$0x0], $0xffff;
	[tilespmem:s26+$0x10830] =	vst v46  }
0x105: {  	v53 =	vor.u32 v5, v37;
	v46 =	vld.idx.msk [tilespmem:v52+s3+$0x0], $0xffff  }
0x106: {  	v54 =	vor.u32 v5, v38;
	_ =	sdelay $0x2  }
0x107: {  	[tilespmem:s25+$0x10840] =	vst v43  }
0x108: {  	v43 =	vld.idx.msk [tilespmem:v53+s3+$0x0], $0xffff;
	[tilespmem:s26+$0x10840] =	vst v46  }
0x109: {  	v55 =	vor.u32 v6, v37;
	v46 =	vld.idx.msk [tilespmem:v54+s3+$0x0], $0xffff  }
0x10a: {  	v56 =	vor.u32 v6, v38;
	_ =	sdelay $0x2  }
0x10b: {  	[tilespmem:s25+$0x10850] =	vst v43  }
0x10c: {  	v43 =	vld.idx.msk [tilespmem:v55+s3+$0x0], $0xffff;
	[tilespmem:s26+$0x10850] =	vst v46  }
0x10d: {  	v57 =	vor.u32 v7, v37;
	v46 =	vld.idx.msk [tilespmem:v56+s3+$0x0], $0xffff  }
0x10e: {  	v58 =	vor.u32 v7, v38;
	_ =	sdelay $0x2  }
0x10f: {  	[tilespmem:s25+$0x10860] =	vst v43  }
0x110: {  	v59 =	vor.u32 v8, v36;
	v44 =	vld.idx.msk [tilespmem:v57+s3+$0x0], $0xffff;
	[tilespmem:s26+$0x10860] =	vst v46  }
0x111: {  	v60 =	vor.u32 v8, v37;
	v47 =	vld.idx.msk [tilespmem:v58+s3+$0x0], $0xffff  }
0x112: {  	v61 =	vor.u32 v8, v38;
	_ =	sdelay $0x2  }
0x113: {  	v43 =	vld.idx.msk [tilespmem:v59+s3+$0x0], $0xffff;
	[tilespmem:s25+$0x10870] =	vst v44  }
0x114: {  	v62 =	vor.u32 v9, v36;
	v46 =	vld.idx.msk [tilespmem:v60+s3+$0x0], $0xffff;
	[tilespmem:s26+$0x10870] =	vst v47  }
0x115: {  	v63 =	vor.u32 v9, v37;
	v48 =	vld.idx.msk [tilespmem:v61+s3+$0x0], $0xffff  }
0x116: {  	v52 =	vor.u32 v9, v38;
	_ =	sdelay $0x1  }
0x117: {  	[tilespmem:s24+$0x10C00] =	vst v43  }
0x118: {  	v43 =	vld.idx.msk [tilespmem:v62+s3+$0x0], $0xffff;
	[tilespmem:s25+$0x10C00] =	vst v46  }
0x119: {  	v53 =	vor.u32 v10, v36;
	v46 =	vld.idx.msk [tilespmem:v63+s3+$0x0], $0xffff;
	[tilespmem:s26+$0x10C00] =	vst v48  }
0x11a: {  	v54 =	vor.u32 v10, v37;
	v48 =	vld.idx.msk [tilespmem:v52+s3+$0x0], $0xffff  }
0x11b: {  	v55 =	vor.u32 v10, v38;
	_ =	sdelay $0x1  }
0x11c: {  	[tilespmem:s24+$0x10C10] =	vst v43  }
0x11d: {  	v43 =	vld.idx.msk [tilespmem:v53+s3+$0x0], $0xffff;
	[tilespmem:s25+$0x10C10] =	vst v46  }
0x11e: {  	v56 =	vor.u32 v11, v36;
	v46 =	vld.idx.msk [tilespmem:v54+s3+$0x0], $0xffff;
	[tilespmem:s26+$0x10C10] =	vst v48  }
0x11f: {  	v57 =	vor.u32 v11, v37;
	v48 =	vld.idx.msk [tilespmem:v55+s3+$0x0], $0xffff  }
0x120: {  	v58 =	vor.u32 v11, v38;
	_ =	sdelay $0x1  }
0x121: {  	[tilespmem:s24+$0x10C20] =	vst v43  }
0x122: {  	v43 =	vld.idx.msk [tilespmem:v56+s3+$0x0], $0xffff;
	[tilespmem:s25+$0x10C20] =	vst v46  }
0x123: {  	v59 =	vor.u32 v12, v36;
	v46 =	vld.idx.msk [tilespmem:v57+s3+$0x0], $0xffff;
	[tilespmem:s26+$0x10C20] =	vst v48  }
0x124: {  	v60 =	vor.u32 v12, v37;
	v48 =	vld.idx.msk [tilespmem:v58+s3+$0x0], $0xffff  }
0x125: {  	v61 =	vor.u32 v12, v38;
	_ =	sdelay $0x1  }
0x126: {  	v62 =	vor.u32 v13, v35;
	[tilespmem:s24+$0x10C30] =	vst v43  }
0x127: {  	v44 =	vld.idx.msk [tilespmem:v59+s3+$0x0], $0xffff;
	[tilespmem:s25+$0x10C30] =	vst v46  }
0x128: {  	v63 =	vor.u32 v13, v36;
	v47 =	vld.idx.msk [tilespmem:v60+s3+$0x0], $0xffff;
	[tilespmem:s26+$0x10C30] =	vst v48  }
0x129: {  	v52 =	vor.u32 v13, v37;
	v49 =	vld.idx.msk [tilespmem:v61+s3+$0x0], $0xffff  }
0x12a: {  	[tilespmem:s22+$0x10C40] =	vst v45;
	v53 =	vor.u32 v13, v38  }
0x12b: {  	v43 =	vld.idx.msk [tilespmem:v62+s3+$0x0], $0xffff  }
0x12c: {  	[tilespmem:s24+$0x10C40] =	vst v44;
	v54 =	vor.u32 v14, v35  }
0x12d: {  	v55 =	vld.idx.msk [tilespmem:v63+s3+$0x0], $0xffff;
	[tilespmem:s25+$0x10C40] =	vst v47  }
0x12e: {  	v56 =	vor.u32 v14, v36;
	v47 =	vld.idx.msk [tilespmem:v52+s3+$0x0], $0xffff;
	[tilespmem:s26+$0x10C40] =	vst v49  }
0x12f: {  	v57 =	vor.u32 v14, v37;
	v49 =	vld.idx.msk [tilespmem:v53+s3+$0x0], $0xffff  }
0x130: {  	[tilespmem:s22+$0x10C50] =	vst v43;
	v58 =	vor.u32 v14, v38  }
0x131: {  	v43 =	vld.idx.msk [tilespmem:v54+s3+$0x0], $0xffff  }
0x132: {  	v59 =	vor.u32 v15, v35;
	[tilespmem:s24+$0x10C50] =	vst v55  }
0x133: {  	v45 =	vld.idx.msk [tilespmem:v56+s3+$0x0], $0xffff;
	[tilespmem:s25+$0x10C50] =	vst v47  }
0x134: {  	v60 =	vor.u32 v15, v36;
	v47 =	vld.idx.msk [tilespmem:v57+s3+$0x0], $0xffff;
	[tilespmem:s26+$0x10C50] =	vst v49  }
0x135: {  	v61 =	vor.u32 v15, v37;
	v49 =	vld.idx.msk [tilespmem:v58+s3+$0x0], $0xffff  }
0x136: {  	v62 =	vor.u32 v15, v38;
	[tilespmem:s22+$0x10C60] =	vst v43  }
0x137: {  	v43 =	vld.idx.msk [tilespmem:v59+s3+$0x0], $0xffff  }
0x138: {  	v63 =	vor.u32 v16, v35;
	[tilespmem:s24+$0x10C60] =	vst v45  }
0x139: {  	v45 =	vld.idx.msk [tilespmem:v60+s3+$0x0], $0xffff;
	[tilespmem:s25+$0x10C60] =	vst v47  }
0x13a: {  	v52 =	vor.u32 v16, v36;
	v47 =	vld.idx.msk [tilespmem:v61+s3+$0x0], $0xffff;
	[tilespmem:s26+$0x10C60] =	vst v49  }
0x13b: {  	v53 =	vor.u32 v16, v37;
	v49 =	vld.idx.msk [tilespmem:v62+s3+$0x0], $0xffff  }
0x13c: {  	v54 =	vor.u32 v16, v38;
	[tilespmem:s22+$0x10C70] =	vst v43  }
0x13d: {  	v43 =	vld.idx.msk [tilespmem:v63+s3+$0x0], $0xffff  }
0x13e: {  	v55 =	vor.u32 v17, v35;
	[tilespmem:s24+$0x10C70] =	vst v45  }
0x13f: {  	v45 =	vld.idx.msk [tilespmem:v52+s3+$0x0], $0xffff;
	[tilespmem:s25+$0x10C70] =	vst v47  }
0x140: {  	v56 =	vor.u32 v17, v36;
	v47 =	vld.idx.msk [tilespmem:v53+s3+$0x0], $0xffff;
	[tilespmem:s26+$0x10C70] =	vst v49  }
0x141: {  	[tilespmem:s20+$0x11420] =	vst v41;
	v57 =	vor.u32 v17, v37;
	v58 =	vld.idx.msk [tilespmem:v54+s3+$0x0], $0xffff  }
0x142: {  	v59 =	vor.u32 v17, v38;
	[tilespmem:s22+$0x11000] =	vst v43  }
0x143: {  	[tilespmem:s23+$0x11470] =	vst v42;
	v44 =	vld.idx.msk [tilespmem:v55+s3+$0x0], $0xffff;
	v61 =	vor.u32 v18, v34  }
0x144: {  	[tilespmem:s24+$0x11000] =	vst v45;
	v62 =	vor.u32 v18, v35  }
0x145: {  	v60 =	vor.u32 v27, v33;
	v46 =	vld.idx.msk [tilespmem:v56+s3+$0x0], $0xffff;
	[tilespmem:s25+$0x11000] =	vst v47  }
0x146: {  	v63 =	vor.u32 v18, v36;
	v41 =	vld.idx.msk [tilespmem:v57+s3+$0x0], $0xffff;
	[tilespmem:s26+$0x11000] =	vst v58  }
0x147: {  	[tilespmem:s21+$0x11010] =	vst v39;
	v52 =	vor.u32 v18, v37;
	v42 =	vld.idx.msk [tilespmem:v59+s3+$0x0], $0xffff  }
0x148: {  	[tilespmem:s22+$0x11010] =	vst v44;
	v43 =	vld.idx.msk [tilespmem:v61+s3+$0x0], $0xffff;
	v54 =	vor.u32 v18, v38  }
0x149: {  	[tilespmem:s19+$0x11060] =	vst v40;
	v56 =	vor.u32 v19, v34;
	v45 =	vld.idx.msk [tilespmem:v62+s3+$0x0], $0xffff  }
0x14a: {  	v53 =	vld.idx.msk [tilespmem:v60+s3+$0x0], $0xffff;
	[tilespmem:s24+$0x11010] =	vst v46;
	v57 =	vor.u32 v19, v35  }
0x14b: {  	v55 =	vor.u32 v23, v32;
	v47 =	vld.idx.msk [tilespmem:v63+s3+$0x0], $0xffff;
	[tilespmem:s25+$0x11010] =	vst v41  }
0x14c: {  	v58 =	vor.u32 v19, v36;
	v39 =	vld.idx.msk [tilespmem:v52+s3+$0x0], $0xffff;
	[tilespmem:s26+$0x11010] =	vst v42  }
0x14d: {  	[tilespmem:s21+$0x11020] =	vst v43;
	v59 =	vor.u32 v19, v37;
	v40 =	vld.idx.msk [tilespmem:v54+s3+$0x0], $0xffff  }
0x14e: {  	v61 =	vor.u32 v19, v38;
	v44 =	vld.idx.msk [tilespmem:v56+s3+$0x0], $0xffff;
	[tilespmem:s22+$0x11020] =	vst v45  }
0x14f: {  	[tilespmem:s20+$0x11430] =	vst v53;
	v63 =	vor.u32 v20, v34;
	v46 =	vld.idx.msk [tilespmem:v57+s3+$0x0], $0xffff  }
0x150: {  	v60 =	vld.idx.msk [tilespmem:v55+s3+$0x0], $0xffff;
	[tilespmem:s24+$0x11020] =	vst v47;
	v52 =	vor.u32 v20, v35  }
0x151: {  	v62 =	vor.u32 v28, v33;
	v41 =	vld.idx.msk [tilespmem:v58+s3+$0x0], $0xffff;
	[tilespmem:s25+$0x11020] =	vst v39  }
0x152: {  	v53 =	vor.u32 v20, v36;
	v42 =	vld.idx.msk [tilespmem:v59+s3+$0x0], $0xffff;
	[tilespmem:s26+$0x11020] =	vst v40  }
0x153: {  	[tilespmem:s21+$0x11030] =	vst v44;
	v54 =	vor.u32 v20, v37;
	v43 =	vld.idx.msk [tilespmem:v61+s3+$0x0], $0xffff  }
0x154: {  	v56 =	vor.u32 v20, v38;
	v45 =	vld.idx.msk [tilespmem:v63+s3+$0x0], $0xffff;
	[tilespmem:s22+$0x11030] =	vst v46  }
0x155: {  	[tilespmem:s19+$0x11070] =	vst v60;
	v58 =	vor.u32 v21, v34;
	v47 =	vld.idx.msk [tilespmem:v52+s3+$0x0], $0xffff  }
0x156: {  	v55 =	vld.idx.msk [tilespmem:v62+s3+$0x0], $0xffff;
	v59 =	vor.u32 v21, v35;
	[tilespmem:s24+$0x11030] =	vst v41  }
0x157: {  	v57 =	vor.u32 v24, v32;
	v39 =	vld.idx.msk [tilespmem:v53+s3+$0x0], $0xffff;
	[tilespmem:s25+$0x11030] =	vst v42  }
0x158: {  	v60 =	vor.u32 v21, v36;
	v40 =	vld.idx.msk [tilespmem:v54+s3+$0x0], $0xffff;
	[tilespmem:s26+$0x11030] =	vst v43  }
0x159: {  	[tilespmem:s21+$0x11040] =	vst v45;
	v61 =	vor.u32 v21, v37;
	v44 =	vld.idx.msk [tilespmem:v56+s3+$0x0], $0xffff  }
0x15a: {  	v63 =	vor.u32 v21, v38;
	v46 =	vld.idx.msk [tilespmem:v58+s3+$0x0], $0xffff;
	[tilespmem:s22+$0x11040] =	vst v47  }
0x15b: {  	[tilespmem:s20+$0x11440] =	vst v55;
	v53 =	vor.u32 v22, v34;
	v41 =	vld.idx.msk [tilespmem:v59+s3+$0x0], $0xffff  }
0x15c: {  	v62 =	vld.idx.msk [tilespmem:v57+s3+$0x0], $0xffff;
	v54 =	vor.u32 v22, v35;
	[tilespmem:s24+$0x11040] =	vst v39  }
0x15d: {  	v52 =	vor.u32 v29, v33;
	v42 =	vld.idx.msk [tilespmem:v60+s3+$0x0], $0xffff;
	[tilespmem:s25+$0x11040] =	vst v40  }
0x15e: {  	v55 =	vor.u32 v22, v36;
	v43 =	vld.idx.msk [tilespmem:v61+s3+$0x0], $0xffff;
	[tilespmem:s26+$0x11040] =	vst v44  }
0x15f: {  	[tilespmem:s21+$0x11050] =	vst v46;
	v56 =	vor.u32 v22, v37;
	v45 =	vld.idx.msk [tilespmem:v63+s3+$0x0], $0xffff  }
0x160: {  	v58 =	vor.u32 v22, v38;
	v47 =	vld.idx.msk [tilespmem:v53+s3+$0x0], $0xffff;
	[tilespmem:s22+$0x11050] =	vst v41  }
0x161: {  	[tilespmem:s19+$0x11400] =	vst v62;
	v60 =	vor.u32 v23, v34;
	v39 =	vld.idx.msk [tilespmem:v54+s3+$0x0], $0xffff  }
0x162: {  	v57 =	vld.idx.msk [tilespmem:v52+s3+$0x0], $0xffff;
	v61 =	vor.u32 v23, v35;
	[tilespmem:s24+$0x11050] =	vst v42  }
0x163: {  	v59 =	vor.u32 v25, v32;
	v40 =	vld.idx.msk [tilespmem:v55+s3+$0x0], $0xffff;
	[tilespmem:s25+$0x11050] =	vst v43  }
0x164: {  	v62 =	vor.u32 v23, v36;
	v44 =	vld.idx.msk [tilespmem:v56+s3+$0x0], $0xffff;
	[tilespmem:s26+$0x11050] =	vst v45  }
0x165: {  	[tilespmem:s21+$0x11060] =	vst v47;
	v63 =	vor.u32 v23, v37;
	v46 =	vld.idx.msk [tilespmem:v58+s3+$0x0], $0xffff  }
0x166: {  	v53 =	vor.u32 v23, v38;
	v41 =	vld.idx.msk [tilespmem:v60+s3+$0x0], $0xffff;
	[tilespmem:s22+$0x11060] =	vst v39  }
0x167: {  	[tilespmem:s20+$0x11450] =	vst v57;
	v55 =	vor.u32 v24, v34;
	v42 =	vld.idx.msk [tilespmem:v61+s3+$0x0], $0xffff  }
0x168: {  	v52 =	vld.idx.msk [tilespmem:v59+s3+$0x0], $0xffff;
	v56 =	vor.u32 v24, v35;
	[tilespmem:s24+$0x11060] =	vst v40  }
0x169: {  	v54 =	vor.u32 v30, v33;
	v43 =	vld.idx.msk [tilespmem:v62+s3+$0x0], $0xffff;
	[tilespmem:s25+$0x11060] =	vst v44  }
0x16a: {  	v57 =	vor.u32 v24, v36;
	v45 =	vld.idx.msk [tilespmem:v63+s3+$0x0], $0xffff;
	[tilespmem:s26+$0x11060] =	vst v46  }
0x16b: {  	[tilespmem:s21+$0x11070] =	vst v41;
	v58 =	vor.u32 v24, v37;
	v47 =	vld.idx.msk [tilespmem:v53+s3+$0x0], $0xffff  }
0x16c: {  	v60 =	vor.u32 v24, v38;
	v39 =	vld.idx.msk [tilespmem:v55+s3+$0x0], $0xffff;
	[tilespmem:s22+$0x11070] =	vst v42  }
0x16d: {  	[tilespmem:s19+$0x11410] =	vst v52;
	v62 =	vor.u32 v25, v34;
	v40 =	vld.idx.msk [tilespmem:v56+s3+$0x0], $0xffff  }
0x16e: {  	v59 =	vld.idx.msk [tilespmem:v54+s3+$0x0], $0xffff;
	v63 =	vor.u32 v25, v35;
	[tilespmem:s24+$0x11070] =	vst v43  }
0x16f: {  	v61 =	vor.u32 v26, v32;
	v44 =	vld.idx.msk [tilespmem:v57+s3+$0x0], $0xffff;
	[tilespmem:s25+$0x11070] =	vst v45  }
0x170: {  	v52 =	vor.u32 v25, v36;
	v46 =	vld.idx.msk [tilespmem:v58+s3+$0x0], $0xffff;
	[tilespmem:s26+$0x11070] =	vst v47  }
0x171: {  	[tilespmem:s21+$0x11400] =	vst v39;
	v53 =	vor.u32 v25, v37;
	v41 =	vld.idx.msk [tilespmem:v60+s3+$0x0], $0xffff  }
0x172: {  	v55 =	vor.u32 v25, v38;
	v42 =	vld.idx.msk [tilespmem:v62+s3+$0x0], $0xffff;
	[tilespmem:s22+$0x11400] =	vst v40  }
0x173: {  	[tilespmem:s20+$0x11460] =	vst v59;
	v57 =	vor.u32 v26, v34;
	v43 =	vld.idx.msk [tilespmem:v63+s3+$0x0], $0xffff  }
0x174: {  	v54 =	vld.idx.msk [tilespmem:v61+s3+$0x0], $0xffff;
	v58 =	vor.u32 v26, v35;
	[tilespmem:s24+$0x11400] =	vst v44  }
0x175: {  	v56 =	vor.u32 v31, v33;
	v45 =	vld.idx.msk [tilespmem:v52+s3+$0x0], $0xffff;
	[tilespmem:s25+$0x11400] =	vst v46  }
0x176: {  	v59 =	vor.u32 v26, v36;
	v47 =	vld.idx.msk [tilespmem:v53+s3+$0x0], $0xffff;
	[tilespmem:s26+$0x11400] =	vst v41  }
0x177: {  	[tilespmem:s21+$0x11410] =	vst v42;
	v60 =	vor.u32 v26, v37;
	v39 =	vld.idx.msk [tilespmem:v55+s3+$0x0], $0xffff  }
0x178: {  	v61 =	vor.u32 v26, v38;
	v40 =	vld.idx.msk [tilespmem:v57+s3+$0x0], $0xffff;
	[tilespmem:s22+$0x11410] =	vst v43  }
0x179: {  	[tilespmem:s19+$0x11420] =	vst v54;
	v63 =	vor.u32 v27, v34;
	v44 =	vld.idx.msk [tilespmem:v58+s3+$0x0], $0xffff  }
0x17a: {  	v33 =	vld.idx.msk [tilespmem:v56+s3+$0x0], $0xffff;
	v52 =	vor.u32 v27, v35;
	[tilespmem:s24+$0x11410] =	vst v45  }
0x17b: {  	v62 =	vor.u32 v27, v32;
	v46 =	vld.idx.msk [tilespmem:v59+s3+$0x0], $0xffff;
	[tilespmem:s25+$0x11410] =	vst v47  }
0x17c: {  	v53 =	vor.u32 v27, v36;
	v41 =	vld.idx.msk [tilespmem:v60+s3+$0x0], $0xffff;
	[tilespmem:s26+$0x11410] =	vst v39  }
0x17d: {  	v54 =	vor.u32 v27, v37;
	[tilespmem:s21+$0x11420] =	vst v40;
	v39 =	vld.idx.msk [tilespmem:v61+s3+$0x0], $0xffff  }
0x17e: {  	v56 =	vor.u32 v27, v38;
	v43 =	vld.idx.msk [tilespmem:v63+s3+$0x0], $0xffff;
	[tilespmem:s22+$0x11420] =	vst v44  }
0x17f: {  	[tilespmem:s20+$0x11470] =	vst v33;
	v58 =	vor.u32 v28, v34;
	v45 =	vld.idx.msk [tilespmem:v52+s3+$0x0], $0xffff  }
0x180: {  	v59 =	vor.u32 v28, v35;
	v55 =	vld.idx.msk [tilespmem:v62+s3+$0x0], $0xffff;
	[tilespmem:s24+$0x11420] =	vst v46  }
0x181: {  	v57 =	vor.u32 v28, v32;
	v47 =	vld.idx.msk [tilespmem:v53+s3+$0x0], $0xffff;
	[tilespmem:s25+$0x11420] =	vst v41  }
0x182: {  	v60 =	vor.u32 v28, v36;
	v33 =	vld.idx.msk [tilespmem:v54+s3+$0x0], $0xffff;
	[tilespmem:s26+$0x11420] =	vst v39  }
0x183: {  	[tilespmem:s21+$0x11430] =	vst v43;
	v61 =	vor.u32 v28, v37;
	v40 =	vld.idx.msk [tilespmem:v56+s3+$0x0], $0xffff  }
0x184: {  	v62 =	vor.u32 v28, v38;
	v44 =	vld.idx.msk [tilespmem:v58+s3+$0x0], $0xffff;
	[tilespmem:s22+$0x11430] =	vst v45  }
0x185: {  	v52 =	vor.u32 v29, v34;
	[tilespmem:s19+$0x11430] =	vst v55;
	v46 =	vld.idx.msk [tilespmem:v59+s3+$0x0], $0xffff  }
0x186: {  	v53 =	vor.u32 v29, v35;
	v42 =	vld.idx.msk [tilespmem:v57+s3+$0x0], $0xffff;
	[tilespmem:s24+$0x11430] =	vst v47  }
0x187: {  	v63 =	vor.u32 v29, v32;
	v41 =	vld.idx.msk [tilespmem:v60+s3+$0x0], $0xffff;
	[tilespmem:s25+$0x11430] =	vst v33  }
0x188: {  	v54 =	vor.u32 v29, v36;
	v39 =	vld.idx.msk [tilespmem:v61+s3+$0x0], $0xffff;
	[tilespmem:s26+$0x11430] =	vst v40  }
0x189: {  	v55 =	vor.u32 v29, v37;
	[tilespmem:s21+$0x11440] =	vst v44;
	v56 =	vld.idx.msk [tilespmem:v62+s3+$0x0], $0xffff  }
0x18a: {  	v58 =	vor.u32 v29, v38;
	v45 =	vld.idx.msk [tilespmem:v52+s3+$0x0], $0xffff;
	[tilespmem:s22+$0x11440] =	vst v46  }
0x18b: {  	v60 =	vor.u32 v30, v34;
	[tilespmem:s19+$0x11440] =	vst v42;
	v47 =	vld.idx.msk [tilespmem:v53+s3+$0x0], $0xffff  }
0x18c: {  	v61 =	vor.u32 v30, v35;
	v57 =	vld.idx.msk [tilespmem:v63+s3+$0x0], $0xffff;
	[tilespmem:s24+$0x11440] =	vst v41  }
0x18d: {  	v59 =	vor.u32 v30, v32;
	v33 =	vld.idx.msk [tilespmem:v54+s3+$0x0], $0xffff;
	[tilespmem:s25+$0x11440] =	vst v39  }
0x18e: {  	v40 =	vld.idx.msk [tilespmem:v55+s3+$0x0], $0xffff;
	v62 =	vor.u32 v30, v36;
	[tilespmem:s26+$0x11440] =	vst v56  }
0x18f: {  	v63 =	vor.u32 v30, v37;
	[tilespmem:s21+$0x11450] =	vst v45;
	v49 =	vld.idx.msk [tilespmem:v58+s3+$0x0], $0xffff  }
0x190: {  	v51 =	vor.u32 v30, v38;
	v46 =	vld.idx.msk [tilespmem:v60+s3+$0x0], $0xffff;
	[tilespmem:s22+$0x11450] =	vst v47  }
0x191: {  	v53 =	vor.u32 v31, v34;
	[tilespmem:s19+$0x11450] =	vst v57;
	v41 =	vld.idx.msk [tilespmem:v61+s3+$0x0], $0xffff  }
0x192: {  	v54 =	vor.u32 v31, v35;
	v50 =	vld.idx.msk [tilespmem:v59+s3+$0x0], $0xffff;
	[tilespmem:s24+$0x11450] =	vst v33  }
0x193: {  	v52 =	vor.u32 v31, v32;
	[tilespmem:s25+$0x11450] =	vst v40;
	v55 =	vld.idx.msk [tilespmem:v62+s3+$0x0], $0xffff  }
0x194: {  	v56 =	vor.u32 v31, v36;
	v57 =	vld.idx.msk [tilespmem:v63+s3+$0x0], $0xffff;
	[tilespmem:s26+$0x11450] =	vst v49  }
0x195: {  	[tilespmem:s21+$0x11460] =	vst v46;
	v58 =	vor.u32 v31, v37;
	v59 =	vld.idx.msk [tilespmem:v51+s3+$0x0], $0xffff  }
0x196: {  	v38 =	vor.u32 v31, v38;
	v34 =	vld.idx.msk [tilespmem:v53+s3+$0x0], $0xffff;
	[tilespmem:s22+$0x11460] =	vst v41  }
0x197: {  	[tilespmem:s19+$0x11460] =	vst v50;
	v33 =	vld.idx.msk [tilespmem:v54+s3+$0x0], $0xffff  }
0x198: {  	v32 =	vld.idx.msk [tilespmem:v52+s3+$0x0], $0xffff;
	[tilespmem:s24+$0x11460] =	vst v55  }
0x199: {  	s1 =	simm.s32 $0x0;
	[tilespmem:s25+$0x11460] =	vst v57;
	v35 =	vld.idx.msk [tilespmem:v56+s3+$0x0], $0xffff  }
0x19a: {  	v61 =	vmov s1;
	v60 =	vld.idx.msk [tilespmem:v58+s3+$0x0], $0xffff;
	[tilespmem:s26+$0x11460] =	vst v59  }
0x19b: {  	v37 =	vadd.s32 $0x20, v61;
	[tilespmem:s21+$0x11470] =	vst v34;
	v62 =	vld.idx.msk [tilespmem:v38+s3+$0x0], $0xffff  }
0x19c: {  	v63 =	vbroadcast v37, $0x0;
	[tilespmem:s22+$0x11470] =	vst v33  }
0x19d: {  	[tilespmem:s19+$0x11470] =	vst v32  }
0x19e: {  	[tilespmem:s24+$0x11470] =	vst v35  }
0x19f: {  	[tilespmem:s25+$0x11470] =	vst v60  }
0x1a0: {  	[tilespmem:s26+$0x11470] =	vst v62  }
0x1a1: {  	[hbm4b:s6+s10] =	stream.strided.scatter [tilespmem:s14], [sflag:$0x1], $0x4000, s11, s10, $0x38;
	[tilespmem:$0x18800] =	vst v63  }
0x1a2: {  	v32 =	vld.idx.msk [tilespmem:v63+s13+$0x0], $0xffff;
	_ =	sdelay $0x4  }
0x1a3: {  	v36 =	vshll.u32 v32, $0x9;
	v32 =	vshll.u32 v32, $0x7  }
0x1a4: {  	v33 =	vand.u32 $0xFFFFF000, v36;
	v32 =	vand.u32 $0x380, v32  }
0x1a5: {  	v36 =	vor.u32 v32, v33  }
0x1a6: {  	v32 =	vor.u32 v0, v36;
	_ =	sdelay $0x4  }
0x1a7: {  	v32 =	vld.idx.msk [tilespmem:v32+s3+$0x0], $0xffff  }
0x1a8: {  	v33 =	vor.u32 v1, v36;
	_ =	sdelay $0x1  }
0x1a9: {  	s0 =	sand.u32 $0x380, s1;
	s20 =	sand.u32 $0x3000, s1  }
0x1aa: {  	s23 =	sor.u32 s0, s20;
	s21 =	simm.s32 $0x1  }
0x1ab: {  	v37 =	vmov s21;
	[tilespmem:s23+$0x14800] =	vst v32  }
0x1ac: {  	v32 =	vld.idx.msk [tilespmem:v33+s3+$0x0], $0xffff;
	v33 =	vadd.s32 $0x20, v37  }
0x1ad: {  	v38 =	vor.u32 v2, v36;
	v33 =	vbroadcast v33, $0x0;
	_ =	sdelay $0x3  }
0x1ae: {  	[tilespmem:s23+$0x14810] =	vst v32  }
0x1af: {  	v32 =	vld.idx.msk [tilespmem:v38+s3+$0x0], $0xffff  }
0x1b0: {  	v39 =	vor.u32 v3, v36;
	v33 =	vld.idx.msk [tilespmem:v33+s13+$0x0], $0xffff;
	_ =	sdelay $0x3  }
0x1b1: {  	[tilespmem:s23+$0x14820] =	vst v32  }
0x1b2: {  	v32 =	vld.idx.msk [tilespmem:v39+s3+$0x0], $0xffff;
	v41 =	vshll.u32 v33, $0x9;
	v33 =	vshll.u32 v33, $0x7  }
0x1b3: {  	v40 =	vor.u32 v4, v36;
	v35 =	vand.u32 $0xFFFFF000, v41;
	v33 =	vand.u32 $0x380, v33  }
0x1b4: {  	v33 =	vor.u32 v33, v35  }
0x1b5: {  	v42 =	vor.u32 v0, v33;
	_ =	sdelay $0x1  }
0x1b6: {  	[tilespmem:s23+$0x14830] =	vst v32  }
0x1b7: {  	v34 =	vld.idx.msk [tilespmem:v40+s3+$0x0], $0xffff  }
0x1b8: {  	v43 =	vor.u32 v5, v36  }
0x1b9: {  	v32 =	vld.idx.msk [tilespmem:v42+s3+$0x0], $0xffff  }
0x1ba: {  	v44 =	vor.u32 v1, v33  }
0x1bb: {  	s22 =	simm.s32 $0x80;
	s24 =	simm.s32 $0x200  }
0x1bc: {  	s0 =	sand.u32 $0x380, s22;
	s19 =	sand.u32 $0x3000, s24;
	[tilespmem:s23+$0x14840] =	vst v34  }
0x1bd: {  	s25 =	simm.s32 $0x2;
	s20 =	sor.u32 s0, s19;
	v35 =	vld.idx.msk [tilespmem:v43+s3+$0x0], $0xffff  }
0x1be: {  	v46 =	vmov s25;
	v45 =	vor.u32 v6, v36;
	[tilespmem:s20+$0x14800] =	vst v32  }
0x1bf: {  	v34 =	vadd.s32 $0x20, v46;
	v32 =	vld.idx.msk [tilespmem:v44+s3+$0x0], $0xffff  }
0x1c0: {  	v47 =	vor.u32 v2, v33;
	v34 =	vbroadcast v34, $0x0;
	_ =	sdelay $0x1  }
0x1c1: {  	[tilespmem:s23+$0x14850] =	vst v35  }
0x1c2: {  	v37 =	vld.idx.msk [tilespmem:v45+s3+$0x0], $0xffff  }
0x1c3: {  	v48 =	vor.u32 v7, v36;
	[tilespmem:s20+$0x14810] =	vst v32  }
0x1c4: {  	v32 =	vld.idx.msk [tilespmem:v47+s3+$0x0], $0xffff  }
0x1c5: {  	v49 =	vor.u32 v3, v33;
	v34 =	vld.idx.msk [tilespmem:v34+s13+$0x0], $0xffff;
	_ =	sdelay $0x1  }
0x1c6: {  	[tilespmem:s23+$0x14860] =	vst v37  }
0x1c7: {  	v37 =	vld.idx.msk [tilespmem:v48+s3+$0x0], $0xffff  }
0x1c8: {  	v50 =	vor.u32 v8, v36;
	[tilespmem:s20+$0x14820] =	vst v32  }
0x1c9: {  	v52 =	vshll.u32 v34, $0x9;
	v34 =	vshll.u32 v34, $0x7;
	v35 =	vld.idx.msk [tilespmem:v49+s3+$0x0], $0xffff  }
0x1ca: {  	v51 =	vor.u32 v4, v33;
	v34 =	vand.u32 $0x380, v34;
	v32 =	vand.u32 $0xFFFFF000, v52  }
0x1cb: {  	v32 =	vor.u32 v34, v32  }
0x1cc: {  	v34 =	vor.u32 v0, v32;
	[tilespmem:s23+$0x14870] =	vst v37  }
0x1cd: {  	v38 =	vld.idx.msk [tilespmem:v50+s3+$0x0], $0xffff  }
0x1ce: {  	v53 =	vor.u32 v9, v36;
	[tilespmem:s20+$0x14830] =	vst v35  }
0x1cf: {  	v35 =	vld.idx.msk [tilespmem:v51+s3+$0x0], $0xffff  }
0x1d0: {  	v54 =	vor.u32 v5, v33  }
0x1d1: {  	v34 =	vld.idx.msk [tilespmem:v34+s3+$0x0], $0xffff  }
0x1d2: {  	v56 =	vor.u32 v1, v32;
	[tilespmem:s23+$0x14C00] =	vst v38  }
0x1d3: {  	s30 =	simm.s32 $0x400;
	s26 =	simm.s32 $0x100;
	v38 =	vld.idx.msk [tilespmem:v53+s3+$0x0], $0xffff  }
0x1d4: {  	s19 =	sand.u32 $0x3000, s30;
	s0 =	sand.u32 $0x380, s26;
	v55 =	vor.u32 v10, v36;
	[tilespmem:s20+$0x14840] =	vst v35  }
0x1d5: {  	s19 =	sor.u32 s0, s19;
	v37 =	vld.idx.msk [tilespmem:v54+s3+$0x0], $0xffff  }
0x1d6: {  	v57 =	vor.u32 v6, v33;
	[tilespmem:s19+$0x14800] =	vst v34  }
0x1d7: {  	v35 =	vld.idx.msk [tilespmem:v56+s3+$0x0], $0xffff  }
0x1d8: {  	v60 =	vor.u32 v2, v32;
	[tilespmem:s23+$0x14C10] =	vst v38  }
0x1d9: {  	v39 =	vld.idx.msk [tilespmem:v55+s3+$0x0], $0xffff  }
0x1da: {  	v58 =	vor.u32 v11, v36;
	[tilespmem:s20+$0x14850] =	vst v37  }
0x1db: {  	s31 =	simm.s32 $0x3;
	v38 =	vld.idx.msk [tilespmem:v57+s3+$0x0], $0xffff  }
0x1dc: {  	v59 =	vmov s31;
	v61 =	vor.u32 v7, v33;
	[tilespmem:s19+$0x14810] =	vst v35  }
0x1dd: {  	v40 =	vadd.s32 $0x20, v59;
	v37 =	vld.idx.msk [tilespmem:v60+s3+$0x0], $0xffff  }
0x1de: {  	v40 =	vbroadcast v40, $0x0;
	v63 =	vor.u32 v3, v32;
	[tilespmem:s23+$0x14C20] =	vst v39  }
0x1df: {  	v34 =	vld.idx.msk [tilespmem:v58+s3+$0x0], $0xffff  }
0x1e0: {  	v62 =	vor.u32 v12, v36;
	[tilespmem:s20+$0x14860] =	vst v38  }
0x1e1: {  	v39 =	vld.idx.msk [tilespmem:v61+s3+$0x0], $0xffff  }
0x1e2: {  	v44 =	vor.u32 v8, v33;
	[tilespmem:s19+$0x14820] =	vst v37  }
0x1e3: {  	v38 =	vld.idx.msk [tilespmem:v63+s3+$0x0], $0xffff  }
0x1e4: {  	v40 =	vld.idx.msk [tilespmem:v40+s13+$0x0], $0xffff;
	v46 =	vor.u32 v4, v32;
	[tilespmem:s23+$0x14C30] =	vst v34  }
0x1e5: {  	v35 =	vld.idx.msk [tilespmem:v62+s3+$0x0], $0xffff  }
0x1e6: {  	v45 =	vor.u32 v13, v36;
	[tilespmem:s20+$0x14870] =	vst v39  }
0x1e7: {  	v41 =	vld.idx.msk [tilespmem:v44+s3+$0x0], $0xffff  }
0x1e8: {  	v49 =	vor.u32 v9, v33;
	[tilespmem:s19+$0x14830] =	vst v38  }
0x1e9: {  	v39 =	vld.idx.msk [tilespmem:v46+s3+$0x0], $0xffff  }
0x1ea: {  	v47 =	vshll.u32 v40, $0x9;
	v48 =	vshll.u32 v40, $0x7;
	v52 =	vor.u32 v5, v32;
	[tilespmem:s23+$0x14C40] =	vst v35  }
0x1eb: {  	v34 =	vand.u32 $0xFFFFF000, v47;
	v35 =	vand.u32 $0x380, v48;
	v37 =	vld.idx.msk [tilespmem:v45+s3+$0x0], $0xffff  }
0x1ec: {  	v50 =	vor.u32 v14, v36;
	v34 =	vor.u32 v35, v34;
	[tilespmem:s20+$0x14C00] =	vst v41  }
0x1ed: {  	v51 =	vor.u32 v0, v34;
	v40 =	vld.idx.msk [tilespmem:v49+s3+$0x0], $0xffff  }
0x1ee: {  	v53 =	vor.u32 v10, v33;
	[tilespmem:s19+$0x14840] =	vst v39  }
0x1ef: {  	v41 =	vld.idx.msk [tilespmem:v52+s3+$0x0], $0xffff  }
0x1f0: {  	v56 =	vor.u32 v6, v32;
	[tilespmem:s23+$0x14C50] =	vst v37  }
0x1f1: {  	v35 =	vld.idx.msk [tilespmem:v50+s3+$0x0], $0xffff  }
0x1f2: {  	v54 =	vor.u32 v15, v36;
	v38 =	vld.idx.msk [tilespmem:v51+s3+$0x0], $0xffff;
	[tilespmem:s20+$0x14C10] =	vst v40  }
0x1f3: {  	s24 =	simm.s32 $0x4;
	v55 =	vor.u32 v1, v34;
	v37 =	vld.idx.msk [tilespmem:v53+s3+$0x0], $0xffff  }
0x1f4: {  	s1 =	simm.s32 $0x180;
	s22 =	simm.s32 $0x600;
	v59 =	vmov s24;
	v57 =	vor.u32 v11, v33;
	[tilespmem:s19+$0x14850] =	vst v41  }
0x1f5: {  	s21 =	sand.u32 $0x3000, s22;
	s0 =	sand.u32 $0x380, s1;
	v39 =	vadd.s32 $0x20, v59;
	v40 =	vld.idx.msk [tilespmem:v56+s3+$0x0], $0xffff  }
0x1f6: {  	s21 =	sor.u32 s0, s21;
	v62 =	vor.u32 v7, v32;
	v39 =	vbroadcast v39, $0x0;
	[tilespmem:s23+$0x14C60] =	vst v35  }
0x1f7: {  	[tilespmem:s21+$0x14800] =	vst v38;
	v58 =	vld.idx.msk [tilespmem:v54+s3+$0x0], $0xffff  }
0x1f8: {  	v60 =	vor.u32 v16, v36;
	v42 =	vld.idx.msk [tilespmem:v55+s3+$0x0], $0xffff;
	[tilespmem:s20+$0x14C20] =	vst v37  }
0x1f9: {  	v61 =	vor.u32 v2, v34;
	v35 =	vld.idx.msk [tilespmem:v57+s3+$0x0], $0xffff  }
0x1fa: {  	v63 =	vor.u32 v12, v33;
	[tilespmem:s19+$0x14860] =	vst v40  }
0x1fb: {  	v37 =	vld.idx.msk [tilespmem:v62+s3+$0x0], $0xffff  }
0x1fc: {  	v47 =	vor.u32 v8, v32;
	v39 =	vld.idx.msk [tilespmem:v39+s13+$0x0], $0xffff;
	[tilespmem:s23+$0x14C70] =	vst v58  }
0x1fd: {  	[tilespmem:s21+$0x14810] =	vst v42;
	v41 =	vld.idx.msk [tilespmem:v60+s3+$0x0], $0xffff  }
0x1fe: {  	v45 =	vor.u32 v17, v36;
	v42 =	vld.idx.msk [tilespmem:v61+s3+$0x0], $0xffff;
	[tilespmem:s20+$0x14C30] =	vst v35  }
0x1ff: {  	v46 =	vor.u32 v3, v34;
	v38 =	vld.idx.msk [tilespmem:v63+s3+$0x0], $0xffff  }
0x200: {  	v48 =	vor.u32 v13, v33;
	[tilespmem:s19+$0x14870] =	vst v37  }
0x201: {  	v44 =	vld.idx.msk [tilespmem:v47+s3+$0x0], $0xffff  }
0x202: {  	v53 =	vor.u32 v9, v32;
	[tilespmem:s23+$0x15000] =	vst v41  }
0x203: {  	[tilespmem:s21+$0x14820] =	vst v42;
	v40 =	vld.idx.msk [tilespmem:v45+s3+$0x0], $0xffff  }
0x204: {  	v49 =	vor.u32 v18, v36;
	v51 =	vshll.u32 v39, $0x9;
	v52 =	vshll.u32 v39, $0x7;
	v42 =	vld.idx.msk [tilespmem:v46+s3+$0x0], $0xffff;
	[tilespmem:s20+$0x14C40] =	vst v38  }
0x205: {  	v50 =	vor.u32 v4, v34;
	v35 =	vand.u32 $0xFFFFF000, v51;
	v38 =	vand.u32 $0x380, v52;
	v41 =	vld.idx.msk [tilespmem:v48+s3+$0x0], $0xffff  }
0x206: {  	v54 =	vor.u32 v14, v33;
	[tilespmem:s19+$0x14C00] =	vst v44;
	v35 =	vor.u32 v38, v35  }
0x207: {  	v39 =	vld.idx.msk [tilespmem:v53+s3+$0x0], $0xffff;
	v55 =	vor.u32 v0, v35  }
0x208: {  	v58 =	vor.u32 v10, v32;
	[tilespmem:s23+$0x15010] =	vst v40  }
0x209: {  	[tilespmem:s21+$0x14830] =	vst v42;
	v37 =	vld.idx.msk [tilespmem:v49+s3+$0x0], $0xffff  }
0x20a: {  	v56 =	vor.u32 v19, v36;
	v42 =	vld.idx.msk [tilespmem:v50+s3+$0x0], $0xffff;
	[tilespmem:s20+$0x14C50] =	vst v41  }
0x20b: {  	s25 =	simm.s32 $0x5;
	v57 =	vor.u32 v5, v34;
	v38 =	vld.idx.msk [tilespmem:v54+s3+$0x0], $0xffff  }
0x20c: {  	v59 =	vor.u32 v15, v33;
	v62 =	vmov s25;
	[tilespmem:s19+$0x14C10] =	vst v39;
	v40 =	vld.idx.msk [tilespmem:v55+s3+$0x0], $0xffff  }
0x20d: {  	v45 =	vadd.s32 $0x20, v62;
	v61 =	vor.u32 v1, v35;
	v41 =	vld.idx.msk [tilespmem:v58+s3+$0x0], $0xffff  }
0x20e: {  	s30 =	simm.s32 $0x800;
	s26 =	simm.s32 $0x200;
	v45 =	vbroadcast v45, $0x0;
	v49 =	vor.u32 v11, v32;
	[tilespmem:s23+$0x15020] =	vst v37  }
0x20f: {  	s22 =	sand.u32 $0x3000, s30;
	s0 =	sand.u32 $0x380, s26;
	[tilespmem:s21+$0x14840] =	vst v42;
	v60 =	vld.idx.msk [tilespmem:v56+s3+$0x0], $0xffff  }
0x210: {  	s22 =	sor.u32 s0, s22;
	v63 =	vor.u32 v20, v36;
	v44 =	vld.idx.msk [tilespmem:v57+s3+$0x0], $0xffff;
	[tilespmem:s20+$0x14C60] =	vst v38  }
0x211: {  	v48 =	vor.u32 v6, v34;
	[tilespmem:s22+$0x14800] =	vst v40;
	v37 =	vld.idx.msk [tilespmem:v59+s3+$0x0], $0xffff  }
0x212: {  	v50 =	vor.u32 v16, v33;
	[tilespmem:s19+$0x14C20] =	vst v41;
	v40 =	vld.idx.msk [tilespmem:v61+s3+$0x0], $0xffff  }
0x213: {  	v51 =	vor.u32 v2, v35;
	v38 =	vld.idx.msk [tilespmem:v49+s3+$0x0], $0xffff  }
0x214: {  	v45 =	vld.idx.msk [tilespmem:v45+s13+$0x0], $0xffff;
	v54 =	vor.u32 v12, v32;
	[tilespmem:s23+$0x15030] =	vst v60  }
0x215: {  	[tilespmem:s21+$0x14850] =	vst v44;
	v39 =	vld.idx.msk [tilespmem:v63+s3+$0x0], $0xffff  }
0x216: {  	v52 =	vor.u32 v21, v36;
	v44 =	vld.idx.msk [tilespmem:v48+s3+$0x0], $0xffff;
	[tilespmem:s20+$0x14C70] =	vst v37  }
0x217: {  	s31 =	simm.s32 $0x6;
	v53 =	vor.u32 v7, v34;
	[tilespmem:s22+$0x14810] =	vst v40;
	v55 =	vld.idx.msk [tilespmem:v50+s3+$0x0], $0xffff  }
0x218: {  	v57 =	vor.u32 v17, v33;
	v60 =	vmov s31;
	[tilespmem:s19+$0x14C30] =	vst v38;
	v56 =	vld.idx.msk [tilespmem:v51+s3+$0x0], $0xffff  }
0x219: {  	v58 =	vor.u32 v3, v35;
	v46 =	vadd.s32 $0x20, v60;
	v37 =	vld.idx.msk [tilespmem:v54+s3+$0x0], $0xffff  }
0x21a: {  	v63 =	vor.u32 v13, v32;
	v62 =	vbroadcast v46, $0x0;
	[tilespmem:s23+$0x15040] =	vst v39  }
0x21b: {  	[tilespmem:s21+$0x14860] =	vst v44;
	v41 =	vld.idx.msk [tilespmem:v52+s3+$0x0], $0xffff  }
0x21c: {  	v59 =	vor.u32 v22, v36;
	v44 =	vld.idx.msk [tilespmem:v53+s3+$0x0], $0xffff;
	[tilespmem:s20+$0x15000] =	vst v55  }
0x21d: {  	v61 =	vor.u32 v8, v34;
	[tilespmem:s22+$0x14820] =	vst v56;
	v39 =	vld.idx.msk [tilespmem:v57+s3+$0x0], $0xffff  }
0x21e: {  	v52 =	vor.u32 v18, v33;
	[tilespmem:s19+$0x14C40] =	vst v37;
	v55 =	vshll.u32 v45, $0x9;
	v45 =	vshll.u32 v45, $0x7;
	v42 =	vld.idx.msk [tilespmem:v58+s3+$0x0], $0xffff  }
0x21f: {  	v53 =	vor.u32 v4, v35;
	v46 =	vld.idx.msk [tilespmem:v63+s3+$0x0], $0xffff;
	v37 =	vand.u32 $0xFFFFF000, v55;
	v45 =	vand.u32 $0x380, v45  }
0x220: {  	v40 =	vld.idx.msk [tilespmem:v62+s13+$0x0], $0xffff;
	v57 =	vor.u32 v14, v32;
	v37 =	vor.u32 v45, v37;
	[tilespmem:s23+$0x15050] =	vst v41  }
0x221: {  	v58 =	vor.u32 v0, v37;
	[tilespmem:s21+$0x14870] =	vst v44;
	v38 =	vld.idx.msk [tilespmem:v59+s3+$0x0], $0xffff  }
0x222: {  	v54 =	vor.u32 v23, v36;
	v44 =	vld.idx.msk [tilespmem:v61+s3+$0x0], $0xffff;
	[tilespmem:s20+$0x15010] =	vst v39  }
0x223: {  	v56 =	vor.u32 v9, v34;
	[tilespmem:s22+$0x14830] =	vst v42;
	v41 =	vld.idx.msk [tilespmem:v52+s3+$0x0], $0xffff  }
0x224: {  	v59 =	vor.u32 v19, v33;
	[tilespmem:s19+$0x14C50] =	vst v46;
	v43 =	vld.idx.msk [tilespmem:v53+s3+$0x0], $0xffff  }
0x225: {  	v61 =	vor.u32 v5, v35;
	v39 =	vld.idx.msk [tilespmem:v57+s3+$0x0], $0xffff  }
0x226: {  	v53 =	vor.u32 v15, v32;
	v42 =	vld.idx.msk [tilespmem:v58+s3+$0x0], $0xffff;
	[tilespmem:s23+$0x15060] =	vst v38  }
0x227: {  	[tilespmem:s21+$0x14C00] =	vst v44;
	v60 =	vld.idx.msk [tilespmem:v54+s3+$0x0], $0xffff;
	v54 =	vor.u32 v1, v37  }
0x228: {  	s1 =	simm.s32 $0x280;
	s25 =	simm.s32 $0xA00;
	v63 =	vor.u32 v24, v36;
	v62 =	vld.idx.msk [tilespmem:v56+s3+$0x0], $0xffff;
	[tilespmem:s20+$0x15020] =	vst v41  }
0x229: {  	s0 =	sand.u32 $0x380, s1;
	s24 =	sand.u32 $0x3000, s25;
	v52 =	vor.u32 v10, v34;
	[tilespmem:s22+$0x14840] =	vst v43;
	v38 =	vld.idx.msk [tilespmem:v59+s3+$0x0], $0xffff  }
0x22a: {  	s24 =	sor.u32 s0, s24;
	v55 =	vor.u32 v20, v33;
	[tilespmem:s19+$0x14C60] =	vst v39;
	v45 =	vld.idx.msk [tilespmem:v61+s3+$0x0], $0xffff  }
0x22b: {  	v56 =	vor.u32 v6, v35;
	[tilespmem:s24+$0x14800] =	vst v42;
	v41 =	vld.idx.msk [tilespmem:v53+s3+$0x0], $0xffff  }
0x22c: {  	v59 =	vor.u32 v16, v32;
	[tilespmem:s23+$0x15070] =	vst v60;
	v43 =	vld.idx.msk [tilespmem:v54+s3+$0x0], $0xffff  }
0x22d: {  	[tilespmem:s21+$0x14C10] =	vst v62;
	v60 =	vor.u32 v2, v37;
	v46 =	vld.idx.msk [tilespmem:v63+s3+$0x0], $0xffff  }
0x22e: {  	v57 =	vor.u32 v25, v36;
	v48 =	vld.idx.msk [tilespmem:v52+s3+$0x0], $0xffff;
	[tilespmem:s20+$0x15030] =	vst v38  }
0x22f: {  	v58 =	vor.u32 v11, v34;
	[tilespmem:s22+$0x14850] =	vst v45;
	v44 =	vld.idx.msk [tilespmem:v55+s3+$0x0], $0xffff  }
0x230: {  	v61 =	vor.u32 v21, v33;
	[tilespmem:s19+$0x14C70] =	vst v41;
	v47 =	vld.idx.msk [tilespmem:v56+s3+$0x0], $0xffff  }
0x231: {  	v62 =	vor.u32 v7, v35;
	v38 =	vld.idx.msk [tilespmem:v59+s3+$0x0], $0xffff;
	[tilespmem:s24+$0x14810] =	vst v43  }
0x232: {  	v53 =	vor.u32 v17, v32;
	[tilespmem:s23+$0x15400] =	vst v46;
	v45 =	vld.idx.msk [tilespmem:v60+s3+$0x0], $0xffff  }
0x233: {  	v54 =	vor.u32 v3, v37;
	[tilespmem:s21+$0x14C20] =	vst v48;
	v39 =	vld.idx.msk [tilespmem:v57+s3+$0x0], $0xffff  }
0x234: {  	v63 =	vor.u32 v26, v36;
	v42 =	vld.idx.msk [tilespmem:v58+s3+$0x0], $0xffff;
	[tilespmem:s20+$0x15040] =	vst v44  }
0x235: {  	v52 =	vor.u32 v12, v34;
	[tilespmem:s22+$0x14860] =	vst v47;
	v46 =	vld.idx.msk [tilespmem:v61+s3+$0x0], $0xffff  }
0x236: {  	v55 =	vor.u32 v22, v33;
	[tilespmem:s19+$0x15000] =	vst v38;
	v48 =	vld.idx.msk [tilespmem:v62+s3+$0x0], $0xffff  }
0x237: {  	v57 =	vor.u32 v8, v35;
	v44 =	vld.idx.msk [tilespmem:v53+s3+$0x0], $0xffff;
	[tilespmem:s24+$0x14820] =	vst v45  }
0x238: {  	s26 =	simm.s32 $0x7;
	v60 =	vor.u32 v18, v32;
	[tilespmem:s23+$0x15410] =	vst v39;
	v47 =	vld.idx.msk [tilespmem:v54+s3+$0x0], $0xffff  }
0x239: {  	v56 =	vmov s26;
	v62 =	vor.u32 v4, v37;
	[tilespmem:s21+$0x14C30] =	vst v42;
	v41 =	vld.idx.msk [tilespmem:v63+s3+$0x0], $0xffff  }
0x23a: {  	v58 =	vor.u32 v27, v36;
	v42 =	vadd.s32 $0x20, v56;
	v43 =	vld.idx.msk [tilespmem:v52+s3+$0x0], $0xffff;
	[tilespmem:s20+$0x15050] =	vst v46  }
0x23b: {  	v59 =	vor.u32 v13, v34;
	v42 =	vbroadcast v42, $0x0;
	[tilespmem:s22+$0x14870] =	vst v48;
	v61 =	vld.idx.msk [tilespmem:v55+s3+$0x0], $0xffff  }
0x23c: {  	[tilespmem:s19+$0x15010] =	vst v44;
	v49 =	vld.idx.msk [tilespmem:v57+s3+$0x0], $0xffff  }
0x23d: {  	v63 =	vor.u32 v23, v33;
	v55 =	vshll.u32 v40, $0x9;
	v40 =	vshll.u32 v40, $0x7;
	v44 =	vld.idx.msk [tilespmem:v60+s3+$0x0], $0xffff;
	[tilespmem:s24+$0x14830] =	vst v47  }
0x23e: {  	v56 =	vor.u32 v9, v35;
	v38 =	vand.u32 $0xFFFFF000, v55;
	v40 =	vand.u32 $0x380, v40;
	[tilespmem:s23+$0x15420] =	vst v41;
	v47 =	vld.idx.msk [tilespmem:v62+s3+$0x0], $0xffff  }
0x23f: {  	v60 =	vor.u32 v19, v32;
	v38 =	vor.u32 v40, v38;
	[tilespmem:s21+$0x14C40] =	vst v43;
	v54 =	vld.idx.msk [tilespmem:v58+s3+$0x0], $0xffff  }
0x240: {  	v45 =	vld.idx.msk [tilespmem:v59+s3+$0x0], $0xffff;
	v59 =	vor.u32 v0, v38  }
0x241: {  	v57 =	vor.u32 v28, v36;
	v39 =	vld.idx.msk [tilespmem:v42+s13+$0x0], $0xffff;
	[tilespmem:s20+$0x15060] =	vst v61  }
0x242: {  	v58 =	vor.u32 v14, v34;
	[tilespmem:s22+$0x14C00] =	vst v49;
	v41 =	vld.idx.msk [tilespmem:v63+s3+$0x0], $0xffff  }
0x243: {  	v61 =	vor.u32 v5, v37;
	[tilespmem:s19+$0x15020] =	vst v44;
	v62 =	vld.idx.msk [tilespmem:v56+s3+$0x0], $0xffff  }
0x244: {  	v63 =	vor.u32 v24, v33;
	v48 =	vld.idx.msk [tilespmem:v60+s3+$0x0], $0xffff  }
0x245: {  	v56 =	vor.u32 v10, v35;
	[tilespmem:s23+$0x15430] =	vst v54;
	v46 =	vld.idx.msk [tilespmem:v59+s3+$0x0], $0xffff  }
0x246: {  	v60 =	vor.u32 v20, v32;
	[tilespmem:s21+$0x14C50] =	vst v45;
	v42 =	vld.idx.msk [tilespmem:v57+s3+$0x0], $0xffff  }
0x247: {  	[tilespmem:s24+$0x14840] =	vst v47;
	v40 =	vld.idx.msk [tilespmem:v58+s3+$0x0], $0xffff;
	v57 =	vor.u32 v29, v36  }
0x248: {  	v58 =	vor.u32 v15, v34;
	v52 =	vld.idx.msk [tilespmem:v61+s3+$0x0], $0xffff;
	[tilespmem:s20+$0x15070] =	vst v41  }
0x249: {  	v59 =	vor.u32 v1, v38;
	[tilespmem:s22+$0x14C10] =	vst v62;
	v61 =	vld.idx.msk [tilespmem:v63+s3+$0x0], $0xffff  }
0x24a: {  	s28 =	simm.s32 $0xC00;
	s26 =	simm.s32 $0x300;
	v53 =	vor.u32 v6, v37;
	[tilespmem:s19+$0x15030] =	vst v48;
	v54 =	vld.idx.msk [tilespmem:v56+s3+$0x0], $0xffff  }
0x24b: {  	s30 =	sand.u32 $0x3000, s28;
	s31 =	sand.u32 $0x380, s26;
	v62 =	vor.u32 v25, v33;
	v44 =	vld.idx.msk [tilespmem:v60+s3+$0x0], $0xffff;
	[tilespmem:s23+$0x15440] =	vst v42  }
0x24c: {  	s25 =	sor.u32 s31, s30;
	v63 =	vor.u32 v11, v35;
	[tilespmem:s21+$0x14C60] =	vst v40;
	v55 =	vld.idx.msk [tilespmem:v57+s3+$0x0], $0xffff  }
0x24d: {  	v45 =	vor.u32 v30, v36;
	[tilespmem:s25+$0x14800] =	vst v46;
	v43 =	vld.idx.msk [tilespmem:v58+s3+$0x0], $0xffff  }
0x24e: {  	v49 =	vld.idx.msk [tilespmem:v59+s3+$0x0], $0xffff;
	[tilespmem:s24+$0x14850] =	vst v52;
	v42 =	vor.u32 v16, v34  }
0x24f: {  	v50 =	vor.u32 v2, v38;
	v47 =	vld.idx.msk [tilespmem:v53+s3+$0x0], $0xffff;
	[tilespmem:s20+$0x15400] =	vst v61  }
0x250: {  	v40 =	vor.u32 v21, v32;
	[tilespmem:s22+$0x14C20] =	vst v54;
	v41 =	vld.idx.msk [tilespmem:v62+s3+$0x0], $0xffff  }
0x251: {  	s29 =	simm.s32 $0x8;
	v48 =	vor.u32 v7, v37;
	v46 =	vld.idx.msk [tilespmem:v63+s3+$0x0], $0xffff;
	[tilespmem:s23+$0x15450] =	vst v55  }
.LBB2_4:
0x252: {  	p0 =	sne.s32 s29, $0x1F;
	[tilespmem:s21+$0x14C70] =	vst v43;
	v43 =	vor.u32 v26, v33;
	v45 =	vld.idx.msk [tilespmem:v45+s3+$0x0], $0xffff  }
0x253: {  	[tilespmem:s25+$0x14810] =	vst v49;
	v49 =	vor.u32 v12, v35;
	v42 =	vld.idx.msk [tilespmem:v42+s3+$0x0], $0xffff  }
0x254: {  	v50 =	vld.idx.msk [tilespmem:v50+s3+$0x0], $0xffff;
	[tilespmem:s19+$0x15040] =	vst v44;
	v44 =	vor.u32 v31, v36;
	v36 =	vmovc v33;
	v33 =	vmov v32;
	v32 =	vmov v34  }
0x255: {  	v34 =	vmovc v35;
	v35 =	vmov v37;
	v37 =	vmov v38;
	[tilespmem:s24+$0x14860] =	vst v47;
	v47 =	vor.u32 v17, v32;
	v40 =	vld.idx.msk [tilespmem:v40+s3+$0x0], $0xffff  }
0x256: {  	v38 =	vor.u32 v3, v37;
	v48 =	vld.idx.msk [tilespmem:v48+s3+$0x0], $0xffff;
	[tilespmem:s20+$0x15410] =	vst v41  }
0x257: {  	v41 =	vor.u32 v22, v33;
	[tilespmem:s22+$0x14C30] =	vst v46;
	v43 =	vld.idx.msk [tilespmem:v43+s3+$0x0], $0xffff  }
0x258: {  	v51 =	vor.u32 v8, v35;
	v46 =	vmov s29;
	v49 =	vld.idx.msk [tilespmem:v49+s3+$0x0], $0xffff;
	[tilespmem:s23+$0x15460] =	vst v45  }
0x259: {  	v45 =	vadd.s32 $0x20, v46;
	[tilespmem:s21+$0x15000] =	vst v42;
	v42 =	vor.u32 v27, v36;
	v44 =	vld.idx.msk [tilespmem:v44+s3+$0x0], $0xffff  }
0x25a: {  	v46 =	vor.u32 v13, v34;
	v45 =	vbroadcast v45, $0x0;
	[tilespmem:s25+$0x14820] =	vst v50;
	v47 =	vld.idx.msk [tilespmem:v47+s3+$0x0], $0xffff  }
0x25b: {  	v50 =	vld.idx.msk [tilespmem:v38+s3+$0x0], $0xffff;
	[tilespmem:s19+$0x15050] =	vst v40  }
0x25c: {  	v40 =	vor.u32 v18, v32;
	[tilespmem:s24+$0x14870] =	vst v48;
	v41 =	vld.idx.msk [tilespmem:v41+s3+$0x0], $0xffff  }
0x25d: {  	v48 =	vor.u32 v4, v37;
	v51 =	vld.idx.msk [tilespmem:v51+s3+$0x0], $0xffff;
	[tilespmem:s20+$0x15420] =	vst v43  }
0x25e: {  	v43 =	vor.u32 v23, v33;
	[tilespmem:s22+$0x14C40] =	vst v49;
	v42 =	vld.idx.msk [tilespmem:v42+s3+$0x0], $0xffff  }
0x25f: {  	v52 =	vor.u32 v9, v35;
	v38 =	vshll.u32 v39, $0x9;
	v49 =	vshll.u32 v39, $0x7;
	v46 =	vld.idx.msk [tilespmem:v46+s3+$0x0], $0xffff;
	[tilespmem:s23+$0x15470] =	vst v44;
	s23 =	smov.u32 s20;
	s20 =	smov.u32 s19;
	s19 =	smov.u32 s21  }
0x260: {  	v38 =	vand.u32 $0xFFFFF000, v38;
	v44 =	vand.u32 $0x380, v49;
	s21 =	smov.u32 s22;
	s22 =	smov.u32 s24;
	s24 =	smov.u32 s25;
	v39 =	vld.idx.msk [tilespmem:v45+s13+$0x0], $0xffff;
	[tilespmem:s19+$0x15010] =	vst v47;
	v45 =	vor.u32 v28, v36  }
0x261: {  	v38 =	vor.u32 v44, v38;
	v44 =	vor.u32 v14, v34;
	[tilespmem:s24+$0x14830] =	vst v50;
	v40 =	vld.idx.msk [tilespmem:v40+s3+$0x0], $0xffff  }
0x262: {  	v47 =	vor.u32 v0, v38;
	v48 =	vld.idx.msk [tilespmem:v48+s3+$0x0], $0xffff;
	[tilespmem:s20+$0x15060] =	vst v41  }
0x263: {  	v41 =	vor.u32 v19, v32;
	[tilespmem:s22+$0x14C00] =	vst v51;
	v43 =	vld.idx.msk [tilespmem:v43+s3+$0x0], $0xffff  }
0x264: {  	v49 =	vor.u32 v5, v37;
	v50 =	vld.idx.msk [tilespmem:v52+s3+$0x0], $0xffff;
	[tilespmem:s23+$0x15430] =	vst v42  }
0x265: {  	v42 =	vor.u32 v24, v33;
	[tilespmem:s21+$0x14C50] =	vst v46;
	v45 =	vld.idx.msk [tilespmem:v45+s3+$0x0], $0xffff  }
0x266: {  	v46 =	vor.u32 v10, v35;
	v44 =	vld.idx.msk [tilespmem:v44+s3+$0x0], $0xffff  }
0x267: {  	v47 =	vld.idx.msk [tilespmem:v47+s3+$0x0], $0xffff;
	[tilespmem:s19+$0x15020] =	vst v40;
	v40 =	vor.u32 v29, v36  }
0x268: {  	[tilespmem:s24+$0x14840] =	vst v48;
	v48 =	vor.u32 v15, v34;
	v41 =	vld.idx.msk [tilespmem:v41+s3+$0x0], $0xffff  }
0x269: {  	v51 =	vor.u32 v1, v38;
	v52 =	vld.idx.msk [tilespmem:v49+s3+$0x0], $0xffff;
	[tilespmem:s20+$0x15070] =	vst v43  }
0x26a: {  	s26 =	sadd.s32 $0x80, s26;
	s28 =	sadd.s32 $0x200, s28;
	[tilespmem:s22+$0x14C10] =	vst v50;
	v50 =	vor.u32 v20, v32;
	v53 =	vld.idx.msk [tilespmem:v42+s3+$0x0], $0xffff  }
0x26b: {  	s0 =	sand.u32 $0x3000, s28;
	v54 =	vor.u32 v6, v37;
	s25 =	sand.u32 $0x380, s26;
	v46 =	vld.idx.msk [tilespmem:v46+s3+$0x0], $0xffff;
	[tilespmem:s23+$0x15440] =	vst v45  }
0x26c: {  	v55 =	vor.u32 v25, v33;
	s25 =	sor.u32 s25, s0;
	[tilespmem:s21+$0x14C60] =	vst v44;
	v56 =	vld.idx.msk [tilespmem:v40+s3+$0x0], $0xffff  }
0x26d: {  	v57 =	vor.u32 v11, v35;
	[tilespmem:s25+$0x14800] =	vst v47;
	v43 =	vld.idx.msk [tilespmem:v48+s3+$0x0], $0xffff  }
.Ltmp1:
0x26e: {  	v45 =	vor.u32 v30, v36;
	v49 =	vld.idx.msk [tilespmem:v51+s3+$0x0], $0xffff;
	[tilespmem:s19+$0x15030] =	vst v41;
	(pc) =	sbr.rel @p0 .LBB2_4-.Ltmp1, $4  }
0x26f: {  	v42 =	vor.u32 v16, v34;
	[tilespmem:s24+$0x14850] =	vst v52;
	v44 =	vld.idx.msk [tilespmem:v50+s3+$0x0], $0xffff  }
0x270: {  	v50 =	vor.u32 v2, v38;
	v47 =	vld.idx.msk [tilespmem:v54+s3+$0x0], $0xffff;
	[tilespmem:s20+$0x15400] =	vst v53  }
0x271: {  	v40 =	vor.u32 v21, v32;
	[tilespmem:s22+$0x14C20] =	vst v46;
	v41 =	vld.idx.msk [tilespmem:v55+s3+$0x0], $0xffff  }
0x272: {  	s29 =	sadd.s32 $0x1, s29;
	v48 =	vor.u32 v7, v37;
	v46 =	vld.idx.msk [tilespmem:v57+s3+$0x0], $0xffff;
	[tilespmem:s23+$0x15450] =	vst v56  }
0x273: {  	v51 =	vshll.u32 v39, $0x9;
	v60 =	vshll.u32 v39, $0x7  }
0x274: {  	v51 =	vand.u32 $0xFFFFF000, v51;
	v39 =	vand.u32 $0x380, v60  }
0x275: {  	v39 =	vor.u32 v39, v51  }
0x276: {  	v51 =	vor.u32 v0, v39;
	_ =	sdelay $0x4  }
0x277: {  	v51 =	vld.idx.msk [tilespmem:v51+s3+$0x0], $0xffff  }
0x278: {  	v52 =	vor.u32 v1, v39  }
0x279: {  	s0 =	sadd.s32 $0x80, s26;
	s31 =	sadd.s32 $0x200, s28  }
0x27a: {  	s26 =	sand.u32 $0x3000, s31;
	s0 =	sand.u32 $0x380, s0  }
0x27b: {  	s26 =	sor.u32 s0, s26  }
0x27c: {  	[tilespmem:s26+$0x14800] =	vst v51  }
0x27d: {  	v51 =	vld.idx.msk [tilespmem:v52+s3+$0x0], $0xffff  }
0x27e: {  	v61 =	vor.u32 v2, v39;
	_ =	sdelay $0x2  }
0x27f: {  	[tilespmem:s25+$0x14810] =	vst v49  }
0x280: {  	v49 =	vld.idx.msk [tilespmem:v50+s3+$0x0], $0xffff;
	[tilespmem:s26+$0x14810] =	vst v51  }
0x281: {  	v62 =	vor.u32 v3, v38;
	v51 =	vld.idx.msk [tilespmem:v61+s3+$0x0], $0xffff  }
0x282: {  	v63 =	vor.u32 v3, v39;
	_ =	sdelay $0x2  }
0x283: {  	[tilespmem:s25+$0x14820] =	vst v49  }
0x284: {  	v49 =	vld.idx.msk [tilespmem:v62+s3+$0x0], $0xffff;
	[tilespmem:s26+$0x14820] =	vst v51  }
0x285: {  	v56 =	vor.u32 v4, v38;
	v51 =	vld.idx.msk [tilespmem:v63+s3+$0x0], $0xffff  }
0x286: {  	v57 =	vor.u32 v4, v39;
	_ =	sdelay $0x2  }
0x287: {  	[tilespmem:s25+$0x14830] =	vst v49  }
0x288: {  	v49 =	vld.idx.msk [tilespmem:v56+s3+$0x0], $0xffff;
	[tilespmem:s26+$0x14830] =	vst v51  }
0x289: {  	v58 =	vor.u32 v5, v38;
	v51 =	vld.idx.msk [tilespmem:v57+s3+$0x0], $0xffff  }
0x28a: {  	v59 =	vor.u32 v5, v39;
	_ =	sdelay $0x2  }
0x28b: {  	[tilespmem:s25+$0x14840] =	vst v49  }
0x28c: {  	v49 =	vld.idx.msk [tilespmem:v58+s3+$0x0], $0xffff;
	[tilespmem:s26+$0x14840] =	vst v51  }
0x28d: {  	v60 =	vor.u32 v6, v38;
	v51 =	vld.idx.msk [tilespmem:v59+s3+$0x0], $0xffff  }
0x28e: {  	v61 =	vor.u32 v6, v39;
	_ =	sdelay $0x2  }
0x28f: {  	[tilespmem:s25+$0x14850] =	vst v49  }
0x290: {  	v49 =	vld.idx.msk [tilespmem:v60+s3+$0x0], $0xffff;
	[tilespmem:s26+$0x14850] =	vst v51  }
0x291: {  	v62 =	vor.u32 v7, v38;
	v51 =	vld.idx.msk [tilespmem:v61+s3+$0x0], $0xffff  }
0x292: {  	v63 =	vor.u32 v7, v39;
	_ =	sdelay $0x1  }
0x293: {  	[tilespmem:s24+$0x14860] =	vst v47  }
0x294: {  	v47 =	vld.idx.msk [tilespmem:v48+s3+$0x0], $0xffff;
	[tilespmem:s25+$0x14860] =	vst v49  }
0x295: {  	v56 =	vor.u32 v8, v37;
	v49 =	vld.idx.msk [tilespmem:v62+s3+$0x0], $0xffff;
	[tilespmem:s26+$0x14860] =	vst v51  }
0x296: {  	v57 =	vor.u32 v8, v38;
	v51 =	vld.idx.msk [tilespmem:v63+s3+$0x0], $0xffff  }
0x297: {  	v58 =	vor.u32 v8, v39;
	_ =	sdelay $0x1  }
0x298: {  	[tilespmem:s24+$0x14870] =	vst v47  }
0x299: {  	v47 =	vld.idx.msk [tilespmem:v56+s3+$0x0], $0xffff;
	[tilespmem:s25+$0x14870] =	vst v49  }
0x29a: {  	v49 =	vld.idx.msk [tilespmem:v57+s3+$0x0], $0xffff;
	v59 =	vor.u32 v9, v37;
	[tilespmem:s26+$0x14870] =	vst v51  }
0x29b: {  	v60 =	vor.u32 v9, v38;
	v51 =	vld.idx.msk [tilespmem:v58+s3+$0x0], $0xffff  }
0x29c: {  	v61 =	vor.u32 v9, v39;
	_ =	sdelay $0x1  }
0x29d: {  	[tilespmem:s24+$0x14C00] =	vst v47  }
0x29e: {  	[tilespmem:s25+$0x14C00] =	vst v49;
	v47 =	vld.idx.msk [tilespmem:v59+s3+$0x0], $0xffff  }
0x29f: {  	v62 =	vor.u32 v10, v37;
	v49 =	vld.idx.msk [tilespmem:v60+s3+$0x0], $0xffff;
	[tilespmem:s26+$0x14C00] =	vst v51  }
0x2a0: {  	v63 =	vor.u32 v10, v38;
	v51 =	vld.idx.msk [tilespmem:v61+s3+$0x0], $0xffff  }
0x2a1: {  	v56 =	vor.u32 v10, v39;
	_ =	sdelay $0x1  }
0x2a2: {  	[tilespmem:s24+$0x14C10] =	vst v47  }
0x2a3: {  	[tilespmem:s25+$0x14C10] =	vst v49;
	v47 =	vld.idx.msk [tilespmem:v62+s3+$0x0], $0xffff  }
0x2a4: {  	v57 =	vor.u32 v11, v37;
	v49 =	vld.idx.msk [tilespmem:v63+s3+$0x0], $0xffff;
	[tilespmem:s26+$0x14C10] =	vst v51  }
0x2a5: {  	v58 =	vor.u32 v11, v38;
	v51 =	vld.idx.msk [tilespmem:v56+s3+$0x0], $0xffff  }
0x2a6: {  	v59 =	vor.u32 v11, v39;
	_ =	sdelay $0x1  }
0x2a7: {  	[tilespmem:s24+$0x14C20] =	vst v47  }
0x2a8: {  	v60 =	vor.u32 v12, v35;
	v48 =	vld.idx.msk [tilespmem:v57+s3+$0x0], $0xffff;
	[tilespmem:s25+$0x14C20] =	vst v49  }
0x2a9: {  	v50 =	vld.idx.msk [tilespmem:v58+s3+$0x0], $0xffff;
	v61 =	vor.u32 v12, v37;
	[tilespmem:s26+$0x14C20] =	vst v51  }
0x2aa: {  	v62 =	vor.u32 v12, v38;
	v52 =	vld.idx.msk [tilespmem:v59+s3+$0x0], $0xffff  }
0x2ab: {  	v53 =	vor.u32 v12, v39  }
0x2ac: {  	[tilespmem:s22+$0x14C30] =	vst v46  }
0x2ad: {  	v46 =	vld.idx.msk [tilespmem:v60+s3+$0x0], $0xffff;
	[tilespmem:s24+$0x14C30] =	vst v48  }
0x2ae: {  	v63 =	vor.u32 v13, v35;
	[tilespmem:s25+$0x14C30] =	vst v50;
	v48 =	vld.idx.msk [tilespmem:v61+s3+$0x0], $0xffff  }
0x2af: {  	v50 =	vld.idx.msk [tilespmem:v62+s3+$0x0], $0xffff;
	v56 =	vor.u32 v13, v37;
	[tilespmem:s26+$0x14C30] =	vst v52  }
0x2b0: {  	v57 =	vor.u32 v13, v38;
	v52 =	vld.idx.msk [tilespmem:v53+s3+$0x0], $0xffff  }
0x2b1: {  	v58 =	vor.u32 v13, v39  }
0x2b2: {  	[tilespmem:s22+$0x14C40] =	vst v46  }
0x2b3: {  	v46 =	vld.idx.msk [tilespmem:v63+s3+$0x0], $0xffff;
	[tilespmem:s24+$0x14C40] =	vst v48  }
0x2b4: {  	[tilespmem:s25+$0x14C40] =	vst v50;
	v48 =	vld.idx.msk [tilespmem:v56+s3+$0x0], $0xffff;
	v59 =	vor.u32 v14, v35  }
0x2b5: {  	v60 =	vor.u32 v14, v37;
	v50 =	vld.idx.msk [tilespmem:v57+s3+$0x0], $0xffff;
	[tilespmem:s26+$0x14C40] =	vst v52  }
0x2b6: {  	[tilespmem:s21+$0x14C70] =	vst v43;
	v61 =	vor.u32 v14, v38;
	v62 =	vld.idx.msk [tilespmem:v58+s3+$0x0], $0xffff  }
0x2b7: {  	[tilespmem:s19+$0x15040] =	vst v44;
	v63 =	vor.u32 v14, v39  }
0x2b8: {  	v45 =	vld.idx.msk [tilespmem:v45+s3+$0x0], $0xffff;
	[tilespmem:s22+$0x14C50] =	vst v46  }
0x2b9: {  	[tilespmem:s24+$0x14C50] =	vst v48;
	v46 =	vld.idx.msk [tilespmem:v59+s3+$0x0], $0xffff  }
0x2ba: {  	[tilespmem:s25+$0x14C50] =	vst v50;
	v48 =	vld.idx.msk [tilespmem:v60+s3+$0x0], $0xffff;
	v52 =	vor.u32 v15, v35  }
0x2bb: {  	v43 =	vld.idx.msk [tilespmem:v61+s3+$0x0], $0xffff;
	v53 =	vor.u32 v15, v37;
	[tilespmem:s26+$0x14C50] =	vst v62  }
0x2bc: {  	v54 =	vor.u32 v15, v38;
	[tilespmem:s20+$0x15410] =	vst v41;
	v44 =	vld.idx.msk [tilespmem:v63+s3+$0x0], $0xffff  }
0x2bd: {  	v42 =	vld.idx.msk [tilespmem:v42+s3+$0x0], $0xffff;
	v55 =	vor.u32 v15, v39;
	[tilespmem:s23+$0x15460] =	vst v45  }
0x2be: {  	v36 =	vor.u32 v31, v36;
	v40 =	vld.idx.msk [tilespmem:v40+s3+$0x0], $0xffff;
	[tilespmem:s22+$0x14C60] =	vst v46  }
0x2bf: {  	v56 =	vor.u32 v26, v33;
	[tilespmem:s24+$0x14C60] =	vst v48;
	v46 =	vld.idx.msk [tilespmem:v52+s3+$0x0], $0xffff  }
0x2c0: {  	v57 =	vor.u32 v16, v35;
	[tilespmem:s25+$0x14C60] =	vst v43;
	v48 =	vld.idx.msk [tilespmem:v53+s3+$0x0], $0xffff  }
0x2c1: {  	v41 =	vld.idx.msk [tilespmem:v54+s3+$0x0], $0xffff;
	v58 =	vor.u32 v16, v37;
	[tilespmem:s26+$0x14C60] =	vst v44  }
0x2c2: {  	[tilespmem:s21+$0x15000] =	vst v42;
	v59 =	vor.u32 v16, v38;
	v44 =	vld.idx.msk [tilespmem:v55+s3+$0x0], $0xffff  }
0x2c3: {  	v36 =	vld.idx.msk [tilespmem:v36+s3+$0x0], $0xffff;
	[tilespmem:s19+$0x15050] =	vst v40;
	v61 =	vor.u32 v16, v39  }
0x2c4: {  	v60 =	vld.idx.msk [tilespmem:v56+s3+$0x0], $0xffff;
	v63 =	vor.u32 v22, v32;
	[tilespmem:s22+$0x14C70] =	vst v46  }
0x2c5: {  	[tilespmem:s24+$0x14C70] =	vst v48;
	v62 =	vor.u32 v17, v34;
	v47 =	vld.idx.msk [tilespmem:v57+s3+$0x0], $0xffff  }
0x2c6: {  	v52 =	vor.u32 v17, v35;
	[tilespmem:s25+$0x14C70] =	vst v41;
	v43 =	vld.idx.msk [tilespmem:v58+s3+$0x0], $0xffff  }
0x2c7: {  	v53 =	vor.u32 v17, v37;
	v42 =	vld.idx.msk [tilespmem:v59+s3+$0x0], $0xffff;
	[tilespmem:s26+$0x14C70] =	vst v44  }
0x2c8: {  	[tilespmem:s23+$0x15470] =	vst v36;
	v54 =	vor.u32 v17, v38;
	v40 =	vld.idx.msk [tilespmem:v61+s3+$0x0], $0xffff  }
0x2c9: {  	v56 =	vor.u32 v17, v39;
	[tilespmem:s20+$0x15420] =	vst v60;
	v46 =	vld.idx.msk [tilespmem:v63+s3+$0x0], $0xffff  }
0x2ca: {  	v57 =	vor.u32 v27, v33;
	v55 =	vld.idx.msk [tilespmem:v62+s3+$0x0], $0xffff;
	[tilespmem:s22+$0x15000] =	vst v47  }
0x2cb: {  	v58 =	vor.u32 v18, v34;
	[tilespmem:s24+$0x15000] =	vst v43;
	v48 =	vld.idx.msk [tilespmem:v52+s3+$0x0], $0xffff  }
0x2cc: {  	v59 =	vor.u32 v18, v35;
	[tilespmem:s25+$0x15000] =	vst v42;
	v41 =	vld.idx.msk [tilespmem:v53+s3+$0x0], $0xffff  }
0x2cd: {  	v60 =	vor.u32 v18, v37;
	v44 =	vld.idx.msk [tilespmem:v54+s3+$0x0], $0xffff;
	[tilespmem:s26+$0x15000] =	vst v40  }
0x2ce: {  	[tilespmem:s19+$0x15060] =	vst v46;
	v61 =	vor.u32 v18, v38;
	v36 =	vld.idx.msk [tilespmem:v56+s3+$0x0], $0xffff  }
0x2cf: {  	v63 =	vor.u32 v18, v39;
	v62 =	vld.idx.msk [tilespmem:v57+s3+$0x0], $0xffff;
	[tilespmem:s21+$0x15010] =	vst v55  }
0x2d0: {  	v52 =	vor.u32 v23, v32;
	v47 =	vld.idx.msk [tilespmem:v58+s3+$0x0], $0xffff;
	[tilespmem:s22+$0x15010] =	vst v48  }
0x2d1: {  	v53 =	vor.u32 v19, v34;
	[tilespmem:s24+$0x15010] =	vst v41;
	v43 =	vld.idx.msk [tilespmem:v59+s3+$0x0], $0xffff  }
0x2d2: {  	v54 =	vor.u32 v19, v35;
	v42 =	vld.idx.msk [tilespmem:v60+s3+$0x0], $0xffff;
	[tilespmem:s25+$0x15010] =	vst v44  }
0x2d3: {  	v55 =	vor.u32 v19, v37;
	v40 =	vld.idx.msk [tilespmem:v61+s3+$0x0], $0xffff;
	[tilespmem:s26+$0x15010] =	vst v36  }
0x2d4: {  	[tilespmem:s20+$0x15430] =	vst v62;
	v56 =	vor.u32 v19, v38;
	v57 =	vld.idx.msk [tilespmem:v63+s3+$0x0], $0xffff  }
0x2d5: {  	v58 =	vld.idx.msk [tilespmem:v52+s3+$0x0], $0xffff;
	v59 =	vor.u32 v19, v39;
	[tilespmem:s21+$0x15020] =	vst v47  }
0x2d6: {  	v60 =	vor.u32 v28, v33;
	v48 =	vld.idx.msk [tilespmem:v53+s3+$0x0], $0xffff;
	[tilespmem:s22+$0x15020] =	vst v43  }
0x2d7: {  	[tilespmem:s24+$0x15020] =	vst v42;
	v61 =	vor.u32 v20, v34;
	v41 =	vld.idx.msk [tilespmem:v54+s3+$0x0], $0xffff  }
0x2d8: {  	v62 =	vor.u32 v20, v35;
	v44 =	vld.idx.msk [tilespmem:v55+s3+$0x0], $0xffff;
	[tilespmem:s25+$0x15020] =	vst v40  }
0x2d9: {  	v36 =	vld.idx.msk [tilespmem:v56+s3+$0x0], $0xffff;
	v63 =	vor.u32 v20, v37;
	[tilespmem:s26+$0x15020] =	vst v57  }
0x2da: {  	v52 =	vor.u32 v20, v38;
	[tilespmem:s19+$0x15070] =	vst v58;
	v53 =	vld.idx.msk [tilespmem:v59+s3+$0x0], $0xffff  }
0x2db: {  	v55 =	vor.u32 v20, v39;
	v54 =	vld.idx.msk [tilespmem:v60+s3+$0x0], $0xffff;
	[tilespmem:s21+$0x15030] =	vst v48  }
0x2dc: {  	v56 =	vor.u32 v24, v32;
	v43 =	vld.idx.msk [tilespmem:v61+s3+$0x0], $0xffff;
	[tilespmem:s22+$0x15030] =	vst v41  }
0x2dd: {  	[tilespmem:s24+$0x15030] =	vst v44;
	v42 =	vld.idx.msk [tilespmem:v62+s3+$0x0], $0xffff;
	v57 =	vor.u32 v21, v34  }
0x2de: {  	v58 =	vor.u32 v21, v35;
	[tilespmem:s25+$0x15030] =	vst v36;
	v40 =	vld.idx.msk [tilespmem:v63+s3+$0x0], $0xffff  }
0x2df: {  	v45 =	vld.idx.msk [tilespmem:v52+s3+$0x0], $0xffff;
	v59 =	vor.u32 v21, v37;
	[tilespmem:s26+$0x15030] =	vst v53  }
0x2e0: {  	v60 =	vor.u32 v21, v38;
	[tilespmem:s20+$0x15440] =	vst v54;
	v61 =	vld.idx.msk [tilespmem:v55+s3+$0x0], $0xffff  }
0x2e1: {  	v62 =	vld.idx.msk [tilespmem:v56+s3+$0x0], $0xffff;
	[tilespmem:s21+$0x15040] =	vst v43;
	v63 =	vor.u32 v21, v39  }
0x2e2: {  	v52 =	vor.u32 v29, v33;
	[tilespmem:s22+$0x15040] =	vst v42;
	v41 =	vld.idx.msk [tilespmem:v57+s3+$0x0], $0xffff  }
0x2e3: {  	v44 =	vld.idx.msk [tilespmem:v58+s3+$0x0], $0xffff;
	[tilespmem:s24+$0x15040] =	vst v40;
	v53 =	vor.u32 v22, v34  }
0x2e4: {  	v54 =	vor.u32 v22, v35;
	[tilespmem:s25+$0x15040] =	vst v45;
	v36 =	vld.idx.msk [tilespmem:v59+s3+$0x0], $0xffff  }
0x2e5: {  	v46 =	vld.idx.msk [tilespmem:v60+s3+$0x0], $0xffff;
	v55 =	vor.u32 v22, v37;
	[tilespmem:s26+$0x15040] =	vst v61  }
0x2e6: {  	v56 =	vor.u32 v22, v38;
	[tilespmem:s19+$0x15400] =	vst v62;
	v43 =	vld.idx.msk [tilespmem:v63+s3+$0x0], $0xffff  }
0x2e7: {  	v57 =	vld.idx.msk [tilespmem:v52+s3+$0x0], $0xffff;
	v58 =	vor.u32 v22, v39;
	[tilespmem:s21+$0x15050] =	vst v41  }
0x2e8: {  	v59 =	vor.u32 v25, v32;
	[tilespmem:s22+$0x15050] =	vst v44;
	v42 =	vld.idx.msk [tilespmem:v53+s3+$0x0], $0xffff  }
0x2e9: {  	v60 =	vor.u32 v23, v34;
	v40 =	vld.idx.msk [tilespmem:v54+s3+$0x0], $0xffff;
	[tilespmem:s24+$0x15050] =	vst v36  }
0x2ea: {  	[tilespmem:s25+$0x15050] =	vst v46;
	v61 =	vor.u32 v23, v35;
	v45 =	vld.idx.msk [tilespmem:v55+s3+$0x0], $0xffff  }
0x2eb: {  	v62 =	vor.u32 v23, v37;
	v47 =	vld.idx.msk [tilespmem:v56+s3+$0x0], $0xffff;
	[tilespmem:s26+$0x15050] =	vst v43  }
0x2ec: {  	[tilespmem:s20+$0x15450] =	vst v57;
	v63 =	vor.u32 v23, v38;
	v41 =	vld.idx.msk [tilespmem:v58+s3+$0x0], $0xffff  }
0x2ed: {  	v52 =	vld.idx.msk [tilespmem:v59+s3+$0x0], $0xffff;
	v53 =	vor.u32 v23, v39;
	[tilespmem:s21+$0x15060] =	vst v42  }
0x2ee: {  	v54 =	vor.u32 v30, v33;
	[tilespmem:s22+$0x15060] =	vst v40;
	v44 =	vld.idx.msk [tilespmem:v60+s3+$0x0], $0xffff  }
0x2ef: {  	v55 =	vor.u32 v24, v34;
	v36 =	vld.idx.msk [tilespmem:v61+s3+$0x0], $0xffff;
	[tilespmem:s24+$0x15060] =	vst v45  }
0x2f0: {  	v56 =	vor.u32 v24, v35;
	[tilespmem:s25+$0x15060] =	vst v47;
	v46 =	vld.idx.msk [tilespmem:v62+s3+$0x0], $0xffff  }
0x2f1: {  	v57 =	vor.u32 v24, v37;
	v43 =	vld.idx.msk [tilespmem:v63+s3+$0x0], $0xffff;
	[tilespmem:s26+$0x15060] =	vst v41  }
0x2f2: {  	[tilespmem:s19+$0x15410] =	vst v52;
	v58 =	vor.u32 v24, v38;
	v42 =	vld.idx.msk [tilespmem:v53+s3+$0x0], $0xffff  }
0x2f3: {  	v59 =	vld.idx.msk [tilespmem:v54+s3+$0x0], $0xffff;
	v60 =	vor.u32 v24, v39;
	[tilespmem:s21+$0x15070] =	vst v44  }
0x2f4: {  	v61 =	vor.u32 v26, v32;
	[tilespmem:s22+$0x15070] =	vst v36;
	v40 =	vld.idx.msk [tilespmem:v55+s3+$0x0], $0xffff  }
0x2f5: {  	v62 =	vor.u32 v25, v34;
	v45 =	vld.idx.msk [tilespmem:v56+s3+$0x0], $0xffff;
	[tilespmem:s24+$0x15070] =	vst v46  }
0x2f6: {  	v63 =	vor.u32 v25, v35;
	[tilespmem:s25+$0x15070] =	vst v43;
	v47 =	vld.idx.msk [tilespmem:v57+s3+$0x0], $0xffff  }
0x2f7: {  	v52 =	vor.u32 v25, v37;
	v41 =	vld.idx.msk [tilespmem:v58+s3+$0x0], $0xffff;
	[tilespmem:s26+$0x15070] =	vst v42  }
0x2f8: {  	[tilespmem:s20+$0x15460] =	vst v59;
	v53 =	vor.u32 v25, v38;
	v44 =	vld.idx.msk [tilespmem:v60+s3+$0x0], $0xffff  }
0x2f9: {  	v54 =	vld.idx.msk [tilespmem:v61+s3+$0x0], $0xffff;
	v55 =	vor.u32 v25, v39;
	[tilespmem:s21+$0x15400] =	vst v40  }
0x2fa: {  	v56 =	vor.u32 v31, v33;
	[tilespmem:s22+$0x15400] =	vst v45;
	v36 =	vld.idx.msk [tilespmem:v62+s3+$0x0], $0xffff  }
0x2fb: {  	v57 =	vor.u32 v26, v34;
	v46 =	vld.idx.msk [tilespmem:v63+s3+$0x0], $0xffff;
	[tilespmem:s24+$0x15400] =	vst v47  }
0x2fc: {  	v58 =	vor.u32 v26, v35;
	[tilespmem:s25+$0x15400] =	vst v41;
	v43 =	vld.idx.msk [tilespmem:v52+s3+$0x0], $0xffff  }
0x2fd: {  	v59 =	vor.u32 v26, v37;
	v42 =	vld.idx.msk [tilespmem:v53+s3+$0x0], $0xffff;
	[tilespmem:s26+$0x15400] =	vst v44  }
0x2fe: {  	[tilespmem:s19+$0x15420] =	vst v54;
	v60 =	vor.u32 v26, v38;
	v40 =	vld.idx.msk [tilespmem:v55+s3+$0x0], $0xffff  }
0x2ff: {  	v61 =	vor.u32 v26, v39;
	v33 =	vld.idx.msk [tilespmem:v56+s3+$0x0], $0xffff;
	[tilespmem:s21+$0x15410] =	vst v36  }
0x300: {  	v62 =	vor.u32 v27, v32;
	[tilespmem:s22+$0x15410] =	vst v46;
	v45 =	vld.idx.msk [tilespmem:v57+s3+$0x0], $0xffff  }
0x301: {  	v63 =	vor.u32 v27, v34;
	v47 =	vld.idx.msk [tilespmem:v58+s3+$0x0], $0xffff;
	[tilespmem:s24+$0x15410] =	vst v43  }
0x302: {  	v52 =	vor.u32 v27, v35;
	[tilespmem:s25+$0x15410] =	vst v42;
	v41 =	vld.idx.msk [tilespmem:v59+s3+$0x0], $0xffff  }
0x303: {  	v53 =	vor.u32 v27, v37;
	v44 =	vld.idx.msk [tilespmem:v60+s3+$0x0], $0xffff;
	[tilespmem:s26+$0x15410] =	vst v40  }
0x304: {  	v54 =	vor.u32 v27, v38;
	[tilespmem:s20+$0x15470] =	vst v33;
	v36 =	vld.idx.msk [tilespmem:v61+s3+$0x0], $0xffff  }
0x305: {  	v56 =	vor.u32 v27, v39;
	v55 =	vld.idx.msk [tilespmem:v62+s3+$0x0], $0xffff;
	[tilespmem:s21+$0x15420] =	vst v45  }
0x306: {  	v57 =	vor.u32 v28, v32;
	[tilespmem:s22+$0x15420] =	vst v47;
	v46 =	vld.idx.msk [tilespmem:v63+s3+$0x0], $0xffff  }
0x307: {  	v58 =	vor.u32 v28, v34;
	v43 =	vld.idx.msk [tilespmem:v52+s3+$0x0], $0xffff;
	[tilespmem:s24+$0x15420] =	vst v41  }
0x308: {  	v59 =	vor.u32 v28, v35;
	[tilespmem:s25+$0x15420] =	vst v44;
	v42 =	vld.idx.msk [tilespmem:v53+s3+$0x0], $0xffff  }
0x309: {  	v60 =	vor.u32 v28, v37;
	v33 =	vld.idx.msk [tilespmem:v54+s3+$0x0], $0xffff;
	[tilespmem:s26+$0x15420] =	vst v36  }
0x30a: {  	[tilespmem:s19+$0x15430] =	vst v55;
	v61 =	vor.u32 v28, v38;
	v62 =	vld.idx.msk [tilespmem:v56+s3+$0x0], $0xffff  }
0x30b: {  	v52 =	vor.u32 v28, v39;
	v63 =	vld.idx.msk [tilespmem:v57+s3+$0x0], $0xffff;
	[tilespmem:s21+$0x15430] =	vst v46  }
0x30c: {  	v53 =	vor.u32 v29, v32;
	[tilespmem:s22+$0x15430] =	vst v43;
	v47 =	vld.idx.msk [tilespmem:v58+s3+$0x0], $0xffff  }
0x30d: {  	v54 =	vor.u32 v29, v34;
	v41 =	vld.idx.msk [tilespmem:v59+s3+$0x0], $0xffff;
	[tilespmem:s24+$0x15430] =	vst v42  }
0x30e: {  	v55 =	vor.u32 v29, v35;
	[tilespmem:s25+$0x15430] =	vst v33;
	v44 =	vld.idx.msk [tilespmem:v60+s3+$0x0], $0xffff  }
0x30f: {  	v36 =	vld.idx.msk [tilespmem:v61+s3+$0x0], $0xffff;
	v56 =	vor.u32 v29, v37;
	[tilespmem:s26+$0x15430] =	vst v62  }
0x310: {  	v57 =	vor.u32 v29, v38;
	[tilespmem:s19+$0x15440] =	vst v63;
	v58 =	vld.idx.msk [tilespmem:v52+s3+$0x0], $0xffff  }
0x311: {  	v60 =	vor.u32 v29, v39;
	v59 =	vld.idx.msk [tilespmem:v53+s3+$0x0], $0xffff;
	[tilespmem:s21+$0x15440] =	vst v47  }
0x312: {  	v61 =	vor.u32 v30, v32;
	[tilespmem:s22+$0x15440] =	vst v41;
	v43 =	vld.idx.msk [tilespmem:v54+s3+$0x0], $0xffff  }
0x313: {  	v42 =	vld.idx.msk [tilespmem:v55+s3+$0x0], $0xffff;
	[tilespmem:s24+$0x15440] =	vst v44;
	v62 =	vor.u32 v30, v34  }
0x314: {  	v63 =	vor.u32 v30, v35;
	[tilespmem:s25+$0x15440] =	vst v36;
	v33 =	vld.idx.msk [tilespmem:v56+s3+$0x0], $0xffff  }
0x315: {  	v49 =	vor.u32 v30, v37;
	v40 =	vld.idx.msk [tilespmem:v57+s3+$0x0], $0xffff;
	[tilespmem:s26+$0x15440] =	vst v58  }
0x316: {  	v50 =	vor.u32 v30, v38;
	[tilespmem:s19+$0x15450] =	vst v59;
	v51 =	vld.idx.msk [tilespmem:v60+s3+$0x0], $0xffff  }
0x317: {  	v53 =	vor.u32 v30, v39;
	v52 =	vld.idx.msk [tilespmem:v61+s3+$0x0], $0xffff;
	[tilespmem:s21+$0x15450] =	vst v43  }
0x318: {  	v54 =	vor.u32 v31, v32;
	[tilespmem:s22+$0x15450] =	vst v42;
	v41 =	vld.idx.msk [tilespmem:v62+s3+$0x0], $0xffff  }
0x319: {  	v55 =	vor.u32 v31, v34;
	v42 =	vld.idx.msk [tilespmem:v63+s3+$0x0], $0xffff;
	[tilespmem:s24+$0x15450] =	vst v33  }
0x31a: {  	v56 =	vor.u32 v31, v35;
	[tilespmem:s25+$0x15450] =	vst v40;
	v57 =	vld.idx.msk [tilespmem:v49+s3+$0x0], $0xffff  }
0x31b: {  	v58 =	vor.u32 v31, v37;
	v59 =	vld.idx.msk [tilespmem:v50+s3+$0x0], $0xffff;
	[tilespmem:s26+$0x15450] =	vst v51  }
0x31c: {  	[tilespmem:s19+$0x15460] =	vst v52;
	v60 =	vor.u32 v31, v38;
	v61 =	vld.idx.msk [tilespmem:v53+s3+$0x0], $0xffff  }
0x31d: {  	v39 =	vor.u32 v31, v39;
	v32 =	vld.idx.msk [tilespmem:v54+s3+$0x0], $0xffff;
	[tilespmem:s21+$0x15460] =	vst v41  }
0x31e: {  	[tilespmem:s22+$0x15460] =	vst v42;
	v34 =	vld.idx.msk [tilespmem:v55+s3+$0x0], $0xffff  }
0x31f: {  	v33 =	vld.idx.msk [tilespmem:v56+s3+$0x0], $0xffff;
	[tilespmem:s24+$0x15460] =	vst v57  }
0x320: {  	[tilespmem:s25+$0x15460] =	vst v59;
	v35 =	vld.idx.msk [tilespmem:v58+s3+$0x0], $0xffff  }
0x321: {  	v62 =	vld.idx.msk [tilespmem:v60+s3+$0x0], $0xffff;
	[tilespmem:s26+$0x15460] =	vst v61  }
0x322: {  	[tilespmem:s19+$0x15470] =	vst v32;
	v63 =	vld.idx.msk [tilespmem:v39+s3+$0x0], $0xffff  }
0x323: {  	[tilespmem:s21+$0x15470] =	vst v34  }
0x324: {  	[tilespmem:s22+$0x15470] =	vst v33  }
0x325: {  	[tilespmem:s24+$0x15470] =	vst v35  }
0x326: {  	[tilespmem:s25+$0x15470] =	vst v62  }
0x327: {  	s19 =	simm.s32 $0x1;
	[tilespmem:s26+$0x15470] =	vst v63  }
0x328: {  	[hbm4b:s8+s10] =	stream.strided.scatter [tilespmem:s15], [sflag:$0x2], $0x4000, s11, s10, $0x38;
	[tilespmem:$0x18800] =	vst v63  }
.LBB2_6:
0x329: {  	s26 =	sshll.u32 s19, $0x6  }
0x32a: {  	s0 =	sadd.s32 $0x0, s26  }
0x32b: {  	v32 =	vmov s0;
	_ =	sdelay $0x1  }
0x32c: {  	_ =	swait.ge [sflag:s16], $0x4000  }
0x32d: {  	[sflag:s16] =	ssyncset.done $0x0  }
0x32e: {  	[sflag:s16] =	ssyncadd.s32 $0xFFFFC000  }
0x32f: {  	v32 =	vld.idx.msk [tilespmem:v32+s13+$0x0], $0xffff;
	_ =	sdelay $0x4  }
0x330: {  	v33 =	vshll.u32 v32, $0x9;
	v32 =	vshll.u32 v32, $0x7  }
0x331: {  	v33 =	vand.u32 $0xFFFFF000, v33;
	v32 =	vand.u32 $0x380, v32  }
0x332: {  	v37 =	vor.u32 v32, v33  }
0x333: {  	v32 =	vor.u32 v0, v37;
	_ =	sdelay $0x4  }
0x334: {  	v32 =	vld.idx.msk [tilespmem:v32+s3+$0x0], $0xffff  }
0x335: {  	v33 =	vor.u32 v1, v37  }
0x336: {  	s1 =	simm.s32 $0x0  }
0x337: {  	s20 =	sand.u32 $0x3000, s1;
	s0 =	sand.u32 $0x380, s1  }
0x338: {  	s25 =	sor.u32 s0, s20;
	s20 =	sadd.s32 $0x1, s26  }
0x339: {  	v34 =	vmov s20;
	[tilespmem:s25+$0x10800] =	vst v32  }
0x33a: {  	v32 =	vld.idx.msk [tilespmem:v33+s3+$0x0], $0xffff  }
0x33b: {  	v57 =	vor.u32 v2, v37;
	_ =	sdelay $0x2  }
0x33c: {  	v34 =	vld.idx.msk [tilespmem:v34+s13+$0x0], $0xffff  }
0x33d: {  	[tilespmem:s25+$0x10810] =	vst v32  }
0x33e: {  	v32 =	vld.idx.msk [tilespmem:v57+s3+$0x0], $0xffff  }
0x33f: {  	v58 =	vor.u32 v3, v37;
	_ =	sdelay $0x1  }
0x340: {  	v59 =	vshll.u32 v34, $0x9;
	v34 =	vshll.u32 v34, $0x7  }
0x341: {  	v34 =	vand.u32 $0x380, v34;
	v33 =	vand.u32 $0xFFFFF000, v59  }
0x342: {  	v33 =	vor.u32 v34, v33;
	[tilespmem:s25+$0x10820] =	vst v32  }
0x343: {  	v60 =	vor.u32 v0, v33;
	v32 =	vld.idx.msk [tilespmem:v58+s3+$0x0], $0xffff  }
0x344: {  	v35 =	vor.u32 v4, v37;
	_ =	sdelay $0x3  }
0x345: {  	[tilespmem:s25+$0x10830] =	vst v32;
	v32 =	vld.idx.msk [tilespmem:v60+s3+$0x0], $0xffff  }
0x346: {  	v63 =	vor.u32 v1, v33;
	v61 =	vld.idx.msk [tilespmem:v35+s3+$0x0], $0xffff  }
0x347: {  	s21 =	simm.s32 $0x80;
	s22 =	simm.s32 $0x200;
	v62 =	vor.u32 v5, v37  }
0x348: {  	s0 =	sand.u32 $0x380, s21;
	s20 =	sand.u32 $0x3000, s22  }
0x349: {  	s21 =	sor.u32 s0, s20  }
0x34a: {  	[tilespmem:s21+$0x10800] =	vst v32  }
0x34b: {  	[tilespmem:s25+$0x10840] =	vst v61;
	v32 =	vld.idx.msk [tilespmem:v63+s3+$0x0], $0xffff  }
0x34c: {  	v40 =	vor.u32 v2, v33;
	v35 =	vld.idx.msk [tilespmem:v62+s3+$0x0], $0xffff  }
0x34d: {  	v36 =	vor.u32 v6, v37  }
0x34e: {  	s23 =	sadd.s32 $0x2, s26  }
0x34f: {  	v38 =	vmov s23  }
0x350: {  	[tilespmem:s21+$0x10810] =	vst v32  }
0x351: {  	[tilespmem:s25+$0x10850] =	vst v35;
	v32 =	vld.idx.msk [tilespmem:v40+s3+$0x0], $0xffff  }
0x352: {  	v42 =	vor.u32 v3, v33;
	v35 =	vld.idx.msk [tilespmem:v36+s3+$0x0], $0xffff  }
0x353: {  	v41 =	vor.u32 v7, v37  }
0x354: {  	v43 =	vld.idx.msk [tilespmem:v38+s13+$0x0], $0xffff;
	_ =	sdelay $0x1  }
0x355: {  	[tilespmem:s21+$0x10820] =	vst v32  }
0x356: {  	[tilespmem:s25+$0x10860] =	vst v35;
	v34 =	vld.idx.msk [tilespmem:v42+s3+$0x0], $0xffff  }
0x357: {  	v45 =	vor.u32 v4, v33;
	v35 =	vld.idx.msk [tilespmem:v41+s3+$0x0], $0xffff  }
0x358: {  	v46 =	vshll.u32 v43, $0x9;
	v44 =	vor.u32 v8, v37;
	v36 =	vshll.u32 v43, $0x7  }
0x359: {  	v36 =	vand.u32 $0x380, v36;
	v32 =	vand.u32 $0xFFFFF000, v46  }
0x35a: {  	v32 =	vor.u32 v36, v32  }
0x35b: {  	v47 =	vor.u32 v0, v32;
	[tilespmem:s21+$0x10830] =	vst v34  }
0x35c: {  	[tilespmem:s25+$0x10870] =	vst v35;
	v35 =	vld.idx.msk [tilespmem:v45+s3+$0x0], $0xffff  }
0x35d: {  	v48 =	vor.u32 v5, v33;
	v38 =	vld.idx.msk [tilespmem:v44+s3+$0x0], $0xffff  }
0x35e: {  	v39 =	vor.u32 v9, v37;
	_ =	sdelay $0x1  }
0x35f: {  	v34 =	vld.idx.msk [tilespmem:v47+s3+$0x0], $0xffff  }
0x360: {  	v50 =	vor.u32 v1, v32;
	[tilespmem:s21+$0x10840] =	vst v35  }
0x361: {  	s24 =	simm.s32 $0x100;
	s1 =	simm.s32 $0x400;
	[tilespmem:s25+$0x10C00] =	vst v38;
	v36 =	vld.idx.msk [tilespmem:v48+s3+$0x0], $0xffff  }
0x362: {  	s20 =	sand.u32 $0x3000, s1;
	s0 =	sand.u32 $0x380, s24;
	v51 =	vor.u32 v6, v33;
	v38 =	vld.idx.msk [tilespmem:v39+s3+$0x0], $0xffff  }
0x363: {  	s20 =	sor.u32 s0, s20;
	v49 =	vor.u32 v10, v37  }
0x364: {  	[tilespmem:s20+$0x10800] =	vst v34  }
0x365: {  	v35 =	vld.idx.msk [tilespmem:v50+s3+$0x0], $0xffff  }
0x366: {  	v53 =	vor.u32 v2, v32;
	[tilespmem:s21+$0x10850] =	vst v36  }
0x367: {  	[tilespmem:s25+$0x10C10] =	vst v38;
	v38 =	vld.idx.msk [tilespmem:v51+s3+$0x0], $0xffff  }
0x368: {  	v54 =	vor.u32 v7, v33;
	v39 =	vld.idx.msk [tilespmem:v49+s3+$0x0], $0xffff  }
0x369: {  	v52 =	vor.u32 v11, v37  }
0x36a: {  	[tilespmem:s20+$0x10810] =	vst v35  }
0x36b: {  	v36 =	vld.idx.msk [tilespmem:v53+s3+$0x0], $0xffff  }
0x36c: {  	s22 =	sadd.s32 $0x3, s26;
	v56 =	vor.u32 v3, v32;
	[tilespmem:s21+$0x10860] =	vst v38  }
0x36d: {  	v40 =	vmov s22;
	[tilespmem:s25+$0x10C20] =	vst v39;
	v39 =	vld.idx.msk [tilespmem:v54+s3+$0x0], $0xffff  }
0x36e: {  	v57 =	vor.u32 v8, v33;
	v34 =	vld.idx.msk [tilespmem:v52+s3+$0x0], $0xffff  }
0x36f: {  	v55 =	vor.u32 v12, v37  }
0x370: {  	[tilespmem:s20+$0x10820] =	vst v36  }
0x371: {  	v38 =	vld.idx.msk [tilespmem:v56+s3+$0x0], $0xffff  }
0x372: {  	v40 =	vld.idx.msk [tilespmem:v40+s13+$0x0], $0xffff;
	v59 =	vor.u32 v4, v32;
	[tilespmem:s21+$0x10870] =	vst v39  }
0x373: {  	[tilespmem:s25+$0x10C30] =	vst v34;
	v41 =	vld.idx.msk [tilespmem:v57+s3+$0x0], $0xffff  }
0x374: {  	v62 =	vor.u32 v9, v33;
	v35 =	vld.idx.msk [tilespmem:v55+s3+$0x0], $0xffff  }
0x375: {  	v58 =	vor.u32 v13, v37  }
0x376: {  	[tilespmem:s20+$0x10830] =	vst v38  }
0x377: {  	v39 =	vld.idx.msk [tilespmem:v59+s3+$0x0], $0xffff  }
0x378: {  	v45 =	vor.u32 v5, v32;
	[tilespmem:s21+$0x10C00] =	vst v41  }
0x379: {  	v60 =	vshll.u32 v40, $0x9;
	v61 =	vshll.u32 v40, $0x7;
	[tilespmem:s25+$0x10C40] =	vst v35;
	v40 =	vld.idx.msk [tilespmem:v62+s3+$0x0], $0xffff  }
0x37a: {  	v46 =	vor.u32 v10, v33;
	v34 =	vand.u32 $0xFFFFF000, v60;
	v35 =	vand.u32 $0x380, v61;
	v36 =	vld.idx.msk [tilespmem:v58+s3+$0x0], $0xffff  }
0x37b: {  	v63 =	vor.u32 v14, v37;
	v34 =	vor.u32 v35, v34  }
0x37c: {  	[tilespmem:s20+$0x10840] =	vst v39;
	v44 =	vor.u32 v0, v34  }
0x37d: {  	v41 =	vld.idx.msk [tilespmem:v45+s3+$0x0], $0xffff  }
0x37e: {  	v48 =	vor.u32 v6, v32;
	[tilespmem:s21+$0x10C10] =	vst v40  }
0x37f: {  	[tilespmem:s25+$0x10C50] =	vst v36;
	v36 =	vld.idx.msk [tilespmem:v46+s3+$0x0], $0xffff  }
0x380: {  	v49 =	vor.u32 v11, v33;
	v35 =	vld.idx.msk [tilespmem:v63+s3+$0x0], $0xffff  }
0x381: {  	v47 =	vor.u32 v15, v37;
	v38 =	vld.idx.msk [tilespmem:v44+s3+$0x0], $0xffff  }
0x382: {  	v42 =	vor.u32 v1, v34;
	[tilespmem:s20+$0x10850] =	vst v41  }
0x383: {  	s23 =	simm.s32 $0x180;
	s22 =	simm.s32 $0x600;
	v40 =	vld.idx.msk [tilespmem:v48+s3+$0x0], $0xffff  }
0x384: {  	s24 =	sadd.s32 $0x4, s26;
	s0 =	sand.u32 $0x380, s23;
	s22 =	sand.u32 $0x3000, s22;
	v54 =	vor.u32 v7, v32;
	[tilespmem:s21+$0x10C20] =	vst v36  }
0x385: {  	v43 =	vmov s24;
	s22 =	sor.u32 s0, s22;
	[tilespmem:s25+$0x10C60] =	vst v35;
	v35 =	vld.idx.msk [tilespmem:v49+s3+$0x0], $0xffff  }
0x386: {  	v55 =	vor.u32 v12, v33;
	[tilespmem:s22+$0x10800] =	vst v38;
	v50 =	vld.idx.msk [tilespmem:v47+s3+$0x0], $0xffff  }
0x387: {  	v52 =	vor.u32 v16, v37;
	v51 =	vld.idx.msk [tilespmem:v42+s3+$0x0], $0xffff  }
0x388: {  	v53 =	vor.u32 v2, v34;
	[tilespmem:s20+$0x10860] =	vst v40  }
0x389: {  	v36 =	vld.idx.msk [tilespmem:v54+s3+$0x0], $0xffff  }
0x38a: {  	v43 =	vld.idx.msk [tilespmem:v43+s13+$0x0], $0xffff;
	v60 =	vor.u32 v8, v32;
	[tilespmem:s21+$0x10C30] =	vst v35  }
0x38b: {  	[tilespmem:s25+$0x10C70] =	vst v50;
	v38 =	vld.idx.msk [tilespmem:v55+s3+$0x0], $0xffff  }
0x38c: {  	v61 =	vor.u32 v13, v33;
	[tilespmem:s22+$0x10810] =	vst v51;
	v56 =	vld.idx.msk [tilespmem:v52+s3+$0x0], $0xffff  }
0x38d: {  	v58 =	vor.u32 v17, v37;
	v57 =	vld.idx.msk [tilespmem:v53+s3+$0x0], $0xffff  }
0x38e: {  	v59 =	vor.u32 v3, v34;
	[tilespmem:s20+$0x10870] =	vst v36  }
0x38f: {  	v44 =	vld.idx.msk [tilespmem:v60+s3+$0x0], $0xffff  }
0x390: {  	v49 =	vor.u32 v9, v32;
	[tilespmem:s21+$0x10C40] =	vst v38  }
0x391: {  	[tilespmem:s25+$0x11000] =	vst v56;
	v39 =	vld.idx.msk [tilespmem:v61+s3+$0x0], $0xffff  }
0x392: {  	v48 =	vshll.u32 v43, $0x7;
	v47 =	vshll.u32 v43, $0x9;
	v50 =	vor.u32 v14, v33;
	[tilespmem:s22+$0x10820] =	vst v57;
	v40 =	vld.idx.msk [tilespmem:v58+s3+$0x0], $0xffff  }
0x393: {  	v62 =	vor.u32 v18, v37;
	v35 =	vand.u32 $0xFFFFF000, v47;
	v38 =	vand.u32 $0x380, v48;
	v41 =	vld.idx.msk [tilespmem:v59+s3+$0x0], $0xffff  }
0x394: {  	v63 =	vor.u32 v4, v34;
	[tilespmem:s20+$0x10C00] =	vst v44;
	v35 =	vor.u32 v38, v35  }
0x395: {  	v43 =	vld.idx.msk [tilespmem:v49+s3+$0x0], $0xffff;
	v51 =	vor.u32 v0, v35  }
0x396: {  	v54 =	vor.u32 v10, v32;
	[tilespmem:s21+$0x10C50] =	vst v39  }
0x397: {  	[tilespmem:s25+$0x11010] =	vst v40;
	v38 =	vld.idx.msk [tilespmem:v50+s3+$0x0], $0xffff  }
0x398: {  	v55 =	vor.u32 v15, v33;
	[tilespmem:s22+$0x10830] =	vst v41;
	v36 =	vld.idx.msk [tilespmem:v62+s3+$0x0], $0xffff  }
0x399: {  	v52 =	vor.u32 v19, v37;
	v41 =	vld.idx.msk [tilespmem:v63+s3+$0x0], $0xffff  }
0x39a: {  	v53 =	vor.u32 v5, v34;
	[tilespmem:s20+$0x10C10] =	vst v43;
	v40 =	vld.idx.msk [tilespmem:v51+s3+$0x0], $0xffff  }
0x39b: {  	v57 =	vor.u32 v1, v35;
	v39 =	vld.idx.msk [tilespmem:v54+s3+$0x0], $0xffff  }
0x39c: {  	s1 =	simm.s32 $0x200;
	s23 =	simm.s32 $0x800;
	s24 =	sadd.s32 $0x5, s26;
	v59 =	vor.u32 v11, v32;
	[tilespmem:s21+$0x10C60] =	vst v38  }
0x39d: {  	s23 =	sand.u32 $0x3000, s23;
	s0 =	sand.u32 $0x380, s1;
	v46 =	vmov s24;
	[tilespmem:s25+$0x11020] =	vst v36;
	v36 =	vld.idx.msk [tilespmem:v55+s3+$0x0], $0xffff  }
0x39e: {  	s23 =	sor.u32 s0, s23;
	v60 =	vor.u32 v16, v33;
	[tilespmem:s22+$0x10840] =	vst v41;
	v56 =	vld.idx.msk [tilespmem:v52+s3+$0x0], $0xffff  }
0x39f: {  	v58 =	vor.u32 v20, v37;
	[tilespmem:s23+$0x10800] =	vst v40;
	v44 =	vld.idx.msk [tilespmem:v53+s3+$0x0], $0xffff  }
0x3a0: {  	v45 =	vor.u32 v6, v34;
	[tilespmem:s20+$0x10C20] =	vst v39;
	v40 =	vld.idx.msk [tilespmem:v57+s3+$0x0], $0xffff  }
0x3a1: {  	v62 =	vor.u32 v2, v35;
	v38 =	vld.idx.msk [tilespmem:v59+s3+$0x0], $0xffff  }
0x3a2: {  	v46 =	vld.idx.msk [tilespmem:v46+s13+$0x0], $0xffff;
	v49 =	vor.u32 v12, v32;
	[tilespmem:s21+$0x10C70] =	vst v36  }
0x3a3: {  	[tilespmem:s25+$0x11030] =	vst v56;
	v50 =	vld.idx.msk [tilespmem:v60+s3+$0x0], $0xffff  }
0x3a4: {  	v52 =	vor.u32 v17, v33;
	[tilespmem:s22+$0x10850] =	vst v44;
	v61 =	vld.idx.msk [tilespmem:v58+s3+$0x0], $0xffff  }
0x3a5: {  	v63 =	vor.u32 v21, v37;
	[tilespmem:s23+$0x10810] =	vst v40;
	v44 =	vld.idx.msk [tilespmem:v45+s3+$0x0], $0xffff  }
0x3a6: {  	v48 =	vor.u32 v7, v34;
	[tilespmem:s20+$0x10C30] =	vst v38;
	v51 =	vld.idx.msk [tilespmem:v62+s3+$0x0], $0xffff  }
0x3a7: {  	v53 =	vor.u32 v3, v35;
	v36 =	vld.idx.msk [tilespmem:v49+s3+$0x0], $0xffff  }
0x3a8: {  	s24 =	sadd.s32 $0x6, s26;
	v56 =	vor.u32 v13, v32;
	[tilespmem:s21+$0x11000] =	vst v50  }
0x3a9: {  	v58 =	vmov s24;
	[tilespmem:s25+$0x11040] =	vst v61;
	v57 =	vld.idx.msk [tilespmem:v52+s3+$0x0], $0xffff  }
0x3aa: {  	v59 =	vor.u32 v18, v33;
	[tilespmem:s22+$0x10860] =	vst v44;
	v39 =	vld.idx.msk [tilespmem:v63+s3+$0x0], $0xffff  }
0x3ab: {  	v54 =	vor.u32 v22, v37;
	[tilespmem:s23+$0x10820] =	vst v51;
	v44 =	vld.idx.msk [tilespmem:v48+s3+$0x0], $0xffff  }
0x3ac: {  	v55 =	vor.u32 v8, v34;
	[tilespmem:s20+$0x10C40] =	vst v36;
	v43 =	vld.idx.msk [tilespmem:v53+s3+$0x0], $0xffff;
	v61 =	vshll.u32 v46, $0x9;
	v46 =	vshll.u32 v46, $0x7  }
0x3ad: {  	v60 =	vor.u32 v4, v35;
	v40 =	vld.idx.msk [tilespmem:v56+s3+$0x0], $0xffff;
	v36 =	vand.u32 $0xFFFFF000, v61;
	v46 =	vand.u32 $0x380, v46  }
0x3ae: {  	v62 =	vor.u32 v14, v32;
	v42 =	vld.idx.msk [tilespmem:v58+s13+$0x0], $0xffff;
	v36 =	vor.u32 v46, v36;
	[tilespmem:s21+$0x11010] =	vst v57  }
0x3af: {  	v63 =	vor.u32 v0, v36;
	[tilespmem:s25+$0x11050] =	vst v39;
	v39 =	vld.idx.msk [tilespmem:v59+s3+$0x0], $0xffff  }
0x3b0: {  	v52 =	vor.u32 v19, v33;
	[tilespmem:s22+$0x10870] =	vst v44;
	v38 =	vld.idx.msk [tilespmem:v54+s3+$0x0], $0xffff  }
0x3b1: {  	v47 =	vor.u32 v23, v37;
	[tilespmem:s23+$0x10830] =	vst v43;
	v45 =	vld.idx.msk [tilespmem:v55+s3+$0x0], $0xffff  }
0x3b2: {  	v48 =	vor.u32 v9, v34;
	[tilespmem:s20+$0x10C50] =	vst v40;
	v44 =	vld.idx.msk [tilespmem:v60+s3+$0x0], $0xffff  }
0x3b3: {  	v41 =	vld.idx.msk [tilespmem:v62+s3+$0x0], $0xffff;
	v54 =	vor.u32 v5, v35  }
0x3b4: {  	v58 =	vor.u32 v15, v32;
	v43 =	vld.idx.msk [tilespmem:v63+s3+$0x0], $0xffff;
	[tilespmem:s21+$0x11020] =	vst v39  }
0x3b5: {  	v59 =	vor.u32 v1, v36;
	[tilespmem:s25+$0x11060] =	vst v38;
	v38 =	vld.idx.msk [tilespmem:v52+s3+$0x0], $0xffff  }
0x3b6: {  	s1 =	simm.s32 $0xA00;
	s0 =	simm.s32 $0x280;
	v60 =	vor.u32 v20, v33;
	[tilespmem:s22+$0x10C00] =	vst v45;
	v53 =	vld.idx.msk [tilespmem:v47+s3+$0x0], $0xffff  }
0x3b7: {  	s0 =	sand.u32 $0x380, s0;
	s24 =	sand.u32 $0x3000, s1;
	v56 =	vor.u32 v24, v37;
	[tilespmem:s23+$0x10840] =	vst v44;
	v55 =	vld.idx.msk [tilespmem:v48+s3+$0x0], $0xffff  }
0x3b8: {  	s24 =	sor.u32 s0, s24;
	v57 =	vor.u32 v10, v34;
	[tilespmem:s20+$0x10C60] =	vst v41;
	v46 =	vld.idx.msk [tilespmem:v54+s3+$0x0], $0xffff  }
0x3b9: {  	v61 =	vor.u32 v6, v35;
	v39 =	vld.idx.msk [tilespmem:v58+s3+$0x0], $0xffff;
	[tilespmem:s24+$0x10800] =	vst v43  }
0x3ba: {  	v52 =	vor.u32 v16, v32;
	v44 =	vld.idx.msk [tilespmem:v59+s3+$0x0], $0xffff;
	[tilespmem:s21+$0x11030] =	vst v38  }
0x3bb: {  	[tilespmem:s25+$0x11070] =	vst v53;
	v45 =	vld.idx.msk [tilespmem:v60+s3+$0x0], $0xffff;
	v53 =	vor.u32 v2, v36  }
0x3bc: {  	v54 =	vor.u32 v21, v33;
	[tilespmem:s22+$0x10C10] =	vst v55;
	v40 =	vld.idx.msk [tilespmem:v56+s3+$0x0], $0xffff  }
0x3bd: {  	v62 =	vor.u32 v25, v37;
	[tilespmem:s23+$0x10850] =	vst v46;
	v48 =	vld.idx.msk [tilespmem:v57+s3+$0x0], $0xffff  }
0x3be: {  	v63 =	vor.u32 v11, v34;
	[tilespmem:s20+$0x10C70] =	vst v39;
	v47 =	vld.idx.msk [tilespmem:v61+s3+$0x0], $0xffff  }
0x3bf: {  	v55 =	vor.u32 v7, v35;
	v38 =	vld.idx.msk [tilespmem:v52+s3+$0x0], $0xffff;
	[tilespmem:s24+$0x10810] =	vst v44  }
0x3c0: {  	v58 =	vor.u32 v17, v32;
	v46 =	vld.idx.msk [tilespmem:v53+s3+$0x0], $0xffff;
	[tilespmem:s21+$0x11040] =	vst v45  }
0x3c1: {  	v59 =	vor.u32 v3, v36;
	[tilespmem:s25+$0x11400] =	vst v40;
	v40 =	vld.idx.msk [tilespmem:v54+s3+$0x0], $0xffff  }
0x3c2: {  	v60 =	vor.u32 v22, v33;
	[tilespmem:s22+$0x10C20] =	vst v48;
	v41 =	vld.idx.msk [tilespmem:v62+s3+$0x0], $0xffff  }
0x3c3: {  	v56 =	vor.u32 v26, v37;
	[tilespmem:s23+$0x10860] =	vst v47;
	v43 =	vld.idx.msk [tilespmem:v63+s3+$0x0], $0xffff  }
0x3c4: {  	v57 =	vor.u32 v12, v34;
	[tilespmem:s20+$0x11000] =	vst v38;
	v48 =	vld.idx.msk [tilespmem:v55+s3+$0x0], $0xffff  }
0x3c5: {  	v61 =	vor.u32 v8, v35;
	v45 =	vld.idx.msk [tilespmem:v58+s3+$0x0], $0xffff;
	[tilespmem:s24+$0x10820] =	vst v46  }
0x3c6: {  	v54 =	vor.u32 v18, v32;
	v47 =	vld.idx.msk [tilespmem:v59+s3+$0x0], $0xffff;
	[tilespmem:s21+$0x11050] =	vst v40  }
0x3c7: {  	s1 =	sadd.s32 $0x7, s26;
	v55 =	vor.u32 v4, v36;
	[tilespmem:s25+$0x11410] =	vst v41;
	v41 =	vld.idx.msk [tilespmem:v60+s3+$0x0], $0xffff  }
0x3c8: {  	v49 =	vmov s1;
	[tilespmem:s22+$0x10C30] =	vst v43;
	v39 =	vld.idx.msk [tilespmem:v56+s3+$0x0], $0xffff  }
0x3c9: {  	v62 =	vor.u32 v27, v37;
	[tilespmem:s23+$0x10870] =	vst v48;
	v44 =	vld.idx.msk [tilespmem:v57+s3+$0x0], $0xffff  }
0x3ca: {  	v63 =	vor.u32 v13, v34;
	[tilespmem:s20+$0x11010] =	vst v45;
	v43 =	vld.idx.msk [tilespmem:v61+s3+$0x0], $0xffff  }
0x3cb: {  	v51 =	vor.u32 v9, v35;
	v40 =	vld.idx.msk [tilespmem:v54+s3+$0x0], $0xffff;
	v57 =	vshll.u32 v42, $0x9;
	v42 =	vshll.u32 v42, $0x7;
	[tilespmem:s24+$0x10830] =	vst v47  }
0x3cc: {  	v61 =	vor.u32 v19, v32;
	v38 =	vand.u32 $0xFFFFF000, v57;
	v42 =	vand.u32 $0x380, v42;
	v48 =	vld.idx.msk [tilespmem:v55+s3+$0x0], $0xffff  }
0x3cd: {  	v56 =	vor.u32 v23, v33;
	v38 =	vor.u32 v42, v38;
	[tilespmem:s25+$0x11420] =	vst v39;
	v39 =	vld.idx.msk [tilespmem:v49+s13+$0x0], $0xffff  }
0x3ce: {  	v60 =	vor.u32 v0, v38;
	[tilespmem:s22+$0x10C40] =	vst v44;
	v50 =	vld.idx.msk [tilespmem:v62+s3+$0x0], $0xffff  }
0x3cf: {  	v58 =	vor.u32 v28, v37;
	[tilespmem:s23+$0x10C00] =	vst v43;
	v46 =	vld.idx.msk [tilespmem:v63+s3+$0x0], $0xffff  }
0x3d0: {  	v59 =	vor.u32 v14, v34;
	[tilespmem:s20+$0x11020] =	vst v40;
	v54 =	vld.idx.msk [tilespmem:v51+s3+$0x0], $0xffff  }
0x3d1: {  	[tilespmem:s21+$0x11060] =	vst v41;
	v41 =	vld.idx.msk [tilespmem:v61+s3+$0x0], $0xffff;
	v63 =	vor.u32 v5, v36  }
0x3d2: {  	v62 =	vld.idx.msk [tilespmem:v56+s3+$0x0], $0xffff;
	v56 =	vor.u32 v10, v35;
	[tilespmem:s24+$0x10840] =	vst v48  }
0x3d3: {  	v55 =	vor.u32 v24, v33;
	v47 =	vld.idx.msk [tilespmem:v60+s3+$0x0], $0xffff;
	[tilespmem:s25+$0x11430] =	vst v50  }
0x3d4: {  	v60 =	vor.u32 v20, v32;
	[tilespmem:s22+$0x10C50] =	vst v46;
	v45 =	vld.idx.msk [tilespmem:v58+s3+$0x0], $0xffff  }
0x3d5: {  	s28 =	simm.s32 $0x300;
	s30 =	simm.s32 $0xC00;
	v57 =	vor.u32 v29, v37;
	[tilespmem:s23+$0x10C10] =	vst v54;
	v42 =	vld.idx.msk [tilespmem:v59+s3+$0x0], $0xffff  }
0x3d6: {  	s29 =	sand.u32 $0x380, s28;
	s1 =	sand.u32 $0x3000, s30;
	[tilespmem:s20+$0x11030] =	vst v41;
	v44 =	vld.idx.msk [tilespmem:v63+s3+$0x0], $0xffff;
	v58 =	vor.u32 v15, v34  }
0x3d7: {  	s29 =	sor.u32 s29, s1;
	[tilespmem:s21+$0x11070] =	vst v62;
	v50 =	vld.idx.msk [tilespmem:v56+s3+$0x0], $0xffff;
	v59 =	vor.u32 v1, v38  }
0x3d8: {  	v61 =	vor.u32 v6, v36;
	v46 =	vld.idx.msk [tilespmem:v55+s3+$0x0], $0xffff;
	[tilespmem:s29+$0x10800] =	vst v47  }
0x3d9: {  	v52 =	vor.u32 v11, v35;
	v47 =	vld.idx.msk [tilespmem:v60+s3+$0x0], $0xffff;
	[tilespmem:s25+$0x11440] =	vst v45  }
0x3da: {  	v62 =	vor.u32 v25, v33;
	[tilespmem:s22+$0x10C60] =	vst v42;
	v45 =	vld.idx.msk [tilespmem:v57+s3+$0x0], $0xffff  }
0x3db: {  	v63 =	vor.u32 v30, v37;
	v48 =	vld.idx.msk [tilespmem:v58+s3+$0x0], $0xffff  }
0x3dc: {  	v53 =	vor.u32 v16, v34;
	[tilespmem:s24+$0x10850] =	vst v44;
	v51 =	vld.idx.msk [tilespmem:v59+s3+$0x0], $0xffff  }
0x3dd: {  	[tilespmem:s23+$0x10C20] =	vst v50;
	v50 =	vor.u32 v2, v38;
	v43 =	vld.idx.msk [tilespmem:v61+s3+$0x0], $0xffff  }
0x3de: {  	v49 =	vor.u32 v21, v32;
	[tilespmem:s21+$0x11400] =	vst v46;
	v42 =	vld.idx.msk [tilespmem:v52+s3+$0x0], $0xffff  }
0x3df: {  	v46 =	vor.u32 v7, v36;
	v40 =	vld.idx.msk [tilespmem:v62+s3+$0x0], $0xffff;
	[tilespmem:s25+$0x11450] =	vst v45  }
0x3e0: {  	v44 =	vor.u32 v26, v33;
	[tilespmem:s22+$0x10C70] =	vst v48;
	v41 =	vld.idx.msk [tilespmem:v63+s3+$0x0], $0xffff  }
0x3e1: {  	s31 =	simm.s32 $0x8;
	[tilespmem:s29+$0x10810] =	vst v51;
	v48 =	vor.u32 v12, v35;
	v45 =	vld.idx.msk [tilespmem:v53+s3+$0x0], $0xffff  }
.LBB2_7:
0x3e2: {  	p0 =	sne.s32 s31, $0x1F;
	v50 =	vld.idx.msk [tilespmem:v50+s3+$0x0], $0xffff;
	[tilespmem:s20+$0x11040] =	vst v47;
	v47 =	vor.u32 v31, v37;
	v37 =	vmovc v33;
	v33 =	vmov v32;
	v32 =	vmov v34  }
0x3e3: {  	v34 =	vmovc v35;
	v35 =	vmov v36;
	v36 =	vmov v38;
	[tilespmem:s24+$0x10860] =	vst v43;
	v43 =	vor.u32 v17, v32;
	v49 =	vld.idx.msk [tilespmem:v49+s3+$0x0], $0xffff  }
0x3e4: {  	v38 =	vor.u32 v3, v36;
	v46 =	vld.idx.msk [tilespmem:v46+s3+$0x0], $0xffff;
	[tilespmem:s21+$0x11410] =	vst v40  }
0x3e5: {  	v40 =	vor.u32 v22, v33;
	[tilespmem:s23+$0x10C30] =	vst v42;
	v42 =	vld.idx.msk [tilespmem:v44+s3+$0x0], $0xffff  }
0x3e6: {  	v44 =	vor.u32 v8, v35;
	v48 =	vld.idx.msk [tilespmem:v48+s3+$0x0], $0xffff;
	[tilespmem:s25+$0x11460] =	vst v41  }
0x3e7: {  	v41 =	vor.u32 v27, v37;
	[tilespmem:s22+$0x11000] =	vst v45;
	v45 =	vld.idx.msk [tilespmem:v47+s3+$0x0], $0xffff  }
0x3e8: {  	s0 =	sadd.s32 s26, s31;
	v47 =	vor.u32 v13, v34;
	[tilespmem:s29+$0x10820] =	vst v50;
	v43 =	vld.idx.msk [tilespmem:v43+s3+$0x0], $0xffff  }
0x3e9: {  	v50 =	vmov s0;
	v51 =	vld.idx.msk [tilespmem:v38+s3+$0x0], $0xffff;
	[tilespmem:s20+$0x11050] =	vst v49  }
0x3ea: {  	[tilespmem:s24+$0x10870] =	vst v46;
	v46 =	vor.u32 v18, v32;
	v40 =	vld.idx.msk [tilespmem:v40+s3+$0x0], $0xffff  }
0x3eb: {  	v49 =	vor.u32 v4, v36;
	v44 =	vld.idx.msk [tilespmem:v44+s3+$0x0], $0xffff;
	[tilespmem:s21+$0x11420] =	vst v42  }
0x3ec: {  	v42 =	vor.u32 v23, v33;
	[tilespmem:s23+$0x10C40] =	vst v48;
	v41 =	vld.idx.msk [tilespmem:v41+s3+$0x0], $0xffff  }
0x3ed: {  	v52 =	vor.u32 v9, v35;
	v38 =	vshll.u32 v39, $0x9;
	v48 =	vshll.u32 v39, $0x7;
	v47 =	vld.idx.msk [tilespmem:v47+s3+$0x0], $0xffff;
	[tilespmem:s25+$0x11470] =	vst v45;
	s25 =	smov.u32 s21;
	s21 =	smov.u32 s20;
	s20 =	smov.u32 s22  }
0x3ee: {  	v38 =	vand.u32 $0xFFFFF000, v38;
	v45 =	vand.u32 $0x380, v48;
	s22 =	smov.u32 s23;
	s23 =	smov.u32 s24;
	s24 =	smov.u32 s29;
	v39 =	vld.idx.msk [tilespmem:v50+s13+$0x0], $0xffff;
	[tilespmem:s20+$0x11010] =	vst v43;
	v43 =	vor.u32 v28, v37  }
0x3ef: {  	v38 =	vor.u32 v45, v38;
	v45 =	vor.u32 v14, v34;
	[tilespmem:s24+$0x10830] =	vst v51;
	v46 =	vld.idx.msk [tilespmem:v46+s3+$0x0], $0xffff  }
0x3f0: {  	v48 =	vor.u32 v0, v38;
	v49 =	vld.idx.msk [tilespmem:v49+s3+$0x0], $0xffff;
	[tilespmem:s21+$0x11060] =	vst v40  }
0x3f1: {  	v40 =	vor.u32 v19, v32;
	[tilespmem:s23+$0x10C00] =	vst v44;
	v42 =	vld.idx.msk [tilespmem:v42+s3+$0x0], $0xffff  }
0x3f2: {  	v44 =	vor.u32 v5, v36;
	v50 =	vld.idx.msk [tilespmem:v52+s3+$0x0], $0xffff;
	[tilespmem:s25+$0x11430] =	vst v41  }
0x3f3: {  	v41 =	vor.u32 v24, v33;
	[tilespmem:s22+$0x10C50] =	vst v47;
	v43 =	vld.idx.msk [tilespmem:v43+s3+$0x0], $0xffff  }
0x3f4: {  	v47 =	vor.u32 v10, v35;
	v45 =	vld.idx.msk [tilespmem:v45+s3+$0x0], $0xffff  }
0x3f5: {  	v48 =	vld.idx.msk [tilespmem:v48+s3+$0x0], $0xffff;
	[tilespmem:s20+$0x11020] =	vst v46;
	v46 =	vor.u32 v29, v37  }
0x3f6: {  	[tilespmem:s24+$0x10840] =	vst v49;
	v49 =	vor.u32 v15, v34;
	v40 =	vld.idx.msk [tilespmem:v40+s3+$0x0], $0xffff  }
0x3f7: {  	v51 =	vor.u32 v1, v38;
	v44 =	vld.idx.msk [tilespmem:v44+s3+$0x0], $0xffff;
	[tilespmem:s21+$0x11070] =	vst v42  }
0x3f8: {  	s28 =	sadd.s32 $0x80, s28;
	s30 =	sadd.s32 $0x200, s30;
	v42 =	vor.u32 v20, v32;
	[tilespmem:s23+$0x10C10] =	vst v50;
	v41 =	vld.idx.msk [tilespmem:v41+s3+$0x0], $0xffff  }
0x3f9: {  	s0 =	sand.u32 $0x3000, s30;
	s29 =	sand.u32 $0x380, s28;
	v52 =	vor.u32 v6, v36;
	v53 =	vld.idx.msk [tilespmem:v47+s3+$0x0], $0xffff;
	[tilespmem:s25+$0x11440] =	vst v43  }
0x3fa: {  	s29 =	sor.u32 s29, s0;
	[tilespmem:s22+$0x10C60] =	vst v45;
	v45 =	vor.u32 v25, v33;
	v54 =	vld.idx.msk [tilespmem:v46+s3+$0x0], $0xffff  }
0x3fb: {  	[tilespmem:s29+$0x10800] =	vst v48;
	v48 =	vor.u32 v11, v35;
	v55 =	vld.idx.msk [tilespmem:v49+s3+$0x0], $0xffff  }
0x3fc: {  	v56 =	vor.u32 v30, v37;
	v51 =	vld.idx.msk [tilespmem:v51+s3+$0x0], $0xffff;
	[tilespmem:s20+$0x11030] =	vst v40  }
0x3fd: {  	v57 =	vor.u32 v16, v34;
	[tilespmem:s24+$0x10850] =	vst v44;
	v47 =	vld.idx.msk [tilespmem:v42+s3+$0x0], $0xffff  }
.Ltmp2:
0x3fe: {  	v50 =	vor.u32 v2, v38;
	v43 =	vld.idx.msk [tilespmem:v52+s3+$0x0], $0xffff;
	[tilespmem:s21+$0x11400] =	vst v41;
	(pc) =	sbr.rel @p0 .LBB2_7-.Ltmp2, $4  }
0x3ff: {  	v49 =	vor.u32 v21, v32;
	[tilespmem:s23+$0x10C20] =	vst v53;
	v40 =	vld.idx.msk [tilespmem:v45+s3+$0x0], $0xffff  }
0x400: {  	v46 =	vor.u32 v7, v36;
	v42 =	vld.idx.msk [tilespmem:v48+s3+$0x0], $0xffff;
	[tilespmem:s25+$0x11450] =	vst v54  }
0x401: {  	v44 =	vor.u32 v26, v33;
	[tilespmem:s22+$0x10C70] =	vst v55;
	v41 =	vld.idx.msk [tilespmem:v56+s3+$0x0], $0xffff  }
0x402: {  	s31 =	sadd.s32 $0x1, s31;
	v48 =	vor.u32 v12, v35;
	[tilespmem:s29+$0x10810] =	vst v51;
	v45 =	vld.idx.msk [tilespmem:v57+s3+$0x0], $0xffff  }
0x403: {  	_ =	sdelay $0x3  }
0x404: {  	v50 =	vld.idx.msk [tilespmem:v50+s3+$0x0], $0xffff;
	[tilespmem:s20+$0x11040] =	vst v47;
	v37 =	vor.u32 v31, v37  }
0x405: {  	[tilespmem:s24+$0x10860] =	vst v43;
	v60 =	vor.u32 v17, v34;
	v47 =	vld.idx.msk [tilespmem:v49+s3+$0x0], $0xffff  }
0x406: {  	v61 =	vor.u32 v3, v38;
	v46 =	vld.idx.msk [tilespmem:v46+s3+$0x0], $0xffff;
	[tilespmem:s21+$0x11410] =	vst v40  }
0x407: {  	v62 =	vor.u32 v22, v32;
	[tilespmem:s23+$0x10C30] =	vst v42;
	v44 =	vld.idx.msk [tilespmem:v44+s3+$0x0], $0xffff  }
0x408: {  	v51 =	vor.u32 v8, v36;
	v54 =	vshll.u32 v39, $0x9;
	v55 =	vshll.u32 v39, $0x7;
	v48 =	vld.idx.msk [tilespmem:v48+s3+$0x0], $0xffff;
	[tilespmem:s25+$0x11460] =	vst v41  }
0x409: {  	v63 =	vor.u32 v27, v33;
	v39 =	vand.u32 $0x380, v55;
	[tilespmem:s22+$0x11000] =	vst v45;
	v52 =	vld.idx.msk [tilespmem:v37+s3+$0x0], $0xffff;
	v37 =	vand.u32 $0xFFFFF000, v54  }
0x40a: {  	v56 =	vor.u32 v13, v35;
	[tilespmem:s29+$0x10820] =	vst v50;
	v40 =	vld.idx.msk [tilespmem:v60+s3+$0x0], $0xffff;
	v37 =	vor.u32 v39, v37  }
0x40b: {  	v57 =	vld.idx.msk [tilespmem:v61+s3+$0x0], $0xffff;
	[tilespmem:s20+$0x11050] =	vst v47;
	v58 =	vor.u32 v0, v37  }
0x40c: {  	[tilespmem:s24+$0x10870] =	vst v46;
	v41 =	vld.idx.msk [tilespmem:v62+s3+$0x0], $0xffff  }
0x40d: {  	v46 =	vld.idx.msk [tilespmem:v51+s3+$0x0], $0xffff;
	[tilespmem:s21+$0x11420] =	vst v44  }
0x40e: {  	[tilespmem:s23+$0x10C40] =	vst v48;
	v39 =	vld.idx.msk [tilespmem:v63+s3+$0x0], $0xffff  }
0x40f: {  	v44 =	vld.idx.msk [tilespmem:v56+s3+$0x0], $0xffff;
	[tilespmem:s25+$0x11470] =	vst v52  }
0x410: {  	v42 =	vld.idx.msk [tilespmem:v58+s3+$0x0], $0xffff  }
0x411: {  	v59 =	vor.u32 v1, v37  }
0x412: {  	s0 =	sadd.s32 $0x80, s28;
	s1 =	sadd.s32 $0x200, s30  }
0x413: {  	s0 =	sand.u32 $0x380, s0;
	s25 =	sand.u32 $0x3000, s1  }
0x414: {  	s25 =	sor.u32 s0, s25  }
0x415: {  	[tilespmem:s25+$0x10800] =	vst v42  }
0x416: {  	v42 =	vld.idx.msk [tilespmem:v59+s3+$0x0], $0xffff  }
0x417: {  	v60 =	vor.u32 v2, v37;
	_ =	sdelay $0x3  }
0x418: {  	[tilespmem:s25+$0x10810] =	vst v42  }
0x419: {  	v42 =	vld.idx.msk [tilespmem:v60+s3+$0x0], $0xffff  }
0x41a: {  	v61 =	vor.u32 v3, v37;
	_ =	sdelay $0x3  }
0x41b: {  	[tilespmem:s25+$0x10820] =	vst v42  }
0x41c: {  	v62 =	vor.u32 v4, v38;
	v45 =	vld.idx.msk [tilespmem:v61+s3+$0x0], $0xffff  }
0x41d: {  	v63 =	vor.u32 v4, v37;
	_ =	sdelay $0x2  }
0x41e: {  	[tilespmem:s29+$0x10830] =	vst v57  }
0x41f: {  	v42 =	vld.idx.msk [tilespmem:v62+s3+$0x0], $0xffff;
	[tilespmem:s25+$0x10830] =	vst v45  }
0x420: {  	v48 =	vor.u32 v5, v38;
	v45 =	vld.idx.msk [tilespmem:v63+s3+$0x0], $0xffff  }
0x421: {  	v49 =	vor.u32 v5, v37;
	_ =	sdelay $0x2  }
0x422: {  	[tilespmem:s29+$0x10840] =	vst v42  }
0x423: {  	v42 =	vld.idx.msk [tilespmem:v48+s3+$0x0], $0xffff;
	[tilespmem:s25+$0x10840] =	vst v45  }
0x424: {  	v50 =	vor.u32 v6, v38;
	v45 =	vld.idx.msk [tilespmem:v49+s3+$0x0], $0xffff  }
0x425: {  	v51 =	vor.u32 v6, v37;
	_ =	sdelay $0x2  }
0x426: {  	[tilespmem:s29+$0x10850] =	vst v42  }
0x427: {  	v42 =	vld.idx.msk [tilespmem:v50+s3+$0x0], $0xffff;
	[tilespmem:s25+$0x10850] =	vst v45  }
0x428: {  	v52 =	vor.u32 v7, v38;
	v45 =	vld.idx.msk [tilespmem:v51+s3+$0x0], $0xffff  }
0x429: {  	v53 =	vor.u32 v7, v37;
	_ =	sdelay $0x2  }
0x42a: {  	[tilespmem:s29+$0x10860] =	vst v42  }
0x42b: {  	v42 =	vld.idx.msk [tilespmem:v52+s3+$0x0], $0xffff;
	[tilespmem:s25+$0x10860] =	vst v45  }
0x42c: {  	v54 =	vor.u32 v8, v38;
	v45 =	vld.idx.msk [tilespmem:v53+s3+$0x0], $0xffff  }
0x42d: {  	v55 =	vor.u32 v8, v37;
	_ =	sdelay $0x2  }
0x42e: {  	[tilespmem:s29+$0x10870] =	vst v42  }
0x42f: {  	v56 =	vor.u32 v9, v36;
	v43 =	vld.idx.msk [tilespmem:v54+s3+$0x0], $0xffff;
	[tilespmem:s25+$0x10870] =	vst v45  }
0x430: {  	v57 =	vor.u32 v9, v38;
	v47 =	vld.idx.msk [tilespmem:v55+s3+$0x0], $0xffff  }
0x431: {  	v58 =	vor.u32 v9, v37;
	_ =	sdelay $0x1  }
0x432: {  	[tilespmem:s24+$0x10C00] =	vst v46  }
0x433: {  	v42 =	vld.idx.msk [tilespmem:v56+s3+$0x0], $0xffff;
	[tilespmem:s29+$0x10C00] =	vst v43  }
0x434: {  	v59 =	vor.u32 v10, v36;
	v45 =	vld.idx.msk [tilespmem:v57+s3+$0x0], $0xffff;
	[tilespmem:s25+$0x10C00] =	vst v47  }
0x435: {  	v60 =	vor.u32 v10, v38;
	v47 =	vld.idx.msk [tilespmem:v58+s3+$0x0], $0xffff  }
0x436: {  	v61 =	vor.u32 v10, v37;
	_ =	sdelay $0x1  }
0x437: {  	[tilespmem:s24+$0x10C10] =	vst v42  }
0x438: {  	v42 =	vld.idx.msk [tilespmem:v59+s3+$0x0], $0xffff;
	[tilespmem:s29+$0x10C10] =	vst v45  }
0x439: {  	v62 =	vor.u32 v11, v36;
	v45 =	vld.idx.msk [tilespmem:v60+s3+$0x0], $0xffff;
	[tilespmem:s25+$0x10C10] =	vst v47  }
0x43a: {  	v63 =	vor.u32 v11, v38;
	v47 =	vld.idx.msk [tilespmem:v61+s3+$0x0], $0xffff  }
0x43b: {  	v52 =	vor.u32 v11, v37;
	_ =	sdelay $0x1  }
0x43c: {  	[tilespmem:s24+$0x10C20] =	vst v42  }
0x43d: {  	v42 =	vld.idx.msk [tilespmem:v62+s3+$0x0], $0xffff;
	[tilespmem:s29+$0x10C20] =	vst v45  }
0x43e: {  	v53 =	vor.u32 v12, v36;
	v45 =	vld.idx.msk [tilespmem:v63+s3+$0x0], $0xffff;
	[tilespmem:s25+$0x10C20] =	vst v47  }
0x43f: {  	v54 =	vor.u32 v12, v38;
	v47 =	vld.idx.msk [tilespmem:v52+s3+$0x0], $0xffff  }
0x440: {  	v55 =	vor.u32 v12, v37;
	_ =	sdelay $0x1  }
0x441: {  	[tilespmem:s24+$0x10C30] =	vst v42  }
0x442: {  	v42 =	vld.idx.msk [tilespmem:v53+s3+$0x0], $0xffff;
	[tilespmem:s29+$0x10C30] =	vst v45  }
0x443: {  	v56 =	vor.u32 v13, v36;
	v45 =	vld.idx.msk [tilespmem:v54+s3+$0x0], $0xffff;
	[tilespmem:s25+$0x10C30] =	vst v47  }
0x444: {  	v57 =	vor.u32 v13, v38;
	v47 =	vld.idx.msk [tilespmem:v55+s3+$0x0], $0xffff  }
0x445: {  	v58 =	vor.u32 v13, v37;
	_ =	sdelay $0x1  }
0x446: {  	v59 =	vor.u32 v14, v35;
	[tilespmem:s24+$0x10C40] =	vst v42  }
0x447: {  	v43 =	vld.idx.msk [tilespmem:v56+s3+$0x0], $0xffff;
	[tilespmem:s29+$0x10C40] =	vst v45  }
0x448: {  	v60 =	vor.u32 v14, v36;
	v46 =	vld.idx.msk [tilespmem:v57+s3+$0x0], $0xffff;
	[tilespmem:s25+$0x10C40] =	vst v47  }
0x449: {  	v61 =	vor.u32 v14, v38;
	v48 =	vld.idx.msk [tilespmem:v58+s3+$0x0], $0xffff  }
0x44a: {  	[tilespmem:s23+$0x10C50] =	vst v44;
	v62 =	vor.u32 v14, v37  }
0x44b: {  	v42 =	vld.idx.msk [tilespmem:v59+s3+$0x0], $0xffff  }
0x44c: {  	v63 =	vor.u32 v15, v35;
	[tilespmem:s24+$0x10C50] =	vst v43  }
0x44d: {  	v52 =	vld.idx.msk [tilespmem:v60+s3+$0x0], $0xffff;
	[tilespmem:s29+$0x10C50] =	vst v46  }
0x44e: {  	v53 =	vor.u32 v15, v36;
	v46 =	vld.idx.msk [tilespmem:v61+s3+$0x0], $0xffff;
	[tilespmem:s25+$0x10C50] =	vst v48  }
0x44f: {  	v54 =	vor.u32 v15, v38;
	v48 =	vld.idx.msk [tilespmem:v62+s3+$0x0], $0xffff  }
0x450: {  	[tilespmem:s23+$0x10C60] =	vst v42;
	v55 =	vor.u32 v15, v37  }
0x451: {  	v42 =	vld.idx.msk [tilespmem:v63+s3+$0x0], $0xffff  }
0x452: {  	v56 =	vor.u32 v16, v35;
	[tilespmem:s24+$0x10C60] =	vst v52  }
0x453: {  	v44 =	vld.idx.msk [tilespmem:v53+s3+$0x0], $0xffff;
	[tilespmem:s29+$0x10C60] =	vst v46  }
0x454: {  	v57 =	vor.u32 v16, v36;
	v46 =	vld.idx.msk [tilespmem:v54+s3+$0x0], $0xffff;
	[tilespmem:s25+$0x10C60] =	vst v48  }
0x455: {  	v58 =	vor.u32 v16, v38;
	v48 =	vld.idx.msk [tilespmem:v55+s3+$0x0], $0xffff  }
0x456: {  	v59 =	vor.u32 v16, v37;
	[tilespmem:s23+$0x10C70] =	vst v42  }
0x457: {  	v42 =	vld.idx.msk [tilespmem:v56+s3+$0x0], $0xffff  }
0x458: {  	v60 =	vor.u32 v17, v35;
	[tilespmem:s24+$0x10C70] =	vst v44  }
0x459: {  	v44 =	vld.idx.msk [tilespmem:v57+s3+$0x0], $0xffff;
	[tilespmem:s29+$0x10C70] =	vst v46  }
0x45a: {  	v61 =	vor.u32 v17, v36;
	v46 =	vld.idx.msk [tilespmem:v58+s3+$0x0], $0xffff;
	[tilespmem:s25+$0x10C70] =	vst v48  }
0x45b: {  	v62 =	vor.u32 v17, v38;
	v48 =	vld.idx.msk [tilespmem:v59+s3+$0x0], $0xffff  }
0x45c: {  	v63 =	vor.u32 v17, v37;
	[tilespmem:s23+$0x11000] =	vst v42  }
0x45d: {  	v52 =	vor.u32 v18, v34;
	v43 =	vld.idx.msk [tilespmem:v60+s3+$0x0], $0xffff  }
0x45e: {  	v53 =	vor.u32 v18, v35;
	[tilespmem:s24+$0x11000] =	vst v44  }
0x45f: {  	v45 =	vld.idx.msk [tilespmem:v61+s3+$0x0], $0xffff;
	[tilespmem:s29+$0x11000] =	vst v46  }
0x460: {  	v54 =	vor.u32 v18, v36;
	v47 =	vld.idx.msk [tilespmem:v62+s3+$0x0], $0xffff;
	[tilespmem:s25+$0x11000] =	vst v48  }
0x461: {  	[tilespmem:s22+$0x11010] =	vst v40;
	v55 =	vor.u32 v18, v38;
	v48 =	vld.idx.msk [tilespmem:v63+s3+$0x0], $0xffff  }
0x462: {  	v56 =	vor.u32 v18, v37;
	v42 =	vld.idx.msk [tilespmem:v52+s3+$0x0], $0xffff;
	[tilespmem:s23+$0x11010] =	vst v43  }
0x463: {  	[tilespmem:s20+$0x11060] =	vst v41;
	v44 =	vld.idx.msk [tilespmem:v53+s3+$0x0], $0xffff;
	v58 =	vor.u32 v19, v34  }
0x464: {  	[tilespmem:s24+$0x11010] =	vst v45;
	v59 =	vor.u32 v19, v35  }
0x465: {  	v57 =	vor.u32 v23, v32;
	v46 =	vld.idx.msk [tilespmem:v54+s3+$0x0], $0xffff;
	[tilespmem:s29+$0x11010] =	vst v47  }
0x466: {  	v60 =	vor.u32 v19, v36;
	v40 =	vld.idx.msk [tilespmem:v55+s3+$0x0], $0xffff;
	[tilespmem:s25+$0x11010] =	vst v48  }
0x467: {  	[tilespmem:s22+$0x11020] =	vst v42;
	v61 =	vor.u32 v19, v38;
	v41 =	vld.idx.msk [tilespmem:v56+s3+$0x0], $0xffff  }
0x468: {  	[tilespmem:s23+$0x11020] =	vst v44;
	v43 =	vld.idx.msk [tilespmem:v58+s3+$0x0], $0xffff;
	v63 =	vor.u32 v19, v37  }
0x469: {  	[tilespmem:s21+$0x11430] =	vst v39;
	v53 =	vor.u32 v20, v34;
	v45 =	vld.idx.msk [tilespmem:v59+s3+$0x0], $0xffff  }
0x46a: {  	v54 =	vor.u32 v20, v35;
	v62 =	vld.idx.msk [tilespmem:v57+s3+$0x0], $0xffff;
	[tilespmem:s24+$0x11020] =	vst v46  }
0x46b: {  	v52 =	vor.u32 v28, v33;
	v47 =	vld.idx.msk [tilespmem:v60+s3+$0x0], $0xffff;
	[tilespmem:s29+$0x11020] =	vst v40  }
0x46c: {  	v55 =	vor.u32 v20, v36;
	v39 =	vld.idx.msk [tilespmem:v61+s3+$0x0], $0xffff;
	[tilespmem:s25+$0x11020] =	vst v41  }
0x46d: {  	[tilespmem:s22+$0x11030] =	vst v43;
	v56 =	vor.u32 v20, v38;
	v42 =	vld.idx.msk [tilespmem:v63+s3+$0x0], $0xffff  }
0x46e: {  	v58 =	vor.u32 v20, v37;
	v44 =	vld.idx.msk [tilespmem:v53+s3+$0x0], $0xffff;
	[tilespmem:s23+$0x11030] =	vst v45  }
0x46f: {  	[tilespmem:s20+$0x11070] =	vst v62;
	v60 =	vor.u32 v21, v34;
	v46 =	vld.idx.msk [tilespmem:v54+s3+$0x0], $0xffff  }
0x470: {  	v57 =	vld.idx.msk [tilespmem:v52+s3+$0x0], $0xffff;
	[tilespmem:s24+$0x11030] =	vst v47;
	v61 =	vor.u32 v21, v35  }
0x471: {  	v59 =	vor.u32 v24, v32;
	v40 =	vld.idx.msk [tilespmem:v55+s3+$0x0], $0xffff;
	[tilespmem:s29+$0x11030] =	vst v39  }
0x472: {  	v62 =	vor.u32 v21, v36;
	v41 =	vld.idx.msk [tilespmem:v56+s3+$0x0], $0xffff;
	[tilespmem:s25+$0x11030] =	vst v42  }
0x473: {  	[tilespmem:s22+$0x11040] =	vst v44;
	v63 =	vor.u32 v21, v38;
	v43 =	vld.idx.msk [tilespmem:v58+s3+$0x0], $0xffff  }
0x474: {  	v53 =	vor.u32 v21, v37;
	v45 =	vld.idx.msk [tilespmem:v60+s3+$0x0], $0xffff;
	[tilespmem:s23+$0x11040] =	vst v46  }
0x475: {  	[tilespmem:s21+$0x11440] =	vst v57;
	v55 =	vor.u32 v22, v34;
	v47 =	vld.idx.msk [tilespmem:v61+s3+$0x0], $0xffff  }
0x476: {  	v52 =	vld.idx.msk [tilespmem:v59+s3+$0x0], $0xffff;
	[tilespmem:s24+$0x11040] =	vst v40;
	v56 =	vor.u32 v22, v35  }
0x477: {  	v54 =	vor.u32 v29, v33;
	v39 =	vld.idx.msk [tilespmem:v62+s3+$0x0], $0xffff;
	[tilespmem:s29+$0x11040] =	vst v41  }
0x478: {  	v57 =	vor.u32 v22, v36;
	v42 =	vld.idx.msk [tilespmem:v63+s3+$0x0], $0xffff;
	[tilespmem:s25+$0x11040] =	vst v43  }
0x479: {  	[tilespmem:s22+$0x11050] =	vst v45;
	v58 =	vor.u32 v22, v38;
	v44 =	vld.idx.msk [tilespmem:v53+s3+$0x0], $0xffff  }
0x47a: {  	v60 =	vor.u32 v22, v37;
	v46 =	vld.idx.msk [tilespmem:v55+s3+$0x0], $0xffff;
	[tilespmem:s23+$0x11050] =	vst v47  }
0x47b: {  	[tilespmem:s20+$0x11400] =	vst v52;
	v62 =	vor.u32 v23, v34;
	v40 =	vld.idx.msk [tilespmem:v56+s3+$0x0], $0xffff  }
0x47c: {  	v59 =	vld.idx.msk [tilespmem:v54+s3+$0x0], $0xffff;
	[tilespmem:s24+$0x11050] =	vst v39;
	v63 =	vor.u32 v23, v35  }
0x47d: {  	v61 =	vor.u32 v25, v32;
	v41 =	vld.idx.msk [tilespmem:v57+s3+$0x0], $0xffff;
	[tilespmem:s29+$0x11050] =	vst v42  }
0x47e: {  	v52 =	vor.u32 v23, v36;
	v43 =	vld.idx.msk [tilespmem:v58+s3+$0x0], $0xffff;
	[tilespmem:s25+$0x11050] =	vst v44  }
0x47f: {  	[tilespmem:s22+$0x11060] =	vst v46;
	v53 =	vor.u32 v23, v38;
	v45 =	vld.idx.msk [tilespmem:v60+s3+$0x0], $0xffff  }
0x480: {  	v55 =	vor.u32 v23, v37;
	v47 =	vld.idx.msk [tilespmem:v62+s3+$0x0], $0xffff;
	[tilespmem:s23+$0x11060] =	vst v40  }
0x481: {  	[tilespmem:s21+$0x11450] =	vst v59;
	v57 =	vor.u32 v24, v34;
	v39 =	vld.idx.msk [tilespmem:v63+s3+$0x0], $0xffff  }
0x482: {  	v54 =	vld.idx.msk [tilespmem:v61+s3+$0x0], $0xffff;
	[tilespmem:s24+$0x11060] =	vst v41;
	v58 =	vor.u32 v24, v35  }
0x483: {  	v56 =	vor.u32 v30, v33;
	v42 =	vld.idx.msk [tilespmem:v52+s3+$0x0], $0xffff;
	[tilespmem:s29+$0x11060] =	vst v43  }
0x484: {  	v59 =	vor.u32 v24, v36;
	v44 =	vld.idx.msk [tilespmem:v53+s3+$0x0], $0xffff;
	[tilespmem:s25+$0x11060] =	vst v45  }
0x485: {  	[tilespmem:s22+$0x11070] =	vst v47;
	v60 =	vor.u32 v24, v38;
	v46 =	vld.idx.msk [tilespmem:v55+s3+$0x0], $0xffff  }
0x486: {  	v62 =	vor.u32 v24, v37;
	v40 =	vld.idx.msk [tilespmem:v57+s3+$0x0], $0xffff;
	[tilespmem:s23+$0x11070] =	vst v39  }
0x487: {  	[tilespmem:s20+$0x11410] =	vst v54;
	v52 =	vor.u32 v25, v34;
	v41 =	vld.idx.msk [tilespmem:v58+s3+$0x0], $0xffff  }
0x488: {  	v61 =	vld.idx.msk [tilespmem:v56+s3+$0x0], $0xffff;
	[tilespmem:s24+$0x11070] =	vst v42;
	v53 =	vor.u32 v25, v35  }
0x489: {  	v63 =	vor.u32 v26, v32;
	v43 =	vld.idx.msk [tilespmem:v59+s3+$0x0], $0xffff;
	[tilespmem:s29+$0x11070] =	vst v44  }
0x48a: {  	v54 =	vor.u32 v25, v36;
	v45 =	vld.idx.msk [tilespmem:v60+s3+$0x0], $0xffff;
	[tilespmem:s25+$0x11070] =	vst v46  }
0x48b: {  	[tilespmem:s22+$0x11400] =	vst v40;
	v55 =	vor.u32 v25, v38;
	v47 =	vld.idx.msk [tilespmem:v62+s3+$0x0], $0xffff  }
0x48c: {  	v57 =	vor.u32 v25, v37;
	v39 =	vld.idx.msk [tilespmem:v52+s3+$0x0], $0xffff;
	[tilespmem:s23+$0x11400] =	vst v41  }
0x48d: {  	[tilespmem:s21+$0x11460] =	vst v61;
	v59 =	vor.u32 v26, v34;
	v42 =	vld.idx.msk [tilespmem:v53+s3+$0x0], $0xffff  }
0x48e: {  	v56 =	vld.idx.msk [tilespmem:v63+s3+$0x0], $0xffff;
	[tilespmem:s24+$0x11400] =	vst v43;
	v60 =	vor.u32 v26, v35  }
0x48f: {  	v58 =	vor.u32 v31, v33;
	v44 =	vld.idx.msk [tilespmem:v54+s3+$0x0], $0xffff;
	[tilespmem:s29+$0x11400] =	vst v45  }
0x490: {  	v61 =	vor.u32 v26, v36;
	v46 =	vld.idx.msk [tilespmem:v55+s3+$0x0], $0xffff;
	[tilespmem:s25+$0x11400] =	vst v47  }
0x491: {  	[tilespmem:s22+$0x11410] =	vst v39;
	v62 =	vor.u32 v26, v38;
	v40 =	vld.idx.msk [tilespmem:v57+s3+$0x0], $0xffff  }
0x492: {  	v63 =	vor.u32 v26, v37;
	v41 =	vld.idx.msk [tilespmem:v59+s3+$0x0], $0xffff;
	[tilespmem:s23+$0x11410] =	vst v42  }
0x493: {  	[tilespmem:s20+$0x11420] =	vst v56;
	v53 =	vor.u32 v27, v34;
	v43 =	vld.idx.msk [tilespmem:v60+s3+$0x0], $0xffff  }
0x494: {  	v33 =	vld.idx.msk [tilespmem:v58+s3+$0x0], $0xffff;
	v54 =	vor.u32 v27, v35;
	[tilespmem:s24+$0x11410] =	vst v44  }
0x495: {  	v52 =	vor.u32 v27, v32;
	v45 =	vld.idx.msk [tilespmem:v61+s3+$0x0], $0xffff;
	[tilespmem:s29+$0x11410] =	vst v46  }
0x496: {  	v55 =	vor.u32 v27, v36;
	v47 =	vld.idx.msk [tilespmem:v62+s3+$0x0], $0xffff;
	[tilespmem:s25+$0x11410] =	vst v40  }
0x497: {  	v56 =	vor.u32 v27, v38;
	[tilespmem:s22+$0x11420] =	vst v41;
	v39 =	vld.idx.msk [tilespmem:v63+s3+$0x0], $0xffff  }
0x498: {  	v58 =	vor.u32 v27, v37;
	v42 =	vld.idx.msk [tilespmem:v53+s3+$0x0], $0xffff;
	[tilespmem:s23+$0x11420] =	vst v43  }
0x499: {  	[tilespmem:s21+$0x11470] =	vst v33;
	v60 =	vor.u32 v28, v34;
	v44 =	vld.idx.msk [tilespmem:v54+s3+$0x0], $0xffff  }
0x49a: {  	v61 =	vor.u32 v28, v35;
	[tilespmem:s24+$0x11420] =	vst v45;
	v57 =	vld.idx.msk [tilespmem:v52+s3+$0x0], $0xffff  }
0x49b: {  	v59 =	vor.u32 v28, v32;
	v46 =	vld.idx.msk [tilespmem:v55+s3+$0x0], $0xffff;
	[tilespmem:s29+$0x11420] =	vst v47  }
0x49c: {  	v62 =	vor.u32 v28, v36;
	v33 =	vld.idx.msk [tilespmem:v56+s3+$0x0], $0xffff;
	[tilespmem:s25+$0x11420] =	vst v39  }
0x49d: {  	[tilespmem:s22+$0x11430] =	vst v42;
	v63 =	vor.u32 v28, v38;
	v52 =	vld.idx.msk [tilespmem:v58+s3+$0x0], $0xffff  }
0x49e: {  	v43 =	vld.idx.msk [tilespmem:v60+s3+$0x0], $0xffff;
	v54 =	vor.u32 v28, v37;
	[tilespmem:s23+$0x11430] =	vst v44  }
0x49f: {  	[tilespmem:s20+$0x11430] =	vst v57;
	v56 =	vor.u32 v29, v34;
	v45 =	vld.idx.msk [tilespmem:v61+s3+$0x0], $0xffff  }
0x4a0: {  	[tilespmem:s24+$0x11430] =	vst v46;
	v57 =	vor.u32 v29, v35;
	v53 =	vld.idx.msk [tilespmem:v59+s3+$0x0], $0xffff  }
0x4a1: {  	v55 =	vor.u32 v29, v32;
	v47 =	vld.idx.msk [tilespmem:v62+s3+$0x0], $0xffff;
	[tilespmem:s29+$0x11430] =	vst v33  }
0x4a2: {  	v39 =	vld.idx.msk [tilespmem:v63+s3+$0x0], $0xffff;
	v58 =	vor.u32 v29, v36;
	[tilespmem:s25+$0x11430] =	vst v52  }
0x4a3: {  	[tilespmem:s22+$0x11440] =	vst v43;
	v59 =	vor.u32 v29, v38;
	v60 =	vld.idx.msk [tilespmem:v54+s3+$0x0], $0xffff  }
0x4a4: {  	v62 =	vor.u32 v29, v37;
	v44 =	vld.idx.msk [tilespmem:v56+s3+$0x0], $0xffff;
	[tilespmem:s23+$0x11440] =	vst v45  }
0x4a5: {  	v49 =	vor.u32 v30, v34;
	[tilespmem:s20+$0x11440] =	vst v53;
	v46 =	vld.idx.msk [tilespmem:v57+s3+$0x0], $0xffff  }
0x4a6: {  	v50 =	vor.u32 v30, v35;
	[tilespmem:s24+$0x11440] =	vst v47;
	v61 =	vld.idx.msk [tilespmem:v55+s3+$0x0], $0xffff  }
0x4a7: {  	v63 =	vor.u32 v30, v32;
	[tilespmem:s29+$0x11440] =	vst v39;
	v33 =	vld.idx.msk [tilespmem:v58+s3+$0x0], $0xffff  }
0x4a8: {  	v51 =	vor.u32 v30, v36;
	v40 =	vld.idx.msk [tilespmem:v59+s3+$0x0], $0xffff;
	[tilespmem:s25+$0x11440] =	vst v60  }
0x4a9: {  	[tilespmem:s22+$0x11450] =	vst v44;
	v52 =	vor.u32 v30, v38;
	v53 =	vld.idx.msk [tilespmem:v62+s3+$0x0], $0xffff  }
0x4aa: {  	v55 =	vor.u32 v30, v37;
	v45 =	vld.idx.msk [tilespmem:v49+s3+$0x0], $0xffff;
	[tilespmem:s23+$0x11450] =	vst v46  }
0x4ab: {  	v57 =	vor.u32 v31, v34;
	[tilespmem:s20+$0x11450] =	vst v61;
	v46 =	vld.idx.msk [tilespmem:v50+s3+$0x0], $0xffff  }
0x4ac: {  	v58 =	vor.u32 v31, v35;
	v54 =	vld.idx.msk [tilespmem:v63+s3+$0x0], $0xffff;
	[tilespmem:s24+$0x11450] =	vst v33  }
0x4ad: {  	v56 =	vor.u32 v31, v32;
	[tilespmem:s29+$0x11450] =	vst v40;
	v59 =	vld.idx.msk [tilespmem:v51+s3+$0x0], $0xffff  }
0x4ae: {  	v60 =	vor.u32 v31, v36;
	v61 =	vld.idx.msk [tilespmem:v52+s3+$0x0], $0xffff;
	[tilespmem:s25+$0x11450] =	vst v53  }
0x4af: {  	[tilespmem:s22+$0x11460] =	vst v45;
	v62 =	vor.u32 v31, v38;
	v63 =	vld.idx.msk [tilespmem:v55+s3+$0x0], $0xffff  }
0x4b0: {  	v37 =	vor.u32 v31, v37;
	v34 =	vld.idx.msk [tilespmem:v57+s3+$0x0], $0xffff;
	[tilespmem:s23+$0x11460] =	vst v46  }
0x4b1: {  	[tilespmem:s20+$0x11460] =	vst v54;
	v33 =	vld.idx.msk [tilespmem:v58+s3+$0x0], $0xffff  }
0x4b2: {  	v32 =	vld.idx.msk [tilespmem:v56+s3+$0x0], $0xffff;
	[tilespmem:s24+$0x11460] =	vst v59  }
0x4b3: {  	[tilespmem:s29+$0x11460] =	vst v61;
	v35 =	vld.idx.msk [tilespmem:v60+s3+$0x0], $0xffff  }
0x4b4: {  	v42 =	vld.idx.msk [tilespmem:v62+s3+$0x0], $0xffff;
	[tilespmem:s25+$0x11460] =	vst v63  }
0x4b5: {  	[tilespmem:s22+$0x11470] =	vst v34;
	v43 =	vld.idx.msk [tilespmem:v37+s3+$0x0], $0xffff  }
0x4b6: {  	[tilespmem:s23+$0x11470] =	vst v33  }
0x4b7: {  	s23 =	sshll.u32 s19, $0x11;
	[tilespmem:s20+$0x11470] =	vst v32;
	s20 =	sshllo.u32 s19, $0x1  }
0x4b8: {  	s0 =	sadd.s32 s4, s23;
	s28 =	sshll.u32 s20, $0x5;
	[tilespmem:s24+$0x11470] =	vst v35  }
0x4b9: {  	s0 =	sshrl.u32 s0, $0x3;
	[tilespmem:s29+$0x11470] =	vst v42;
	s24 =	sadd.s32 $0x0, s28  }
0x4ba: {  	s0 =	sadd.s32 s2, s0;
	v44 =	vmov s24;
	[tilespmem:s25+$0x11470] =	vst v43  }
0x4bb: {  	[hbm4b:s0+s10] =	stream.strided.scatter [tilespmem:s14], [sflag:$0x1], $0x4000, s11, s10, $0x38;
	[tilespmem:$0x18800] =	vst v63  }
0x4bc: {  	_ =	swait.ge [sflag:s17], $0x4000  }
0x4bd: {  	[sflag:s17] =	ssyncset.done $0x0  }
0x4be: {  	[sflag:s17] =	ssyncadd.s32 $0xFFFFC000  }
0x4bf: {  	v32 =	vld.idx.msk [tilespmem:v44+s13+$0x0], $0xffff;
	_ =	sdelay $0x4  }
0x4c0: {  	v45 =	vshll.u32 v32, $0x9;
	v32 =	vshll.u32 v32, $0x7  }
0x4c1: {  	v33 =	vand.u32 $0xFFFFF000, v45;
	v32 =	vand.u32 $0x380, v32  }
0x4c2: {  	v37 =	vor.u32 v32, v33  }
0x4c3: {  	v32 =	vor.u32 v0, v37;
	_ =	sdelay $0x4  }
0x4c4: {  	v32 =	vld.idx.msk [tilespmem:v32+s3+$0x0], $0xffff  }
0x4c5: {  	v33 =	vor.u32 v1, v37  }
0x4c6: {  	s26 =	simm.s32 $0x0  }
0x4c7: {  	s1 =	sand.u32 $0x3000, s26;
	s0 =	sand.u32 $0x380, s26  }
0x4c8: {  	s25 =	sor.u32 s0, s1  }
0x4c9: {  	[tilespmem:s25+$0x14800] =	vst v32  }
0x4ca: {  	v32 =	vld.idx.msk [tilespmem:v33+s3+$0x0], $0xffff  }
0x4cb: {  	v46 =	vor.u32 v2, v37  }
0x4cc: {  	s22 =	sadd.s32 $0x1, s28  }
0x4cd: {  	v47 =	vmov s22;
	_ =	sdelay $0x1  }
0x4ce: {  	[tilespmem:s25+$0x14810] =	vst v32  }
0x4cf: {  	v32 =	vld.idx.msk [tilespmem:v46+s3+$0x0], $0xffff  }
0x4d0: {  	v48 =	vor.u32 v3, v37  }
0x4d1: {  	v34 =	vld.idx.msk [tilespmem:v47+s13+$0x0], $0xffff;
	_ =	sdelay $0x2  }
0x4d2: {  	[tilespmem:s25+$0x14820] =	vst v32  }
0x4d3: {  	v32 =	vld.idx.msk [tilespmem:v48+s3+$0x0], $0xffff  }
0x4d4: {  	v50 =	vshll.u32 v34, $0x9;
	v34 =	vshll.u32 v34, $0x7;
	v49 =	vor.u32 v4, v37  }
0x4d5: {  	v34 =	vand.u32 $0x380, v34;
	v33 =	vand.u32 $0xFFFFF000, v50  }
0x4d6: {  	v33 =	vor.u32 v34, v33  }
0x4d7: {  	v51 =	vor.u32 v0, v33  }
0x4d8: {  	[tilespmem:s25+$0x14830] =	vst v32  }
0x4d9: {  	v52 =	vld.idx.msk [tilespmem:v49+s3+$0x0], $0xffff  }
0x4da: {  	v53 =	vor.u32 v5, v37;
	_ =	sdelay $0x1  }
0x4db: {  	v32 =	vld.idx.msk [tilespmem:v51+s3+$0x0], $0xffff  }
0x4dc: {  	v54 =	vor.u32 v1, v33  }
0x4dd: {  	s23 =	simm.s32 $0x80;
	s24 =	simm.s32 $0x200;
	[tilespmem:s25+$0x14840] =	vst v52  }
0x4de: {  	s21 =	sand.u32 $0x3000, s24;
	s0 =	sand.u32 $0x380, s23;
	v35 =	vld.idx.msk [tilespmem:v53+s3+$0x0], $0xffff  }
0x4df: {  	s22 =	sor.u32 s0, s21;
	v55 =	vor.u32 v6, v37  }
0x4e0: {  	[tilespmem:s22+$0x14800] =	vst v32  }
0x4e1: {  	v32 =	vld.idx.msk [tilespmem:v54+s3+$0x0], $0xffff  }
0x4e2: {  	s26 =	sadd.s32 $0x2, s28;
	v56 =	vor.u32 v2, v33  }
0x4e3: {  	v58 =	vmov s26;
	[tilespmem:s25+$0x14850] =	vst v35  }
0x4e4: {  	v35 =	vld.idx.msk [tilespmem:v55+s3+$0x0], $0xffff  }
0x4e5: {  	v57 =	vor.u32 v7, v37  }
0x4e6: {  	[tilespmem:s22+$0x14810] =	vst v32  }
0x4e7: {  	v32 =	vld.idx.msk [tilespmem:v56+s3+$0x0], $0xffff  }
0x4e8: {  	v60 =	vld.idx.msk [tilespmem:v58+s13+$0x0], $0xffff;
	v59 =	vor.u32 v3, v33  }
0x4e9: {  	[tilespmem:s25+$0x14860] =	vst v35  }
0x4ea: {  	v35 =	vld.idx.msk [tilespmem:v57+s3+$0x0], $0xffff  }
0x4eb: {  	v61 =	vor.u32 v8, v37  }
0x4ec: {  	[tilespmem:s22+$0x14820] =	vst v32  }
0x4ed: {  	v63 =	vshll.u32 v60, $0x9;
	v36 =	vshll.u32 v60, $0x7;
	v34 =	vld.idx.msk [tilespmem:v59+s3+$0x0], $0xffff  }
0x4ee: {  	v36 =	vand.u32 $0x380, v36;
	v62 =	vor.u32 v4, v33;
	v32 =	vand.u32 $0xFFFFF000, v63  }
0x4ef: {  	v32 =	vor.u32 v36, v32;
	[tilespmem:s25+$0x14870] =	vst v35  }
0x4f0: {  	v43 =	vor.u32 v0, v32;
	v38 =	vld.idx.msk [tilespmem:v61+s3+$0x0], $0xffff  }
0x4f1: {  	v42 =	vor.u32 v9, v37  }
0x4f2: {  	[tilespmem:s22+$0x14830] =	vst v34  }
0x4f3: {  	v35 =	vld.idx.msk [tilespmem:v62+s3+$0x0], $0xffff  }
0x4f4: {  	v44 =	vor.u32 v5, v33  }
0x4f5: {  	v34 =	vld.idx.msk [tilespmem:v43+s3+$0x0], $0xffff;
	[tilespmem:s25+$0x14C00] =	vst v38  }
0x4f6: {  	v46 =	vor.u32 v1, v32;
	v38 =	vld.idx.msk [tilespmem:v42+s3+$0x0], $0xffff  }
0x4f7: {  	s1 =	simm.s32 $0x100;
	s23 =	simm.s32 $0x400;
	v45 =	vor.u32 v10, v37  }
0x4f8: {  	s21 =	sand.u32 $0x3000, s23;
	s0 =	sand.u32 $0x380, s1;
	[tilespmem:s22+$0x14840] =	vst v35  }
0x4f9: {  	s21 =	sor.u32 s0, s21;
	v36 =	vld.idx.msk [tilespmem:v44+s3+$0x0], $0xffff  }
0x4fa: {  	v47 =	vor.u32 v6, v33;
	[tilespmem:s21+$0x14800] =	vst v34  }
0x4fb: {  	v35 =	vld.idx.msk [tilespmem:v46+s3+$0x0], $0xffff;
	[tilespmem:s25+$0x14C10] =	vst v38  }
0x4fc: {  	v49 =	vor.u32 v2, v32;
	v39 =	vld.idx.msk [tilespmem:v45+s3+$0x0], $0xffff  }
0x4fd: {  	v48 =	vor.u32 v11, v37  }
0x4fe: {  	[tilespmem:s22+$0x14850] =	vst v36  }
0x4ff: {  	v38 =	vld.idx.msk [tilespmem:v47+s3+$0x0], $0xffff  }
0x500: {  	s24 =	sadd.s32 $0x3, s28;
	v50 =	vor.u32 v7, v33;
	[tilespmem:s21+$0x14810] =	vst v35  }
0x501: {  	v51 =	vmov s24;
	v36 =	vld.idx.msk [tilespmem:v49+s3+$0x0], $0xffff;
	[tilespmem:s25+$0x14C20] =	vst v39  }
0x502: {  	v53 =	vor.u32 v3, v32;
	v34 =	vld.idx.msk [tilespmem:v48+s3+$0x0], $0xffff  }
0x503: {  	v52 =	vor.u32 v12, v37  }
0x504: {  	[tilespmem:s22+$0x14860] =	vst v38  }
0x505: {  	v39 =	vld.idx.msk [tilespmem:v50+s3+$0x0], $0xffff  }
0x506: {  	v40 =	vld.idx.msk [tilespmem:v51+s13+$0x0], $0xffff;
	v54 =	vor.u32 v8, v33;
	[tilespmem:s21+$0x14820] =	vst v36  }
0x507: {  	v38 =	vld.idx.msk [tilespmem:v53+s3+$0x0], $0xffff;
	[tilespmem:s25+$0x14C30] =	vst v34  }
0x508: {  	v56 =	vor.u32 v4, v32;
	v35 =	vld.idx.msk [tilespmem:v52+s3+$0x0], $0xffff  }
0x509: {  	v55 =	vor.u32 v13, v37  }
0x50a: {  	[tilespmem:s22+$0x14870] =	vst v39  }
0x50b: {  	v57 =	vld.idx.msk [tilespmem:v54+s3+$0x0], $0xffff  }
0x50c: {  	v60 =	vor.u32 v9, v33;
	[tilespmem:s21+$0x14830] =	vst v38  }
0x50d: {  	v58 =	vshll.u32 v40, $0x9;
	v59 =	vshll.u32 v40, $0x7;
	v39 =	vld.idx.msk [tilespmem:v56+s3+$0x0], $0xffff;
	[tilespmem:s25+$0x14C40] =	vst v35  }
0x50e: {  	v63 =	vor.u32 v5, v32;
	v34 =	vand.u32 $0xFFFFF000, v58;
	v35 =	vand.u32 $0x380, v59;
	v36 =	vld.idx.msk [tilespmem:v55+s3+$0x0], $0xffff  }
0x50f: {  	v61 =	vor.u32 v14, v37;
	v34 =	vor.u32 v35, v34  }
0x510: {  	[tilespmem:s22+$0x14C00] =	vst v57;
	v62 =	vor.u32 v0, v34  }
0x511: {  	v40 =	vld.idx.msk [tilespmem:v60+s3+$0x0], $0xffff  }
0x512: {  	v45 =	vor.u32 v10, v33;
	[tilespmem:s21+$0x14840] =	vst v39  }
0x513: {  	v41 =	vld.idx.msk [tilespmem:v63+s3+$0x0], $0xffff;
	[tilespmem:s25+$0x14C50] =	vst v36  }
0x514: {  	v48 =	vor.u32 v6, v32;
	v35 =	vld.idx.msk [tilespmem:v61+s3+$0x0], $0xffff  }
0x515: {  	v46 =	vor.u32 v15, v37;
	v38 =	vld.idx.msk [tilespmem:v62+s3+$0x0], $0xffff  }
0x516: {  	v47 =	vor.u32 v1, v34;
	[tilespmem:s22+$0x14C10] =	vst v40  }
0x517: {  	s26 =	simm.s32 $0x180;
	s1 =	simm.s32 $0x600;
	v36 =	vld.idx.msk [tilespmem:v45+s3+$0x0], $0xffff  }
0x518: {  	s23 =	sand.u32 $0x3000, s1;
	s0 =	sand.u32 $0x380, s26;
	v49 =	vor.u32 v11, v33;
	[tilespmem:s21+$0x14850] =	vst v41  }
0x519: {  	s23 =	sor.u32 s0, s23;
	v40 =	vld.idx.msk [tilespmem:v48+s3+$0x0], $0xffff;
	[tilespmem:s25+$0x14C60] =	vst v35  }
0x51a: {  	v54 =	vor.u32 v7, v32;
	[tilespmem:s23+$0x14800] =	vst v38;
	v50 =	vld.idx.msk [tilespmem:v46+s3+$0x0], $0xffff  }
0x51b: {  	v52 =	vor.u32 v16, v37;
	v51 =	vld.idx.msk [tilespmem:v47+s3+$0x0], $0xffff  }
0x51c: {  	s24 =	sadd.s32 $0x4, s28;
	v53 =	vor.u32 v2, v34;
	[tilespmem:s22+$0x14C20] =	vst v36  }
0x51d: {  	v55 =	vmov s24;
	v35 =	vld.idx.msk [tilespmem:v49+s3+$0x0], $0xffff  }
0x51e: {  	v56 =	vor.u32 v12, v33;
	[tilespmem:s21+$0x14860] =	vst v40  }
0x51f: {  	v36 =	vld.idx.msk [tilespmem:v54+s3+$0x0], $0xffff;
	[tilespmem:s25+$0x14C70] =	vst v50  }
0x520: {  	v61 =	vor.u32 v8, v32;
	[tilespmem:s23+$0x14810] =	vst v51;
	v57 =	vld.idx.msk [tilespmem:v52+s3+$0x0], $0xffff  }
0x521: {  	v59 =	vor.u32 v17, v37;
	v58 =	vld.idx.msk [tilespmem:v53+s3+$0x0], $0xffff  }
0x522: {  	v60 =	vor.u32 v3, v34;
	v43 =	vld.idx.msk [tilespmem:v55+s13+$0x0], $0xffff;
	[tilespmem:s22+$0x14C30] =	vst v35  }
0x523: {  	v38 =	vld.idx.msk [tilespmem:v56+s3+$0x0], $0xffff  }
0x524: {  	v62 =	vor.u32 v13, v33;
	[tilespmem:s21+$0x14870] =	vst v36  }
0x525: {  	v49 =	vld.idx.msk [tilespmem:v61+s3+$0x0], $0xffff;
	[tilespmem:s25+$0x15000] =	vst v57  }
0x526: {  	v52 =	vor.u32 v9, v32;
	[tilespmem:s23+$0x14820] =	vst v58;
	v40 =	vld.idx.msk [tilespmem:v59+s3+$0x0], $0xffff  }
0x527: {  	v63 =	vor.u32 v18, v37;
	v41 =	vld.idx.msk [tilespmem:v60+s3+$0x0], $0xffff  }
0x528: {  	v48 =	vor.u32 v4, v34;
	v50 =	vshll.u32 v43, $0x9;
	v51 =	vshll.u32 v43, $0x7;
	[tilespmem:s22+$0x14C40] =	vst v38  }
0x529: {  	v35 =	vand.u32 $0xFFFFF000, v50;
	v38 =	vand.u32 $0x380, v51;
	v39 =	vld.idx.msk [tilespmem:v62+s3+$0x0], $0xffff  }
0x52a: {  	v53 =	vor.u32 v14, v33;
	[tilespmem:s21+$0x14C00] =	vst v49;
	v35 =	vor.u32 v38, v35  }
0x52b: {  	v43 =	vld.idx.msk [tilespmem:v52+s3+$0x0], $0xffff;
	v54 =	vor.u32 v0, v35;
	[tilespmem:s25+$0x15010] =	vst v40  }
0x52c: {  	v57 =	vor.u32 v10, v32;
	[tilespmem:s23+$0x14830] =	vst v41;
	v36 =	vld.idx.msk [tilespmem:v63+s3+$0x0], $0xffff  }
0x52d: {  	v55 =	vor.u32 v19, v37;
	v41 =	vld.idx.msk [tilespmem:v48+s3+$0x0], $0xffff  }
0x52e: {  	v56 =	vor.u32 v5, v34;
	[tilespmem:s22+$0x14C50] =	vst v39  }
0x52f: {  	v38 =	vld.idx.msk [tilespmem:v53+s3+$0x0], $0xffff  }
0x530: {  	v58 =	vor.u32 v15, v33;
	[tilespmem:s21+$0x14C10] =	vst v43;
	v40 =	vld.idx.msk [tilespmem:v54+s3+$0x0], $0xffff  }
0x531: {  	v60 =	vor.u32 v1, v35;
	v39 =	vld.idx.msk [tilespmem:v57+s3+$0x0], $0xffff;
	[tilespmem:s25+$0x15020] =	vst v36  }
0x532: {  	s26 =	simm.s32 $0x200;
	s1 =	simm.s32 $0x800;
	v63 =	vor.u32 v11, v32;
	[tilespmem:s23+$0x14840] =	vst v41;
	v59 =	vld.idx.msk [tilespmem:v55+s3+$0x0], $0xffff  }
0x533: {  	s0 =	sand.u32 $0x380, s26;
	s24 =	sand.u32 $0x3000, s1;
	v61 =	vor.u32 v20, v37;
	v44 =	vld.idx.msk [tilespmem:v56+s3+$0x0], $0xffff  }
0x534: {  	s26 =	sadd.s32 $0x5, s28;
	s24 =	sor.u32 s0, s24;
	v62 =	vor.u32 v6, v34;
	[tilespmem:s22+$0x14C60] =	vst v38  }
0x535: {  	v48 =	vmov s26;
	[tilespmem:s24+$0x14800] =	vst v40;
	v36 =	vld.idx.msk [tilespmem:v58+s3+$0x0], $0xffff  }
0x536: {  	v49 =	vor.u32 v16, v33;
	[tilespmem:s21+$0x14C20] =	vst v39;
	v40 =	vld.idx.msk [tilespmem:v60+s3+$0x0], $0xffff  }
0x537: {  	v51 =	vor.u32 v2, v35;
	v38 =	vld.idx.msk [tilespmem:v63+s3+$0x0], $0xffff;
	[tilespmem:s25+$0x15030] =	vst v59  }
0x538: {  	v54 =	vor.u32 v12, v32;
	[tilespmem:s23+$0x14850] =	vst v44;
	v50 =	vld.idx.msk [tilespmem:v61+s3+$0x0], $0xffff  }
0x539: {  	v52 =	vor.u32 v21, v37;
	v44 =	vld.idx.msk [tilespmem:v62+s3+$0x0], $0xffff  }
0x53a: {  	v53 =	vor.u32 v7, v34;
	v46 =	vld.idx.msk [tilespmem:v48+s13+$0x0], $0xffff;
	[tilespmem:s22+$0x14C70] =	vst v36  }
0x53b: {  	[tilespmem:s24+$0x14810] =	vst v40;
	v55 =	vld.idx.msk [tilespmem:v49+s3+$0x0], $0xffff  }
0x53c: {  	v57 =	vor.u32 v17, v33;
	[tilespmem:s21+$0x14C30] =	vst v38;
	v56 =	vld.idx.msk [tilespmem:v51+s3+$0x0], $0xffff  }
0x53d: {  	v58 =	vor.u32 v3, v35;
	v36 =	vld.idx.msk [tilespmem:v54+s3+$0x0], $0xffff;
	[tilespmem:s25+$0x15040] =	vst v50  }
0x53e: {  	v61 =	vor.u32 v13, v32;
	[tilespmem:s23+$0x14860] =	vst v44;
	v39 =	vld.idx.msk [tilespmem:v52+s3+$0x0], $0xffff  }
0x53f: {  	v59 =	vor.u32 v22, v37;
	v44 =	vld.idx.msk [tilespmem:v53+s3+$0x0], $0xffff  }
0x540: {  	s26 =	sadd.s32 $0x6, s28;
	v60 =	vor.u32 v8, v34;
	[tilespmem:s22+$0x15000] =	vst v55  }
0x541: {  	v63 =	vmov s26;
	[tilespmem:s24+$0x14820] =	vst v56;
	v62 =	vld.idx.msk [tilespmem:v57+s3+$0x0], $0xffff  }
0x542: {  	[tilespmem:s21+$0x14C40] =	vst v36;
	v43 =	vld.idx.msk [tilespmem:v58+s3+$0x0], $0xffff;
	v52 =	vor.u32 v18, v33  }
0x543: {  	v40 =	vld.idx.msk [tilespmem:v61+s3+$0x0], $0xffff;
	v53 =	vor.u32 v4, v35;
	[tilespmem:s25+$0x15050] =	vst v39  }
0x544: {  	v55 =	vshll.u32 v46, $0x9;
	v46 =	vshll.u32 v46, $0x7;
	v57 =	vor.u32 v14, v32;
	[tilespmem:s23+$0x14870] =	vst v44;
	v38 =	vld.idx.msk [tilespmem:v59+s3+$0x0], $0xffff  }
0x545: {  	v54 =	vor.u32 v23, v37;
	v36 =	vand.u32 $0xFFFFF000, v55;
	v46 =	vand.u32 $0x380, v46;
	v45 =	vld.idx.msk [tilespmem:v60+s3+$0x0], $0xffff  }
0x546: {  	v42 =	vld.idx.msk [tilespmem:v63+s13+$0x0], $0xffff;
	v56 =	vor.u32 v9, v34;
	v36 =	vor.u32 v46, v36;
	[tilespmem:s22+$0x15010] =	vst v62  }
0x547: {  	v58 =	vor.u32 v0, v36;
	[tilespmem:s24+$0x14830] =	vst v43;
	v39 =	vld.idx.msk [tilespmem:v52+s3+$0x0], $0xffff  }
0x548: {  	[tilespmem:s21+$0x14C50] =	vst v40;
	v44 =	vld.idx.msk [tilespmem:v53+s3+$0x0], $0xffff;
	v59 =	vor.u32 v19, v33  }
0x549: {  	v61 =	vor.u32 v5, v35;
	v41 =	vld.idx.msk [tilespmem:v57+s3+$0x0], $0xffff;
	[tilespmem:s25+$0x15060] =	vst v38  }
0x54a: {  	v53 =	vor.u32 v15, v32;
	[tilespmem:s23+$0x14C00] =	vst v45;
	v60 =	vld.idx.msk [tilespmem:v54+s3+$0x0], $0xffff  }
0x54b: {  	v63 =	vor.u32 v24, v37;
	v62 =	vld.idx.msk [tilespmem:v56+s3+$0x0], $0xffff  }
0x54c: {  	v52 =	vor.u32 v10, v34;
	v43 =	vld.idx.msk [tilespmem:v58+s3+$0x0], $0xffff;
	[tilespmem:s22+$0x15020] =	vst v39  }
0x54d: {  	[tilespmem:s24+$0x14840] =	vst v44;
	v38 =	vld.idx.msk [tilespmem:v59+s3+$0x0], $0xffff;
	v54 =	vor.u32 v1, v36  }
0x54e: {  	s1 =	simm.s32 $0xA00;
	s0 =	simm.s32 $0x280;
	v55 =	vor.u32 v20, v33;
	[tilespmem:s21+$0x14C60] =	vst v41;
	v46 =	vld.idx.msk [tilespmem:v61+s3+$0x0], $0xffff  }
0x54f: {  	s0 =	sand.u32 $0x380, s0;
	s26 =	sand.u32 $0x3000, s1;
	v39 =	vld.idx.msk [tilespmem:v53+s3+$0x0], $0xffff;
	v56 =	vor.u32 v6, v35;
	[tilespmem:s25+$0x15070] =	vst v60  }
0x550: {  	s26 =	sor.u32 s0, s26;
	v59 =	vor.u32 v16, v32;
	[tilespmem:s23+$0x14C10] =	vst v62;
	v40 =	vld.idx.msk [tilespmem:v63+s3+$0x0], $0xffff  }
0x551: {  	v57 =	vor.u32 v25, v37;
	[tilespmem:s26+$0x14800] =	vst v43;
	v48 =	vld.idx.msk [tilespmem:v52+s3+$0x0], $0xffff  }
0x552: {  	v58 =	vor.u32 v11, v34;
	[tilespmem:s22+$0x15030] =	vst v38;
	v44 =	vld.idx.msk [tilespmem:v54+s3+$0x0], $0xffff  }
0x553: {  	[tilespmem:s24+$0x14850] =	vst v46;
	v45 =	vld.idx.msk [tilespmem:v55+s3+$0x0], $0xffff;
	v60 =	vor.u32 v2, v36  }
0x554: {  	v61 =	vor.u32 v21, v33;
	[tilespmem:s21+$0x14C70] =	vst v39;
	v47 =	vld.idx.msk [tilespmem:v56+s3+$0x0], $0xffff  }
0x555: {  	v62 =	vor.u32 v7, v35;
	v38 =	vld.idx.msk [tilespmem:v59+s3+$0x0], $0xffff;
	[tilespmem:s25+$0x15400] =	vst v40  }
0x556: {  	v53 =	vor.u32 v17, v32;
	[tilespmem:s23+$0x14C20] =	vst v48;
	v41 =	vld.idx.msk [tilespmem:v57+s3+$0x0], $0xffff  }
0x557: {  	v63 =	vor.u32 v26, v37;
	[tilespmem:s26+$0x14810] =	vst v44;
	v43 =	vld.idx.msk [tilespmem:v58+s3+$0x0], $0xffff  }
0x558: {  	v52 =	vor.u32 v12, v34;
	[tilespmem:s22+$0x15040] =	vst v45;
	v46 =	vld.idx.msk [tilespmem:v60+s3+$0x0], $0xffff  }
0x559: {  	v54 =	vor.u32 v3, v36;
	[tilespmem:s24+$0x14860] =	vst v47;
	v40 =	vld.idx.msk [tilespmem:v61+s3+$0x0], $0xffff  }
0x55a: {  	v55 =	vor.u32 v22, v33;
	[tilespmem:s21+$0x15000] =	vst v38;
	v48 =	vld.idx.msk [tilespmem:v62+s3+$0x0], $0xffff  }
0x55b: {  	v56 =	vor.u32 v8, v35;
	v45 =	vld.idx.msk [tilespmem:v53+s3+$0x0], $0xffff;
	[tilespmem:s25+$0x15410] =	vst v41  }
0x55c: {  	v60 =	vor.u32 v18, v32;
	[tilespmem:s23+$0x14C30] =	vst v43;
	v39 =	vld.idx.msk [tilespmem:v63+s3+$0x0], $0xffff  }
0x55d: {  	v57 =	vor.u32 v27, v37;
	[tilespmem:s26+$0x14820] =	vst v46;
	v44 =	vld.idx.msk [tilespmem:v52+s3+$0x0], $0xffff  }
0x55e: {  	s1 =	sadd.s32 $0x7, s28;
	v58 =	vor.u32 v13, v34;
	[tilespmem:s22+$0x15050] =	vst v40;
	v47 =	vld.idx.msk [tilespmem:v54+s3+$0x0], $0xffff  }
0x55f: {  	v59 =	vmov s1;
	[tilespmem:s24+$0x14870] =	vst v48;
	v41 =	vld.idx.msk [tilespmem:v55+s3+$0x0], $0xffff  }
0x560: {  	v61 =	vor.u32 v4, v36;
	[tilespmem:s21+$0x15010] =	vst v45;
	v43 =	vld.idx.msk [tilespmem:v56+s3+$0x0], $0xffff;
	v54 =	vshll.u32 v42, $0x9;
	v42 =	vshll.u32 v42, $0x7  }
0x561: {  	v62 =	vor.u32 v23, v33;
	v40 =	vld.idx.msk [tilespmem:v60+s3+$0x0], $0xffff;
	v38 =	vand.u32 $0xFFFFF000, v54;
	v42 =	vand.u32 $0x380, v42;
	[tilespmem:s25+$0x15420] =	vst v39  }
0x562: {  	v55 =	vor.u32 v9, v35;
	v38 =	vor.u32 v42, v38;
	[tilespmem:s23+$0x14C40] =	vst v44;
	v63 =	vld.idx.msk [tilespmem:v57+s3+$0x0], $0xffff  }
0x563: {  	v46 =	vld.idx.msk [tilespmem:v58+s3+$0x0], $0xffff;
	v58 =	vor.u32 v0, v38  }
0x564: {  	v56 =	vor.u32 v28, v37;
	[tilespmem:s26+$0x14830] =	vst v47;
	v39 =	vld.idx.msk [tilespmem:v59+s13+$0x0], $0xffff  }
0x565: {  	[tilespmem:s22+$0x15060] =	vst v41;
	v48 =	vld.idx.msk [tilespmem:v61+s3+$0x0], $0xffff;
	v57 =	vor.u32 v14, v34  }
0x566: {  	[tilespmem:s24+$0x14C00] =	vst v43;
	v59 =	vor.u32 v19, v32;
	v60 =	vld.idx.msk [tilespmem:v62+s3+$0x0], $0xffff  }
0x567: {  	v61 =	vor.u32 v5, v36;
	v62 =	vld.idx.msk [tilespmem:v55+s3+$0x0], $0xffff  }
0x568: {  	v54 =	vor.u32 v10, v35;
	[tilespmem:s25+$0x15430] =	vst v63;
	v47 =	vld.idx.msk [tilespmem:v58+s3+$0x0], $0xffff  }
0x569: {  	[tilespmem:s23+$0x14C50] =	vst v46;
	v63 =	vor.u32 v24, v33;
	v45 =	vld.idx.msk [tilespmem:v56+s3+$0x0], $0xffff  }
0x56a: {  	[tilespmem:s21+$0x15020] =	vst v40;
	v42 =	vld.idx.msk [tilespmem:v57+s3+$0x0], $0xffff;
	v57 =	vor.u32 v1, v38  }
0x56b: {  	s30 =	simm.s32 $0x300;
	s31 =	simm.s32 $0xC00;
	v55 =	vor.u32 v29, v37;
	[tilespmem:s26+$0x14840] =	vst v48;
	v41 =	vld.idx.msk [tilespmem:v59+s3+$0x0], $0xffff  }
0x56c: {  	s29 =	sand.u32 $0x380, s30;
	s1 =	sand.u32 $0x3000, s31;
	[tilespmem:s24+$0x14C10] =	vst v62;
	v44 =	vld.idx.msk [tilespmem:v61+s3+$0x0], $0xffff;
	v56 =	vor.u32 v15, v34  }
0x56d: {  	s29 =	sor.u32 s29, s1;
	[tilespmem:s22+$0x15070] =	vst v60;
	v58 =	vor.u32 v20, v32;
	v50 =	vld.idx.msk [tilespmem:v54+s3+$0x0], $0xffff  }
0x56e: {  	v59 =	vor.u32 v6, v36;
	v46 =	vld.idx.msk [tilespmem:v63+s3+$0x0], $0xffff;
	[tilespmem:s29+$0x14800] =	vst v47  }
0x56f: {  	v61 =	vor.u32 v11, v35;
	[tilespmem:s25+$0x15440] =	vst v45;
	v51 =	vld.idx.msk [tilespmem:v57+s3+$0x0], $0xffff  }
0x570: {  	v60 =	vor.u32 v25, v33;
	[tilespmem:s23+$0x14C60] =	vst v42;
	v40 =	vld.idx.msk [tilespmem:v55+s3+$0x0], $0xffff  }
0x571: {  	[tilespmem:s21+$0x15030] =	vst v41;
	v63 =	vor.u32 v30, v37;
	v62 =	vld.idx.msk [tilespmem:v56+s3+$0x0], $0xffff  }
0x572: {  	v53 =	vor.u32 v16, v34;
	[tilespmem:s26+$0x14850] =	vst v44;
	v45 =	vld.idx.msk [tilespmem:v58+s3+$0x0], $0xffff  }
0x573: {  	[tilespmem:s24+$0x14C20] =	vst v50;
	v50 =	vor.u32 v2, v38;
	v48 =	vld.idx.msk [tilespmem:v59+s3+$0x0], $0xffff  }
0x574: {  	v44 =	vor.u32 v21, v32;
	[tilespmem:s22+$0x15400] =	vst v46;
	v46 =	vld.idx.msk [tilespmem:v61+s3+$0x0], $0xffff  }
0x575: {  	v49 =	vor.u32 v7, v36;
	v42 =	vld.idx.msk [tilespmem:v60+s3+$0x0], $0xffff;
	[tilespmem:s25+$0x15450] =	vst v40  }
0x576: {  	[tilespmem:s23+$0x14C70] =	vst v62;
	v40 =	vor.u32 v26, v33;
	v43 =	vld.idx.msk [tilespmem:v63+s3+$0x0], $0xffff  }
0x577: {  	s0 =	simm.s32 $0x8;
	v47 =	vor.u32 v12, v35;
	[tilespmem:s29+$0x14810] =	vst v51;
	v41 =	vld.idx.msk [tilespmem:v53+s3+$0x0], $0xffff  }
.LBB2_9:
0x578: {  	p0 =	sne.s32 s0, $0x1F;
	v50 =	vld.idx.msk [tilespmem:v50+s3+$0x0], $0xffff;
	[tilespmem:s21+$0x15040] =	vst v45;
	v45 =	vor.u32 v31, v37;
	v37 =	vmovc v33;
	v33 =	vmov v32;
	v32 =	vmov v34  }
0x579: {  	v34 =	vmovc v35;
	v35 =	vmov v36;
	v36 =	vmov v38;
	[tilespmem:s26+$0x14860] =	vst v48;
	v48 =	vor.u32 v17, v32;
	v44 =	vld.idx.msk [tilespmem:v44+s3+$0x0], $0xffff  }
0x57a: {  	v38 =	vor.u32 v3, v36;
	v49 =	vld.idx.msk [tilespmem:v49+s3+$0x0], $0xffff;
	[tilespmem:s22+$0x15410] =	vst v42  }
0x57b: {  	v42 =	vor.u32 v22, v33;
	[tilespmem:s24+$0x14C30] =	vst v46;
	v40 =	vld.idx.msk [tilespmem:v40+s3+$0x0], $0xffff  }
0x57c: {  	v46 =	vor.u32 v8, v35;
	v47 =	vld.idx.msk [tilespmem:v47+s3+$0x0], $0xffff;
	[tilespmem:s25+$0x15460] =	vst v43  }
0x57d: {  	[tilespmem:s23+$0x15000] =	vst v41;
	v41 =	vor.u32 v27, v37;
	v43 =	vld.idx.msk [tilespmem:v45+s3+$0x0], $0xffff  }
0x57e: {  	s1 =	sadd.s32 s28, s0;
	v45 =	vor.u32 v13, v34;
	[tilespmem:s29+$0x14820] =	vst v50;
	v48 =	vld.idx.msk [tilespmem:v48+s3+$0x0], $0xffff  }
0x57f: {  	v50 =	vmov s1;
	v51 =	vld.idx.msk [tilespmem:v38+s3+$0x0], $0xffff;
	[tilespmem:s21+$0x15050] =	vst v44  }
0x580: {  	v44 =	vor.u32 v18, v32;
	[tilespmem:s26+$0x14870] =	vst v49;
	v42 =	vld.idx.msk [tilespmem:v42+s3+$0x0], $0xffff  }
0x581: {  	v49 =	vor.u32 v4, v36;
	v46 =	vld.idx.msk [tilespmem:v46+s3+$0x0], $0xffff;
	[tilespmem:s22+$0x15420] =	vst v40  }
0x582: {  	v40 =	vor.u32 v23, v33;
	[tilespmem:s24+$0x14C40] =	vst v47;
	v41 =	vld.idx.msk [tilespmem:v41+s3+$0x0], $0xffff  }
0x583: {  	v52 =	vor.u32 v9, v35;
	v38 =	vshll.u32 v39, $0x9;
	v47 =	vshll.u32 v39, $0x7;
	v45 =	vld.idx.msk [tilespmem:v45+s3+$0x0], $0xffff;
	[tilespmem:s25+$0x15470] =	vst v43;
	s25 =	smov.u32 s22;
	s22 =	smov.u32 s21;
	s21 =	smov.u32 s23  }
0x584: {  	v38 =	vand.u32 $0xFFFFF000, v38;
	v43 =	vand.u32 $0x380, v47;
	v47 =	vor.u32 v28, v37;
	s23 =	smov.u32 s24;
	s24 =	smov.u32 s26;
	s26 =	smov.u32 s29;
	v39 =	vld.idx.msk [tilespmem:v50+s13+$0x0], $0xffff;
	[tilespmem:s21+$0x15010] =	vst v48  }
0x585: {  	v38 =	vor.u32 v43, v38;
	v43 =	vor.u32 v14, v34;
	[tilespmem:s26+$0x14830] =	vst v51;
	v44 =	vld.idx.msk [tilespmem:v44+s3+$0x0], $0xffff  }
0x586: {  	v48 =	vor.u32 v0, v38;
	v49 =	vld.idx.msk [tilespmem:v49+s3+$0x0], $0xffff;
	[tilespmem:s22+$0x15060] =	vst v42  }
0x587: {  	v42 =	vor.u32 v19, v32;
	[tilespmem:s24+$0x14C00] =	vst v46;
	v40 =	vld.idx.msk [tilespmem:v40+s3+$0x0], $0xffff  }
0x588: {  	v46 =	vor.u32 v5, v36;
	v50 =	vld.idx.msk [tilespmem:v52+s3+$0x0], $0xffff;
	[tilespmem:s25+$0x15430] =	vst v41  }
0x589: {  	v41 =	vor.u32 v24, v33;
	[tilespmem:s23+$0x14C50] =	vst v45;
	v45 =	vld.idx.msk [tilespmem:v47+s3+$0x0], $0xffff  }
0x58a: {  	v47 =	vor.u32 v10, v35;
	v43 =	vld.idx.msk [tilespmem:v43+s3+$0x0], $0xffff  }
0x58b: {  	v48 =	vld.idx.msk [tilespmem:v48+s3+$0x0], $0xffff;
	[tilespmem:s21+$0x15020] =	vst v44;
	v44 =	vor.u32 v29, v37  }
0x58c: {  	[tilespmem:s26+$0x14840] =	vst v49;
	v49 =	vor.u32 v15, v34;
	v42 =	vld.idx.msk [tilespmem:v42+s3+$0x0], $0xffff  }
0x58d: {  	v51 =	vor.u32 v1, v38;
	v46 =	vld.idx.msk [tilespmem:v46+s3+$0x0], $0xffff;
	[tilespmem:s22+$0x15070] =	vst v40  }
0x58e: {  	s30 =	sadd.s32 $0x80, s30;
	s31 =	sadd.s32 $0x200, s31;
	v40 =	vor.u32 v20, v32;
	[tilespmem:s24+$0x14C10] =	vst v50;
	v41 =	vld.idx.msk [tilespmem:v41+s3+$0x0], $0xffff  }
0x58f: {  	s1 =	sand.u32 $0x3000, s31;
	s29 =	sand.u32 $0x380, s30;
	v52 =	vor.u32 v6, v36;
	v47 =	vld.idx.msk [tilespmem:v47+s3+$0x0], $0xffff;
	[tilespmem:s25+$0x15440] =	vst v45  }
0x590: {  	s29 =	sor.u32 s29, s1;
	[tilespmem:s23+$0x14C60] =	vst v43;
	v43 =	vor.u32 v25, v33;
	v53 =	vld.idx.msk [tilespmem:v44+s3+$0x0], $0xffff  }
0x591: {  	v54 =	vor.u32 v11, v35;
	[tilespmem:s29+$0x14800] =	vst v48;
	v55 =	vld.idx.msk [tilespmem:v49+s3+$0x0], $0xffff  }
0x592: {  	v56 =	vor.u32 v30, v37;
	v51 =	vld.idx.msk [tilespmem:v51+s3+$0x0], $0xffff;
	[tilespmem:s21+$0x15030] =	vst v42  }
0x593: {  	v57 =	vor.u32 v16, v34;
	[tilespmem:s26+$0x14850] =	vst v46;
	v45 =	vld.idx.msk [tilespmem:v40+s3+$0x0], $0xffff  }
.Ltmp3:
0x594: {  	v50 =	vor.u32 v2, v38;
	v48 =	vld.idx.msk [tilespmem:v52+s3+$0x0], $0xffff;
	[tilespmem:s22+$0x15400] =	vst v41;
	(pc) =	sbr.rel @p0 .LBB2_9-.Ltmp3, $4  }
0x595: {  	v44 =	vor.u32 v21, v32;
	[tilespmem:s24+$0x14C20] =	vst v47;
	v42 =	vld.idx.msk [tilespmem:v43+s3+$0x0], $0xffff  }
0x596: {  	v49 =	vor.u32 v7, v36;
	v46 =	vld.idx.msk [tilespmem:v54+s3+$0x0], $0xffff;
	[tilespmem:s25+$0x15450] =	vst v53  }
0x597: {  	v40 =	vor.u32 v26, v33;
	[tilespmem:s23+$0x14C70] =	vst v55;
	v43 =	vld.idx.msk [tilespmem:v56+s3+$0x0], $0xffff  }
0x598: {  	s0 =	sadd.s32 $0x1, s0;
	v47 =	vor.u32 v12, v35;
	[tilespmem:s29+$0x14810] =	vst v51;
	v41 =	vld.idx.msk [tilespmem:v57+s3+$0x0], $0xffff  }
0x599: {  	v51 =	vshll.u32 v39, $0x9;
	v62 =	vshll.u32 v39, $0x7  }
0x59a: {  	v51 =	vand.u32 $0xFFFFF000, v51;
	v39 =	vand.u32 $0x380, v62  }
0x59b: {  	v39 =	vor.u32 v39, v51  }
0x59c: {  	v51 =	vor.u32 v0, v39;
	_ =	sdelay $0x4  }
0x59d: {  	v51 =	vld.idx.msk [tilespmem:v51+s3+$0x0], $0xffff  }
0x59e: {  	v52 =	vor.u32 v1, v39  }
0x59f: {  	s0 =	sadd.s32 $0x80, s30;
	s1 =	sadd.s32 $0x200, s31  }
0x5a0: {  	s1 =	sand.u32 $0x3000, s1;
	s0 =	sand.u32 $0x380, s0  }
0x5a1: {  	s28 =	sor.u32 s0, s1  }
0x5a2: {  	[tilespmem:s28+$0x14800] =	vst v51  }
0x5a3: {  	v51 =	vld.idx.msk [tilespmem:v52+s3+$0x0], $0xffff  }
0x5a4: {  	v63 =	vor.u32 v2, v39;
	_ =	sdelay $0x3  }
0x5a5: {  	v50 =	vld.idx.msk [tilespmem:v50+s3+$0x0], $0xffff;
	[tilespmem:s28+$0x14810] =	vst v51  }
0x5a6: {  	v56 =	vor.u32 v3, v38;
	v52 =	vld.idx.msk [tilespmem:v63+s3+$0x0], $0xffff  }
0x5a7: {  	v53 =	vor.u32 v3, v39;
	_ =	sdelay $0x2  }
0x5a8: {  	[tilespmem:s29+$0x14820] =	vst v50  }
0x5a9: {  	v50 =	vld.idx.msk [tilespmem:v56+s3+$0x0], $0xffff;
	[tilespmem:s28+$0x14820] =	vst v52  }
0x5aa: {  	v57 =	vor.u32 v4, v38;
	v52 =	vld.idx.msk [tilespmem:v53+s3+$0x0], $0xffff  }
0x5ab: {  	v58 =	vor.u32 v4, v39;
	_ =	sdelay $0x2  }
0x5ac: {  	[tilespmem:s29+$0x14830] =	vst v50  }
0x5ad: {  	v50 =	vld.idx.msk [tilespmem:v57+s3+$0x0], $0xffff;
	[tilespmem:s28+$0x14830] =	vst v52  }
0x5ae: {  	v59 =	vor.u32 v5, v38;
	v52 =	vld.idx.msk [tilespmem:v58+s3+$0x0], $0xffff  }
0x5af: {  	v60 =	vor.u32 v5, v39;
	_ =	sdelay $0x2  }
0x5b0: {  	[tilespmem:s29+$0x14840] =	vst v50  }
0x5b1: {  	v50 =	vld.idx.msk [tilespmem:v59+s3+$0x0], $0xffff;
	[tilespmem:s28+$0x14840] =	vst v52  }
0x5b2: {  	v61 =	vor.u32 v6, v38;
	v52 =	vld.idx.msk [tilespmem:v60+s3+$0x0], $0xffff  }
0x5b3: {  	v62 =	vor.u32 v6, v39;
	_ =	sdelay $0x2  }
0x5b4: {  	[tilespmem:s29+$0x14850] =	vst v50  }
0x5b5: {  	v50 =	vld.idx.msk [tilespmem:v61+s3+$0x0], $0xffff;
	[tilespmem:s28+$0x14850] =	vst v52  }
0x5b6: {  	v63 =	vor.u32 v7, v38;
	v52 =	vld.idx.msk [tilespmem:v62+s3+$0x0], $0xffff  }
0x5b7: {  	v56 =	vor.u32 v7, v39;
	_ =	sdelay $0x1  }
0x5b8: {  	[tilespmem:s26+$0x14860] =	vst v48  }
0x5b9: {  	v48 =	vld.idx.msk [tilespmem:v49+s3+$0x0], $0xffff;
	[tilespmem:s29+$0x14860] =	vst v50  }
0x5ba: {  	v57 =	vor.u32 v8, v36;
	v50 =	vld.idx.msk [tilespmem:v63+s3+$0x0], $0xffff;
	[tilespmem:s28+$0x14860] =	vst v52  }
0x5bb: {  	v58 =	vor.u32 v8, v38;
	v52 =	vld.idx.msk [tilespmem:v56+s3+$0x0], $0xffff  }
0x5bc: {  	v59 =	vor.u32 v8, v39;
	_ =	sdelay $0x1  }
0x5bd: {  	[tilespmem:s26+$0x14870] =	vst v48  }
0x5be: {  	v48 =	vld.idx.msk [tilespmem:v57+s3+$0x0], $0xffff;
	[tilespmem:s29+$0x14870] =	vst v50  }
0x5bf: {  	v50 =	vld.idx.msk [tilespmem:v58+s3+$0x0], $0xffff;
	v60 =	vor.u32 v9, v36;
	[tilespmem:s28+$0x14870] =	vst v52  }
0x5c0: {  	v61 =	vor.u32 v9, v38;
	v52 =	vld.idx.msk [tilespmem:v59+s3+$0x0], $0xffff  }
0x5c1: {  	v62 =	vor.u32 v9, v39;
	_ =	sdelay $0x1  }
0x5c2: {  	[tilespmem:s26+$0x14C00] =	vst v48  }
0x5c3: {  	[tilespmem:s29+$0x14C00] =	vst v50;
	v48 =	vld.idx.msk [tilespmem:v60+s3+$0x0], $0xffff  }
0x5c4: {  	v63 =	vor.u32 v10, v36;
	v50 =	vld.idx.msk [tilespmem:v61+s3+$0x0], $0xffff;
	[tilespmem:s28+$0x14C00] =	vst v52  }
0x5c5: {  	v56 =	vor.u32 v10, v38;
	v52 =	vld.idx.msk [tilespmem:v62+s3+$0x0], $0xffff  }
0x5c6: {  	v57 =	vor.u32 v10, v39;
	_ =	sdelay $0x1  }
0x5c7: {  	[tilespmem:s26+$0x14C10] =	vst v48  }
0x5c8: {  	[tilespmem:s29+$0x14C10] =	vst v50;
	v48 =	vld.idx.msk [tilespmem:v63+s3+$0x0], $0xffff  }
0x5c9: {  	v58 =	vor.u32 v11, v36;
	v50 =	vld.idx.msk [tilespmem:v56+s3+$0x0], $0xffff;
	[tilespmem:s28+$0x14C10] =	vst v52  }
0x5ca: {  	v59 =	vor.u32 v11, v38;
	v52 =	vld.idx.msk [tilespmem:v57+s3+$0x0], $0xffff  }
0x5cb: {  	v60 =	vor.u32 v11, v39;
	_ =	sdelay $0x1  }
0x5cc: {  	[tilespmem:s26+$0x14C20] =	vst v48  }
0x5cd: {  	v48 =	vld.idx.msk [tilespmem:v58+s3+$0x0], $0xffff;
	[tilespmem:s29+$0x14C20] =	vst v50  }
0x5ce: {  	v61 =	vor.u32 v12, v36;
	v50 =	vld.idx.msk [tilespmem:v59+s3+$0x0], $0xffff;
	[tilespmem:s28+$0x14C20] =	vst v52  }
0x5cf: {  	v62 =	vor.u32 v12, v38;
	v52 =	vld.idx.msk [tilespmem:v60+s3+$0x0], $0xffff  }
0x5d0: {  	v63 =	vor.u32 v12, v39  }
0x5d1: {  	[tilespmem:s24+$0x14C30] =	vst v46  }
0x5d2: {  	v46 =	vld.idx.msk [tilespmem:v47+s3+$0x0], $0xffff;
	[tilespmem:s26+$0x14C30] =	vst v48  }
0x5d3: {  	v56 =	vor.u32 v13, v35;
	v48 =	vld.idx.msk [tilespmem:v61+s3+$0x0], $0xffff;
	[tilespmem:s29+$0x14C30] =	vst v50  }
0x5d4: {  	v50 =	vld.idx.msk [tilespmem:v62+s3+$0x0], $0xffff;
	v57 =	vor.u32 v13, v36;
	[tilespmem:s28+$0x14C30] =	vst v52  }
0x5d5: {  	v58 =	vor.u32 v13, v38;
	v52 =	vld.idx.msk [tilespmem:v63+s3+$0x0], $0xffff  }
0x5d6: {  	v59 =	vor.u32 v13, v39  }
0x5d7: {  	[tilespmem:s24+$0x14C40] =	vst v46  }
0x5d8: {  	v46 =	vld.idx.msk [tilespmem:v56+s3+$0x0], $0xffff;
	[tilespmem:s26+$0x14C40] =	vst v48  }
0x5d9: {  	[tilespmem:s29+$0x14C40] =	vst v50;
	v48 =	vld.idx.msk [tilespmem:v57+s3+$0x0], $0xffff;
	v60 =	vor.u32 v14, v35  }
0x5da: {  	v61 =	vor.u32 v14, v36;
	v50 =	vld.idx.msk [tilespmem:v58+s3+$0x0], $0xffff;
	[tilespmem:s28+$0x14C40] =	vst v52  }
0x5db: {  	v62 =	vor.u32 v14, v38;
	v52 =	vld.idx.msk [tilespmem:v59+s3+$0x0], $0xffff  }
0x5dc: {  	[tilespmem:s21+$0x15040] =	vst v45;
	v63 =	vor.u32 v14, v39  }
0x5dd: {  	[tilespmem:s24+$0x14C50] =	vst v46  }
0x5de: {  	[tilespmem:s26+$0x14C50] =	vst v48;
	v46 =	vld.idx.msk [tilespmem:v60+s3+$0x0], $0xffff  }
0x5df: {  	v53 =	vor.u32 v15, v35;
	[tilespmem:s29+$0x14C50] =	vst v50;
	v48 =	vld.idx.msk [tilespmem:v61+s3+$0x0], $0xffff  }
0x5e0: {  	v54 =	vor.u32 v15, v36;
	v50 =	vld.idx.msk [tilespmem:v62+s3+$0x0], $0xffff;
	[tilespmem:s28+$0x14C50] =	vst v52  }
0x5e1: {  	v55 =	vor.u32 v15, v38;
	[tilespmem:s22+$0x15410] =	vst v42;
	v45 =	vld.idx.msk [tilespmem:v63+s3+$0x0], $0xffff  }
0x5e2: {  	[tilespmem:s25+$0x15460] =	vst v43;
	v56 =	vor.u32 v15, v39  }
0x5e3: {  	v44 =	vld.idx.msk [tilespmem:v44+s3+$0x0], $0xffff;
	[tilespmem:s24+$0x14C60] =	vst v46  }
0x5e4: {  	v37 =	vor.u32 v31, v37;
	[tilespmem:s26+$0x14C60] =	vst v48;
	v46 =	vld.idx.msk [tilespmem:v53+s3+$0x0], $0xffff  }
0x5e5: {  	v57 =	vor.u32 v16, v35;
	[tilespmem:s29+$0x14C60] =	vst v50;
	v48 =	vld.idx.msk [tilespmem:v54+s3+$0x0], $0xffff  }
0x5e6: {  	v58 =	vor.u32 v16, v36;
	v42 =	vld.idx.msk [tilespmem:v55+s3+$0x0], $0xffff;
	[tilespmem:s28+$0x14C60] =	vst v45  }
0x5e7: {  	[tilespmem:s23+$0x15000] =	vst v41;
	v59 =	vor.u32 v16, v38;
	v43 =	vld.idx.msk [tilespmem:v56+s3+$0x0], $0xffff  }
0x5e8: {  	v40 =	vld.idx.msk [tilespmem:v40+s3+$0x0], $0xffff;
	[tilespmem:s21+$0x15050] =	vst v44;
	v60 =	vor.u32 v16, v39  }
0x5e9: {  	v37 =	vld.idx.msk [tilespmem:v37+s3+$0x0], $0xffff;
	v61 =	vor.u32 v17, v34;
	[tilespmem:s24+$0x14C70] =	vst v46  }
0x5ea: {  	v62 =	vor.u32 v22, v32;
	[tilespmem:s26+$0x14C70] =	vst v48;
	v47 =	vld.idx.msk [tilespmem:v57+s3+$0x0], $0xffff  }
0x5eb: {  	[tilespmem:s29+$0x14C70] =	vst v42;
	v49 =	vld.idx.msk [tilespmem:v58+s3+$0x0], $0xffff;
	v63 =	vor.u32 v17, v35  }
0x5ec: {  	v52 =	vor.u32 v17, v36;
	v41 =	vld.idx.msk [tilespmem:v59+s3+$0x0], $0xffff;
	[tilespmem:s28+$0x14C70] =	vst v43  }
0x5ed: {  	[tilespmem:s22+$0x15420] =	vst v40;
	v53 =	vor.u32 v17, v38;
	v43 =	vld.idx.msk [tilespmem:v60+s3+$0x0], $0xffff  }
0x5ee: {  	[tilespmem:s25+$0x15470] =	vst v37;
	v54 =	vld.idx.msk [tilespmem:v61+s3+$0x0], $0xffff;
	v55 =	vor.u32 v17, v39  }
0x5ef: {  	v46 =	vld.idx.msk [tilespmem:v62+s3+$0x0], $0xffff;
	v57 =	vor.u32 v18, v34;
	[tilespmem:s24+$0x15000] =	vst v47  }
0x5f0: {  	[tilespmem:s26+$0x15000] =	vst v49;
	v48 =	vld.idx.msk [tilespmem:v63+s3+$0x0], $0xffff;
	v56 =	vor.u32 v27, v33  }
0x5f1: {  	v58 =	vor.u32 v18, v35;
	[tilespmem:s29+$0x15000] =	vst v41;
	v42 =	vld.idx.msk [tilespmem:v52+s3+$0x0], $0xffff  }
0x5f2: {  	v59 =	vor.u32 v18, v36;
	v40 =	vld.idx.msk [tilespmem:v53+s3+$0x0], $0xffff;
	[tilespmem:s28+$0x15000] =	vst v43  }
0x5f3: {  	[tilespmem:s23+$0x15010] =	vst v54;
	v60 =	vor.u32 v18, v38;
	v37 =	vld.idx.msk [tilespmem:v55+s3+$0x0], $0xffff  }
0x5f4: {  	v62 =	vor.u32 v18, v39;
	[tilespmem:s21+$0x15060] =	vst v46;
	v47 =	vld.idx.msk [tilespmem:v57+s3+$0x0], $0xffff  }
0x5f5: {  	v63 =	vor.u32 v23, v32;
	[tilespmem:s24+$0x15010] =	vst v48;
	v61 =	vld.idx.msk [tilespmem:v56+s3+$0x0], $0xffff  }
0x5f6: {  	v52 =	vor.u32 v19, v34;
	[tilespmem:s26+$0x15010] =	vst v42;
	v49 =	vld.idx.msk [tilespmem:v58+s3+$0x0], $0xffff  }
0x5f7: {  	v53 =	vor.u32 v19, v35;
	[tilespmem:s29+$0x15010] =	vst v40;
	v41 =	vld.idx.msk [tilespmem:v59+s3+$0x0], $0xffff  }
0x5f8: {  	v54 =	vor.u32 v19, v36;
	v43 =	vld.idx.msk [tilespmem:v60+s3+$0x0], $0xffff;
	[tilespmem:s28+$0x15010] =	vst v37  }
0x5f9: {  	[tilespmem:s23+$0x15020] =	vst v47;
	v55 =	vor.u32 v19, v38;
	v56 =	vld.idx.msk [tilespmem:v62+s3+$0x0], $0xffff  }
0x5fa: {  	v57 =	vld.idx.msk [tilespmem:v63+s3+$0x0], $0xffff;
	v58 =	vor.u32 v19, v39;
	[tilespmem:s22+$0x15430] =	vst v61  }
0x5fb: {  	v48 =	vld.idx.msk [tilespmem:v52+s3+$0x0], $0xffff;
	v59 =	vor.u32 v28, v33;
	[tilespmem:s24+$0x15020] =	vst v49  }
0x5fc: {  	[tilespmem:s26+$0x15020] =	vst v41;
	v60 =	vor.u32 v20, v34;
	v42 =	vld.idx.msk [tilespmem:v53+s3+$0x0], $0xffff  }
0x5fd: {  	v61 =	vor.u32 v20, v35;
	v40 =	vld.idx.msk [tilespmem:v54+s3+$0x0], $0xffff;
	[tilespmem:s29+$0x15020] =	vst v43  }
0x5fe: {  	v37 =	vld.idx.msk [tilespmem:v55+s3+$0x0], $0xffff;
	v62 =	vor.u32 v20, v36;
	[tilespmem:s28+$0x15020] =	vst v56  }
0x5ff: {  	v63 =	vor.u32 v20, v38;
	[tilespmem:s21+$0x15070] =	vst v57;
	v52 =	vld.idx.msk [tilespmem:v58+s3+$0x0], $0xffff  }
0x600: {  	[tilespmem:s23+$0x15030] =	vst v48;
	v53 =	vld.idx.msk [tilespmem:v59+s3+$0x0], $0xffff;
	v54 =	vor.u32 v20, v39  }
0x601: {  	v49 =	vld.idx.msk [tilespmem:v60+s3+$0x0], $0xffff;
	[tilespmem:s24+$0x15030] =	vst v42;
	v55 =	vor.u32 v24, v32  }
0x602: {  	[tilespmem:s26+$0x15030] =	vst v40;
	v41 =	vld.idx.msk [tilespmem:v61+s3+$0x0], $0xffff;
	v56 =	vor.u32 v21, v34  }
0x603: {  	v57 =	vor.u32 v21, v35;
	[tilespmem:s29+$0x15030] =	vst v37;
	v43 =	vld.idx.msk [tilespmem:v62+s3+$0x0], $0xffff  }
0x604: {  	v44 =	vld.idx.msk [tilespmem:v63+s3+$0x0], $0xffff;
	v58 =	vor.u32 v21, v36;
	[tilespmem:s28+$0x15030] =	vst v52  }
0x605: {  	v59 =	vor.u32 v21, v38;
	[tilespmem:s22+$0x15440] =	vst v53;
	v60 =	vld.idx.msk [tilespmem:v54+s3+$0x0], $0xffff  }
0x606: {  	[tilespmem:s23+$0x15040] =	vst v49;
	v61 =	vld.idx.msk [tilespmem:v55+s3+$0x0], $0xffff;
	v62 =	vor.u32 v21, v39  }
0x607: {  	[tilespmem:s24+$0x15040] =	vst v41;
	v63 =	vor.u32 v29, v33;
	v42 =	vld.idx.msk [tilespmem:v56+s3+$0x0], $0xffff  }
0x608: {  	v40 =	vld.idx.msk [tilespmem:v57+s3+$0x0], $0xffff;
	[tilespmem:s26+$0x15040] =	vst v43;
	v52 =	vor.u32 v22, v34  }
0x609: {  	v53 =	vor.u32 v22, v35;
	[tilespmem:s29+$0x15040] =	vst v44;
	v37 =	vld.idx.msk [tilespmem:v58+s3+$0x0], $0xffff  }
0x60a: {  	v45 =	vld.idx.msk [tilespmem:v59+s3+$0x0], $0xffff;
	v54 =	vor.u32 v22, v36;
	[tilespmem:s28+$0x15040] =	vst v60  }
0x60b: {  	v55 =	vor.u32 v22, v38;
	[tilespmem:s21+$0x15400] =	vst v61;
	v56 =	vld.idx.msk [tilespmem:v62+s3+$0x0], $0xffff  }
0x60c: {  	v57 =	vld.idx.msk [tilespmem:v63+s3+$0x0], $0xffff;
	v58 =	vor.u32 v22, v39;
	[tilespmem:s23+$0x15050] =	vst v42  }
0x60d: {  	[tilespmem:s24+$0x15050] =	vst v40;
	v59 =	vor.u32 v25, v32;
	v41 =	vld.idx.msk [tilespmem:v52+s3+$0x0], $0xffff  }
0x60e: {  	v43 =	vld.idx.msk [tilespmem:v53+s3+$0x0], $0xffff;
	[tilespmem:s26+$0x15050] =	vst v37;
	v60 =	vor.u32 v23, v34  }
0x60f: {  	v61 =	vor.u32 v23, v35;
	[tilespmem:s29+$0x15050] =	vst v45;
	v44 =	vld.idx.msk [tilespmem:v54+s3+$0x0], $0xffff  }
0x610: {  	v46 =	vld.idx.msk [tilespmem:v55+s3+$0x0], $0xffff;
	v62 =	vor.u32 v23, v36;
	[tilespmem:s28+$0x15050] =	vst v56  }
0x611: {  	v63 =	vor.u32 v23, v38;
	[tilespmem:s22+$0x15450] =	vst v57;
	v42 =	vld.idx.msk [tilespmem:v58+s3+$0x0], $0xffff  }
0x612: {  	v53 =	vor.u32 v23, v39;
	v52 =	vld.idx.msk [tilespmem:v59+s3+$0x0], $0xffff;
	[tilespmem:s23+$0x15060] =	vst v41  }
0x613: {  	[tilespmem:s24+$0x15060] =	vst v43;
	v54 =	vor.u32 v30, v33;
	v40 =	vld.idx.msk [tilespmem:v60+s3+$0x0], $0xffff  }
0x614: {  	v55 =	vor.u32 v24, v34;
	v37 =	vld.idx.msk [tilespmem:v61+s3+$0x0], $0xffff;
	[tilespmem:s26+$0x15060] =	vst v44  }
0x615: {  	[tilespmem:s29+$0x15060] =	vst v46;
	v56 =	vor.u32 v24, v35;
	v45 =	vld.idx.msk [tilespmem:v62+s3+$0x0], $0xffff  }
0x616: {  	v57 =	vor.u32 v24, v36;
	v47 =	vld.idx.msk [tilespmem:v63+s3+$0x0], $0xffff;
	[tilespmem:s28+$0x15060] =	vst v42  }
0x617: {  	[tilespmem:s21+$0x15410] =	vst v52;
	v58 =	vor.u32 v24, v38;
	v41 =	vld.idx.msk [tilespmem:v53+s3+$0x0], $0xffff  }
0x618: {  	v59 =	vld.idx.msk [tilespmem:v54+s3+$0x0], $0xffff;
	v60 =	vor.u32 v24, v39;
	[tilespmem:s23+$0x15070] =	vst v40  }
0x619: {  	v61 =	vor.u32 v26, v32;
	[tilespmem:s24+$0x15070] =	vst v37;
	v43 =	vld.idx.msk [tilespmem:v55+s3+$0x0], $0xffff  }
0x61a: {  	v62 =	vor.u32 v25, v34;
	v44 =	vld.idx.msk [tilespmem:v56+s3+$0x0], $0xffff;
	[tilespmem:s26+$0x15070] =	vst v45  }
0x61b: {  	v63 =	vor.u32 v25, v35;
	[tilespmem:s29+$0x15070] =	vst v47;
	v46 =	vld.idx.msk [tilespmem:v57+s3+$0x0], $0xffff  }
0x61c: {  	v52 =	vor.u32 v25, v36;
	v42 =	vld.idx.msk [tilespmem:v58+s3+$0x0], $0xffff;
	[tilespmem:s28+$0x15070] =	vst v41  }
0x61d: {  	[tilespmem:s22+$0x15460] =	vst v59;
	v53 =	vor.u32 v25, v38;
	v40 =	vld.idx.msk [tilespmem:v60+s3+$0x0], $0xffff  }
0x61e: {  	v54 =	vld.idx.msk [tilespmem:v61+s3+$0x0], $0xffff;
	v55 =	vor.u32 v25, v39;
	[tilespmem:s23+$0x15400] =	vst v43  }
0x61f: {  	v56 =	vor.u32 v31, v33;
	[tilespmem:s24+$0x15400] =	vst v44;
	v37 =	vld.idx.msk [tilespmem:v62+s3+$0x0], $0xffff  }
0x620: {  	v57 =	vor.u32 v26, v34;
	v45 =	vld.idx.msk [tilespmem:v63+s3+$0x0], $0xffff;
	[tilespmem:s26+$0x15400] =	vst v46  }
0x621: {  	v58 =	vor.u32 v26, v35;
	[tilespmem:s29+$0x15400] =	vst v42;
	v47 =	vld.idx.msk [tilespmem:v52+s3+$0x0], $0xffff  }
0x622: {  	v59 =	vor.u32 v26, v36;
	v41 =	vld.idx.msk [tilespmem:v53+s3+$0x0], $0xffff;
	[tilespmem:s28+$0x15400] =	vst v40  }
0x623: {  	[tilespmem:s21+$0x15420] =	vst v54;
	v60 =	vor.u32 v26, v38;
	v43 =	vld.idx.msk [tilespmem:v55+s3+$0x0], $0xffff  }
0x624: {  	v61 =	vor.u32 v26, v39;
	v33 =	vld.idx.msk [tilespmem:v56+s3+$0x0], $0xffff;
	[tilespmem:s23+$0x15410] =	vst v37  }
0x625: {  	v62 =	vor.u32 v27, v32;
	[tilespmem:s24+$0x15410] =	vst v45;
	v44 =	vld.idx.msk [tilespmem:v57+s3+$0x0], $0xffff  }
0x626: {  	v63 =	vor.u32 v27, v34;
	v46 =	vld.idx.msk [tilespmem:v58+s3+$0x0], $0xffff;
	[tilespmem:s26+$0x15410] =	vst v47  }
0x627: {  	v52 =	vor.u32 v27, v35;
	[tilespmem:s29+$0x15410] =	vst v41;
	v42 =	vld.idx.msk [tilespmem:v59+s3+$0x0], $0xffff  }
0x628: {  	v53 =	vor.u32 v27, v36;
	v40 =	vld.idx.msk [tilespmem:v60+s3+$0x0], $0xffff;
	[tilespmem:s28+$0x15410] =	vst v43  }
0x629: {  	v54 =	vor.u32 v27, v38;
	[tilespmem:s22+$0x15470] =	vst v33;
	v37 =	vld.idx.msk [tilespmem:v61+s3+$0x0], $0xffff  }
0x62a: {  	v56 =	vor.u32 v27, v39;
	v55 =	vld.idx.msk [tilespmem:v62+s3+$0x0], $0xffff;
	[tilespmem:s23+$0x15420] =	vst v44  }
0x62b: {  	v57 =	vor.u32 v28, v32;
	[tilespmem:s24+$0x15420] =	vst v46;
	v45 =	vld.idx.msk [tilespmem:v63+s3+$0x0], $0xffff  }
0x62c: {  	v58 =	vor.u32 v28, v34;
	v47 =	vld.idx.msk [tilespmem:v52+s3+$0x0], $0xffff;
	[tilespmem:s26+$0x15420] =	vst v42  }
0x62d: {  	v59 =	vor.u32 v28, v35;
	[tilespmem:s29+$0x15420] =	vst v40;
	v41 =	vld.idx.msk [tilespmem:v53+s3+$0x0], $0xffff  }
0x62e: {  	v60 =	vor.u32 v28, v36;
	v33 =	vld.idx.msk [tilespmem:v54+s3+$0x0], $0xffff;
	[tilespmem:s28+$0x15420] =	vst v37  }
0x62f: {  	[tilespmem:s21+$0x15430] =	vst v55;
	v61 =	vor.u32 v28, v38;
	v62 =	vld.idx.msk [tilespmem:v56+s3+$0x0], $0xffff  }
0x630: {  	v52 =	vor.u32 v28, v39;
	v63 =	vld.idx.msk [tilespmem:v57+s3+$0x0], $0xffff;
	[tilespmem:s23+$0x15430] =	vst v45  }
0x631: {  	v53 =	vor.u32 v29, v32;
	[tilespmem:s24+$0x15430] =	vst v47;
	v46 =	vld.idx.msk [tilespmem:v58+s3+$0x0], $0xffff  }
0x632: {  	v54 =	vor.u32 v29, v34;
	v42 =	vld.idx.msk [tilespmem:v59+s3+$0x0], $0xffff;
	[tilespmem:s26+$0x15430] =	vst v41  }
0x633: {  	v55 =	vor.u32 v29, v35;
	[tilespmem:s29+$0x15430] =	vst v33;
	v40 =	vld.idx.msk [tilespmem:v60+s3+$0x0], $0xffff  }
0x634: {  	v37 =	vld.idx.msk [tilespmem:v61+s3+$0x0], $0xffff;
	v56 =	vor.u32 v29, v36;
	[tilespmem:s28+$0x15430] =	vst v62  }
0x635: {  	v57 =	vor.u32 v29, v38;
	[tilespmem:s21+$0x15440] =	vst v63;
	v58 =	vld.idx.msk [tilespmem:v52+s3+$0x0], $0xffff  }
0x636: {  	v60 =	vor.u32 v29, v39;
	v59 =	vld.idx.msk [tilespmem:v53+s3+$0x0], $0xffff;
	[tilespmem:s23+$0x15440] =	vst v46  }
0x637: {  	v61 =	vor.u32 v30, v32;
	[tilespmem:s24+$0x15440] =	vst v42;
	v47 =	vld.idx.msk [tilespmem:v54+s3+$0x0], $0xffff  }
0x638: {  	v41 =	vld.idx.msk [tilespmem:v55+s3+$0x0], $0xffff;
	[tilespmem:s26+$0x15440] =	vst v40;
	v62 =	vor.u32 v30, v34  }
0x639: {  	v63 =	vor.u32 v30, v35;
	[tilespmem:s29+$0x15440] =	vst v37;
	v33 =	vld.idx.msk [tilespmem:v56+s3+$0x0], $0xffff  }
0x63a: {  	v49 =	vor.u32 v30, v36;
	v43 =	vld.idx.msk [tilespmem:v57+s3+$0x0], $0xffff;
	[tilespmem:s28+$0x15440] =	vst v58  }
0x63b: {  	v50 =	vor.u32 v30, v38;
	[tilespmem:s21+$0x15450] =	vst v59;
	v51 =	vld.idx.msk [tilespmem:v60+s3+$0x0], $0xffff  }
0x63c: {  	v53 =	vor.u32 v30, v39;
	v52 =	vld.idx.msk [tilespmem:v61+s3+$0x0], $0xffff;
	[tilespmem:s23+$0x15450] =	vst v47  }
0x63d: {  	v54 =	vor.u32 v31, v32;
	[tilespmem:s24+$0x15450] =	vst v41;
	v42 =	vld.idx.msk [tilespmem:v62+s3+$0x0], $0xffff  }
0x63e: {  	v55 =	vor.u32 v31, v34;
	v40 =	vld.idx.msk [tilespmem:v63+s3+$0x0], $0xffff;
	[tilespmem:s26+$0x15450] =	vst v33  }
0x63f: {  	v56 =	vor.u32 v31, v35;
	[tilespmem:s29+$0x15450] =	vst v43;
	v57 =	vld.idx.msk [tilespmem:v49+s3+$0x0], $0xffff  }
0x640: {  	v58 =	vor.u32 v31, v36;
	v59 =	vld.idx.msk [tilespmem:v50+s3+$0x0], $0xffff;
	[tilespmem:s28+$0x15450] =	vst v51  }
0x641: {  	[tilespmem:s21+$0x15460] =	vst v52;
	v60 =	vor.u32 v31, v38;
	v61 =	vld.idx.msk [tilespmem:v53+s3+$0x0], $0xffff  }
0x642: {  	v39 =	vor.u32 v31, v39;
	v32 =	vld.idx.msk [tilespmem:v54+s3+$0x0], $0xffff;
	[tilespmem:s23+$0x15460] =	vst v42  }
0x643: {  	[tilespmem:s24+$0x15460] =	vst v40;
	v34 =	vld.idx.msk [tilespmem:v55+s3+$0x0], $0xffff  }
0x644: {  	v33 =	vld.idx.msk [tilespmem:v56+s3+$0x0], $0xffff;
	[tilespmem:s26+$0x15460] =	vst v57  }
0x645: {  	[tilespmem:s29+$0x15460] =	vst v59;
	v35 =	vld.idx.msk [tilespmem:v58+s3+$0x0], $0xffff  }
0x646: {  	v62 =	vld.idx.msk [tilespmem:v60+s3+$0x0], $0xffff;
	[tilespmem:s28+$0x15460] =	vst v61  }
0x647: {  	s19 =	sadd.s32 $0x1, s19;
	[tilespmem:s21+$0x15470] =	vst v32;
	v63 =	vld.idx.msk [tilespmem:v39+s3+$0x0], $0xffff  }
0x648: {  	p0 =	sne.s32 s19, $0x20;
	[tilespmem:s23+$0x15470] =	vst v34  }
.Ltmp4:
0x649: {  	s31 =	sshll.u32 s20, $0x10;
	[tilespmem:s24+$0x15470] =	vst v33;
	(pc) =	sbr.rel @p0 .LBB2_6-.Ltmp4, $4  }
0x64a: {  	s0 =	sadd.s32 s4, s31;
	[tilespmem:s26+$0x15470] =	vst v35  }
0x64b: {  	s0 =	sshrl.u32 s0, $0x3;
	[tilespmem:s29+$0x15470] =	vst v62  }
0x64c: {  	s0 =	sadd.s32 s2, s0;
	[tilespmem:s28+$0x15470] =	vst v63  }
0x64d: {  	[hbm4b:s0+s10] =	stream.strided.scatter [tilespmem:s15], [sflag:$0x2], $0x4000, s11, s10, $0x38;
	[tilespmem:$0x18800] =	vst v63  }
0x64e: {  	s18 =	sadd.s32 $0x1, s18  }
0x64f: {  	_ =	swait.ge [sflag:s16], $0x4000;
	p0 =	sne.s32 s18, s9  }
.Ltmp5:
0x650: {  	[sflag:s16] =	ssyncset.done $0x0;
	(pc) =	sbr.rel @p0 .LBB2_1-.Ltmp5, $4  }
0x651: {  	[sflag:s16] =	ssyncadd.s32 $0xFFFFC000  }
0x652: {  	_ =	swait.ge [sflag:s17], $0x4000  }
0x653: {  	[sflag:s17] =	ssyncset.done $0x0  }
0x654: {  	[sflag:s17] =	ssyncadd.s32 $0xFFFFC000  }
0x655: {  	_ =	sfence.sel $0x180000  }
0x656: {  	[bflag:$0x0] =	sbarrier.arrive $0xFFFF  }
0x657: {  	_ =	strace $0x90000047  }
0x658: {  	s0 =	stileid.u32;
	[bflag:$0x2] =	sbarrier.arrive $0xFFFF  }
0x659: {  	p0 =	sne.s32 s0, $0x0;
	s0 =	rddreg [dreg:$0x3]  }
0x65a: {  	s0 =	sadd.s32 @!p0 $0x100000, s0  }
0x65b: {  	[sflag:s0] =	ssyncadd.tile.s32 @!p0 $0x1;
	_ =	shalt  }
.Lfunc_end2:
_tile_overlayer_lowered:
.L_overlay_start_2:
0x65c: {  	(tag) =	ssettag $0x2  }
0x65d: {  	s0 =	rddreg [dreg:$0x0];
	s2 =	stileid.u32  }
0x65e: {  	s1 =	rddreg [dreg:$0x1];
	p0 =	sne.s32 s2, $0x0  }
0x65f: {  	s3 =	rddreg [dreg:$0x2];
	[bflag:$0x3] =	sbarrier.arrive $0xFFFF;
	s2 =	simm.s32 @!p0 $0x1C03  }
0x660: {  	[timem:s3], [sflag:s2] =	dma.local @!p0 [hbm:s0], s1  }
0x661: {  	s0 =	simm.s32 @!p0 $0x3  }
0x662: {  	_ =	swait.ge @!p0 [sflag:s0], s1  }
0x663: {  	s1 =	ssub.s32 @!p0 $0x0, s1;
	[sflag:s0] =	ssyncset.done @!p0 $0x0  }
0x664: {  	[sflag:s0] =	ssyncadd.s32 @!p0 s1  }
0x665: {  	[bflag:$0x3] =	sbarrier.arrive $0xFFFF  }
0x666: {  	_ =	shalt  }

</sc_bundles>
